<compile_context>
chip_gen: v7x
topology: tpu7x:2x2x1
jax: 0.10.2.dev20260603
libtpu: 0.0.44.dev20260713+nightly
codegen_flags: <defaults>
</compile_context>

<pallas_src>
import functools

import jax
import jax.numpy as jnp
from jax import lax
from jax.experimental import pallas as pl
from jax.experimental.pallas import tpu as pltpu
from jax.experimental.pallas import tpu_sc as plsc

N = 10000
H = 16
LAT = 8
BN_EPS = 1e-5

NC = 2
NS = 16
NTILES = NC * NS
CHUNK = 128
ROWS_PER_SUB = 632
NACC = NS * ROWS_PER_SUB



def _make_segsum(nchunk):
    def body(h_hbm, srcm_hbm, dstm_hbm, zeros_hbm, out_hbm,
             srcm_v, dstm_v, rows_v, acc_sh):
        c = lax.axis_index("c")
        s = lax.axis_index("s")
        wid = c * NS + s
        pltpu.sync_copy(srcm_hbm.at[wid], srcm_v)
        pltpu.sync_copy(dstm_hbm.at[wid], dstm_v)
        pltpu.sync_copy(zeros_hbm, acc_sh.at[pl.ds(s * ROWS_PER_SUB, ROWS_PER_SUB)])
        plsc.subcore_barrier()

        def step(j, carry):
            pltpu.sync_copy(h_hbm.at[srcm_v.at[j]], rows_v)
            pltpu.sync_copy(rows_v, acc_sh.at[dstm_v.at[j]], add=True)
            return carry

        lax.fori_loop(0, nchunk, step, 0)
        plsc.subcore_barrier()
        pltpu.sync_copy(acc_sh.at[pl.ds(s * ROWS_PER_SUB, ROWS_PER_SUB)],
                        out_hbm.at[c, pl.ds(s * ROWS_PER_SUB, ROWS_PER_SUB)])

    return pl.kernel(
        body,
        out_type=jax.ShapeDtypeStruct((NC, NACC, H), jnp.float32),
        mesh=plsc.VectorSubcoreMesh(core_axis_name="c", subcore_axis_name="s"),
        compiler_params=pltpu.CompilerParams(use_tc_tiling_on_sc=False),
        scratch_types=[
            pltpu.VMEM((nchunk, CHUNK), jnp.int32),
            pltpu.VMEM((nchunk, CHUNK), jnp.int32),
            pltpu.VMEM((CHUNK, H), jnp.float32),
            pltpu.VMEM_SHARED((NACC, H), jnp.float32),
        ],
    )



ROW_BLK = 1000


def _proj_body(x_ref, w_ref, o_ref):
    o_ref[...] = jnp.dot(x_ref[...], w_ref[...],
                         preferred_element_type=jnp.float32)


def _proj(x, w):
    n, d = x.shape
    return pl.pallas_call(
        _proj_body,
        grid=(n // ROW_BLK,),
        in_specs=[
            pl.BlockSpec((ROW_BLK, d), lambda i: (i, 0)),
            pl.BlockSpec((d, H), lambda i: (0, 0)),
        ],
        out_specs=pl.BlockSpec((ROW_BLK, H), lambda i: (i, 0)),
        out_shape=jax.ShapeDtypeStruct((n, H), jnp.float32),
    )(x, w)


def _epi_body(h_ref, p0_ref, p1_ref, w1_ref, b1_ref, a_ref, bb_ref,
              w2_ref, b2_ref, o_ref, *, relu_out):
    t = h_ref[...] + p0_ref[...] + p1_ref[...]
    u = jnp.dot(t, w1_ref[...], preferred_element_type=jnp.float32) + b1_ref[...]
    u = u * a_ref[...] + bb_ref[...]
    u = jnp.maximum(u, 0.0)
    v = jnp.dot(u, w2_ref[...], preferred_element_type=jnp.float32) + b2_ref[...]
    if relu_out:
        v = jnp.maximum(v, 0.0)
    o_ref[...] = v


def _epilogue(h, p0, p1, w1, b1, a, bb, w2, b2, relu_out):
    mat = lambda: pl.BlockSpec((H, H), lambda i: (0, 0))
    vec = lambda: pl.BlockSpec((1, H), lambda i: (0, 0))
    big = lambda: pl.BlockSpec((ROW_BLK, H), lambda i: (i, 0))
    return pl.pallas_call(
        functools.partial(_epi_body, relu_out=relu_out),
        grid=(N // ROW_BLK,),
        in_specs=[big(), big(), big(), mat(), vec(), vec(), vec(), mat(), vec()],
        out_specs=big(),
        out_shape=jax.ShapeDtypeStruct((N, H), jnp.float32),
    )(h, p0, p1, w1, b1.reshape(1, H), a.reshape(1, H), bb.reshape(1, H),
      w2, b2.reshape(1, H))


def _final_body(h_ref, p0_ref, p1_ref, w1_ref, b1_ref, a_ref, bb_ref,
                w2_ref, b2_ref, wh_ref, bh_ref, o_ref):
    t = h_ref[...] + p0_ref[...] + p1_ref[...]
    u = jnp.dot(t, w1_ref[...], preferred_element_type=jnp.float32) + b1_ref[...]
    u = u * a_ref[...] + bb_ref[...]
    u = jnp.maximum(u, 0.0)
    v = jnp.dot(u, w2_ref[...], preferred_element_type=jnp.float32) + b2_ref[...]
    z = jnp.dot(v, wh_ref[...], preferred_element_type=jnp.float32) + bh_ref[...]
    col = lax.broadcasted_iota(jnp.int32, z.shape, 1)
    o_ref[...] = jnp.where(col < LAT, z, jax.nn.softplus(z))


def _final(h, p0, p1, w1, b1, a, bb, w2, b2, wh, bh):
    mat = lambda: pl.BlockSpec((H, H), lambda i: (0, 0))
    vec = lambda: pl.BlockSpec((1, H), lambda i: (0, 0))
    big = lambda: pl.BlockSpec((ROW_BLK, H), lambda i: (i, 0))
    return pl.pallas_call(
        _final_body,
        grid=(N // ROW_BLK,),
        in_specs=[big(), big(), big(), mat(), vec(), vec(), vec(), mat(),
                  vec(), mat(), vec()],
        out_specs=big(),
        out_shape=jax.ShapeDtypeStruct((N, H), jnp.float32),
    )(h, p0, p1, w1, b1.reshape(1, H), a.reshape(1, H), bb.reshape(1, H),
      w2, b2.reshape(1, H), wh, bh.reshape(1, H))



def kernel(x, edge_index, W1_0, b1_0, g0, be0, rm0, rv0, W2_0, b2_0,
           W1s, b1s, gs, bes, rms, rvs, W2s, b2s, Wm, bm, Ws, bstd):
    src = edge_index[0]
    dst = edge_index[1]
    e = src.shape[0]
    nchunk = -(-e // (NTILES * CHUNK))
    epad = NTILES * nchunk * CHUNK
    src_p = jnp.concatenate([src, jnp.zeros((epad - e,), jnp.int32)])
    dst_p = jnp.concatenate([dst, jnp.full((epad - e,), N, jnp.int32)])
    srcm = src_p.reshape(NTILES, nchunk, CHUNK)
    dstm = dst_p.reshape(NTILES, nchunk, CHUNK)
    zeros = jnp.zeros((ROWS_PER_SUB, H), jnp.float32)

    segsum = _make_segsum(nchunk)

    p = _proj(x, W1_0)
    parts = segsum(p, srcm, dstm, zeros)
    a0 = g0 * lax.rsqrt(rv0 + BN_EPS)
    bb0 = be0 - rm0 * a0
    h = _epilogue(p, parts[0, :N], parts[1, :N], jnp.eye(H, dtype=jnp.float32),
                  b1_0, a0, bb0, W2_0, b2_0, relu_out=True)

    for i in range(9):
        parts = segsum(h, srcm, dstm, zeros)
        ai = gs[i] * lax.rsqrt(rvs[i] + BN_EPS)
        bbi = bes[i] - rms[i] * ai
        if i < 8:
            h = _epilogue(h, parts[0, :N], parts[1, :N], W1s[i], b1s[i],
                          ai, bbi, W2s[i], b2s[i], relu_out=True)
        else:
            wh = jnp.concatenate([Wm, Ws], axis=1)
            bh = jnp.concatenate([bm, bstd])
            out = _final(h, parts[0, :N], parts[1, :N], W1s[i], b1s[i],
                         ai, bbi, W2s[i], b2s[i], wh, bh)
    return (out[:, :LAT], out[:, LAT:])

# --- scband reference (transcript-rebuilt; emitter-appended) ---
"""Pipeline reference for scband-encoder-89687507075121 (READ-ONLY COPY).

The authoritative reference and input builder live on the scoring server;
editing this copy changes nothing except your own understanding.
"""

import jax, jax.numpy as jnp
import numpy as np

N = 10000
E = 320000
D_IN = 128
H = 16
L = 10
LAT = 8
BN_EPS = 1e-5


def _init_linear(key, fan_in, fan_out):
    k1, k2 = jax.random.split(key)
    lim = 1.0 / np.sqrt(fan_in)
    W = jax.random.uniform(k1, (fan_in, fan_out), minval=-lim, maxval=lim, dtype=jnp.float32)
    b = jax.random.uniform(k2, (fan_out,), minval=-lim, maxval=lim, dtype=jnp.float32)
    return W, b


def setup_inputs(seed: int = 0):
    key = jax.random.key(seed)
    keys = jax.random.split(key, 32)
    x = jax.random.normal(keys[0], (N, D_IN), dtype=jnp.float32)
    edge_index = jax.random.randint(keys[1], (2, E), 0, N, dtype=jnp.int32)
    W1_0, b1_0 = _init_linear(keys[2], D_IN, H)
    W2_0, b2_0 = _init_linear(keys[3], H, H)
    g0 = jnp.ones((H,), jnp.float32)
    be0 = jnp.zeros((H,), jnp.float32)
    rm0 = jnp.zeros((H,), jnp.float32)
    rv0 = jnp.ones((H,), jnp.float32)
    W1l, b1l, W2l, b2l = [], [], [], []
    for i in range(L - 1):
        W, b = _init_linear(keys[4 + i], H, H)
        W1l.append(W); b1l.append(b)
        W, b = _init_linear(keys[13 + i], H, H)
        W2l.append(W); b2l.append(b)
    W1s = jnp.stack(W1l); b1s = jnp.stack(b1l)
    W2s = jnp.stack(W2l); b2s = jnp.stack(b2l)
    gs = jnp.ones((L - 1, H), jnp.float32)
    bes = jnp.zeros((L - 1, H), jnp.float32)
    rms = jnp.zeros((L - 1, H), jnp.float32)
    rvs = jnp.ones((L - 1, H), jnp.float32)
    Wm, bm = _init_linear(keys[22], H, LAT)
    Ws, bstd = _init_linear(keys[23], H, LAT)
    return {"x": x, "edge_index": edge_index,
            "W1_0": W1_0, "b1_0": b1_0, "g0": g0, "be0": be0, "rm0": rm0, "rv0": rv0,
            "W2_0": W2_0, "b2_0": b2_0,
            "W1s": W1s, "b1s": b1s, "gs": gs, "bes": bes, "rms": rms, "rvs": rvs,
            "W2s": W2s, "b2s": b2s,
            "Wm": Wm, "bm": bm, "Ws": Ws, "bstd": bstd}


def _gin_conv(x, src, dst, W1, b1, g, be, rm, rv, W2, b2):
    # GINConv (eps=0): nn((1+eps)*x + sum_{j in N(i)} x_j)
    agg = jax.ops.segment_sum(x[src], dst, num_segments=N)
    h = x + agg
    # nn = MLP([in, H, H]) = Linear -> BatchNorm(eval) -> ReLU -> Linear (plain last)
    h = h @ W1 + b1
    h = (h - rm) * jax.lax.rsqrt(rv + BN_EPS) * g + be
    h = jax.nn.relu(h)
    h = h @ W2 + b2
    return h


def reference(x, edge_index, W1_0, b1_0, g0, be0, rm0, rv0, W2_0, b2_0,
              W1s, b1s, gs, bes, rms, rvs, W2s, b2s, Wm, bm, Ws, bstd):
    src = edge_index[0]
    dst = edge_index[1]
    # BasicGNN: conv -> relu (+ dropout, identity in eval) between layers; no act after last conv
    h = _gin_conv(x, src, dst, W1_0, b1_0, g0, be0, rm0, rv0, W2_0, b2_0)
    h = jax.nn.relu(h)
    for i in range(L - 1):
        h = _gin_conv(h, src, dst, W1s[i], b1s[i], gs[i], bes[i], rms[i], rvs[i], W2s[i], b2s[i])
        if i < L - 2:
            h = jax.nn.relu(h)
    mean = h @ Wm + bm
    std = jax.nn.softplus(h @ Ws + bstd)
    return (mean, std)

if __name__ == "__main__":
    import jax
    _d = setup_inputs()
    print(jax.jit(kernel)(*tuple(_d.values())))

</pallas_src>

<mosaic_0001>
#map = affine_map<(d0, d1) -> (0, 0)>
#map1 = affine_map<(d0, d1) -> (0, 0, 0)>
module attributes {stable_mosaic.version = 14 : i64} {
  func.func @body(%arg0: i32, %arg1: i32, %arg2: memref<10000x16xf32, #tpu.memory_space<hbm>>, %arg3: memref<32x79x128xi32, #tpu.memory_space<hbm>>, %arg4: memref<32x79x128xi32, #tpu.memory_space<hbm>>, %arg5: memref<632x16xf32, #tpu.memory_space<hbm>>, %arg6: memref<2x10112x16xf32, #tpu.memory_space<hbm>>, %arg7: memref<79x128xi32, #tpu.memory_space<vmem>>, %arg8: memref<79x128xi32, #tpu.memory_space<vmem>>, %arg9: memref<128x16xf32, #tpu.memory_space<vmem>>, %arg10: memref<10112x16xf32, #tpu.memory_space<vmem_shared>>) attributes {dimension_semantics = [#tpu.dimension_semantics<core_parallel>, #tpu.dimension_semantics<subcore_parallel>], iteration_bounds = array<i64: 2, 16>, scalar_prefetch = 0 : i64, scratch_operands = 4 : i64, tpu.core_type = #tpu.core_type<sc_vector_subcore>, window_params = [{transform_indices = #map}, {transform_indices = #map1}, {transform_indices = #map1}, {transform_indices = #map}, {transform_indices = #map1}]} {
    %mul3A = arith.constant 16 : i32
    %mul3A_0 = arith.muli %arg0, %mul3A : i32
    %add3A = arith.addi %mul3A_0, %arg1 : i32
    "tpu.region"() ({
      %run_scoped3A = tpu.sem_alloc : memref<!tpu.dma_semaphore, #tpu.memory_space<semaphore_mem>>
      %dma_start3A = arith.constant 0 : i32
      %dma_start3A_13 = arith.constant 0 : i32
      %dma_start3A_14 = tpu.memref_slice %arg3[%add3A, %dma_start3A, %dma_start3A_13] : memref<32x79x128xi32, #tpu.memory_space<hbm>> -> memref<1x79x128xi32, #tpu.memory_space<hbm>>
      %dma_start3A_15 = tpu.memref_squeeze %dma_start3A_14 : memref<1x79x128xi32, #tpu.memory_space<hbm>> -> memref<79x128xi32, #tpu.memory_space<hbm>>
      %dma_start3A_16 = arith.constant 0 : i32
      %dma_start3A_17 = arith.constant 0 : i32
      %dma_start3A_18 = tpu.memref_slice %arg3[%add3A, %dma_start3A_16, %dma_start3A_17] : memref<32x79x128xi32, #tpu.memory_space<hbm>> -> memref<1x79x128xi32, #tpu.memory_space<hbm>>
      %dma_start3A_19 = tpu.memref_squeeze %dma_start3A_18 : memref<1x79x128xi32, #tpu.memory_space<hbm>> -> memref<79x128xi32, #tpu.memory_space<hbm>>
      tpu.enqueue_dma source(%dma_start3A_19 : memref<79x128xi32, #tpu.memory_space<hbm>>) target(%arg7 : memref<79x128xi32, #tpu.memory_space<vmem>>) target_semaphore(%run_scoped3A : memref<!tpu.dma_semaphore, #tpu.memory_space<semaphore_mem>>)
      %dma_wait3A = arith.constant 0 : i32
      %dma_wait3A_20 = arith.constant 0 : i32
      %dma_wait3A_21 = tpu.memref_slice %arg3[%add3A, %dma_wait3A, %dma_wait3A_20] : memref<32x79x128xi32, #tpu.memory_space<hbm>> -> memref<1x79x128xi32, #tpu.memory_space<hbm>>
      %dma_wait3A_22 = tpu.memref_squeeze %dma_wait3A_21 : memref<1x79x128xi32, #tpu.memory_space<hbm>> -> memref<79x128xi32, #tpu.memory_space<hbm>>
      %dma_wait3A_23 = arith.constant 0 : i32
      %dma_wait3A_24 = arith.constant 0 : i32
      %dma_wait3A_25 = tpu.memref_slice %arg3[%add3A, %dma_wait3A_23, %dma_wait3A_24] : memref<32x79x128xi32, #tpu.memory_space<hbm>> -> memref<1x79x128xi32, #tpu.memory_space<hbm>>
      %dma_wait3A_26 = tpu.memref_squeeze %dma_wait3A_25 : memref<1x79x128xi32, #tpu.memory_space<hbm>> -> memref<79x128xi32, #tpu.memory_space<hbm>>
      tpu.wait_dma2 semaphore(%run_scoped3A : memref<!tpu.dma_semaphore, #tpu.memory_space<semaphore_mem>>) src(%dma_wait3A_26 : memref<79x128xi32, #tpu.memory_space<hbm>>) dst(%arg7 : memref<79x128xi32, #tpu.memory_space<vmem>>)
      tpu.yield
    }) : () -> ()
    "tpu.region"() ({
      %run_scoped3A = tpu.sem_alloc : memref<!tpu.dma_semaphore, #tpu.memory_space<semaphore_mem>>
      %dma_start3A = arith.constant 0 : i32
      %dma_start3A_13 = arith.constant 0 : i32
      %dma_start3A_14 = tpu.memref_slice %arg4[%add3A, %dma_start3A, %dma_start3A_13] : memref<32x79x128xi32, #tpu.memory_space<hbm>> -> memref<1x79x128xi32, #tpu.memory_space<hbm>>
      %dma_start3A_15 = tpu.memref_squeeze %dma_start3A_14 : memref<1x79x128xi32, #tpu.memory_space<hbm>> -> memref<79x128xi32, #tpu.memory_space<hbm>>
      %dma_start3A_16 = arith.constant 0 : i32
      %dma_start3A_17 = arith.constant 0 : i32
      %dma_start3A_18 = tpu.memref_slice %arg4[%add3A, %dma_start3A_16, %dma_start3A_17] : memref<32x79x128xi32, #tpu.memory_space<hbm>> -> memref<1x79x128xi32, #tpu.memory_space<hbm>>
      %dma_start3A_19 = tpu.memref_squeeze %dma_start3A_18 : memref<1x79x128xi32, #tpu.memory_space<hbm>> -> memref<79x128xi32, #tpu.memory_space<hbm>>
      tpu.enqueue_dma source(%dma_start3A_19 : memref<79x128xi32, #tpu.memory_space<hbm>>) target(%arg8 : memref<79x128xi32, #tpu.memory_space<vmem>>) target_semaphore(%run_scoped3A : memref<!tpu.dma_semaphore, #tpu.memory_space<semaphore_mem>>)
      %dma_wait3A = arith.constant 0 : i32
      %dma_wait3A_20 = arith.constant 0 : i32
      %dma_wait3A_21 = tpu.memref_slice %arg4[%add3A, %dma_wait3A, %dma_wait3A_20] : memref<32x79x128xi32, #tpu.memory_space<hbm>> -> memref<1x79x128xi32, #tpu.memory_space<hbm>>
      %dma_wait3A_22 = tpu.memref_squeeze %dma_wait3A_21 : memref<1x79x128xi32, #tpu.memory_space<hbm>> -> memref<79x128xi32, #tpu.memory_space<hbm>>
      %dma_wait3A_23 = arith.constant 0 : i32
      %dma_wait3A_24 = arith.constant 0 : i32
      %dma_wait3A_25 = tpu.memref_slice %arg4[%add3A, %dma_wait3A_23, %dma_wait3A_24] : memref<32x79x128xi32, #tpu.memory_space<hbm>> -> memref<1x79x128xi32, #tpu.memory_space<hbm>>
      %dma_wait3A_26 = tpu.memref_squeeze %dma_wait3A_25 : memref<1x79x128xi32, #tpu.memory_space<hbm>> -> memref<79x128xi32, #tpu.memory_space<hbm>>
      tpu.wait_dma2 semaphore(%run_scoped3A : memref<!tpu.dma_semaphore, #tpu.memory_space<semaphore_mem>>) src(%dma_wait3A_26 : memref<79x128xi32, #tpu.memory_space<hbm>>) dst(%arg8 : memref<79x128xi32, #tpu.memory_space<vmem>>)
      tpu.yield
    }) : () -> ()
    %mul3A_1 = arith.constant 632 : i32
    %mul3A_2 = arith.muli %arg1, %mul3A_1 : i32
    "tpu.region"() ({
      %run_scoped3A = tpu.sem_alloc : memref<!tpu.dma_semaphore, #tpu.memory_space<semaphore_mem>>
      %dma_start3A = arith.constant 0 : i32
      %dma_start3A_13 = tpu.memref_slice %arg10[%mul3A_2, %dma_start3A] : memref<10112x16xf32, #tpu.memory_space<vmem_shared>> -> memref<632x16xf32, #tpu.memory_space<vmem_shared>>
      tpu.enqueue_dma source(%arg5 : memref<632x16xf32, #tpu.memory_space<hbm>>) target(%dma_start3A_13 : memref<632x16xf32, #tpu.memory_space<vmem_shared>>) target_semaphore(%run_scoped3A : memref<!tpu.dma_semaphore, #tpu.memory_space<semaphore_mem>>)
      %dma_wait3A = arith.constant 0 : i32
      %dma_wait3A_14 = tpu.memref_slice %arg10[%mul3A_2, %dma_wait3A] : memref<10112x16xf32, #tpu.memory_space<vmem_shared>> -> memref<632x16xf32, #tpu.memory_space<vmem_shared>>
      tpu.wait_dma2 semaphore(%run_scoped3A : memref<!tpu.dma_semaphore, #tpu.memory_space<semaphore_mem>>) src(%arg5 : memref<632x16xf32, #tpu.memory_space<hbm>>) dst(%dma_wait3A_14 : memref<632x16xf32, #tpu.memory_space<vmem_shared>>)
      tpu.yield
    }) : () -> ()
    %barrier3A = arith.constant 0 : index
    tpu.barrier barrier_id(%barrier3A)
    %scan3A = arith.constant 0 : i32
    %scan3A_3 = arith.constant 0 : i32
    %scan3A_4 = arith.constant 79 : i32
    %scan3A_5 = arith.addi %scan3A_3, %scan3A_4 : i32
    %scan3A_6 = arith.constant 1 : i32
    scf.for %scan3A_13 = %scan3A_3 to %scan3A_5 step %scan3A_6  : i32 {
      "tpu.region"() ({
        %run_scoped3A = tpu.sem_alloc : memref<!tpu.dma_semaphore, #tpu.memory_space<semaphore_mem>>
        %dma_start3A = arith.constant 0 : i32
        %dma_start3A_14 = tpu.memref_slice %arg7[%scan3A_13, %dma_start3A] : memref<79x128xi32, #tpu.memory_space<vmem>> -> memref<1x128xi32, #tpu.memory_space<vmem>>
        %dma_start3A_15 = tpu.memref_squeeze %dma_start3A_14 : memref<1x128xi32, #tpu.memory_space<vmem>> -> memref<128xi32, #tpu.memory_space<vmem>>
        %dma_start3A_16 = arith.constant 0 : i32
        %dma_start3A_17 = arith.constant 0 : i32
        %dma_start3A_18 = tpu.memref_slice %arg2[%dma_start3A_16, %dma_start3A_17] : memref<10000x16xf32, #tpu.memory_space<hbm>> -> memref<10000x16xf32, #tpu.memory_space<hbm>>
        tpu.enqueue_indirect_dma source(%dma_start3A_18 : memref<10000x16xf32, #tpu.memory_space<hbm>>) target(%arg9 : memref<128x16xf32, #tpu.memory_space<vmem>>) offsets(%dma_start3A_15 : memref<128xi32, #tpu.memory_space<vmem>>) semaphore(%run_scoped3A : memref<!tpu.dma_semaphore, #tpu.memory_space<semaphore_mem>>)
        %dma_wait3A = arith.constant 0 : i32
        %dma_wait3A_19 = tpu.memref_slice %arg7[%scan3A_13, %dma_wait3A] : memref<79x128xi32, #tpu.memory_space<vmem>> -> memref<1x128xi32, #tpu.memory_space<vmem>>
        %dma_wait3A_20 = tpu.memref_squeeze %dma_wait3A_19 : memref<1x128xi32, #tpu.memory_space<vmem>> -> memref<128xi32, #tpu.memory_space<vmem>>
        %dma_wait3A_21 = arith.constant 0 : i32
        %dma_wait3A_22 = arith.constant 0 : i32
        %dma_wait3A_23 = tpu.memref_slice %arg2[%dma_wait3A_21, %dma_wait3A_22] : memref<10000x16xf32, #tpu.memory_space<hbm>> -> memref<10000x16xf32, #tpu.memory_space<hbm>>
        tpu.wait_indirect_dma semaphore(%run_scoped3A : memref<!tpu.dma_semaphore, #tpu.memory_space<semaphore_mem>>) src(%dma_wait3A_23 : memref<10000x16xf32, #tpu.memory_space<hbm>>) dst(%arg9 : memref<128x16xf32, #tpu.memory_space<vmem>>)
        tpu.yield
      }) : () -> ()
      "tpu.region"() ({
        %run_scoped3A = tpu.sem_alloc : memref<!tpu.dma_semaphore, #tpu.memory_space<semaphore_mem>>
        %dma_start3A = arith.constant 0 : i32
        %dma_start3A_14 = tpu.memref_slice %arg8[%scan3A_13, %dma_start3A] : memref<79x128xi32, #tpu.memory_space<vmem>> -> memref<1x128xi32, #tpu.memory_space<vmem>>
        %dma_start3A_15 = tpu.memref_squeeze %dma_start3A_14 : memref<1x128xi32, #tpu.memory_space<vmem>> -> memref<128xi32, #tpu.memory_space<vmem>>
        %dma_start3A_16 = arith.constant 0 : i32
        %dma_start3A_17 = arith.constant 0 : i32
        %dma_start3A_18 = tpu.memref_slice %arg10[%dma_start3A_16, %dma_start3A_17] : memref<10112x16xf32, #tpu.memory_space<vmem_shared>> -> memref<10112x16xf32, #tpu.memory_space<vmem_shared>>
        tpu.enqueue_indirect_dma source(%arg9 : memref<128x16xf32, #tpu.memory_space<vmem>>) target(%dma_start3A_18 : memref<10112x16xf32, #tpu.memory_space<vmem_shared>>) offsets(%dma_start3A_15 : memref<128xi32, #tpu.memory_space<vmem>>) semaphore(%run_scoped3A : memref<!tpu.dma_semaphore, #tpu.memory_space<semaphore_mem>>) {add = true}
        %dma_wait3A = arith.constant 0 : i32
        %dma_wait3A_19 = tpu.memref_slice %arg8[%scan3A_13, %dma_wait3A] : memref<79x128xi32, #tpu.memory_space<vmem>> -> memref<1x128xi32, #tpu.memory_space<vmem>>
        %dma_wait3A_20 = tpu.memref_squeeze %dma_wait3A_19 : memref<1x128xi32, #tpu.memory_space<vmem>> -> memref<128xi32, #tpu.memory_space<vmem>>
        %dma_wait3A_21 = arith.constant 0 : i32
        %dma_wait3A_22 = arith.constant 0 : i32
        %dma_wait3A_23 = tpu.memref_slice %arg10[%dma_wait3A_21, %dma_wait3A_22] : memref<10112x16xf32, #tpu.memory_space<vmem_shared>> -> memref<10112x16xf32, #tpu.memory_space<vmem_shared>>
        tpu.wait_indirect_dma semaphore(%run_scoped3A : memref<!tpu.dma_semaphore, #tpu.memory_space<semaphore_mem>>) src(%arg9 : memref<128x16xf32, #tpu.memory_space<vmem>>) dst(%dma_wait3A_23 : memref<10112x16xf32, #tpu.memory_space<vmem_shared>>)
        tpu.yield
      }) : () -> ()
    }
    %scan3A_7 = arith.constant 79 : i32
    %barrier3A_8 = arith.constant 0 : index
    tpu.barrier barrier_id(%barrier3A_8)
    %mul3A_9 = arith.constant 632 : i32
    %mul3A_10 = arith.muli %arg1, %mul3A_9 : i32
    %mul3A_11 = arith.constant 632 : i32
    %mul3A_12 = arith.muli %arg1, %mul3A_11 : i32
    "tpu.region"() ({
      %run_scoped3A = tpu.sem_alloc : memref<!tpu.dma_semaphore, #tpu.memory_space<semaphore_mem>>
      %dma_start3A = arith.constant 0 : i32
      %dma_start3A_13 = tpu.memref_slice %arg6[%arg0, %mul3A_12, %dma_start3A] : memref<2x10112x16xf32, #tpu.memory_space<hbm>> -> memref<1x632x16xf32, #tpu.memory_space<hbm>>
      %dma_start3A_14 = tpu.memref_squeeze %dma_start3A_13 : memref<1x632x16xf32, #tpu.memory_space<hbm>> -> memref<632x16xf32, #tpu.memory_space<hbm>>
      %dma_start3A_15 = arith.constant 0 : i32
      %dma_start3A_16 = tpu.memref_slice %arg10[%mul3A_10, %dma_start3A_15] : memref<10112x16xf32, #tpu.memory_space<vmem_shared>> -> memref<632x16xf32, #tpu.memory_space<vmem_shared>>
      tpu.enqueue_dma source(%dma_start3A_16 : memref<632x16xf32, #tpu.memory_space<vmem_shared>>) target(%dma_start3A_14 : memref<632x16xf32, #tpu.memory_space<hbm>>) target_semaphore(%run_scoped3A : memref<!tpu.dma_semaphore, #tpu.memory_space<semaphore_mem>>)
      %dma_wait3A = arith.constant 0 : i32
      %dma_wait3A_17 = tpu.memref_slice %arg6[%arg0, %mul3A_12, %dma_wait3A] : memref<2x10112x16xf32, #tpu.memory_space<hbm>> -> memref<1x632x16xf32, #tpu.memory_space<hbm>>
      %dma_wait3A_18 = tpu.memref_squeeze %dma_wait3A_17 : memref<1x632x16xf32, #tpu.memory_space<hbm>> -> memref<632x16xf32, #tpu.memory_space<hbm>>
      %dma_wait3A_19 = arith.constant 0 : i32
      %dma_wait3A_20 = tpu.memref_slice %arg10[%mul3A_10, %dma_wait3A_19] : memref<10112x16xf32, #tpu.memory_space<vmem_shared>> -> memref<632x16xf32, #tpu.memory_space<vmem_shared>>
      tpu.wait_dma2 semaphore(%run_scoped3A : memref<!tpu.dma_semaphore, #tpu.memory_space<semaphore_mem>>) src(%dma_wait3A_20 : memref<632x16xf32, #tpu.memory_space<vmem_shared>>) dst(%dma_wait3A_18 : memref<632x16xf32, #tpu.memory_space<hbm>>)
      tpu.yield
    }) : () -> ()
    return
  }
}

#map = affine_map<(d0, d1) -> (0, 0)>
#map1 = affine_map<(d0, d1) -> (0, 0, 0)>
module attributes {stable_mosaic.version = 14 : i64} {
  func.func @body(%arg0: i32, %arg1: i32, %arg2: memref<10000x16xf32, #tpu.memory_space<hbm>>, %arg3: memref<32x79x128xi32, #tpu.memory_space<hbm>>, %arg4: memref<32x79x128xi32, #tpu.memory_space<hbm>>, %arg5: memref<632x16xf32, #tpu.memory_space<hbm>>, %arg6: memref<2x10112x16xf32, #tpu.memory_space<hbm>>, %arg7: memref<79x128xi32, #tpu.memory_space<vmem>>, %arg8: memref<79x128xi32, #tpu.memory_space<vmem>>, %arg9: memref<128x16xf32, #tpu.memory_space<vmem>>, %arg10: memref<10112x16xf32, #tpu.memory_space<vmem_shared>>) attributes {dimension_semantics = [#tpu.dimension_semantics<core_parallel>, #tpu.dimension_semantics<subcore_parallel>], iteration_bounds = array<i64: 2, 16>, scalar_prefetch = 0 : i64, scratch_operands = 4 : i64, tpu.core_type = #tpu.core_type<sc_vector_subcore>, window_params = [{transform_indices = #map}, {transform_indices = #map1}, {transform_indices = #map1}, {transform_indices = #map}, {transform_indices = #map1}]} {
    %mul3A = arith.constant 16 : i32
    %mul3A_0 = arith.muli %arg0, %mul3A : i32
    %add3A = arith.addi %mul3A_0, %arg1 : i32
    "tpu.region"() ({
      %run_scoped3A = tpu.sem_alloc : memref<!tpu.dma_semaphore, #tpu.memory_space<semaphore_mem>>
      %dma_start3A = arith.constant 0 : i32
      %dma_start3A_13 = arith.constant 0 : i32
      %dma_start3A_14 = tpu.memref_slice %arg3[%add3A, %dma_start3A, %dma_start3A_13] : memref<32x79x128xi32, #tpu.memory_space<hbm>> -> memref<1x79x128xi32, #tpu.memory_space<hbm>>
      %dma_start3A_15 = tpu.memref_squeeze %dma_start3A_14 : memref<1x79x128xi32, #tpu.memory_space<hbm>> -> memref<79x128xi32, #tpu.memory_space<hbm>>
      %dma_start3A_16 = arith.constant 0 : i32
      %dma_start3A_17 = arith.constant 0 : i32
      %dma_start3A_18 = tpu.memref_slice %arg3[%add3A, %dma_start3A_16, %dma_start3A_17] : memref<32x79x128xi32, #tpu.memory_space<hbm>> -> memref<1x79x128xi32, #tpu.memory_space<hbm>>
      %dma_start3A_19 = tpu.memref_squeeze %dma_start3A_18 : memref<1x79x128xi32, #tpu.memory_space<hbm>> -> memref<79x128xi32, #tpu.memory_space<hbm>>
      tpu.enqueue_dma source(%dma_start3A_19 : memref<79x128xi32, #tpu.memory_space<hbm>>) target(%arg7 : memref<79x128xi32, #tpu.memory_space<vmem>>) target_semaphore(%run_scoped3A : memref<!tpu.dma_semaphore, #tpu.memory_space<semaphore_mem>>)
      %dma_wait3A = arith.constant 0 : i32
      %dma_wait3A_20 = arith.constant 0 : i32
      %dma_wait3A_21 = tpu.memref_slice %arg3[%add3A, %dma_wait3A, %dma_wait3A_20] : memref<32x79x128xi32, #tpu.memory_space<hbm>> -> memref<1x79x128xi32, #tpu.memory_space<hbm>>
      %dma_wait3A_22 = tpu.memref_squeeze %dma_wait3A_21 : memref<1x79x128xi32, #tpu.memory_space<hbm>> -> memref<79x128xi32, #tpu.memory_space<hbm>>
      %dma_wait3A_23 = arith.constant 0 : i32
      %dma_wait3A_24 = arith.constant 0 : i32
      %dma_wait3A_25 = tpu.memref_slice %arg3[%add3A, %dma_wait3A_23, %dma_wait3A_24] : memref<32x79x128xi32, #tpu.memory_space<hbm>> -> memref<1x79x128xi32, #tpu.memory_space<hbm>>
      %dma_wait3A_26 = tpu.memref_squeeze %dma_wait3A_25 : memref<1x79x128xi32, #tpu.memory_space<hbm>> -> memref<79x128xi32, #tpu.memory_space<hbm>>
      tpu.wait_dma2 semaphore(%run_scoped3A : memref<!tpu.dma_semaphore, #tpu.memory_space<semaphore_mem>>) src(%dma_wait3A_26 : memref<79x128xi32, #tpu.memory_space<hbm>>) dst(%arg7 : memref<79x128xi32, #tpu.memory_space<vmem>>)
      tpu.yield
    }) : () -> ()
    "tpu.region"() ({
      %run_scoped3A = tpu.sem_alloc : memref<!tpu.dma_semaphore, #tpu.memory_space<semaphore_mem>>
      %dma_start3A = arith.constant 0 : i32
      %dma_start3A_13 = arith.constant 0 : i32
      %dma_start3A_14 = tpu.memref_slice %arg4[%add3A, %dma_start3A, %dma_start3A_13] : memref<32x79x128xi32, #tpu.memory_space<hbm>> -> memref<1x79x128xi32, #tpu.memory_space<hbm>>
      %dma_start3A_15 = tpu.memref_squeeze %dma_start3A_14 : memref<1x79x128xi32, #tpu.memory_space<hbm>> -> memref<79x128xi32, #tpu.memory_space<hbm>>
      %dma_start3A_16 = arith.constant 0 : i32
      %dma_start3A_17 = arith.constant 0 : i32
      %dma_start3A_18 = tpu.memref_slice %arg4[%add3A, %dma_start3A_16, %dma_start3A_17] : memref<32x79x128xi32, #tpu.memory_space<hbm>> -> memref<1x79x128xi32, #tpu.memory_space<hbm>>
      %dma_start3A_19 = tpu.memref_squeeze %dma_start3A_18 : memref<1x79x128xi32, #tpu.memory_space<hbm>> -> memref<79x128xi32, #tpu.memory_space<hbm>>
      tpu.enqueue_dma source(%dma_start3A_19 : memref<79x128xi32, #tpu.memory_space<hbm>>) target(%arg8 : memref<79x128xi32, #tpu.memory_space<vmem>>) target_semaphore(%run_scoped3A : memref<!tpu.dma_semaphore, #tpu.memory_space<semaphore_mem>>)
      %dma_wait3A = arith.constant 0 : i32
      %dma_wait3A_20 = arith.constant 0 : i32
      %dma_wait3A_21 = tpu.memref_slice %arg4[%add3A, %dma_wait3A, %dma_wait3A_20] : memref<32x79x128xi32, #tpu.memory_space<hbm>> -> memref<1x79x128xi32, #tpu.memory_space<hbm>>
      %dma_wait3A_22 = tpu.memref_squeeze %dma_wait3A_21 : memref<1x79x128xi32, #tpu.memory_space<hbm>> -> memref<79x128xi32, #tpu.memory_space<hbm>>
      %dma_wait3A_23 = arith.constant 0 : i32
      %dma_wait3A_24 = arith.constant 0 : i32
      %dma_wait3A_25 = tpu.memref_slice %arg4[%add3A, %dma_wait3A_23, %dma_wait3A_24] : memref<32x79x128xi32, #tpu.memory_space<hbm>> -> memref<1x79x128xi32, #tpu.memory_space<hbm>>
      %dma_wait3A_26 = tpu.memref_squeeze %dma_wait3A_25 : memref<1x79x128xi32, #tpu.memory_space<hbm>> -> memref<79x128xi32, #tpu.memory_space<hbm>>
      tpu.wait_dma2 semaphore(%run_scoped3A : memref<!tpu.dma_semaphore, #tpu.memory_space<semaphore_mem>>) src(%dma_wait3A_26 : memref<79x128xi32, #tpu.memory_space<hbm>>) dst(%arg8 : memref<79x128xi32, #tpu.memory_space<vmem>>)
      tpu.yield
    }) : () -> ()
    %mul3A_1 = arith.constant 632 : i32
    %mul3A_2 = arith.muli %arg1, %mul3A_1 : i32
    "tpu.region"() ({
      %run_scoped3A = tpu.sem_alloc : memref<!tpu.dma_semaphore, #tpu.memory_space<semaphore_mem>>
      %dma_start3A = arith.constant 0 : i32
      %dma_start3A_13 = tpu.memref_slice %arg10[%mul3A_2, %dma_start3A] : memref<10112x16xf32, #tpu.memory_space<vmem_shared>> -> memref<632x16xf32, #tpu.memory_space<vmem_shared>>
      tpu.enqueue_dma source(%arg5 : memref<632x16xf32, #tpu.memory_space<hbm>>) target(%dma_start3A_13 : memref<632x16xf32, #tpu.memory_space<vmem_shared>>) target_semaphore(%run_scoped3A : memref<!tpu.dma_semaphore, #tpu.memory_space<semaphore_mem>>)
      %dma_wait3A = arith.constant 0 : i32
      %dma_wait3A_14 = tpu.memref_slice %arg10[%mul3A_2, %dma_wait3A] : memref<10112x16xf32, #tpu.memory_space<vmem_shared>> -> memref<632x16xf32, #tpu.memory_space<vmem_shared>>
      tpu.wait_dma2 semaphore(%run_scoped3A : memref<!tpu.dma_semaphore, #tpu.memory_space<semaphore_mem>>) src(%arg5 : memref<632x16xf32, #tpu.memory_space<hbm>>) dst(%dma_wait3A_14 : memref<632x16xf32, #tpu.memory_space<vmem_shared>>)
      tpu.yield
    }) : () -> ()
    %barrier3A = arith.constant 0 : index
    tpu.barrier barrier_id(%barrier3A)
    %scan3A = arith.constant 0 : i32
    %scan3A_3 = arith.constant 0 : i32
    %scan3A_4 = arith.constant 79 : i32
    %scan3A_5 = arith.addi %scan3A_3, %scan3A_4 : i32
    %scan3A_6 = arith.constant 1 : i32
    scf.for %scan3A_13 = %scan3A_3 to %scan3A_5 step %scan3A_6  : i32 {
      "tpu.region"() ({
        %run_scoped3A = tpu.sem_alloc : memref<!tpu.dma_semaphore, #tpu.memory_space<semaphore_mem>>
        %dma_start3A = arith.constant 0 : i32
        %dma_start3A_14 = tpu.memref_slice %arg7[%scan3A_13, %dma_start3A] : memref<79x128xi32, #tpu.memory_space<vmem>> -> memref<1x128xi32, #tpu.memory_space<vmem>>
        %dma_start3A_15 = tpu.memref_squeeze %dma_start3A_14 : memref<1x128xi32, #tpu.memory_space<vmem>> -> memref<128xi32, #tpu.memory_space<vmem>>
        %dma_start3A_16 = arith.constant 0 : i32
        %dma_start3A_17 = arith.constant 0 : i32
        %dma_start3A_18 = tpu.memref_slice %arg2[%dma_start3A_16, %dma_start3A_17] : memref<10000x16xf32, #tpu.memory_space<hbm>> -> memref<10000x16xf32, #tpu.memory_space<hbm>>
        tpu.enqueue_indirect_dma source(%dma_start3A_18 : memref<10000x16xf32, #tpu.memory_space<hbm>>) target(%arg9 : memref<128x16xf32, #tpu.memory_space<vmem>>) offsets(%dma_start3A_15 : memref<128xi32, #tpu.memory_space<vmem>>) semaphore(%run_scoped3A : memref<!tpu.dma_semaphore, #tpu.memory_space<semaphore_mem>>)
        %dma_wait3A = arith.constant 0 : i32
        %dma_wait3A_19 = tpu.memref_slice %arg7[%scan3A_13, %dma_wait3A] : memref<79x128xi32, #tpu.memory_space<vmem>> -> memref<1x128xi32, #tpu.memory_space<vmem>>
        %dma_wait3A_20 = tpu.memref_squeeze %dma_wait3A_19 : memref<1x128xi32, #tpu.memory_space<vmem>> -> memref<128xi32, #tpu.memory_space<vmem>>
        %dma_wait3A_21 = arith.constant 0 : i32
        %dma_wait3A_22 = arith.constant 0 : i32
        %dma_wait3A_23 = tpu.memref_slice %arg2[%dma_wait3A_21, %dma_wait3A_22] : memref<10000x16xf32, #tpu.memory_space<hbm>> -> memref<10000x16xf32, #tpu.memory_space<hbm>>
        tpu.wait_indirect_dma semaphore(%run_scoped3A : memref<!tpu.dma_semaphore, #tpu.memory_space<semaphore_mem>>) src(%dma_wait3A_23 : memref<10000x16xf32, #tpu.memory_space<hbm>>) dst(%arg9 : memref<128x16xf32, #tpu.memory_space<vmem>>)
        tpu.yield
      }) : () -> ()
      "tpu.region"() ({
        %run_scoped3A = tpu.sem_alloc : memref<!tpu.dma_semaphore, #tpu.memory_space<semaphore_mem>>
        %dma_start3A = arith.constant 0 : i32
        %dma_start3A_14 = tpu.memref_slice %arg8[%scan3A_13, %dma_start3A] : memref<79x128xi32, #tpu.memory_space<vmem>> -> memref<1x128xi32, #tpu.memory_space<vmem>>
        %dma_start3A_15 = tpu.memref_squeeze %dma_start3A_14 : memref<1x128xi32, #tpu.memory_space<vmem>> -> memref<128xi32, #tpu.memory_space<vmem>>
        %dma_start3A_16 = arith.constant 0 : i32
        %dma_start3A_17 = arith.constant 0 : i32
        %dma_start3A_18 = tpu.memref_slice %arg10[%dma_start3A_16, %dma_start3A_17] : memref<10112x16xf32, #tpu.memory_space<vmem_shared>> -> memref<10112x16xf32, #tpu.memory_space<vmem_shared>>
        tpu.enqueue_indirect_dma source(%arg9 : memref<128x16xf32, #tpu.memory_space<vmem>>) target(%dma_start3A_18 : memref<10112x16xf32, #tpu.memory_space<vmem_shared>>) offsets(%dma_start3A_15 : memref<128xi32, #tpu.memory_space<vmem>>) semaphore(%run_scoped3A : memref<!tpu.dma_semaphore, #tpu.memory_space<semaphore_mem>>) {add = true}
        %dma_wait3A = arith.constant 0 : i32
        %dma_wait3A_19 = tpu.memref_slice %arg8[%scan3A_13, %dma_wait3A] : memref<79x128xi32, #tpu.memory_space<vmem>> -> memref<1x128xi32, #tpu.memory_space<vmem>>
        %dma_wait3A_20 = tpu.memref_squeeze %dma_wait3A_19 : memref<1x128xi32, #tpu.memory_space<vmem>> -> memref<128xi32, #tpu.memory_space<vmem>>
        %dma_wait3A_21 = arith.constant 0 : i32
        %dma_wait3A_22 = arith.constant 0 : i32
        %dma_wait3A_23 = tpu.memref_slice %arg10[%dma_wait3A_21, %dma_wait3A_22] : memref<10112x16xf32, #tpu.memory_space<vmem_shared>> -> memref<10112x16xf32, #tpu.memory_space<vmem_shared>>
        tpu.wait_indirect_dma semaphore(%run_scoped3A : memref<!tpu.dma_semaphore, #tpu.memory_space<semaphore_mem>>) src(%arg9 : memref<128x16xf32, #tpu.memory_space<vmem>>) dst(%dma_wait3A_23 : memref<10112x16xf32, #tpu.memory_space<vmem_shared>>)
        tpu.yield
      }) : () -> ()
    }
    %scan3A_7 = arith.constant 79 : i32
    %barrier3A_8 = arith.constant 0 : index
    tpu.barrier barrier_id(%barrier3A_8)
    %mul3A_9 = arith.constant 632 : i32
    %mul3A_10 = arith.muli %arg1, %mul3A_9 : i32
    %mul3A_11 = arith.constant 632 : i32
    %mul3A_12 = arith.muli %arg1, %mul3A_11 : i32
    "tpu.region"() ({
      %run_scoped3A = tpu.sem_alloc : memref<!tpu.dma_semaphore, #tpu.memory_space<semaphore_mem>>
      %dma_start3A = arith.constant 0 : i32
      %dma_start3A_13 = tpu.memref_slice %arg6[%arg0, %mul3A_12, %dma_start3A] : memref<2x10112x16xf32, #tpu.memory_space<hbm>> -> memref<1x632x16xf32, #tpu.memory_space<hbm>>
      %dma_start3A_14 = tpu.memref_squeeze %dma_start3A_13 : memref<1x632x16xf32, #tpu.memory_space<hbm>> -> memref<632x16xf32, #tpu.memory_space<hbm>>
      %dma_start3A_15 = arith.constant 0 : i32
      %dma_start3A_16 = tpu.memref_slice %arg10[%mul3A_10, %dma_start3A_15] : memref<10112x16xf32, #tpu.memory_space<vmem_shared>> -> memref<632x16xf32, #tpu.memory_space<vmem_shared>>
      tpu.enqueue_dma source(%dma_start3A_16 : memref<632x16xf32, #tpu.memory_space<vmem_shared>>) target(%dma_start3A_14 : memref<632x16xf32, #tpu.memory_space<hbm>>) target_semaphore(%run_scoped3A : memref<!tpu.dma_semaphore, #tpu.memory_space<semaphore_mem>>)
      %dma_wait3A = arith.constant 0 : i32
      %dma_wait3A_17 = tpu.memref_slice %arg6[%arg0, %mul3A_12, %dma_wait3A] : memref<2x10112x16xf32, #tpu.memory_space<hbm>> -> memref<1x632x16xf32, #tpu.memory_space<hbm>>
      %dma_wait3A_18 = tpu.memref_squeeze %dma_wait3A_17 : memref<1x632x16xf32, #tpu.memory_space<hbm>> -> memref<632x16xf32, #tpu.memory_space<hbm>>
      %dma_wait3A_19 = arith.constant 0 : i32
      %dma_wait3A_20 = tpu.memref_slice %arg10[%mul3A_10, %dma_wait3A_19] : memref<10112x16xf32, #tpu.memory_space<vmem_shared>> -> memref<632x16xf32, #tpu.memory_space<vmem_shared>>
      tpu.wait_dma2 semaphore(%run_scoped3A : memref<!tpu.dma_semaphore, #tpu.memory_space<semaphore_mem>>) src(%dma_wait3A_20 : memref<632x16xf32, #tpu.memory_space<vmem_shared>>) dst(%dma_wait3A_18 : memref<632x16xf32, #tpu.memory_space<hbm>>)
      tpu.yield
    }) : () -> ()
    return
  }
}

#map = affine_map<(d0, d1) -> (0, 0)>
#map1 = affine_map<(d0, d1) -> (0, 0, 0)>
module attributes {stable_mosaic.version = 14 : i64} {
  func.func @body(%arg0: i32, %arg1: i32, %arg2: memref<10000x16xf32, #tpu.memory_space<hbm>>, %arg3: memref<32x79x128xi32, #tpu.memory_space<hbm>>, %arg4: memref<32x79x128xi32, #tpu.memory_space<hbm>>, %arg5: memref<632x16xf32, #tpu.memory_space<hbm>>, %arg6: memref<2x10112x16xf32, #tpu.memory_space<hbm>>, %arg7: memref<79x128xi32, #tpu.memory_space<vmem>>, %arg8: memref<79x128xi32, #tpu.memory_space<vmem>>, %arg9: memref<128x16xf32, #tpu.memory_space<vmem>>, %arg10: memref<10112x16xf32, #tpu.memory_space<vmem_shared>>) attributes {dimension_semantics = [#tpu.dimension_semantics<core_parallel>, #tpu.dimension_semantics<subcore_parallel>], iteration_bounds = array<i64: 2, 16>, scalar_prefetch = 0 : i64, scratch_operands = 4 : i64, tpu.core_type = #tpu.core_type<sc_vector_subcore>, window_params = [{transform_indices = #map}, {transform_indices = #map1}, {transform_indices = #map1}, {transform_indices = #map}, {transform_indices = #map1}]} {
    %mul3A = arith.constant 16 : i32
    %mul3A_0 = arith.muli %arg0, %mul3A : i32
    %add3A = arith.addi %mul3A_0, %arg1 : i32
    "tpu.region"() ({
      %run_scoped3A = tpu.sem_alloc : memref<!tpu.dma_semaphore, #tpu.memory_space<semaphore_mem>>
      %dma_start3A = arith.constant 0 : i32
      %dma_start3A_13 = arith.constant 0 : i32
      %dma_start3A_14 = tpu.memref_slice %arg3[%add3A, %dma_start3A, %dma_start3A_13] : memref<32x79x128xi32, #tpu.memory_space<hbm>> -> memref<1x79x128xi32, #tpu.memory_space<hbm>>
      %dma_start3A_15 = tpu.memref_squeeze %dma_start3A_14 : memref<1x79x128xi32, #tpu.memory_space<hbm>> -> memref<79x128xi32, #tpu.memory_space<hbm>>
      %dma_start3A_16 = arith.constant 0 : i32
      %dma_start3A_17 = arith.constant 0 : i32
      %dma_start3A_18 = tpu.memref_slice %arg3[%add3A, %dma_start3A_16, %dma_start3A_17] : memref<32x79x128xi32, #tpu.memory_space<hbm>> -> memref<1x79x128xi32, #tpu.memory_space<hbm>>
      %dma_start3A_19 = tpu.memref_squeeze %dma_start3A_18 : memref<1x79x128xi32, #tpu.memory_space<hbm>> -> memref<79x128xi32, #tpu.memory_space<hbm>>
      tpu.enqueue_dma source(%dma_start3A_19 : memref<79x128xi32, #tpu.memory_space<hbm>>) target(%arg7 : memref<79x128xi32, #tpu.memory_space<vmem>>) target_semaphore(%run_scoped3A : memref<!tpu.dma_semaphore, #tpu.memory_space<semaphore_mem>>)
      %dma_wait3A = arith.constant 0 : i32
      %dma_wait3A_20 = arith.constant 0 : i32
      %dma_wait3A_21 = tpu.memref_slice %arg3[%add3A, %dma_wait3A, %dma_wait3A_20] : memref<32x79x128xi32, #tpu.memory_space<hbm>> -> memref<1x79x128xi32, #tpu.memory_space<hbm>>
      %dma_wait3A_22 = tpu.memref_squeeze %dma_wait3A_21 : memref<1x79x128xi32, #tpu.memory_space<hbm>> -> memref<79x128xi32, #tpu.memory_space<hbm>>
      %dma_wait3A_23 = arith.constant 0 : i32
      %dma_wait3A_24 = arith.constant 0 : i32
      %dma_wait3A_25 = tpu.memref_slice %arg3[%add3A, %dma_wait3A_23, %dma_wait3A_24] : memref<32x79x128xi32, #tpu.memory_space<hbm>> -> memref<1x79x128xi32, #tpu.memory_space<hbm>>
      %dma_wait3A_26 = tpu.memref_squeeze %dma_wait3A_25 : memref<1x79x128xi32, #tpu.memory_space<hbm>> -> memref<79x128xi32, #tpu.memory_space<hbm>>
      tpu.wait_dma2 semaphore(%run_scoped3A : memref<!tpu.dma_semaphore, #tpu.memory_space<semaphore_mem>>) src(%dma_wait3A_26 : memref<79x128xi32, #tpu.memory_space<hbm>>) dst(%arg7 : memref<79x128xi32, #tpu.memory_space<vmem>>)
      tpu.yield
    }) : () -> ()
    "tpu.region"() ({
      %run_scoped3A = tpu.sem_alloc : memref<!tpu.dma_semaphore, #tpu.memory_space<semaphore_mem>>
      %dma_start3A = arith.constant 0 : i32
      %dma_start3A_13 = arith.constant 0 : i32
      %dma_start3A_14 = tpu.memref_slice %arg4[%add3A, %dma_start3A, %dma_start3A_13] : memref<32x79x128xi32, #tpu.memory_space<hbm>> -> memref<1x79x128xi32, #tpu.memory_space<hbm>>
      %dma_start3A_15 = tpu.memref_squeeze %dma_start3A_14 : memref<1x79x128xi32, #tpu.memory_space<hbm>> -> memref<79x128xi32, #tpu.memory_space<hbm>>
      %dma_start3A_16 = arith.constant 0 : i32
      %dma_start3A_17 = arith.constant 0 : i32
      %dma_start3A_18 = tpu.memref_slice %arg4[%add3A, %dma_start3A_16, %dma_start3A_17] : memref<32x79x128xi32, #tpu.memory_space<hbm>> -> memref<1x79x128xi32, #tpu.memory_space<hbm>>
      %dma_start3A_19 = tpu.memref_squeeze %dma_start3A_18 : memref<1x79x128xi32, #tpu.memory_space<hbm>> -> memref<79x128xi32, #tpu.memory_space<hbm>>
      tpu.enqueue_dma source(%dma_start3A_19 : memref<79x128xi32, #tpu.memory_space<hbm>>) target(%arg8 : memref<79x128xi32, #tpu.memory_space<vmem>>) target_semaphore(%run_scoped3A : memref<!tpu.dma_semaphore, #tpu.memory_space<semaphore_mem>>)
      %dma_wait3A = arith.constant 0 : i32
      %dma_wait3A_20 = arith.constant 0 : i32
      %dma_wait3A_21 = tpu.memref_slice %arg4[%add3A, %dma_wait3A, %dma_wait3A_20] : memref<32x79x128xi32, #tpu.memory_space<hbm>> -> memref<1x79x128xi32, #tpu.memory_space<hbm>>
      %dma_wait3A_22 = tpu.memref_squeeze %dma_wait3A_21 : memref<1x79x128xi32, #tpu.memory_space<hbm>> -> memref<79x128xi32, #tpu.memory_space<hbm>>
      %dma_wait3A_23 = arith.constant 0 : i32
      %dma_wait3A_24 = arith.constant 0 : i32
      %dma_wait3A_25 = tpu.memref_slice %arg4[%add3A, %dma_wait3A_23, %dma_wait3A_24] : memref<32x79x128xi32, #tpu.memory_space<hbm>> -> memref<1x79x128xi32, #tpu.memory_space<hbm>>
      %dma_wait3A_26 = tpu.memref_squeeze %dma_wait3A_25 : memref<1x79x128xi32, #tpu.memory_space<hbm>> -> memref<79x128xi32, #tpu.memory_space<hbm>>
      tpu.wait_dma2 semaphore(%run_scoped3A : memref<!tpu.dma_semaphore, #tpu.memory_space<semaphore_mem>>) src(%dma_wait3A_26 : memref<79x128xi32, #tpu.memory_space<hbm>>) dst(%arg8 : memref<79x128xi32, #tpu.memory_space<vmem>>)
      tpu.yield
    }) : () -> ()
    %mul3A_1 = arith.constant 632 : i32
    %mul3A_2 = arith.muli %arg1, %mul3A_1 : i32
    "tpu.region"() ({
      %run_scoped3A = tpu.sem_alloc : memref<!tpu.dma_semaphore, #tpu.memory_space<semaphore_mem>>
      %dma_start3A = arith.constant 0 : i32
      %dma_start3A_13 = tpu.memref_slice %arg10[%mul3A_2, %dma_start3A] : memref<10112x16xf32, #tpu.memory_space<vmem_shared>> -> memref<632x16xf32, #tpu.memory_space<vmem_shared>>
      tpu.enqueue_dma source(%arg5 : memref<632x16xf32, #tpu.memory_space<hbm>>) target(%dma_start3A_13 : memref<632x16xf32, #tpu.memory_space<vmem_shared>>) target_semaphore(%run_scoped3A : memref<!tpu.dma_semaphore, #tpu.memory_space<semaphore_mem>>)
      %dma_wait3A = arith.constant 0 : i32
      %dma_wait3A_14 = tpu.memref_slice %arg10[%mul3A_2, %dma_wait3A] : memref<10112x16xf32, #tpu.memory_space<vmem_shared>> -> memref<632x16xf32, #tpu.memory_space<vmem_shared>>
      tpu.wait_dma2 semaphore(%run_scoped3A : memref<!tpu.dma_semaphore, #tpu.memory_space<semaphore_mem>>) src(%arg5 : memref<632x16xf32, #tpu.memory_space<hbm>>) dst(%dma_wait3A_14 : memref<632x16xf32, #tpu.memory_space<vmem_shared>>)
      tpu.yield
    }) : () -> ()
    %barrier3A = arith.constant 0 : index
    tpu.barrier barrier_id(%barrier3A)
    %scan3A = arith.constant 0 : i32
    %scan3A_3 = arith.constant 0 : i32
    %scan3A_4 = arith.constant 79 : i32
    %scan3A_5 = arith.addi %scan3A_3, %scan3A_4 : i32
    %scan3A_6 = arith.constant 1 : i32
    scf.for %scan3A_13 = %scan3A_3 to %scan3A_5 step %scan3A_6  : i32 {
      "tpu.region"() ({
        %run_scoped3A = tpu.sem_alloc : memref<!tpu.dma_semaphore, #tpu.memory_space<semaphore_mem>>
        %dma_start3A = arith.constant 0 : i32
        %dma_start3A_14 = tpu.memref_slice %arg7[%scan3A_13, %dma_start3A] : memref<79x128xi32, #tpu.memory_space<vmem>> -> memref<1x128xi32, #tpu.memory_space<vmem>>
        %dma_start3A_15 = tpu.memref_squeeze %dma_start3A_14 : memref<1x128xi32, #tpu.memory_space<vmem>> -> memref<128xi32, #tpu.memory_space<vmem>>
        %dma_start3A_16 = arith.constant 0 : i32
        %dma_start3A_17 = arith.constant 0 : i32
        %dma_start3A_18 = tpu.memref_slice %arg2[%dma_start3A_16, %dma_start3A_17] : memref<10000x16xf32, #tpu.memory_space<hbm>> -> memref<10000x16xf32, #tpu.memory_space<hbm>>
        tpu.enqueue_indirect_dma source(%dma_start3A_18 : memref<10000x16xf32, #tpu.memory_space<hbm>>) target(%arg9 : memref<128x16xf32, #tpu.memory_space<vmem>>) offsets(%dma_start3A_15 : memref<128xi32, #tpu.memory_space<vmem>>) semaphore(%run_scoped3A : memref<!tpu.dma_semaphore, #tpu.memory_space<semaphore_mem>>)
        %dma_wait3A = arith.constant 0 : i32
        %dma_wait3A_19 = tpu.memref_slice %arg7[%scan3A_13, %dma_wait3A] : memref<79x128xi32, #tpu.memory_space<vmem>> -> memref<1x128xi32, #tpu.memory_space<vmem>>
        %dma_wait3A_20 = tpu.memref_squeeze %dma_wait3A_19 : memref<1x128xi32, #tpu.memory_space<vmem>> -> memref<128xi32, #tpu.memory_space<vmem>>
        %dma_wait3A_21 = arith.constant 0 : i32
        %dma_wait3A_22 = arith.constant 0 : i32
        %dma_wait3A_23 = tpu.memref_slice %arg2[%dma_wait3A_21, %dma_wait3A_22] : memref<10000x16xf32, #tpu.memory_space<hbm>> -> memref<10000x16xf32, #tpu.memory_space<hbm>>
        tpu.wait_indirect_dma semaphore(%run_scoped3A : memref<!tpu.dma_semaphore, #tpu.memory_space<semaphore_mem>>) src(%dma_wait3A_23 : memref<10000x16xf32, #tpu.memory_space<hbm>>) dst(%arg9 : memref<128x16xf32, #tpu.memory_space<vmem>>)
        tpu.yield
      }) : () -> ()
      "tpu.region"() ({
        %run_scoped3A = tpu.sem_alloc : memref<!tpu.dma_semaphore, #tpu.memory_space<semaphore_mem>>
        %dma_start3A = arith.constant 0 : i32
        %dma_start3A_14 = tpu.memref_slice %arg8[%scan3A_13, %dma_start3A] : memref<79x128xi32, #tpu.memory_space<vmem>> -> memref<1x128xi32, #tpu.memory_space<vmem>>
        %dma_start3A_15 = tpu.memref_squeeze %dma_start3A_14 : memref<1x128xi32, #tpu.memory_space<vmem>> -> memref<128xi32, #tpu.memory_space<vmem>>
        %dma_start3A_16 = arith.constant 0 : i32
        %dma_start3A_17 = arith.constant 0 : i32
        %dma_start3A_18 = tpu.memref_slice %arg10[%dma_start3A_16, %dma_start3A_17] : memref<10112x16xf32, #tpu.memory_space<vmem_shared>> -> memref<10112x16xf32, #tpu.memory_space<vmem_shared>>
        tpu.enqueue_indirect_dma source(%arg9 : memref<128x16xf32, #tpu.memory_space<vmem>>) target(%dma_start3A_18 : memref<10112x16xf32, #tpu.memory_space<vmem_shared>>) offsets(%dma_start3A_15 : memref<128xi32, #tpu.memory_space<vmem>>) semaphore(%run_scoped3A : memref<!tpu.dma_semaphore, #tpu.memory_space<semaphore_mem>>) {add = true}
        %dma_wait3A = arith.constant 0 : i32
        %dma_wait3A_19 = tpu.memref_slice %arg8[%scan3A_13, %dma_wait3A] : memref<79x128xi32, #tpu.memory_space<vmem>> -> memref<1x128xi32, #tpu.memory_space<vmem>>
        %dma_wait3A_20 = tpu.memref_squeeze %dma_wait3A_19 : memref<1x128xi32, #tpu.memory_space<vmem>> -> memref<128xi32, #tpu.memory_space<vmem>>
        %dma_wait3A_21 = arith.constant 0 : i32
        %dma_wait3A_22 = arith.constant 0 : i32
        %dma_wait3A_23 = tpu.memref_slice %arg10[%dma_wait3A_21, %dma_wait3A_22] : memref<10112x16xf32, #tpu.memory_space<vmem_shared>> -> memref<10112x16xf32, #tpu.memory_space<vmem_shared>>
        tpu.wait_indirect_dma semaphore(%run_scoped3A : memref<!tpu.dma_semaphore, #tpu.memory_space<semaphore_mem>>) src(%arg9 : memref<128x16xf32, #tpu.memory_space<vmem>>) dst(%dma_wait3A_23 : memref<10112x16xf32, #tpu.memory_space<vmem_shared>>)
        tpu.yield
      }) : () -> ()
    }
    %scan3A_7 = arith.constant 79 : i32
    %barrier3A_8 = arith.constant 0 : index
    tpu.barrier barrier_id(%barrier3A_8)
    %mul3A_9 = arith.constant 632 : i32
    %mul3A_10 = arith.muli %arg1, %mul3A_9 : i32
    %mul3A_11 = arith.constant 632 : i32
    %mul3A_12 = arith.muli %arg1, %mul3A_11 : i32
    "tpu.region"() ({
      %run_scoped3A = tpu.sem_alloc : memref<!tpu.dma_semaphore, #tpu.memory_space<semaphore_mem>>
      %dma_start3A = arith.constant 0 : i32
      %dma_start3A_13 = tpu.memref_slice %arg6[%arg0, %mul3A_12, %dma_start3A] : memref<2x10112x16xf32, #tpu.memory_space<hbm>> -> memref<1x632x16xf32, #tpu.memory_space<hbm>>
      %dma_start3A_14 = tpu.memref_squeeze %dma_start3A_13 : memref<1x632x16xf32, #tpu.memory_space<hbm>> -> memref<632x16xf32, #tpu.memory_space<hbm>>
      %dma_start3A_15 = arith.constant 0 : i32
      %dma_start3A_16 = tpu.memref_slice %arg10[%mul3A_10, %dma_start3A_15] : memref<10112x16xf32, #tpu.memory_space<vmem_shared>> -> memref<632x16xf32, #tpu.memory_space<vmem_shared>>
      tpu.enqueue_dma source(%dma_start3A_16 : memref<632x16xf32, #tpu.memory_space<vmem_shared>>) target(%dma_start3A_14 : memref<632x16xf32, #tpu.memory_space<hbm>>) target_semaphore(%run_scoped3A : memref<!tpu.dma_semaphore, #tpu.memory_space<semaphore_mem>>)
      %dma_wait3A = arith.constant 0 : i32
      %dma_wait3A_17 = tpu.memref_slice %arg6[%arg0, %mul3A_12, %dma_wait3A] : memref<2x10112x16xf32, #tpu.memory_space<hbm>> -> memref<1x632x16xf32, #tpu.memory_space<hbm>>
      %dma_wait3A_18 = tpu.memref_squeeze %dma_wait3A_17 : memref<1x632x16xf32, #tpu.memory_space<hbm>> -> memref<632x16xf32, #tpu.memory_space<hbm>>
      %dma_wait3A_19 = arith.constant 0 : i32
      %dma_wait3A_20 = tpu.memref_slice %arg10[%mul3A_10, %dma_wait3A_19] : memref<10112x16xf32, #tpu.memory_space<vmem_shared>> -> memref<632x16xf32, #tpu.memory_space<vmem_shared>>
      tpu.wait_dma2 semaphore(%run_scoped3A : memref<!tpu.dma_semaphore, #tpu.memory_space<semaphore_mem>>) src(%dma_wait3A_20 : memref<632x16xf32, #tpu.memory_space<vmem_shared>>) dst(%dma_wait3A_18 : memref<632x16xf32, #tpu.memory_space<hbm>>)
      tpu.yield
    }) : () -> ()
    return
  }
}

#map = affine_map<(d0, d1) -> (0, 0)>
#map1 = affine_map<(d0, d1) -> (0, 0, 0)>
module attributes {stable_mosaic.version = 14 : i64} {
  func.func @body(%arg0: i32, %arg1: i32, %arg2: memref<10000x16xf32, #tpu.memory_space<hbm>>, %arg3: memref<32x79x128xi32, #tpu.memory_space<hbm>>, %arg4: memref<32x79x128xi32, #tpu.memory_space<hbm>>, %arg5: memref<632x16xf32, #tpu.memory_space<hbm>>, %arg6: memref<2x10112x16xf32, #tpu.memory_space<hbm>>, %arg7: memref<79x128xi32, #tpu.memory_space<vmem>>, %arg8: memref<79x128xi32, #tpu.memory_space<vmem>>, %arg9: memref<128x16xf32, #tpu.memory_space<vmem>>, %arg10: memref<10112x16xf32, #tpu.memory_space<vmem_shared>>) attributes {dimension_semantics = [#tpu.dimension_semantics<core_parallel>, #tpu.dimension_semantics<subcore_parallel>], iteration_bounds = array<i64: 2, 16>, scalar_prefetch = 0 : i64, scratch_operands = 4 : i64, tpu.core_type = #tpu.core_type<sc_vector_subcore>, window_params = [{transform_indices = #map}, {transform_indices = #map1}, {transform_indices = #map1}, {transform_indices = #map}, {transform_indices = #map1}]} {
    %mul3A = arith.constant 16 : i32
    %mul3A_0 = arith.muli %arg0, %mul3A : i32
    %add3A = arith.addi %mul3A_0, %arg1 : i32
    "tpu.region"() ({
      %run_scoped3A = tpu.sem_alloc : memref<!tpu.dma_semaphore, #tpu.memory_space<semaphore_mem>>
      %dma_start3A = arith.constant 0 : i32
      %dma_start3A_13 = arith.constant 0 : i32
      %dma_start3A_14 = tpu.memref_slice %arg3[%add3A, %dma_start3A, %dma_start3A_13] : memref<32x79x128xi32, #tpu.memory_space<hbm>> -> memref<1x79x128xi32, #tpu.memory_space<hbm>>
      %dma_start3A_15 = tpu.memref_squeeze %dma_start3A_14 : memref<1x79x128xi32, #tpu.memory_space<hbm>> -> memref<79x128xi32, #tpu.memory_space<hbm>>
      %dma_start3A_16 = arith.constant 0 : i32
      %dma_start3A_17 = arith.constant 0 : i32
      %dma_start3A_18 = tpu.memref_slice %arg3[%add3A, %dma_start3A_16, %dma_start3A_17] : memref<32x79x128xi32, #tpu.memory_space<hbm>> -> memref<1x79x128xi32, #tpu.memory_space<hbm>>
      %dma_start3A_19 = tpu.memref_squeeze %dma_start3A_18 : memref<1x79x128xi32, #tpu.memory_space<hbm>> -> memref<79x128xi32, #tpu.memory_space<hbm>>
      tpu.enqueue_dma source(%dma_start3A_19 : memref<79x128xi32, #tpu.memory_space<hbm>>) target(%arg7 : memref<79x128xi32, #tpu.memory_space<vmem>>) target_semaphore(%run_scoped3A : memref<!tpu.dma_semaphore, #tpu.memory_space<semaphore_mem>>)
      %dma_wait3A = arith.constant 0 : i32
      %dma_wait3A_20 = arith.constant 0 : i32
      %dma_wait3A_21 = tpu.memref_slice %arg3[%add3A, %dma_wait3A, %dma_wait3A_20] : memref<32x79x128xi32, #tpu.memory_space<hbm>> -> memref<1x79x128xi32, #tpu.memory_space<hbm>>
      %dma_wait3A_22 = tpu.memref_squeeze %dma_wait3A_21 : memref<1x79x128xi32, #tpu.memory_space<hbm>> -> memref<79x128xi32, #tpu.memory_space<hbm>>
      %dma_wait3A_23 = arith.constant 0 : i32
      %dma_wait3A_24 = arith.constant 0 : i32
      %dma_wait3A_25 = tpu.memref_slice %arg3[%add3A, %dma_wait3A_23, %dma_wait3A_24] : memref<32x79x128xi32, #tpu.memory_space<hbm>> -> memref<1x79x128xi32, #tpu.memory_space<hbm>>
      %dma_wait3A_26 = tpu.memref_squeeze %dma_wait3A_25 : memref<1x79x128xi32, #tpu.memory_space<hbm>> -> memref<79x128xi32, #tpu.memory_space<hbm>>
      tpu.wait_dma2 semaphore(%run_scoped3A : memref<!tpu.dma_semaphore, #tpu.memory_space<semaphore_mem>>) src(%dma_wait3A_26 : memref<79x128xi32, #tpu.memory_space<hbm>>) dst(%arg7 : memref<79x128xi32, #tpu.memory_space<vmem>>)
      tpu.yield
    }) : () -> ()
    "tpu.region"() ({
      %run_scoped3A = tpu.sem_alloc : memref<!tpu.dma_semaphore, #tpu.memory_space<semaphore_mem>>
      %dma_start3A = arith.constant 0 : i32
      %dma_start3A_13 = arith.constant 0 : i32
      %dma_start3A_14 = tpu.memref_slice %arg4[%add3A, %dma_start3A, %dma_start3A_13] : memref<32x79x128xi32, #tpu.memory_space<hbm>> -> memref<1x79x128xi32, #tpu.memory_space<hbm>>
      %dma_start3A_15 = tpu.memref_squeeze %dma_start3A_14 : memref<1x79x128xi32, #tpu.memory_space<hbm>> -> memref<79x128xi32, #tpu.memory_space<hbm>>
      %dma_start3A_16 = arith.constant 0 : i32
      %dma_start3A_17 = arith.constant 0 : i32
      %dma_start3A_18 = tpu.memref_slice %arg4[%add3A, %dma_start3A_16, %dma_start3A_17] : memref<32x79x128xi32, #tpu.memory_space<hbm>> -> memref<1x79x128xi32, #tpu.memory_space<hbm>>
      %dma_start3A_19 = tpu.memref_squeeze %dma_start3A_18 : memref<1x79x128xi32, #tpu.memory_space<hbm>> -> memref<79x128xi32, #tpu.memory_space<hbm>>
      tpu.enqueue_dma source(%dma_start3A_19 : memref<79x128xi32, #tpu.memory_space<hbm>>) target(%arg8 : memref<79x128xi32, #tpu.memory_space<vmem>>) target_semaphore(%run_scoped3A : memref<!tpu.dma_semaphore, #tpu.memory_space<semaphore_mem>>)
      %dma_wait3A = arith.constant 0 : i32
      %dma_wait3A_20 = arith.constant 0 : i32
      %dma_wait3A_21 = tpu.memref_slice %arg4[%add3A, %dma_wait3A, %dma_wait3A_20] : memref<32x79x128xi32, #tpu.memory_space<hbm>> -> memref<1x79x128xi32, #tpu.memory_space<hbm>>
      %dma_wait3A_22 = tpu.memref_squeeze %dma_wait3A_21 : memref<1x79x128xi32, #tpu.memory_space<hbm>> -> memref<79x128xi32, #tpu.memory_space<hbm>>
      %dma_wait3A_23 = arith.constant 0 : i32
      %dma_wait3A_24 = arith.constant 0 : i32
      %dma_wait3A_25 = tpu.memref_slice %arg4[%add3A, %dma_wait3A_23, %dma_wait3A_24] : memref<32x79x128xi32, #tpu.memory_space<hbm>> -> memref<1x79x128xi32, #tpu.memory_space<hbm>>
      %dma_wait3A_26 = tpu.memref_squeeze %dma_wait3A_25 : memref<1x79x128xi32, #tpu.memory_space<hbm>> -> memref<79x128xi32, #tpu.memory_space<hbm>>
      tpu.wait_dma2 semaphore(%run_scoped3A : memref<!tpu.dma_semaphore, #tpu.memory_space<semaphore_mem>>) src(%dma_wait3A_26 : memref<79x128xi32, #tpu.memory_space<hbm>>) dst(%arg8 : memref<79x128xi32, #tpu.memory_space<vmem>>)
      tpu.yield
    }) : () -> ()
    %mul3A_1 = arith.constant 632 : i32
    %mul3A_2 = arith.muli %arg1, %mul3A_1 : i32
    "tpu.region"() ({
      %run_scoped3A = tpu.sem_alloc : memref<!tpu.dma_semaphore, #tpu.memory_space<semaphore_mem>>
      %dma_start3A = arith.constant 0 : i32
      %dma_start3A_13 = tpu.memref_slice %arg10[%mul3A_2, %dma_start3A] : memref<10112x16xf32, #tpu.memory_space<vmem_shared>> -> memref<632x16xf32, #tpu.memory_space<vmem_shared>>
      tpu.enqueue_dma source(%arg5 : memref<632x16xf32, #tpu.memory_space<hbm>>) target(%dma_start3A_13 : memref<632x16xf32, #tpu.memory_space<vmem_shared>>) target_semaphore(%run_scoped3A : memref<!tpu.dma_semaphore, #tpu.memory_space<semaphore_mem>>)
      %dma_wait3A = arith.constant 0 : i32
      %dma_wait3A_14 = tpu.memref_slice %arg10[%mul3A_2, %dma_wait3A] : memref<10112x16xf32, #tpu.memory_space<vmem_shared>> -> memref<632x16xf32, #tpu.memory_space<vmem_shared>>
      tpu.wait_dma2 semaphore(%run_scoped3A : memref<!tpu.dma_semaphore, #tpu.memory_space<semaphore_mem>>) src(%arg5 : memref<632x16xf32, #tpu.memory_space<hbm>>) dst(%dma_wait3A_14 : memref<632x16xf32, #tpu.memory_space<vmem_shared>>)
      tpu.yield
    }) : () -> ()
    %barrier3A = arith.constant 0 : index
    tpu.barrier barrier_id(%barrier3A)
    %scan3A = arith.constant 0 : i32
    %scan3A_3 = arith.constant 0 : i32
    %scan3A_4 = arith.constant 79 : i32
    %scan3A_5 = arith.addi %scan3A_3, %scan3A_4 : i32
    %scan3A_6 = arith.constant 1 : i32
    scf.for %scan3A_13 = %scan3A_3 to %scan3A_5 step %scan3A_6  : i32 {
      "tpu.region"() ({
        %run_scoped3A = tpu.sem_alloc : memref<!tpu.dma_semaphore, #tpu.memory_space<semaphore_mem>>
        %dma_start3A = arith.constant 0 : i32
        %dma_start3A_14 = tpu.memref_slice %arg7[%scan3A_13, %dma_start3A] : memref<79x128xi32, #tpu.memory_space<vmem>> -> memref<1x128xi32, #tpu.memory_space<vmem>>
        %dma_start3A_15 = tpu.memref_squeeze %dma_start3A_14 : memref<1x128xi32, #tpu.memory_space<vmem>> -> memref<128xi32, #tpu.memory_space<vmem>>
        %dma_start3A_16 = arith.constant 0 : i32
        %dma_start3A_17 = arith.constant 0 : i32
        %dma_start3A_18 = tpu.memref_slice %arg2[%dma_start3A_16, %dma_start3A_17] : memref<10000x16xf32, #tpu.memory_space<hbm>> -> memref<10000x16xf32, #tpu.memory_space<hbm>>
        tpu.enqueue_indirect_dma source(%dma_start3A_18 : memref<10000x16xf32, #tpu.memory_space<hbm>>) target(%arg9 : memref<128x16xf32, #tpu.memory_space<vmem>>) offsets(%dma_start3A_15 : memref<128xi32, #tpu.memory_space<vmem>>) semaphore(%run_scoped3A : memref<!tpu.dma_semaphore, #tpu.memory_space<semaphore_mem>>)
        %dma_wait3A = arith.constant 0 : i32
        %dma_wait3A_19 = tpu.memref_slice %arg7[%scan3A_13, %dma_wait3A] : memref<79x128xi32, #tpu.memory_space<vmem>> -> memref<1x128xi32, #tpu.memory_space<vmem>>
        %dma_wait3A_20 = tpu.memref_squeeze %dma_wait3A_19 : memref<1x128xi32, #tpu.memory_space<vmem>> -> memref<128xi32, #tpu.memory_space<vmem>>
        %dma_wait3A_21 = arith.constant 0 : i32
        %dma_wait3A_22 = arith.constant 0 : i32
        %dma_wait3A_23 = tpu.memref_slice %arg2[%dma_wait3A_21, %dma_wait3A_22] : memref<10000x16xf32, #tpu.memory_space<hbm>> -> memref<10000x16xf32, #tpu.memory_space<hbm>>
        tpu.wait_indirect_dma semaphore(%run_scoped3A : memref<!tpu.dma_semaphore, #tpu.memory_space<semaphore_mem>>) src(%dma_wait3A_23 : memref<10000x16xf32, #tpu.memory_space<hbm>>) dst(%arg9 : memref<128x16xf32, #tpu.memory_space<vmem>>)
        tpu.yield
      }) : () -> ()
      "tpu.region"() ({
        %run_scoped3A = tpu.sem_alloc : memref<!tpu.dma_semaphore, #tpu.memory_space<semaphore_mem>>
        %dma_start3A = arith.constant 0 : i32
        %dma_start3A_14 = tpu.memref_slice %arg8[%scan3A_13, %dma_start3A] : memref<79x128xi32, #tpu.memory_space<vmem>> -> memref<1x128xi32, #tpu.memory_space<vmem>>
        %dma_start3A_15 = tpu.memref_squeeze %dma_start3A_14 : memref<1x128xi32, #tpu.memory_space<vmem>> -> memref<128xi32, #tpu.memory_space<vmem>>
        %dma_start3A_16 = arith.constant 0 : i32
        %dma_start3A_17 = arith.constant 0 : i32
        %dma_start3A_18 = tpu.memref_slice %arg10[%dma_start3A_16, %dma_start3A_17] : memref<10112x16xf32, #tpu.memory_space<vmem_shared>> -> memref<10112x16xf32, #tpu.memory_space<vmem_shared>>
        tpu.enqueue_indirect_dma source(%arg9 : memref<128x16xf32, #tpu.memory_space<vmem>>) target(%dma_start3A_18 : memref<10112x16xf32, #tpu.memory_space<vmem_shared>>) offsets(%dma_start3A_15 : memref<128xi32, #tpu.memory_space<vmem>>) semaphore(%run_scoped3A : memref<!tpu.dma_semaphore, #tpu.memory_space<semaphore_mem>>) {add = true}
        %dma_wait3A = arith.constant 0 : i32
        %dma_wait3A_19 = tpu.memref_slice %arg8[%scan3A_13, %dma_wait3A] : memref<79x128xi32, #tpu.memory_space<vmem>> -> memref<1x128xi32, #tpu.memory_space<vmem>>
        %dma_wait3A_20 = tpu.memref_squeeze %dma_wait3A_19 : memref<1x128xi32, #tpu.memory_space<vmem>> -> memref<128xi32, #tpu.memory_space<vmem>>
        %dma_wait3A_21 = arith.constant 0 : i32
        %dma_wait3A_22 = arith.constant 0 : i32
        %dma_wait3A_23 = tpu.memref_slice %arg10[%dma_wait3A_21, %dma_wait3A_22] : memref<10112x16xf32, #tpu.memory_space<vmem_shared>> -> memref<10112x16xf32, #tpu.memory_space<vmem_shared>>
        tpu.wait_indirect_dma semaphore(%run_scoped3A : memref<!tpu.dma_semaphore, #tpu.memory_space<semaphore_mem>>) src(%arg9 : memref<128x16xf32, #tpu.memory_space<vmem>>) dst(%dma_wait3A_23 : memref<10112x16xf32, #tpu.memory_space<vmem_shared>>)
        tpu.yield
      }) : () -> ()
    }
    %scan3A_7 = arith.constant 79 : i32
    %barrier3A_8 = arith.constant 0 : index
    tpu.barrier barrier_id(%barrier3A_8)
    %mul3A_9 = arith.constant 632 : i32
    %mul3A_10 = arith.muli %arg1, %mul3A_9 : i32
    %mul3A_11 = arith.constant 632 : i32
    %mul3A_12 = arith.muli %arg1, %mul3A_11 : i32
    "tpu.region"() ({
      %run_scoped3A = tpu.sem_alloc : memref<!tpu.dma_semaphore, #tpu.memory_space<semaphore_mem>>
      %dma_start3A = arith.constant 0 : i32
      %dma_start3A_13 = tpu.memref_slice %arg6[%arg0, %mul3A_12, %dma_start3A] : memref<2x10112x16xf32, #tpu.memory_space<hbm>> -> memref<1x632x16xf32, #tpu.memory_space<hbm>>
      %dma_start3A_14 = tpu.memref_squeeze %dma_start3A_13 : memref<1x632x16xf32, #tpu.memory_space<hbm>> -> memref<632x16xf32, #tpu.memory_space<hbm>>
      %dma_start3A_15 = arith.constant 0 : i32
      %dma_start3A_16 = tpu.memref_slice %arg10[%mul3A_10, %dma_start3A_15] : memref<10112x16xf32, #tpu.memory_space<vmem_shared>> -> memref<632x16xf32, #tpu.memory_space<vmem_shared>>
      tpu.enqueue_dma source(%dma_start3A_16 : memref<632x16xf32, #tpu.memory_space<vmem_shared>>) target(%dma_start3A_14 : memref<632x16xf32, #tpu.memory_space<hbm>>) target_semaphore(%run_scoped3A : memref<!tpu.dma_semaphore, #tpu.memory_space<semaphore_mem>>)
      %dma_wait3A = arith.constant 0 : i32
      %dma_wait3A_17 = tpu.memref_slice %arg6[%arg0, %mul3A_12, %dma_wait3A] : memref<2x10112x16xf32, #tpu.memory_space<hbm>> -> memref<1x632x16xf32, #tpu.memory_space<hbm>>
      %dma_wait3A_18 = tpu.memref_squeeze %dma_wait3A_17 : memref<1x632x16xf32, #tpu.memory_space<hbm>> -> memref<632x16xf32, #tpu.memory_space<hbm>>
      %dma_wait3A_19 = arith.constant 0 : i32
      %dma_wait3A_20 = tpu.memref_slice %arg10[%mul3A_10, %dma_wait3A_19] : memref<10112x16xf32, #tpu.memory_space<vmem_shared>> -> memref<632x16xf32, #tpu.memory_space<vmem_shared>>
      tpu.wait_dma2 semaphore(%run_scoped3A : memref<!tpu.dma_semaphore, #tpu.memory_space<semaphore_mem>>) src(%dma_wait3A_20 : memref<632x16xf32, #tpu.memory_space<vmem_shared>>) dst(%dma_wait3A_18 : memref<632x16xf32, #tpu.memory_space<hbm>>)
      tpu.yield
    }) : () -> ()
    return
  }
}

#map = affine_map<(d0, d1) -> (0, 0)>
#map1 = affine_map<(d0, d1) -> (0, 0, 0)>
module attributes {stable_mosaic.version = 14 : i64} {
  func.func @body(%arg0: i32, %arg1: i32, %arg2: memref<10000x16xf32, #tpu.memory_space<hbm>>, %arg3: memref<32x79x128xi32, #tpu.memory_space<hbm>>, %arg4: memref<32x79x128xi32, #tpu.memory_space<hbm>>, %arg5: memref<632x16xf32, #tpu.memory_space<hbm>>, %arg6: memref<2x10112x16xf32, #tpu.memory_space<hbm>>, %arg7: memref<79x128xi32, #tpu.memory_space<vmem>>, %arg8: memref<79x128xi32, #tpu.memory_space<vmem>>, %arg9: memref<128x16xf32, #tpu.memory_space<vmem>>, %arg10: memref<10112x16xf32, #tpu.memory_space<vmem_shared>>) attributes {dimension_semantics = [#tpu.dimension_semantics<core_parallel>, #tpu.dimension_semantics<subcore_parallel>], iteration_bounds = array<i64: 2, 16>, scalar_prefetch = 0 : i64, scratch_operands = 4 : i64, tpu.core_type = #tpu.core_type<sc_vector_subcore>, window_params = [{transform_indices = #map}, {transform_indices = #map1}, {transform_indices = #map1}, {transform_indices = #map}, {transform_indices = #map1}]} {
    %mul3A = arith.constant 16 : i32
    %mul3A_0 = arith.muli %arg0, %mul3A : i32
    %add3A = arith.addi %mul3A_0, %arg1 : i32
    "tpu.region"() ({
      %run_scoped3A = tpu.sem_alloc : memref<!tpu.dma_semaphore, #tpu.memory_space<semaphore_mem>>
      %dma_start3A = arith.constant 0 : i32
      %dma_start3A_13 = arith.constant 0 : i32
      %dma_start3A_14 = tpu.memref_slice %arg3[%add3A, %dma_start3A, %dma_start3A_13] : memref<32x79x128xi32, #tpu.memory_space<hbm>> -> memref<1x79x128xi32, #tpu.memory_space<hbm>>
      %dma_start3A_15 = tpu.memref_squeeze %dma_start3A_14 : memref<1x79x128xi32, #tpu.memory_space<hbm>> -> memref<79x128xi32, #tpu.memory_space<hbm>>
      %dma_start3A_16 = arith.constant 0 : i32
      %dma_start3A_17 = arith.constant 0 : i32
      %dma_start3A_18 = tpu.memref_slice %arg3[%add3A, %dma_start3A_16, %dma_start3A_17] : memref<32x79x128xi32, #tpu.memory_space<hbm>> -> memref<1x79x128xi32, #tpu.memory_space<hbm>>
      %dma_start3A_19 = tpu.memref_squeeze %dma_start3A_18 : memref<1x79x128xi32, #tpu.memory_space<hbm>> -> memref<79x128xi32, #tpu.memory_space<hbm>>
      tpu.enqueue_dma source(%dma_start3A_19 : memref<79x128xi32, #tpu.memory_space<hbm>>) target(%arg7 : memref<79x128xi32, #tpu.memory_space<vmem>>) target_semaphore(%run_scoped3A : memref<!tpu.dma_semaphore, #tpu.memory_space<semaphore_mem>>)
      %dma_wait3A = arith.constant 0 : i32
      %dma_wait3A_20 = arith.constant 0 : i32
      %dma_wait3A_21 = tpu.memref_slice %arg3[%add3A, %dma_wait3A, %dma_wait3A_20] : memref<32x79x128xi32, #tpu.memory_space<hbm>> -> memref<1x79x128xi32, #tpu.memory_space<hbm>>
      %dma_wait3A_22 = tpu.memref_squeeze %dma_wait3A_21 : memref<1x79x128xi32, #tpu.memory_space<hbm>> -> memref<79x128xi32, #tpu.memory_space<hbm>>
      %dma_wait3A_23 = arith.constant 0 : i32
      %dma_wait3A_24 = arith.constant 0 : i32
      %dma_wait3A_25 = tpu.memref_slice %arg3[%add3A, %dma_wait3A_23, %dma_wait3A_24] : memref<32x79x128xi32, #tpu.memory_space<hbm>> -> memref<1x79x128xi32, #tpu.memory_space<hbm>>
      %dma_wait3A_26 = tpu.memref_squeeze %dma_wait3A_25 : memref<1x79x128xi32, #tpu.memory_space<hbm>> -> memref<79x128xi32, #tpu.memory_space<hbm>>
      tpu.wait_dma2 semaphore(%run_scoped3A : memref<!tpu.dma_semaphore, #tpu.memory_space<semaphore_mem>>) src(%dma_wait3A_26 : memref<79x128xi32, #tpu.memory_space<hbm>>) dst(%arg7 : memref<79x128xi32, #tpu.memory_space<vmem>>)
      tpu.yield
    }) : () -> ()
    "tpu.region"() ({
      %run_scoped3A = tpu.sem_alloc : memref<!tpu.dma_semaphore, #tpu.memory_space<semaphore_mem>>
      %dma_start3A = arith.constant 0 : i32
      %dma_start3A_13 = arith.constant 0 : i32
      %dma_start3A_14 = tpu.memref_slice %arg4[%add3A, %dma_start3A, %dma_start3A_13] : memref<32x79x128xi32, #tpu.memory_space<hbm>> -> memref<1x79x128xi32, #tpu.memory_space<hbm>>
      %dma_start3A_15 = tpu.memref_squeeze %dma_start3A_14 : memref<1x79x128xi32, #tpu.memory_space<hbm>> -> memref<79x128xi32, #tpu.memory_space<hbm>>
      %dma_start3A_16 = arith.constant 0 : i32
      %dma_start3A_17 = arith.constant 0 : i32
      %dma_start3A_18 = tpu.memref_slice %arg4[%add3A, %dma_start3A_16, %dma_start3A_17] : memref<32x79x128xi32, #tpu.memory_space<hbm>> -> memref<1x79x128xi32, #tpu.memory_space<hbm>>
      %dma_start3A_19 = tpu.memref_squeeze %dma_start3A_18 : memref<1x79x128xi32, #tpu.memory_space<hbm>> -> memref<79x128xi32, #tpu.memory_space<hbm>>
      tpu.enqueue_dma source(%dma_start3A_19 : memref<79x128xi32, #tpu.memory_space<hbm>>) target(%arg8 : memref<79x128xi32, #tpu.memory_space<vmem>>) target_semaphore(%run_scoped3A : memref<!tpu.dma_semaphore, #tpu.memory_space<semaphore_mem>>)
      %dma_wait3A = arith.constant 0 : i32
      %dma_wait3A_20 = arith.constant 0 : i32
      %dma_wait3A_21 = tpu.memref_slice %arg4[%add3A, %dma_wait3A, %dma_wait3A_20] : memref<32x79x128xi32, #tpu.memory_space<hbm>> -> memref<1x79x128xi32, #tpu.memory_space<hbm>>
      %dma_wait3A_22 = tpu.memref_squeeze %dma_wait3A_21 : memref<1x79x128xi32, #tpu.memory_space<hbm>> -> memref<79x128xi32, #tpu.memory_space<hbm>>
      %dma_wait3A_23 = arith.constant 0 : i32
      %dma_wait3A_24 = arith.constant 0 : i32
      %dma_wait3A_25 = tpu.memref_slice %arg4[%add3A, %dma_wait3A_23, %dma_wait3A_24] : memref<32x79x128xi32, #tpu.memory_space<hbm>> -> memref<1x79x128xi32, #tpu.memory_space<hbm>>
      %dma_wait3A_26 = tpu.memref_squeeze %dma_wait3A_25 : memref<1x79x128xi32, #tpu.memory_space<hbm>> -> memref<79x128xi32, #tpu.memory_space<hbm>>
      tpu.wait_dma2 semaphore(%run_scoped3A : memref<!tpu.dma_semaphore, #tpu.memory_space<semaphore_mem>>) src(%dma_wait3A_26 : memref<79x128xi32, #tpu.memory_space<hbm>>) dst(%arg8 : memref<79x128xi32, #tpu.memory_space<vmem>>)
      tpu.yield
    }) : () -> ()
    %mul3A_1 = arith.constant 632 : i32
    %mul3A_2 = arith.muli %arg1, %mul3A_1 : i32
    "tpu.region"() ({
      %run_scoped3A = tpu.sem_alloc : memref<!tpu.dma_semaphore, #tpu.memory_space<semaphore_mem>>
      %dma_start3A = arith.constant 0 : i32
      %dma_start3A_13 = tpu.memref_slice %arg10[%mul3A_2, %dma_start3A] : memref<10112x16xf32, #tpu.memory_space<vmem_shared>> -> memref<632x16xf32, #tpu.memory_space<vmem_shared>>
      tpu.enqueue_dma source(%arg5 : memref<632x16xf32, #tpu.memory_space<hbm>>) target(%dma_start3A_13 : memref<632x16xf32, #tpu.memory_space<vmem_shared>>) target_semaphore(%run_scoped3A : memref<!tpu.dma_semaphore, #tpu.memory_space<semaphore_mem>>)
      %dma_wait3A = arith.constant 0 : i32
      %dma_wait3A_14 = tpu.memref_slice %arg10[%mul3A_2, %dma_wait3A] : memref<10112x16xf32, #tpu.memory_space<vmem_shared>> -> memref<632x16xf32, #tpu.memory_space<vmem_shared>>
      tpu.wait_dma2 semaphore(%run_scoped3A : memref<!tpu.dma_semaphore, #tpu.memory_space<semaphore_mem>>) src(%arg5 : memref<632x16xf32, #tpu.memory_space<hbm>>) dst(%dma_wait3A_14 : memref<632x16xf32, #tpu.memory_space<vmem_shared>>)
      tpu.yield
    }) : () -> ()
    %barrier3A = arith.constant 0 : index
    tpu.barrier barrier_id(%barrier3A)
    %scan3A = arith.constant 0 : i32
    %scan3A_3 = arith.constant 0 : i32
    %scan3A_4 = arith.constant 79 : i32
    %scan3A_5 = arith.addi %scan3A_3, %scan3A_4 : i32
    %scan3A_6 = arith.constant 1 : i32
    scf.for %scan3A_13 = %scan3A_3 to %scan3A_5 step %scan3A_6  : i32 {
      "tpu.region"() ({
        %run_scoped3A = tpu.sem_alloc : memref<!tpu.dma_semaphore, #tpu.memory_space<semaphore_mem>>
        %dma_start3A = arith.constant 0 : i32
        %dma_start3A_14 = tpu.memref_slice %arg7[%scan3A_13, %dma_start3A] : memref<79x128xi32, #tpu.memory_space<vmem>> -> memref<1x128xi32, #tpu.memory_space<vmem>>
        %dma_start3A_15 = tpu.memref_squeeze %dma_start3A_14 : memref<1x128xi32, #tpu.memory_space<vmem>> -> memref<128xi32, #tpu.memory_space<vmem>>
        %dma_start3A_16 = arith.constant 0 : i32
        %dma_start3A_17 = arith.constant 0 : i32
        %dma_start3A_18 = tpu.memref_slice %arg2[%dma_start3A_16, %dma_start3A_17] : memref<10000x16xf32, #tpu.memory_space<hbm>> -> memref<10000x16xf32, #tpu.memory_space<hbm>>
        tpu.enqueue_indirect_dma source(%dma_start3A_18 : memref<10000x16xf32, #tpu.memory_space<hbm>>) target(%arg9 : memref<128x16xf32, #tpu.memory_space<vmem>>) offsets(%dma_start3A_15 : memref<128xi32, #tpu.memory_space<vmem>>) semaphore(%run_scoped3A : memref<!tpu.dma_semaphore, #tpu.memory_space<semaphore_mem>>)
        %dma_wait3A = arith.constant 0 : i32
        %dma_wait3A_19 = tpu.memref_slice %arg7[%scan3A_13, %dma_wait3A] : memref<79x128xi32, #tpu.memory_space<vmem>> -> memref<1x128xi32, #tpu.memory_space<vmem>>
        %dma_wait3A_20 = tpu.memref_squeeze %dma_wait3A_19 : memref<1x128xi32, #tpu.memory_space<vmem>> -> memref<128xi32, #tpu.memory_space<vmem>>
        %dma_wait3A_21 = arith.constant 0 : i32
        %dma_wait3A_22 = arith.constant 0 : i32
        %dma_wait3A_23 = tpu.memref_slice %arg2[%dma_wait3A_21, %dma_wait3A_22] : memref<10000x16xf32, #tpu.memory_space<hbm>> -> memref<10000x16xf32, #tpu.memory_space<hbm>>
        tpu.wait_indirect_dma semaphore(%run_scoped3A : memref<!tpu.dma_semaphore, #tpu.memory_space<semaphore_mem>>) src(%dma_wait3A_23 : memref<10000x16xf32, #tpu.memory_space<hbm>>) dst(%arg9 : memref<128x16xf32, #tpu.memory_space<vmem>>)
        tpu.yield
      }) : () -> ()
      "tpu.region"() ({
        %run_scoped3A = tpu.sem_alloc : memref<!tpu.dma_semaphore, #tpu.memory_space<semaphore_mem>>
        %dma_start3A = arith.constant 0 : i32
        %dma_start3A_14 = tpu.memref_slice %arg8[%scan3A_13, %dma_start3A] : memref<79x128xi32, #tpu.memory_space<vmem>> -> memref<1x128xi32, #tpu.memory_space<vmem>>
        %dma_start3A_15 = tpu.memref_squeeze %dma_start3A_14 : memref<1x128xi32, #tpu.memory_space<vmem>> -> memref<128xi32, #tpu.memory_space<vmem>>
        %dma_start3A_16 = arith.constant 0 : i32
        %dma_start3A_17 = arith.constant 0 : i32
        %dma_start3A_18 = tpu.memref_slice %arg10[%dma_start3A_16, %dma_start3A_17] : memref<10112x16xf32, #tpu.memory_space<vmem_shared>> -> memref<10112x16xf32, #tpu.memory_space<vmem_shared>>
        tpu.enqueue_indirect_dma source(%arg9 : memref<128x16xf32, #tpu.memory_space<vmem>>) target(%dma_start3A_18 : memref<10112x16xf32, #tpu.memory_space<vmem_shared>>) offsets(%dma_start3A_15 : memref<128xi32, #tpu.memory_space<vmem>>) semaphore(%run_scoped3A : memref<!tpu.dma_semaphore, #tpu.memory_space<semaphore_mem>>) {add = true}
        %dma_wait3A = arith.constant 0 : i32
        %dma_wait3A_19 = tpu.memref_slice %arg8[%scan3A_13, %dma_wait3A] : memref<79x128xi32, #tpu.memory_space<vmem>> -> memref<1x128xi32, #tpu.memory_space<vmem>>
        %dma_wait3A_20 = tpu.memref_squeeze %dma_wait3A_19 : memref<1x128xi32, #tpu.memory_space<vmem>> -> memref<128xi32, #tpu.memory_space<vmem>>
        %dma_wait3A_21 = arith.constant 0 : i32
        %dma_wait3A_22 = arith.constant 0 : i32
        %dma_wait3A_23 = tpu.memref_slice %arg10[%dma_wait3A_21, %dma_wait3A_22] : memref<10112x16xf32, #tpu.memory_space<vmem_shared>> -> memref<10112x16xf32, #tpu.memory_space<vmem_shared>>
        tpu.wait_indirect_dma semaphore(%run_scoped3A : memref<!tpu.dma_semaphore, #tpu.memory_space<semaphore_mem>>) src(%arg9 : memref<128x16xf32, #tpu.memory_space<vmem>>) dst(%dma_wait3A_23 : memref<10112x16xf32, #tpu.memory_space<vmem_shared>>)
        tpu.yield
      }) : () -> ()
    }
    %scan3A_7 = arith.constant 79 : i32
    %barrier3A_8 = arith.constant 0 : index
    tpu.barrier barrier_id(%barrier3A_8)
    %mul3A_9 = arith.constant 632 : i32
    %mul3A_10 = arith.muli %arg1, %mul3A_9 : i32
    %mul3A_11 = arith.constant 632 : i32
    %mul3A_12 = arith.muli %arg1, %mul3A_11 : i32
    "tpu.region"() ({
      %run_scoped3A = tpu.sem_alloc : memref<!tpu.dma_semaphore, #tpu.memory_space<semaphore_mem>>
      %dma_start3A = arith.constant 0 : i32
      %dma_start3A_13 = tpu.memref_slice %arg6[%arg0, %mul3A_12, %dma_start3A] : memref<2x10112x16xf32, #tpu.memory_space<hbm>> -> memref<1x632x16xf32, #tpu.memory_space<hbm>>
      %dma_start3A_14 = tpu.memref_squeeze %dma_start3A_13 : memref<1x632x16xf32, #tpu.memory_space<hbm>> -> memref<632x16xf32, #tpu.memory_space<hbm>>
      %dma_start3A_15 = arith.constant 0 : i32
      %dma_start3A_16 = tpu.memref_slice %arg10[%mul3A_10, %dma_start3A_15] : memref<10112x16xf32, #tpu.memory_space<vmem_shared>> -> memref<632x16xf32, #tpu.memory_space<vmem_shared>>
      tpu.enqueue_dma source(%dma_start3A_16 : memref<632x16xf32, #tpu.memory_space<vmem_shared>>) target(%dma_start3A_14 : memref<632x16xf32, #tpu.memory_space<hbm>>) target_semaphore(%run_scoped3A : memref<!tpu.dma_semaphore, #tpu.memory_space<semaphore_mem>>)
      %dma_wait3A = arith.constant 0 : i32
      %dma_wait3A_17 = tpu.memref_slice %arg6[%arg0, %mul3A_12, %dma_wait3A] : memref<2x10112x16xf32, #tpu.memory_space<hbm>> -> memref<1x632x16xf32, #tpu.memory_space<hbm>>
      %dma_wait3A_18 = tpu.memref_squeeze %dma_wait3A_17 : memref<1x632x16xf32, #tpu.memory_space<hbm>> -> memref<632x16xf32, #tpu.memory_space<hbm>>
      %dma_wait3A_19 = arith.constant 0 : i32
      %dma_wait3A_20 = tpu.memref_slice %arg10[%mul3A_10, %dma_wait3A_19] : memref<10112x16xf32, #tpu.memory_space<vmem_shared>> -> memref<632x16xf32, #tpu.memory_space<vmem_shared>>
      tpu.wait_dma2 semaphore(%run_scoped3A : memref<!tpu.dma_semaphore, #tpu.memory_space<semaphore_mem>>) src(%dma_wait3A_20 : memref<632x16xf32, #tpu.memory_space<vmem_shared>>) dst(%dma_wait3A_18 : memref<632x16xf32, #tpu.memory_space<hbm>>)
      tpu.yield
    }) : () -> ()
    return
  }
}

#map = affine_map<(d0, d1) -> (0, 0)>
#map1 = affine_map<(d0, d1) -> (0, 0, 0)>
module attributes {stable_mosaic.version = 14 : i64} {
  func.func @body(%arg0: i32, %arg1: i32, %arg2: memref<10000x16xf32, #tpu.memory_space<hbm>>, %arg3: memref<32x79x128xi32, #tpu.memory_space<hbm>>, %arg4: memref<32x79x128xi32, #tpu.memory_space<hbm>>, %arg5: memref<632x16xf32, #tpu.memory_space<hbm>>, %arg6: memref<2x10112x16xf32, #tpu.memory_space<hbm>>, %arg7: memref<79x128xi32, #tpu.memory_space<vmem>>, %arg8: memref<79x128xi32, #tpu.memory_space<vmem>>, %arg9: memref<128x16xf32, #tpu.memory_space<vmem>>, %arg10: memref<10112x16xf32, #tpu.memory_space<vmem_shared>>) attributes {dimension_semantics = [#tpu.dimension_semantics<core_parallel>, #tpu.dimension_semantics<subcore_parallel>], iteration_bounds = array<i64: 2, 16>, scalar_prefetch = 0 : i64, scratch_operands = 4 : i64, tpu.core_type = #tpu.core_type<sc_vector_subcore>, window_params = [{transform_indices = #map}, {transform_indices = #map1}, {transform_indices = #map1}, {transform_indices = #map}, {transform_indices = #map1}]} {
    %mul3A = arith.constant 16 : i32
    %mul3A_0 = arith.muli %arg0, %mul3A : i32
    %add3A = arith.addi %mul3A_0, %arg1 : i32
    "tpu.region"() ({
      %run_scoped3A = tpu.sem_alloc : memref<!tpu.dma_semaphore, #tpu.memory_space<semaphore_mem>>
      %dma_start3A = arith.constant 0 : i32
      %dma_start3A_13 = arith.constant 0 : i32
      %dma_start3A_14 = tpu.memref_slice %arg3[%add3A, %dma_start3A, %dma_start3A_13] : memref<32x79x128xi32, #tpu.memory_space<hbm>> -> memref<1x79x128xi32, #tpu.memory_space<hbm>>
      %dma_start3A_15 = tpu.memref_squeeze %dma_start3A_14 : memref<1x79x128xi32, #tpu.memory_space<hbm>> -> memref<79x128xi32, #tpu.memory_space<hbm>>
      %dma_start3A_16 = arith.constant 0 : i32
      %dma_start3A_17 = arith.constant 0 : i32
      %dma_start3A_18 = tpu.memref_slice %arg3[%add3A, %dma_start3A_16, %dma_start3A_17] : memref<32x79x128xi32, #tpu.memory_space<hbm>> -> memref<1x79x128xi32, #tpu.memory_space<hbm>>
      %dma_start3A_19 = tpu.memref_squeeze %dma_start3A_18 : memref<1x79x128xi32, #tpu.memory_space<hbm>> -> memref<79x128xi32, #tpu.memory_space<hbm>>
      tpu.enqueue_dma source(%dma_start3A_19 : memref<79x128xi32, #tpu.memory_space<hbm>>) target(%arg7 : memref<79x128xi32, #tpu.memory_space<vmem>>) target_semaphore(%run_scoped3A : memref<!tpu.dma_semaphore, #tpu.memory_space<semaphore_mem>>)
      %dma_wait3A = arith.constant 0 : i32
      %dma_wait3A_20 = arith.constant 0 : i32
      %dma_wait3A_21 = tpu.memref_slice %arg3[%add3A, %dma_wait3A, %dma_wait3A_20] : memref<32x79x128xi32, #tpu.memory_space<hbm>> -> memref<1x79x128xi32, #tpu.memory_space<hbm>>
      %dma_wait3A_22 = tpu.memref_squeeze %dma_wait3A_21 : memref<1x79x128xi32, #tpu.memory_space<hbm>> -> memref<79x128xi32, #tpu.memory_space<hbm>>
      %dma_wait3A_23 = arith.constant 0 : i32
      %dma_wait3A_24 = arith.constant 0 : i32
      %dma_wait3A_25 = tpu.memref_slice %arg3[%add3A, %dma_wait3A_23, %dma_wait3A_24] : memref<32x79x128xi32, #tpu.memory_space<hbm>> -> memref<1x79x128xi32, #tpu.memory_space<hbm>>
      %dma_wait3A_26 = tpu.memref_squeeze %dma_wait3A_25 : memref<1x79x128xi32, #tpu.memory_space<hbm>> -> memref<79x128xi32, #tpu.memory_space<hbm>>
      tpu.wait_dma2 semaphore(%run_scoped3A : memref<!tpu.dma_semaphore, #tpu.memory_space<semaphore_mem>>) src(%dma_wait3A_26 : memref<79x128xi32, #tpu.memory_space<hbm>>) dst(%arg7 : memref<79x128xi32, #tpu.memory_space<vmem>>)
      tpu.yield
    }) : () -> ()
    "tpu.region"() ({
      %run_scoped3A = tpu.sem_alloc : memref<!tpu.dma_semaphore, #tpu.memory_space<semaphore_mem>>
      %dma_start3A = arith.constant 0 : i32
      %dma_start3A_13 = arith.constant 0 : i32
      %dma_start3A_14 = tpu.memref_slice %arg4[%add3A, %dma_start3A, %dma_start3A_13] : memref<32x79x128xi32, #tpu.memory_space<hbm>> -> memref<1x79x128xi32, #tpu.memory_space<hbm>>
      %dma_start3A_15 = tpu.memref_squeeze %dma_start3A_14 : memref<1x79x128xi32, #tpu.memory_space<hbm>> -> memref<79x128xi32, #tpu.memory_space<hbm>>
      %dma_start3A_16 = arith.constant 0 : i32
      %dma_start3A_17 = arith.constant 0 : i32
      %dma_start3A_18 = tpu.memref_slice %arg4[%add3A, %dma_start3A_16, %dma_start3A_17] : memref<32x79x128xi32, #tpu.memory_space<hbm>> -> memref<1x79x128xi32, #tpu.memory_space<hbm>>
      %dma_start3A_19 = tpu.memref_squeeze %dma_start3A_18 : memref<1x79x128xi32, #tpu.memory_space<hbm>> -> memref<79x128xi32, #tpu.memory_space<hbm>>
      tpu.enqueue_dma source(%dma_start3A_19 : memref<79x128xi32, #tpu.memory_space<hbm>>) target(%arg8 : memref<79x128xi32, #tpu.memory_space<vmem>>) target_semaphore(%run_scoped3A : memref<!tpu.dma_semaphore, #tpu.memory_space<semaphore_mem>>)
      %dma_wait3A = arith.constant 0 : i32
      %dma_wait3A_20 = arith.constant 0 : i32
      %dma_wait3A_21 = tpu.memref_slice %arg4[%add3A, %dma_wait3A, %dma_wait3A_20] : memref<32x79x128xi32, #tpu.memory_space<hbm>> -> memref<1x79x128xi32, #tpu.memory_space<hbm>>
      %dma_wait3A_22 = tpu.memref_squeeze %dma_wait3A_21 : memref<1x79x128xi32, #tpu.memory_space<hbm>> -> memref<79x128xi32, #tpu.memory_space<hbm>>
      %dma_wait3A_23 = arith.constant 0 : i32
      %dma_wait3A_24 = arith.constant 0 : i32
      %dma_wait3A_25 = tpu.memref_slice %arg4[%add3A, %dma_wait3A_23, %dma_wait3A_24] : memref<32x79x128xi32, #tpu.memory_space<hbm>> -> memref<1x79x128xi32, #tpu.memory_space<hbm>>
      %dma_wait3A_26 = tpu.memref_squeeze %dma_wait3A_25 : memref<1x79x128xi32, #tpu.memory_space<hbm>> -> memref<79x128xi32, #tpu.memory_space<hbm>>
      tpu.wait_dma2 semaphore(%run_scoped3A : memref<!tpu.dma_semaphore, #tpu.memory_space<semaphore_mem>>) src(%dma_wait3A_26 : memref<79x128xi32, #tpu.memory_space<hbm>>) dst(%arg8 : memref<79x128xi32, #tpu.memory_space<vmem>>)
      tpu.yield
    }) : () -> ()
    %mul3A_1 = arith.constant 632 : i32
    %mul3A_2 = arith.muli %arg1, %mul3A_1 : i32
    "tpu.region"() ({
      %run_scoped3A = tpu.sem_alloc : memref<!tpu.dma_semaphore, #tpu.memory_space<semaphore_mem>>
      %dma_start3A = arith.constant 0 : i32
      %dma_start3A_13 = tpu.memref_slice %arg10[%mul3A_2, %dma_start3A] : memref<10112x16xf32, #tpu.memory_space<vmem_shared>> -> memref<632x16xf32, #tpu.memory_space<vmem_shared>>
      tpu.enqueue_dma source(%arg5 : memref<632x16xf32, #tpu.memory_space<hbm>>) target(%dma_start3A_13 : memref<632x16xf32, #tpu.memory_space<vmem_shared>>) target_semaphore(%run_scoped3A : memref<!tpu.dma_semaphore, #tpu.memory_space<semaphore_mem>>)
      %dma_wait3A = arith.constant 0 : i32
      %dma_wait3A_14 = tpu.memref_slice %arg10[%mul3A_2, %dma_wait3A] : memref<10112x16xf32, #tpu.memory_space<vmem_shared>> -> memref<632x16xf32, #tpu.memory_space<vmem_shared>>
      tpu.wait_dma2 semaphore(%run_scoped3A : memref<!tpu.dma_semaphore, #tpu.memory_space<semaphore_mem>>) src(%arg5 : memref<632x16xf32, #tpu.memory_space<hbm>>) dst(%dma_wait3A_14 : memref<632x16xf32, #tpu.memory_space<vmem_shared>>)
      tpu.yield
    }) : () -> ()
    %barrier3A = arith.constant 0 : index
    tpu.barrier barrier_id(%barrier3A)
    %scan3A = arith.constant 0 : i32
    %scan3A_3 = arith.constant 0 : i32
    %scan3A_4 = arith.constant 79 : i32
    %scan3A_5 = arith.addi %scan3A_3, %scan3A_4 : i32
    %scan3A_6 = arith.constant 1 : i32
    scf.for %scan3A_13 = %scan3A_3 to %scan3A_5 step %scan3A_6  : i32 {
      "tpu.region"() ({
        %run_scoped3A = tpu.sem_alloc : memref<!tpu.dma_semaphore, #tpu.memory_space<semaphore_mem>>
        %dma_start3A = arith.constant 0 : i32
        %dma_start3A_14 = tpu.memref_slice %arg7[%scan3A_13, %dma_start3A] : memref<79x128xi32, #tpu.memory_space<vmem>> -> memref<1x128xi32, #tpu.memory_space<vmem>>
        %dma_start3A_15 = tpu.memref_squeeze %dma_start3A_14 : memref<1x128xi32, #tpu.memory_space<vmem>> -> memref<128xi32, #tpu.memory_space<vmem>>
        %dma_start3A_16 = arith.constant 0 : i32
        %dma_start3A_17 = arith.constant 0 : i32
        %dma_start3A_18 = tpu.memref_slice %arg2[%dma_start3A_16, %dma_start3A_17] : memref<10000x16xf32, #tpu.memory_space<hbm>> -> memref<10000x16xf32, #tpu.memory_space<hbm>>
        tpu.enqueue_indirect_dma source(%dma_start3A_18 : memref<10000x16xf32, #tpu.memory_space<hbm>>) target(%arg9 : memref<128x16xf32, #tpu.memory_space<vmem>>) offsets(%dma_start3A_15 : memref<128xi32, #tpu.memory_space<vmem>>) semaphore(%run_scoped3A : memref<!tpu.dma_semaphore, #tpu.memory_space<semaphore_mem>>)
        %dma_wait3A = arith.constant 0 : i32
        %dma_wait3A_19 = tpu.memref_slice %arg7[%scan3A_13, %dma_wait3A] : memref<79x128xi32, #tpu.memory_space<vmem>> -> memref<1x128xi32, #tpu.memory_space<vmem>>
        %dma_wait3A_20 = tpu.memref_squeeze %dma_wait3A_19 : memref<1x128xi32, #tpu.memory_space<vmem>> -> memref<128xi32, #tpu.memory_space<vmem>>
        %dma_wait3A_21 = arith.constant 0 : i32
        %dma_wait3A_22 = arith.constant 0 : i32
        %dma_wait3A_23 = tpu.memref_slice %arg2[%dma_wait3A_21, %dma_wait3A_22] : memref<10000x16xf32, #tpu.memory_space<hbm>> -> memref<10000x16xf32, #tpu.memory_space<hbm>>
        tpu.wait_indirect_dma semaphore(%run_scoped3A : memref<!tpu.dma_semaphore, #tpu.memory_space<semaphore_mem>>) src(%dma_wait3A_23 : memref<10000x16xf32, #tpu.memory_space<hbm>>) dst(%arg9 : memref<128x16xf32, #tpu.memory_space<vmem>>)
        tpu.yield
      }) : () -> ()
      "tpu.region"() ({
        %run_scoped3A = tpu.sem_alloc : memref<!tpu.dma_semaphore, #tpu.memory_space<semaphore_mem>>
        %dma_start3A = arith.constant 0 : i32
        %dma_start3A_14 = tpu.memref_slice %arg8[%scan3A_13, %dma_start3A] : memref<79x128xi32, #tpu.memory_space<vmem>> -> memref<1x128xi32, #tpu.memory_space<vmem>>
        %dma_start3A_15 = tpu.memref_squeeze %dma_start3A_14 : memref<1x128xi32, #tpu.memory_space<vmem>> -> memref<128xi32, #tpu.memory_space<vmem>>
        %dma_start3A_16 = arith.constant 0 : i32
        %dma_start3A_17 = arith.constant 0 : i32
        %dma_start3A_18 = tpu.memref_slice %arg10[%dma_start3A_16, %dma_start3A_17] : memref<10112x16xf32, #tpu.memory_space<vmem_shared>> -> memref<10112x16xf32, #tpu.memory_space<vmem_shared>>
        tpu.enqueue_indirect_dma source(%arg9 : memref<128x16xf32, #tpu.memory_space<vmem>>) target(%dma_start3A_18 : memref<10112x16xf32, #tpu.memory_space<vmem_shared>>) offsets(%dma_start3A_15 : memref<128xi32, #tpu.memory_space<vmem>>) semaphore(%run_scoped3A : memref<!tpu.dma_semaphore, #tpu.memory_space<semaphore_mem>>) {add = true}
        %dma_wait3A = arith.constant 0 : i32
        %dma_wait3A_19 = tpu.memref_slice %arg8[%scan3A_13, %dma_wait3A] : memref<79x128xi32, #tpu.memory_space<vmem>> -> memref<1x128xi32, #tpu.memory_space<vmem>>
        %dma_wait3A_20 = tpu.memref_squeeze %dma_wait3A_19 : memref<1x128xi32, #tpu.memory_space<vmem>> -> memref<128xi32, #tpu.memory_space<vmem>>
        %dma_wait3A_21 = arith.constant 0 : i32
        %dma_wait3A_22 = arith.constant 0 : i32
        %dma_wait3A_23 = tpu.memref_slice %arg10[%dma_wait3A_21, %dma_wait3A_22] : memref<10112x16xf32, #tpu.memory_space<vmem_shared>> -> memref<10112x16xf32, #tpu.memory_space<vmem_shared>>
        tpu.wait_indirect_dma semaphore(%run_scoped3A : memref<!tpu.dma_semaphore, #tpu.memory_space<semaphore_mem>>) src(%arg9 : memref<128x16xf32, #tpu.memory_space<vmem>>) dst(%dma_wait3A_23 : memref<10112x16xf32, #tpu.memory_space<vmem_shared>>)
        tpu.yield
      }) : () -> ()
    }
    %scan3A_7 = arith.constant 79 : i32
    %barrier3A_8 = arith.constant 0 : index
    tpu.barrier barrier_id(%barrier3A_8)
    %mul3A_9 = arith.constant 632 : i32
    %mul3A_10 = arith.muli %arg1, %mul3A_9 : i32
    %mul3A_11 = arith.constant 632 : i32
    %mul3A_12 = arith.muli %arg1, %mul3A_11 : i32
    "tpu.region"() ({
      %run_scoped3A = tpu.sem_alloc : memref<!tpu.dma_semaphore, #tpu.memory_space<semaphore_mem>>
      %dma_start3A = arith.constant 0 : i32
      %dma_start3A_13 = tpu.memref_slice %arg6[%arg0, %mul3A_12, %dma_start3A] : memref<2x10112x16xf32, #tpu.memory_space<hbm>> -> memref<1x632x16xf32, #tpu.memory_space<hbm>>
      %dma_start3A_14 = tpu.memref_squeeze %dma_start3A_13 : memref<1x632x16xf32, #tpu.memory_space<hbm>> -> memref<632x16xf32, #tpu.memory_space<hbm>>
      %dma_start3A_15 = arith.constant 0 : i32
      %dma_start3A_16 = tpu.memref_slice %arg10[%mul3A_10, %dma_start3A_15] : memref<10112x16xf32, #tpu.memory_space<vmem_shared>> -> memref<632x16xf32, #tpu.memory_space<vmem_shared>>
      tpu.enqueue_dma source(%dma_start3A_16 : memref<632x16xf32, #tpu.memory_space<vmem_shared>>) target(%dma_start3A_14 : memref<632x16xf32, #tpu.memory_space<hbm>>) target_semaphore(%run_scoped3A : memref<!tpu.dma_semaphore, #tpu.memory_space<semaphore_mem>>)
      %dma_wait3A = arith.constant 0 : i32
      %dma_wait3A_17 = tpu.memref_slice %arg6[%arg0, %mul3A_12, %dma_wait3A] : memref<2x10112x16xf32, #tpu.memory_space<hbm>> -> memref<1x632x16xf32, #tpu.memory_space<hbm>>
      %dma_wait3A_18 = tpu.memref_squeeze %dma_wait3A_17 : memref<1x632x16xf32, #tpu.memory_space<hbm>> -> memref<632x16xf32, #tpu.memory_space<hbm>>
      %dma_wait3A_19 = arith.constant 0 : i32
      %dma_wait3A_20 = tpu.memref_slice %arg10[%mul3A_10, %dma_wait3A_19] : memref<10112x16xf32, #tpu.memory_space<vmem_shared>> -> memref<632x16xf32, #tpu.memory_space<vmem_shared>>
      tpu.wait_dma2 semaphore(%run_scoped3A : memref<!tpu.dma_semaphore, #tpu.memory_space<semaphore_mem>>) src(%dma_wait3A_20 : memref<632x16xf32, #tpu.memory_space<vmem_shared>>) dst(%dma_wait3A_18 : memref<632x16xf32, #tpu.memory_space<hbm>>)
      tpu.yield
    }) : () -> ()
    return
  }
}

#map = affine_map<(d0, d1) -> (0, 0)>
#map1 = affine_map<(d0, d1) -> (0, 0, 0)>
module attributes {stable_mosaic.version = 14 : i64} {
  func.func @body(%arg0: i32, %arg1: i32, %arg2: memref<10000x16xf32, #tpu.memory_space<hbm>>, %arg3: memref<32x79x128xi32, #tpu.memory_space<hbm>>, %arg4: memref<32x79x128xi32, #tpu.memory_space<hbm>>, %arg5: memref<632x16xf32, #tpu.memory_space<hbm>>, %arg6: memref<2x10112x16xf32, #tpu.memory_space<hbm>>, %arg7: memref<79x128xi32, #tpu.memory_space<vmem>>, %arg8: memref<79x128xi32, #tpu.memory_space<vmem>>, %arg9: memref<128x16xf32, #tpu.memory_space<vmem>>, %arg10: memref<10112x16xf32, #tpu.memory_space<vmem_shared>>) attributes {dimension_semantics = [#tpu.dimension_semantics<core_parallel>, #tpu.dimension_semantics<subcore_parallel>], iteration_bounds = array<i64: 2, 16>, scalar_prefetch = 0 : i64, scratch_operands = 4 : i64, tpu.core_type = #tpu.core_type<sc_vector_subcore>, window_params = [{transform_indices = #map}, {transform_indices = #map1}, {transform_indices = #map1}, {transform_indices = #map}, {transform_indices = #map1}]} {
    %mul3A = arith.constant 16 : i32
    %mul3A_0 = arith.muli %arg0, %mul3A : i32
    %add3A = arith.addi %mul3A_0, %arg1 : i32
    "tpu.region"() ({
      %run_scoped3A = tpu.sem_alloc : memref<!tpu.dma_semaphore, #tpu.memory_space<semaphore_mem>>
      %dma_start3A = arith.constant 0 : i32
      %dma_start3A_13 = arith.constant 0 : i32
      %dma_start3A_14 = tpu.memref_slice %arg3[%add3A, %dma_start3A, %dma_start3A_13] : memref<32x79x128xi32, #tpu.memory_space<hbm>> -> memref<1x79x128xi32, #tpu.memory_space<hbm>>
      %dma_start3A_15 = tpu.memref_squeeze %dma_start3A_14 : memref<1x79x128xi32, #tpu.memory_space<hbm>> -> memref<79x128xi32, #tpu.memory_space<hbm>>
      %dma_start3A_16 = arith.constant 0 : i32
      %dma_start3A_17 = arith.constant 0 : i32
      %dma_start3A_18 = tpu.memref_slice %arg3[%add3A, %dma_start3A_16, %dma_start3A_17] : memref<32x79x128xi32, #tpu.memory_space<hbm>> -> memref<1x79x128xi32, #tpu.memory_space<hbm>>
      %dma_start3A_19 = tpu.memref_squeeze %dma_start3A_18 : memref<1x79x128xi32, #tpu.memory_space<hbm>> -> memref<79x128xi32, #tpu.memory_space<hbm>>
      tpu.enqueue_dma source(%dma_start3A_19 : memref<79x128xi32, #tpu.memory_space<hbm>>) target(%arg7 : memref<79x128xi32, #tpu.memory_space<vmem>>) target_semaphore(%run_scoped3A : memref<!tpu.dma_semaphore, #tpu.memory_space<semaphore_mem>>)
      %dma_wait3A = arith.constant 0 : i32
      %dma_wait3A_20 = arith.constant 0 : i32
      %dma_wait3A_21 = tpu.memref_slice %arg3[%add3A, %dma_wait3A, %dma_wait3A_20] : memref<32x79x128xi32, #tpu.memory_space<hbm>> -> memref<1x79x128xi32, #tpu.memory_space<hbm>>
      %dma_wait3A_22 = tpu.memref_squeeze %dma_wait3A_21 : memref<1x79x128xi32, #tpu.memory_space<hbm>> -> memref<79x128xi32, #tpu.memory_space<hbm>>
      %dma_wait3A_23 = arith.constant 0 : i32
      %dma_wait3A_24 = arith.constant 0 : i32
      %dma_wait3A_25 = tpu.memref_slice %arg3[%add3A, %dma_wait3A_23, %dma_wait3A_24] : memref<32x79x128xi32, #tpu.memory_space<hbm>> -> memref<1x79x128xi32, #tpu.memory_space<hbm>>
      %dma_wait3A_26 = tpu.memref_squeeze %dma_wait3A_25 : memref<1x79x128xi32, #tpu.memory_space<hbm>> -> memref<79x128xi32, #tpu.memory_space<hbm>>
      tpu.wait_dma2 semaphore(%run_scoped3A : memref<!tpu.dma_semaphore, #tpu.memory_space<semaphore_mem>>) src(%dma_wait3A_26 : memref<79x128xi32, #tpu.memory_space<hbm>>) dst(%arg7 : memref<79x128xi32, #tpu.memory_space<vmem>>)
      tpu.yield
    }) : () -> ()
    "tpu.region"() ({
      %run_scoped3A = tpu.sem_alloc : memref<!tpu.dma_semaphore, #tpu.memory_space<semaphore_mem>>
      %dma_start3A = arith.constant 0 : i32
      %dma_start3A_13 = arith.constant 0 : i32
      %dma_start3A_14 = tpu.memref_slice %arg4[%add3A, %dma_start3A, %dma_start3A_13] : memref<32x79x128xi32, #tpu.memory_space<hbm>> -> memref<1x79x128xi32, #tpu.memory_space<hbm>>
      %dma_start3A_15 = tpu.memref_squeeze %dma_start3A_14 : memref<1x79x128xi32, #tpu.memory_space<hbm>> -> memref<79x128xi32, #tpu.memory_space<hbm>>
      %dma_start3A_16 = arith.constant 0 : i32
      %dma_start3A_17 = arith.constant 0 : i32
      %dma_start3A_18 = tpu.memref_slice %arg4[%add3A, %dma_start3A_16, %dma_start3A_17] : memref<32x79x128xi32, #tpu.memory_space<hbm>> -> memref<1x79x128xi32, #tpu.memory_space<hbm>>
      %dma_start3A_19 = tpu.memref_squeeze %dma_start3A_18 : memref<1x79x128xi32, #tpu.memory_space<hbm>> -> memref<79x128xi32, #tpu.memory_space<hbm>>
      tpu.enqueue_dma source(%dma_start3A_19 : memref<79x128xi32, #tpu.memory_space<hbm>>) target(%arg8 : memref<79x128xi32, #tpu.memory_space<vmem>>) target_semaphore(%run_scoped3A : memref<!tpu.dma_semaphore, #tpu.memory_space<semaphore_mem>>)
      %dma_wait3A = arith.constant 0 : i32
      %dma_wait3A_20 = arith.constant 0 : i32
      %dma_wait3A_21 = tpu.memref_slice %arg4[%add3A, %dma_wait3A, %dma_wait3A_20] : memref<32x79x128xi32, #tpu.memory_space<hbm>> -> memref<1x79x128xi32, #tpu.memory_space<hbm>>
      %dma_wait3A_22 = tpu.memref_squeeze %dma_wait3A_21 : memref<1x79x128xi32, #tpu.memory_space<hbm>> -> memref<79x128xi32, #tpu.memory_space<hbm>>
      %dma_wait3A_23 = arith.constant 0 : i32
      %dma_wait3A_24 = arith.constant 0 : i32
      %dma_wait3A_25 = tpu.memref_slice %arg4[%add3A, %dma_wait3A_23, %dma_wait3A_24] : memref<32x79x128xi32, #tpu.memory_space<hbm>> -> memref<1x79x128xi32, #tpu.memory_space<hbm>>
      %dma_wait3A_26 = tpu.memref_squeeze %dma_wait3A_25 : memref<1x79x128xi32, #tpu.memory_space<hbm>> -> memref<79x128xi32, #tpu.memory_space<hbm>>
      tpu.wait_dma2 semaphore(%run_scoped3A : memref<!tpu.dma_semaphore, #tpu.memory_space<semaphore_mem>>) src(%dma_wait3A_26 : memref<79x128xi32, #tpu.memory_space<hbm>>) dst(%arg8 : memref<79x128xi32, #tpu.memory_space<vmem>>)
      tpu.yield
    }) : () -> ()
    %mul3A_1 = arith.constant 632 : i32
    %mul3A_2 = arith.muli %arg1, %mul3A_1 : i32
    "tpu.region"() ({
      %run_scoped3A = tpu.sem_alloc : memref<!tpu.dma_semaphore, #tpu.memory_space<semaphore_mem>>
      %dma_start3A = arith.constant 0 : i32
      %dma_start3A_13 = tpu.memref_slice %arg10[%mul3A_2, %dma_start3A] : memref<10112x16xf32, #tpu.memory_space<vmem_shared>> -> memref<632x16xf32, #tpu.memory_space<vmem_shared>>
      tpu.enqueue_dma source(%arg5 : memref<632x16xf32, #tpu.memory_space<hbm>>) target(%dma_start3A_13 : memref<632x16xf32, #tpu.memory_space<vmem_shared>>) target_semaphore(%run_scoped3A : memref<!tpu.dma_semaphore, #tpu.memory_space<semaphore_mem>>)
      %dma_wait3A = arith.constant 0 : i32
      %dma_wait3A_14 = tpu.memref_slice %arg10[%mul3A_2, %dma_wait3A] : memref<10112x16xf32, #tpu.memory_space<vmem_shared>> -> memref<632x16xf32, #tpu.memory_space<vmem_shared>>
      tpu.wait_dma2 semaphore(%run_scoped3A : memref<!tpu.dma_semaphore, #tpu.memory_space<semaphore_mem>>) src(%arg5 : memref<632x16xf32, #tpu.memory_space<hbm>>) dst(%dma_wait3A_14 : memref<632x16xf32, #tpu.memory_space<vmem_shared>>)
      tpu.yield
    }) : () -> ()
    %barrier3A = arith.constant 0 : index
    tpu.barrier barrier_id(%barrier3A)
    %scan3A = arith.constant 0 : i32
    %scan3A_3 = arith.constant 0 : i32
    %scan3A_4 = arith.constant 79 : i32
    %scan3A_5 = arith.addi %scan3A_3, %scan3A_4 : i32
    %scan3A_6 = arith.constant 1 : i32
    scf.for %scan3A_13 = %scan3A_3 to %scan3A_5 step %scan3A_6  : i32 {
      "tpu.region"() ({
        %run_scoped3A = tpu.sem_alloc : memref<!tpu.dma_semaphore, #tpu.memory_space<semaphore_mem>>
        %dma_start3A = arith.constant 0 : i32
        %dma_start3A_14 = tpu.memref_slice %arg7[%scan3A_13, %dma_start3A] : memref<79x128xi32, #tpu.memory_space<vmem>> -> memref<1x128xi32, #tpu.memory_space<vmem>>
        %dma_start3A_15 = tpu.memref_squeeze %dma_start3A_14 : memref<1x128xi32, #tpu.memory_space<vmem>> -> memref<128xi32, #tpu.memory_space<vmem>>
        %dma_start3A_16 = arith.constant 0 : i32
        %dma_start3A_17 = arith.constant 0 : i32
        %dma_start3A_18 = tpu.memref_slice %arg2[%dma_start3A_16, %dma_start3A_17] : memref<10000x16xf32, #tpu.memory_space<hbm>> -> memref<10000x16xf32, #tpu.memory_space<hbm>>
        tpu.enqueue_indirect_dma source(%dma_start3A_18 : memref<10000x16xf32, #tpu.memory_space<hbm>>) target(%arg9 : memref<128x16xf32, #tpu.memory_space<vmem>>) offsets(%dma_start3A_15 : memref<128xi32, #tpu.memory_space<vmem>>) semaphore(%run_scoped3A : memref<!tpu.dma_semaphore, #tpu.memory_space<semaphore_mem>>)
        %dma_wait3A = arith.constant 0 : i32
        %dma_wait3A_19 = tpu.memref_slice %arg7[%scan3A_13, %dma_wait3A] : memref<79x128xi32, #tpu.memory_space<vmem>> -> memref<1x128xi32, #tpu.memory_space<vmem>>
        %dma_wait3A_20 = tpu.memref_squeeze %dma_wait3A_19 : memref<1x128xi32, #tpu.memory_space<vmem>> -> memref<128xi32, #tpu.memory_space<vmem>>
        %dma_wait3A_21 = arith.constant 0 : i32
        %dma_wait3A_22 = arith.constant 0 : i32
        %dma_wait3A_23 = tpu.memref_slice %arg2[%dma_wait3A_21, %dma_wait3A_22] : memref<10000x16xf32, #tpu.memory_space<hbm>> -> memref<10000x16xf32, #tpu.memory_space<hbm>>
        tpu.wait_indirect_dma semaphore(%run_scoped3A : memref<!tpu.dma_semaphore, #tpu.memory_space<semaphore_mem>>) src(%dma_wait3A_23 : memref<10000x16xf32, #tpu.memory_space<hbm>>) dst(%arg9 : memref<128x16xf32, #tpu.memory_space<vmem>>)
        tpu.yield
      }) : () -> ()
      "tpu.region"() ({
        %run_scoped3A = tpu.sem_alloc : memref<!tpu.dma_semaphore, #tpu.memory_space<semaphore_mem>>
        %dma_start3A = arith.constant 0 : i32
        %dma_start3A_14 = tpu.memref_slice %arg8[%scan3A_13, %dma_start3A] : memref<79x128xi32, #tpu.memory_space<vmem>> -> memref<1x128xi32, #tpu.memory_space<vmem>>
        %dma_start3A_15 = tpu.memref_squeeze %dma_start3A_14 : memref<1x128xi32, #tpu.memory_space<vmem>> -> memref<128xi32, #tpu.memory_space<vmem>>
        %dma_start3A_16 = arith.constant 0 : i32
        %dma_start3A_17 = arith.constant 0 : i32
        %dma_start3A_18 = tpu.memref_slice %arg10[%dma_start3A_16, %dma_start3A_17] : memref<10112x16xf32, #tpu.memory_space<vmem_shared>> -> memref<10112x16xf32, #tpu.memory_space<vmem_shared>>
        tpu.enqueue_indirect_dma source(%arg9 : memref<128x16xf32, #tpu.memory_space<vmem>>) target(%dma_start3A_18 : memref<10112x16xf32, #tpu.memory_space<vmem_shared>>) offsets(%dma_start3A_15 : memref<128xi32, #tpu.memory_space<vmem>>) semaphore(%run_scoped3A : memref<!tpu.dma_semaphore, #tpu.memory_space<semaphore_mem>>) {add = true}
        %dma_wait3A = arith.constant 0 : i32
        %dma_wait3A_19 = tpu.memref_slice %arg8[%scan3A_13, %dma_wait3A] : memref<79x128xi32, #tpu.memory_space<vmem>> -> memref<1x128xi32, #tpu.memory_space<vmem>>
        %dma_wait3A_20 = tpu.memref_squeeze %dma_wait3A_19 : memref<1x128xi32, #tpu.memory_space<vmem>> -> memref<128xi32, #tpu.memory_space<vmem>>
        %dma_wait3A_21 = arith.constant 0 : i32
        %dma_wait3A_22 = arith.constant 0 : i32
        %dma_wait3A_23 = tpu.memref_slice %arg10[%dma_wait3A_21, %dma_wait3A_22] : memref<10112x16xf32, #tpu.memory_space<vmem_shared>> -> memref<10112x16xf32, #tpu.memory_space<vmem_shared>>
        tpu.wait_indirect_dma semaphore(%run_scoped3A : memref<!tpu.dma_semaphore, #tpu.memory_space<semaphore_mem>>) src(%arg9 : memref<128x16xf32, #tpu.memory_space<vmem>>) dst(%dma_wait3A_23 : memref<10112x16xf32, #tpu.memory_space<vmem_shared>>)
        tpu.yield
      }) : () -> ()
    }
    %scan3A_7 = arith.constant 79 : i32
    %barrier3A_8 = arith.constant 0 : index
    tpu.barrier barrier_id(%barrier3A_8)
    %mul3A_9 = arith.constant 632 : i32
    %mul3A_10 = arith.muli %arg1, %mul3A_9 : i32
    %mul3A_11 = arith.constant 632 : i32
    %mul3A_12 = arith.muli %arg1, %mul3A_11 : i32
    "tpu.region"() ({
      %run_scoped3A = tpu.sem_alloc : memref<!tpu.dma_semaphore, #tpu.memory_space<semaphore_mem>>
      %dma_start3A = arith.constant 0 : i32
      %dma_start3A_13 = tpu.memref_slice %arg6[%arg0, %mul3A_12, %dma_start3A] : memref<2x10112x16xf32, #tpu.memory_space<hbm>> -> memref<1x632x16xf32, #tpu.memory_space<hbm>>
      %dma_start3A_14 = tpu.memref_squeeze %dma_start3A_13 : memref<1x632x16xf32, #tpu.memory_space<hbm>> -> memref<632x16xf32, #tpu.memory_space<hbm>>
      %dma_start3A_15 = arith.constant 0 : i32
      %dma_start3A_16 = tpu.memref_slice %arg10[%mul3A_10, %dma_start3A_15] : memref<10112x16xf32, #tpu.memory_space<vmem_shared>> -> memref<632x16xf32, #tpu.memory_space<vmem_shared>>
      tpu.enqueue_dma source(%dma_start3A_16 : memref<632x16xf32, #tpu.memory_space<vmem_shared>>) target(%dma_start3A_14 : memref<632x16xf32, #tpu.memory_space<hbm>>) target_semaphore(%run_scoped3A : memref<!tpu.dma_semaphore, #tpu.memory_space<semaphore_mem>>)
      %dma_wait3A = arith.constant 0 : i32
      %dma_wait3A_17 = tpu.memref_slice %arg6[%arg0, %mul3A_12, %dma_wait3A] : memref<2x10112x16xf32, #tpu.memory_space<hbm>> -> memref<1x632x16xf32, #tpu.memory_space<hbm>>
      %dma_wait3A_18 = tpu.memref_squeeze %dma_wait3A_17 : memref<1x632x16xf32, #tpu.memory_space<hbm>> -> memref<632x16xf32, #tpu.memory_space<hbm>>
      %dma_wait3A_19 = arith.constant 0 : i32
      %dma_wait3A_20 = tpu.memref_slice %arg10[%mul3A_10, %dma_wait3A_19] : memref<10112x16xf32, #tpu.memory_space<vmem_shared>> -> memref<632x16xf32, #tpu.memory_space<vmem_shared>>
      tpu.wait_dma2 semaphore(%run_scoped3A : memref<!tpu.dma_semaphore, #tpu.memory_space<semaphore_mem>>) src(%dma_wait3A_20 : memref<632x16xf32, #tpu.memory_space<vmem_shared>>) dst(%dma_wait3A_18 : memref<632x16xf32, #tpu.memory_space<hbm>>)
      tpu.yield
    }) : () -> ()
    return
  }
}

#map = affine_map<(d0, d1) -> (0, 0)>
#map1 = affine_map<(d0, d1) -> (0, 0, 0)>
module attributes {stable_mosaic.version = 14 : i64} {
  func.func @body(%arg0: i32, %arg1: i32, %arg2: memref<10000x16xf32, #tpu.memory_space<hbm>>, %arg3: memref<32x79x128xi32, #tpu.memory_space<hbm>>, %arg4: memref<32x79x128xi32, #tpu.memory_space<hbm>>, %arg5: memref<632x16xf32, #tpu.memory_space<hbm>>, %arg6: memref<2x10112x16xf32, #tpu.memory_space<hbm>>, %arg7: memref<79x128xi32, #tpu.memory_space<vmem>>, %arg8: memref<79x128xi32, #tpu.memory_space<vmem>>, %arg9: memref<128x16xf32, #tpu.memory_space<vmem>>, %arg10: memref<10112x16xf32, #tpu.memory_space<vmem_shared>>) attributes {dimension_semantics = [#tpu.dimension_semantics<core_parallel>, #tpu.dimension_semantics<subcore_parallel>], iteration_bounds = array<i64: 2, 16>, scalar_prefetch = 0 : i64, scratch_operands = 4 : i64, tpu.core_type = #tpu.core_type<sc_vector_subcore>, window_params = [{transform_indices = #map}, {transform_indices = #map1}, {transform_indices = #map1}, {transform_indices = #map}, {transform_indices = #map1}]} {
    %mul3A = arith.constant 16 : i32
    %mul3A_0 = arith.muli %arg0, %mul3A : i32
    %add3A = arith.addi %mul3A_0, %arg1 : i32
    "tpu.region"() ({
      %run_scoped3A = tpu.sem_alloc : memref<!tpu.dma_semaphore, #tpu.memory_space<semaphore_mem>>
      %dma_start3A = arith.constant 0 : i32
      %dma_start3A_13 = arith.constant 0 : i32
      %dma_start3A_14 = tpu.memref_slice %arg3[%add3A, %dma_start3A, %dma_start3A_13] : memref<32x79x128xi32, #tpu.memory_space<hbm>> -> memref<1x79x128xi32, #tpu.memory_space<hbm>>
      %dma_start3A_15 = tpu.memref_squeeze %dma_start3A_14 : memref<1x79x128xi32, #tpu.memory_space<hbm>> -> memref<79x128xi32, #tpu.memory_space<hbm>>
      %dma_start3A_16 = arith.constant 0 : i32
      %dma_start3A_17 = arith.constant 0 : i32
      %dma_start3A_18 = tpu.memref_slice %arg3[%add3A, %dma_start3A_16, %dma_start3A_17] : memref<32x79x128xi32, #tpu.memory_space<hbm>> -> memref<1x79x128xi32, #tpu.memory_space<hbm>>
      %dma_start3A_19 = tpu.memref_squeeze %dma_start3A_18 : memref<1x79x128xi32, #tpu.memory_space<hbm>> -> memref<79x128xi32, #tpu.memory_space<hbm>>
      tpu.enqueue_dma source(%dma_start3A_19 : memref<79x128xi32, #tpu.memory_space<hbm>>) target(%arg7 : memref<79x128xi32, #tpu.memory_space<vmem>>) target_semaphore(%run_scoped3A : memref<!tpu.dma_semaphore, #tpu.memory_space<semaphore_mem>>)
      %dma_wait3A = arith.constant 0 : i32
      %dma_wait3A_20 = arith.constant 0 : i32
      %dma_wait3A_21 = tpu.memref_slice %arg3[%add3A, %dma_wait3A, %dma_wait3A_20] : memref<32x79x128xi32, #tpu.memory_space<hbm>> -> memref<1x79x128xi32, #tpu.memory_space<hbm>>
      %dma_wait3A_22 = tpu.memref_squeeze %dma_wait3A_21 : memref<1x79x128xi32, #tpu.memory_space<hbm>> -> memref<79x128xi32, #tpu.memory_space<hbm>>
      %dma_wait3A_23 = arith.constant 0 : i32
      %dma_wait3A_24 = arith.constant 0 : i32
      %dma_wait3A_25 = tpu.memref_slice %arg3[%add3A, %dma_wait3A_23, %dma_wait3A_24] : memref<32x79x128xi32, #tpu.memory_space<hbm>> -> memref<1x79x128xi32, #tpu.memory_space<hbm>>
      %dma_wait3A_26 = tpu.memref_squeeze %dma_wait3A_25 : memref<1x79x128xi32, #tpu.memory_space<hbm>> -> memref<79x128xi32, #tpu.memory_space<hbm>>
      tpu.wait_dma2 semaphore(%run_scoped3A : memref<!tpu.dma_semaphore, #tpu.memory_space<semaphore_mem>>) src(%dma_wait3A_26 : memref<79x128xi32, #tpu.memory_space<hbm>>) dst(%arg7 : memref<79x128xi32, #tpu.memory_space<vmem>>)
      tpu.yield
    }) : () -> ()
    "tpu.region"() ({
      %run_scoped3A = tpu.sem_alloc : memref<!tpu.dma_semaphore, #tpu.memory_space<semaphore_mem>>
      %dma_start3A = arith.constant 0 : i32
      %dma_start3A_13 = arith.constant 0 : i32
      %dma_start3A_14 = tpu.memref_slice %arg4[%add3A, %dma_start3A, %dma_start3A_13] : memref<32x79x128xi32, #tpu.memory_space<hbm>> -> memref<1x79x128xi32, #tpu.memory_space<hbm>>
      %dma_start3A_15 = tpu.memref_squeeze %dma_start3A_14 : memref<1x79x128xi32, #tpu.memory_space<hbm>> -> memref<79x128xi32, #tpu.memory_space<hbm>>
      %dma_start3A_16 = arith.constant 0 : i32
      %dma_start3A_17 = arith.constant 0 : i32
      %dma_start3A_18 = tpu.memref_slice %arg4[%add3A, %dma_start3A_16, %dma_start3A_17] : memref<32x79x128xi32, #tpu.memory_space<hbm>> -> memref<1x79x128xi32, #tpu.memory_space<hbm>>
      %dma_start3A_19 = tpu.memref_squeeze %dma_start3A_18 : memref<1x79x128xi32, #tpu.memory_space<hbm>> -> memref<79x128xi32, #tpu.memory_space<hbm>>
      tpu.enqueue_dma source(%dma_start3A_19 : memref<79x128xi32, #tpu.memory_space<hbm>>) target(%arg8 : memref<79x128xi32, #tpu.memory_space<vmem>>) target_semaphore(%run_scoped3A : memref<!tpu.dma_semaphore, #tpu.memory_space<semaphore_mem>>)
      %dma_wait3A = arith.constant 0 : i32
      %dma_wait3A_20 = arith.constant 0 : i32
      %dma_wait3A_21 = tpu.memref_slice %arg4[%add3A, %dma_wait3A, %dma_wait3A_20] : memref<32x79x128xi32, #tpu.memory_space<hbm>> -> memref<1x79x128xi32, #tpu.memory_space<hbm>>
      %dma_wait3A_22 = tpu.memref_squeeze %dma_wait3A_21 : memref<1x79x128xi32, #tpu.memory_space<hbm>> -> memref<79x128xi32, #tpu.memory_space<hbm>>
      %dma_wait3A_23 = arith.constant 0 : i32
      %dma_wait3A_24 = arith.constant 0 : i32
      %dma_wait3A_25 = tpu.memref_slice %arg4[%add3A, %dma_wait3A_23, %dma_wait3A_24] : memref<32x79x128xi32, #tpu.memory_space<hbm>> -> memref<1x79x128xi32, #tpu.memory_space<hbm>>
      %dma_wait3A_26 = tpu.memref_squeeze %dma_wait3A_25 : memref<1x79x128xi32, #tpu.memory_space<hbm>> -> memref<79x128xi32, #tpu.memory_space<hbm>>
      tpu.wait_dma2 semaphore(%run_scoped3A : memref<!tpu.dma_semaphore, #tpu.memory_space<semaphore_mem>>) src(%dma_wait3A_26 : memref<79x128xi32, #tpu.memory_space<hbm>>) dst(%arg8 : memref<79x128xi32, #tpu.memory_space<vmem>>)
      tpu.yield
    }) : () -> ()
    %mul3A_1 = arith.constant 632 : i32
    %mul3A_2 = arith.muli %arg1, %mul3A_1 : i32
    "tpu.region"() ({
      %run_scoped3A = tpu.sem_alloc : memref<!tpu.dma_semaphore, #tpu.memory_space<semaphore_mem>>
      %dma_start3A = arith.constant 0 : i32
      %dma_start3A_13 = tpu.memref_slice %arg10[%mul3A_2, %dma_start3A] : memref<10112x16xf32, #tpu.memory_space<vmem_shared>> -> memref<632x16xf32, #tpu.memory_space<vmem_shared>>
      tpu.enqueue_dma source(%arg5 : memref<632x16xf32, #tpu.memory_space<hbm>>) target(%dma_start3A_13 : memref<632x16xf32, #tpu.memory_space<vmem_shared>>) target_semaphore(%run_scoped3A : memref<!tpu.dma_semaphore, #tpu.memory_space<semaphore_mem>>)
      %dma_wait3A = arith.constant 0 : i32
      %dma_wait3A_14 = tpu.memref_slice %arg10[%mul3A_2, %dma_wait3A] : memref<10112x16xf32, #tpu.memory_space<vmem_shared>> -> memref<632x16xf32, #tpu.memory_space<vmem_shared>>
      tpu.wait_dma2 semaphore(%run_scoped3A : memref<!tpu.dma_semaphore, #tpu.memory_space<semaphore_mem>>) src(%arg5 : memref<632x16xf32, #tpu.memory_space<hbm>>) dst(%dma_wait3A_14 : memref<632x16xf32, #tpu.memory_space<vmem_shared>>)
      tpu.yield
    }) : () -> ()
    %barrier3A = arith.constant 0 : index
    tpu.barrier barrier_id(%barrier3A)
    %scan3A = arith.constant 0 : i32
    %scan3A_3 = arith.constant 0 : i32
    %scan3A_4 = arith.constant 79 : i32
    %scan3A_5 = arith.addi %scan3A_3, %scan3A_4 : i32
    %scan3A_6 = arith.constant 1 : i32
    scf.for %scan3A_13 = %scan3A_3 to %scan3A_5 step %scan3A_6  : i32 {
      "tpu.region"() ({
        %run_scoped3A = tpu.sem_alloc : memref<!tpu.dma_semaphore, #tpu.memory_space<semaphore_mem>>
        %dma_start3A = arith.constant 0 : i32
        %dma_start3A_14 = tpu.memref_slice %arg7[%scan3A_13, %dma_start3A] : memref<79x128xi32, #tpu.memory_space<vmem>> -> memref<1x128xi32, #tpu.memory_space<vmem>>
        %dma_start3A_15 = tpu.memref_squeeze %dma_start3A_14 : memref<1x128xi32, #tpu.memory_space<vmem>> -> memref<128xi32, #tpu.memory_space<vmem>>
        %dma_start3A_16 = arith.constant 0 : i32
        %dma_start3A_17 = arith.constant 0 : i32
        %dma_start3A_18 = tpu.memref_slice %arg2[%dma_start3A_16, %dma_start3A_17] : memref<10000x16xf32, #tpu.memory_space<hbm>> -> memref<10000x16xf32, #tpu.memory_space<hbm>>
        tpu.enqueue_indirect_dma source(%dma_start3A_18 : memref<10000x16xf32, #tpu.memory_space<hbm>>) target(%arg9 : memref<128x16xf32, #tpu.memory_space<vmem>>) offsets(%dma_start3A_15 : memref<128xi32, #tpu.memory_space<vmem>>) semaphore(%run_scoped3A : memref<!tpu.dma_semaphore, #tpu.memory_space<semaphore_mem>>)
        %dma_wait3A = arith.constant 0 : i32
        %dma_wait3A_19 = tpu.memref_slice %arg7[%scan3A_13, %dma_wait3A] : memref<79x128xi32, #tpu.memory_space<vmem>> -> memref<1x128xi32, #tpu.memory_space<vmem>>
        %dma_wait3A_20 = tpu.memref_squeeze %dma_wait3A_19 : memref<1x128xi32, #tpu.memory_space<vmem>> -> memref<128xi32, #tpu.memory_space<vmem>>
        %dma_wait3A_21 = arith.constant 0 : i32
        %dma_wait3A_22 = arith.constant 0 : i32
        %dma_wait3A_23 = tpu.memref_slice %arg2[%dma_wait3A_21, %dma_wait3A_22] : memref<10000x16xf32, #tpu.memory_space<hbm>> -> memref<10000x16xf32, #tpu.memory_space<hbm>>
        tpu.wait_indirect_dma semaphore(%run_scoped3A : memref<!tpu.dma_semaphore, #tpu.memory_space<semaphore_mem>>) src(%dma_wait3A_23 : memref<10000x16xf32, #tpu.memory_space<hbm>>) dst(%arg9 : memref<128x16xf32, #tpu.memory_space<vmem>>)
        tpu.yield
      }) : () -> ()
      "tpu.region"() ({
        %run_scoped3A = tpu.sem_alloc : memref<!tpu.dma_semaphore, #tpu.memory_space<semaphore_mem>>
        %dma_start3A = arith.constant 0 : i32
        %dma_start3A_14 = tpu.memref_slice %arg8[%scan3A_13, %dma_start3A] : memref<79x128xi32, #tpu.memory_space<vmem>> -> memref<1x128xi32, #tpu.memory_space<vmem>>
        %dma_start3A_15 = tpu.memref_squeeze %dma_start3A_14 : memref<1x128xi32, #tpu.memory_space<vmem>> -> memref<128xi32, #tpu.memory_space<vmem>>
        %dma_start3A_16 = arith.constant 0 : i32
        %dma_start3A_17 = arith.constant 0 : i32
        %dma_start3A_18 = tpu.memref_slice %arg10[%dma_start3A_16, %dma_start3A_17] : memref<10112x16xf32, #tpu.memory_space<vmem_shared>> -> memref<10112x16xf32, #tpu.memory_space<vmem_shared>>
        tpu.enqueue_indirect_dma source(%arg9 : memref<128x16xf32, #tpu.memory_space<vmem>>) target(%dma_start3A_18 : memref<10112x16xf32, #tpu.memory_space<vmem_shared>>) offsets(%dma_start3A_15 : memref<128xi32, #tpu.memory_space<vmem>>) semaphore(%run_scoped3A : memref<!tpu.dma_semaphore, #tpu.memory_space<semaphore_mem>>) {add = true}
        %dma_wait3A = arith.constant 0 : i32
        %dma_wait3A_19 = tpu.memref_slice %arg8[%scan3A_13, %dma_wait3A] : memref<79x128xi32, #tpu.memory_space<vmem>> -> memref<1x128xi32, #tpu.memory_space<vmem>>
        %dma_wait3A_20 = tpu.memref_squeeze %dma_wait3A_19 : memref<1x128xi32, #tpu.memory_space<vmem>> -> memref<128xi32, #tpu.memory_space<vmem>>
        %dma_wait3A_21 = arith.constant 0 : i32
        %dma_wait3A_22 = arith.constant 0 : i32
        %dma_wait3A_23 = tpu.memref_slice %arg10[%dma_wait3A_21, %dma_wait3A_22] : memref<10112x16xf32, #tpu.memory_space<vmem_shared>> -> memref<10112x16xf32, #tpu.memory_space<vmem_shared>>
        tpu.wait_indirect_dma semaphore(%run_scoped3A : memref<!tpu.dma_semaphore, #tpu.memory_space<semaphore_mem>>) src(%arg9 : memref<128x16xf32, #tpu.memory_space<vmem>>) dst(%dma_wait3A_23 : memref<10112x16xf32, #tpu.memory_space<vmem_shared>>)
        tpu.yield
      }) : () -> ()
    }
    %scan3A_7 = arith.constant 79 : i32
    %barrier3A_8 = arith.constant 0 : index
    tpu.barrier barrier_id(%barrier3A_8)
    %mul3A_9 = arith.constant 632 : i32
    %mul3A_10 = arith.muli %arg1, %mul3A_9 : i32
    %mul3A_11 = arith.constant 632 : i32
    %mul3A_12 = arith.muli %arg1, %mul3A_11 : i32
    "tpu.region"() ({
      %run_scoped3A = tpu.sem_alloc : memref<!tpu.dma_semaphore, #tpu.memory_space<semaphore_mem>>
      %dma_start3A = arith.constant 0 : i32
      %dma_start3A_13 = tpu.memref_slice %arg6[%arg0, %mul3A_12, %dma_start3A] : memref<2x10112x16xf32, #tpu.memory_space<hbm>> -> memref<1x632x16xf32, #tpu.memory_space<hbm>>
      %dma_start3A_14 = tpu.memref_squeeze %dma_start3A_13 : memref<1x632x16xf32, #tpu.memory_space<hbm>> -> memref<632x16xf32, #tpu.memory_space<hbm>>
      %dma_start3A_15 = arith.constant 0 : i32
      %dma_start3A_16 = tpu.memref_slice %arg10[%mul3A_10, %dma_start3A_15] : memref<10112x16xf32, #tpu.memory_space<vmem_shared>> -> memref<632x16xf32, #tpu.memory_space<vmem_shared>>
      tpu.enqueue_dma source(%dma_start3A_16 : memref<632x16xf32, #tpu.memory_space<vmem_shared>>) target(%dma_start3A_14 : memref<632x16xf32, #tpu.memory_space<hbm>>) target_semaphore(%run_scoped3A : memref<!tpu.dma_semaphore, #tpu.memory_space<semaphore_mem>>)
      %dma_wait3A = arith.constant 0 : i32
      %dma_wait3A_17 = tpu.memref_slice %arg6[%arg0, %mul3A_12, %dma_wait3A] : memref<2x10112x16xf32, #tpu.memory_space<hbm>> -> memref<1x632x16xf32, #tpu.memory_space<hbm>>
      %dma_wait3A_18 = tpu.memref_squeeze %dma_wait3A_17 : memref<1x632x16xf32, #tpu.memory_space<hbm>> -> memref<632x16xf32, #tpu.memory_space<hbm>>
      %dma_wait3A_19 = arith.constant 0 : i32
      %dma_wait3A_20 = tpu.memref_slice %arg10[%mul3A_10, %dma_wait3A_19] : memref<10112x16xf32, #tpu.memory_space<vmem_shared>> -> memref<632x16xf32, #tpu.memory_space<vmem_shared>>
      tpu.wait_dma2 semaphore(%run_scoped3A : memref<!tpu.dma_semaphore, #tpu.memory_space<semaphore_mem>>) src(%dma_wait3A_20 : memref<632x16xf32, #tpu.memory_space<vmem_shared>>) dst(%dma_wait3A_18 : memref<632x16xf32, #tpu.memory_space<hbm>>)
      tpu.yield
    }) : () -> ()
    return
  }
}

#map = affine_map<(d0, d1) -> (0, 0)>
#map1 = affine_map<(d0, d1) -> (0, 0, 0)>
module attributes {stable_mosaic.version = 14 : i64} {
  func.func @body(%arg0: i32, %arg1: i32, %arg2: memref<10000x16xf32, #tpu.memory_space<hbm>>, %arg3: memref<32x79x128xi32, #tpu.memory_space<hbm>>, %arg4: memref<32x79x128xi32, #tpu.memory_space<hbm>>, %arg5: memref<632x16xf32, #tpu.memory_space<hbm>>, %arg6: memref<2x10112x16xf32, #tpu.memory_space<hbm>>, %arg7: memref<79x128xi32, #tpu.memory_space<vmem>>, %arg8: memref<79x128xi32, #tpu.memory_space<vmem>>, %arg9: memref<128x16xf32, #tpu.memory_space<vmem>>, %arg10: memref<10112x16xf32, #tpu.memory_space<vmem_shared>>) attributes {dimension_semantics = [#tpu.dimension_semantics<core_parallel>, #tpu.dimension_semantics<subcore_parallel>], iteration_bounds = array<i64: 2, 16>, scalar_prefetch = 0 : i64, scratch_operands = 4 : i64, tpu.core_type = #tpu.core_type<sc_vector_subcore>, window_params = [{transform_indices = #map}, {transform_indices = #map1}, {transform_indices = #map1}, {transform_indices = #map}, {transform_indices = #map1}]} {
    %mul3A = arith.constant 16 : i32
    %mul3A_0 = arith.muli %arg0, %mul3A : i32
    %add3A = arith.addi %mul3A_0, %arg1 : i32
    "tpu.region"() ({
      %run_scoped3A = tpu.sem_alloc : memref<!tpu.dma_semaphore, #tpu.memory_space<semaphore_mem>>
      %dma_start3A = arith.constant 0 : i32
      %dma_start3A_13 = arith.constant 0 : i32
      %dma_start3A_14 = tpu.memref_slice %arg3[%add3A, %dma_start3A, %dma_start3A_13] : memref<32x79x128xi32, #tpu.memory_space<hbm>> -> memref<1x79x128xi32, #tpu.memory_space<hbm>>
      %dma_start3A_15 = tpu.memref_squeeze %dma_start3A_14 : memref<1x79x128xi32, #tpu.memory_space<hbm>> -> memref<79x128xi32, #tpu.memory_space<hbm>>
      %dma_start3A_16 = arith.constant 0 : i32
      %dma_start3A_17 = arith.constant 0 : i32
      %dma_start3A_18 = tpu.memref_slice %arg3[%add3A, %dma_start3A_16, %dma_start3A_17] : memref<32x79x128xi32, #tpu.memory_space<hbm>> -> memref<1x79x128xi32, #tpu.memory_space<hbm>>
      %dma_start3A_19 = tpu.memref_squeeze %dma_start3A_18 : memref<1x79x128xi32, #tpu.memory_space<hbm>> -> memref<79x128xi32, #tpu.memory_space<hbm>>
      tpu.enqueue_dma source(%dma_start3A_19 : memref<79x128xi32, #tpu.memory_space<hbm>>) target(%arg7 : memref<79x128xi32, #tpu.memory_space<vmem>>) target_semaphore(%run_scoped3A : memref<!tpu.dma_semaphore, #tpu.memory_space<semaphore_mem>>)
      %dma_wait3A = arith.constant 0 : i32
      %dma_wait3A_20 = arith.constant 0 : i32
      %dma_wait3A_21 = tpu.memref_slice %arg3[%add3A, %dma_wait3A, %dma_wait3A_20] : memref<32x79x128xi32, #tpu.memory_space<hbm>> -> memref<1x79x128xi32, #tpu.memory_space<hbm>>
      %dma_wait3A_22 = tpu.memref_squeeze %dma_wait3A_21 : memref<1x79x128xi32, #tpu.memory_space<hbm>> -> memref<79x128xi32, #tpu.memory_space<hbm>>
      %dma_wait3A_23 = arith.constant 0 : i32
      %dma_wait3A_24 = arith.constant 0 : i32
      %dma_wait3A_25 = tpu.memref_slice %arg3[%add3A, %dma_wait3A_23, %dma_wait3A_24] : memref<32x79x128xi32, #tpu.memory_space<hbm>> -> memref<1x79x128xi32, #tpu.memory_space<hbm>>
      %dma_wait3A_26 = tpu.memref_squeeze %dma_wait3A_25 : memref<1x79x128xi32, #tpu.memory_space<hbm>> -> memref<79x128xi32, #tpu.memory_space<hbm>>
      tpu.wait_dma2 semaphore(%run_scoped3A : memref<!tpu.dma_semaphore, #tpu.memory_space<semaphore_mem>>) src(%dma_wait3A_26 : memref<79x128xi32, #tpu.memory_space<hbm>>) dst(%arg7 : memref<79x128xi32, #tpu.memory_space<vmem>>)
      tpu.yield
    }) : () -> ()
    "tpu.region"() ({
      %run_scoped3A = tpu.sem_alloc : memref<!tpu.dma_semaphore, #tpu.memory_space<semaphore_mem>>
      %dma_start3A = arith.constant 0 : i32
      %dma_start3A_13 = arith.constant 0 : i32
      %dma_start3A_14 = tpu.memref_slice %arg4[%add3A, %dma_start3A, %dma_start3A_13] : memref<32x79x128xi32, #tpu.memory_space<hbm>> -> memref<1x79x128xi32, #tpu.memory_space<hbm>>
      %dma_start3A_15 = tpu.memref_squeeze %dma_start3A_14 : memref<1x79x128xi32, #tpu.memory_space<hbm>> -> memref<79x128xi32, #tpu.memory_space<hbm>>
      %dma_start3A_16 = arith.constant 0 : i32
      %dma_start3A_17 = arith.constant 0 : i32
      %dma_start3A_18 = tpu.memref_slice %arg4[%add3A, %dma_start3A_16, %dma_start3A_17] : memref<32x79x128xi32, #tpu.memory_space<hbm>> -> memref<1x79x128xi32, #tpu.memory_space<hbm>>
      %dma_start3A_19 = tpu.memref_squeeze %dma_start3A_18 : memref<1x79x128xi32, #tpu.memory_space<hbm>> -> memref<79x128xi32, #tpu.memory_space<hbm>>
      tpu.enqueue_dma source(%dma_start3A_19 : memref<79x128xi32, #tpu.memory_space<hbm>>) target(%arg8 : memref<79x128xi32, #tpu.memory_space<vmem>>) target_semaphore(%run_scoped3A : memref<!tpu.dma_semaphore, #tpu.memory_space<semaphore_mem>>)
      %dma_wait3A = arith.constant 0 : i32
      %dma_wait3A_20 = arith.constant 0 : i32
      %dma_wait3A_21 = tpu.memref_slice %arg4[%add3A, %dma_wait3A, %dma_wait3A_20] : memref<32x79x128xi32, #tpu.memory_space<hbm>> -> memref<1x79x128xi32, #tpu.memory_space<hbm>>
      %dma_wait3A_22 = tpu.memref_squeeze %dma_wait3A_21 : memref<1x79x128xi32, #tpu.memory_space<hbm>> -> memref<79x128xi32, #tpu.memory_space<hbm>>
      %dma_wait3A_23 = arith.constant 0 : i32
      %dma_wait3A_24 = arith.constant 0 : i32
      %dma_wait3A_25 = tpu.memref_slice %arg4[%add3A, %dma_wait3A_23, %dma_wait3A_24] : memref<32x79x128xi32, #tpu.memory_space<hbm>> -> memref<1x79x128xi32, #tpu.memory_space<hbm>>
      %dma_wait3A_26 = tpu.memref_squeeze %dma_wait3A_25 : memref<1x79x128xi32, #tpu.memory_space<hbm>> -> memref<79x128xi32, #tpu.memory_space<hbm>>
      tpu.wait_dma2 semaphore(%run_scoped3A : memref<!tpu.dma_semaphore, #tpu.memory_space<semaphore_mem>>) src(%dma_wait3A_26 : memref<79x128xi32, #tpu.memory_space<hbm>>) dst(%arg8 : memref<79x128xi32, #tpu.memory_space<vmem>>)
      tpu.yield
    }) : () -> ()
    %mul3A_1 = arith.constant 632 : i32
    %mul3A_2 = arith.muli %arg1, %mul3A_1 : i32
    "tpu.region"() ({
      %run_scoped3A = tpu.sem_alloc : memref<!tpu.dma_semaphore, #tpu.memory_space<semaphore_mem>>
      %dma_start3A = arith.constant 0 : i32
      %dma_start3A_13 = tpu.memref_slice %arg10[%mul3A_2, %dma_start3A] : memref<10112x16xf32, #tpu.memory_space<vmem_shared>> -> memref<632x16xf32, #tpu.memory_space<vmem_shared>>
      tpu.enqueue_dma source(%arg5 : memref<632x16xf32, #tpu.memory_space<hbm>>) target(%dma_start3A_13 : memref<632x16xf32, #tpu.memory_space<vmem_shared>>) target_semaphore(%run_scoped3A : memref<!tpu.dma_semaphore, #tpu.memory_space<semaphore_mem>>)
      %dma_wait3A = arith.constant 0 : i32
      %dma_wait3A_14 = tpu.memref_slice %arg10[%mul3A_2, %dma_wait3A] : memref<10112x16xf32, #tpu.memory_space<vmem_shared>> -> memref<632x16xf32, #tpu.memory_space<vmem_shared>>
      tpu.wait_dma2 semaphore(%run_scoped3A : memref<!tpu.dma_semaphore, #tpu.memory_space<semaphore_mem>>) src(%arg5 : memref<632x16xf32, #tpu.memory_space<hbm>>) dst(%dma_wait3A_14 : memref<632x16xf32, #tpu.memory_space<vmem_shared>>)
      tpu.yield
    }) : () -> ()
    %barrier3A = arith.constant 0 : index
    tpu.barrier barrier_id(%barrier3A)
    %scan3A = arith.constant 0 : i32
    %scan3A_3 = arith.constant 0 : i32
    %scan3A_4 = arith.constant 79 : i32
    %scan3A_5 = arith.addi %scan3A_3, %scan3A_4 : i32
    %scan3A_6 = arith.constant 1 : i32
    scf.for %scan3A_13 = %scan3A_3 to %scan3A_5 step %scan3A_6  : i32 {
      "tpu.region"() ({
        %run_scoped3A = tpu.sem_alloc : memref<!tpu.dma_semaphore, #tpu.memory_space<semaphore_mem>>
        %dma_start3A = arith.constant 0 : i32
        %dma_start3A_14 = tpu.memref_slice %arg7[%scan3A_13, %dma_start3A] : memref<79x128xi32, #tpu.memory_space<vmem>> -> memref<1x128xi32, #tpu.memory_space<vmem>>
        %dma_start3A_15 = tpu.memref_squeeze %dma_start3A_14 : memref<1x128xi32, #tpu.memory_space<vmem>> -> memref<128xi32, #tpu.memory_space<vmem>>
        %dma_start3A_16 = arith.constant 0 : i32
        %dma_start3A_17 = arith.constant 0 : i32
        %dma_start3A_18 = tpu.memref_slice %arg2[%dma_start3A_16, %dma_start3A_17] : memref<10000x16xf32, #tpu.memory_space<hbm>> -> memref<10000x16xf32, #tpu.memory_space<hbm>>
        tpu.enqueue_indirect_dma source(%dma_start3A_18 : memref<10000x16xf32, #tpu.memory_space<hbm>>) target(%arg9 : memref<128x16xf32, #tpu.memory_space<vmem>>) offsets(%dma_start3A_15 : memref<128xi32, #tpu.memory_space<vmem>>) semaphore(%run_scoped3A : memref<!tpu.dma_semaphore, #tpu.memory_space<semaphore_mem>>)
        %dma_wait3A = arith.constant 0 : i32
        %dma_wait3A_19 = tpu.memref_slice %arg7[%scan3A_13, %dma_wait3A] : memref<79x128xi32, #tpu.memory_space<vmem>> -> memref<1x128xi32, #tpu.memory_space<vmem>>
        %dma_wait3A_20 = tpu.memref_squeeze %dma_wait3A_19 : memref<1x128xi32, #tpu.memory_space<vmem>> -> memref<128xi32, #tpu.memory_space<vmem>>
        %dma_wait3A_21 = arith.constant 0 : i32
        %dma_wait3A_22 = arith.constant 0 : i32
        %dma_wait3A_23 = tpu.memref_slice %arg2[%dma_wait3A_21, %dma_wait3A_22] : memref<10000x16xf32, #tpu.memory_space<hbm>> -> memref<10000x16xf32, #tpu.memory_space<hbm>>
        tpu.wait_indirect_dma semaphore(%run_scoped3A : memref<!tpu.dma_semaphore, #tpu.memory_space<semaphore_mem>>) src(%dma_wait3A_23 : memref<10000x16xf32, #tpu.memory_space<hbm>>) dst(%arg9 : memref<128x16xf32, #tpu.memory_space<vmem>>)
        tpu.yield
      }) : () -> ()
      "tpu.region"() ({
        %run_scoped3A = tpu.sem_alloc : memref<!tpu.dma_semaphore, #tpu.memory_space<semaphore_mem>>
        %dma_start3A = arith.constant 0 : i32
        %dma_start3A_14 = tpu.memref_slice %arg8[%scan3A_13, %dma_start3A] : memref<79x128xi32, #tpu.memory_space<vmem>> -> memref<1x128xi32, #tpu.memory_space<vmem>>
        %dma_start3A_15 = tpu.memref_squeeze %dma_start3A_14 : memref<1x128xi32, #tpu.memory_space<vmem>> -> memref<128xi32, #tpu.memory_space<vmem>>
        %dma_start3A_16 = arith.constant 0 : i32
        %dma_start3A_17 = arith.constant 0 : i32
        %dma_start3A_18 = tpu.memref_slice %arg10[%dma_start3A_16, %dma_start3A_17] : memref<10112x16xf32, #tpu.memory_space<vmem_shared>> -> memref<10112x16xf32, #tpu.memory_space<vmem_shared>>
        tpu.enqueue_indirect_dma source(%arg9 : memref<128x16xf32, #tpu.memory_space<vmem>>) target(%dma_start3A_18 : memref<10112x16xf32, #tpu.memory_space<vmem_shared>>) offsets(%dma_start3A_15 : memref<128xi32, #tpu.memory_space<vmem>>) semaphore(%run_scoped3A : memref<!tpu.dma_semaphore, #tpu.memory_space<semaphore_mem>>) {add = true}
        %dma_wait3A = arith.constant 0 : i32
        %dma_wait3A_19 = tpu.memref_slice %arg8[%scan3A_13, %dma_wait3A] : memref<79x128xi32, #tpu.memory_space<vmem>> -> memref<1x128xi32, #tpu.memory_space<vmem>>
        %dma_wait3A_20 = tpu.memref_squeeze %dma_wait3A_19 : memref<1x128xi32, #tpu.memory_space<vmem>> -> memref<128xi32, #tpu.memory_space<vmem>>
        %dma_wait3A_21 = arith.constant 0 : i32
        %dma_wait3A_22 = arith.constant 0 : i32
        %dma_wait3A_23 = tpu.memref_slice %arg10[%dma_wait3A_21, %dma_wait3A_22] : memref<10112x16xf32, #tpu.memory_space<vmem_shared>> -> memref<10112x16xf32, #tpu.memory_space<vmem_shared>>
        tpu.wait_indirect_dma semaphore(%run_scoped3A : memref<!tpu.dma_semaphore, #tpu.memory_space<semaphore_mem>>) src(%arg9 : memref<128x16xf32, #tpu.memory_space<vmem>>) dst(%dma_wait3A_23 : memref<10112x16xf32, #tpu.memory_space<vmem_shared>>)
        tpu.yield
      }) : () -> ()
    }
    %scan3A_7 = arith.constant 79 : i32
    %barrier3A_8 = arith.constant 0 : index
    tpu.barrier barrier_id(%barrier3A_8)
    %mul3A_9 = arith.constant 632 : i32
    %mul3A_10 = arith.muli %arg1, %mul3A_9 : i32
    %mul3A_11 = arith.constant 632 : i32
    %mul3A_12 = arith.muli %arg1, %mul3A_11 : i32
    "tpu.region"() ({
      %run_scoped3A = tpu.sem_alloc : memref<!tpu.dma_semaphore, #tpu.memory_space<semaphore_mem>>
      %dma_start3A = arith.constant 0 : i32
      %dma_start3A_13 = tpu.memref_slice %arg6[%arg0, %mul3A_12, %dma_start3A] : memref<2x10112x16xf32, #tpu.memory_space<hbm>> -> memref<1x632x16xf32, #tpu.memory_space<hbm>>
      %dma_start3A_14 = tpu.memref_squeeze %dma_start3A_13 : memref<1x632x16xf32, #tpu.memory_space<hbm>> -> memref<632x16xf32, #tpu.memory_space<hbm>>
      %dma_start3A_15 = arith.constant 0 : i32
      %dma_start3A_16 = tpu.memref_slice %arg10[%mul3A_10, %dma_start3A_15] : memref<10112x16xf32, #tpu.memory_space<vmem_shared>> -> memref<632x16xf32, #tpu.memory_space<vmem_shared>>
      tpu.enqueue_dma source(%dma_start3A_16 : memref<632x16xf32, #tpu.memory_space<vmem_shared>>) target(%dma_start3A_14 : memref<632x16xf32, #tpu.memory_space<hbm>>) target_semaphore(%run_scoped3A : memref<!tpu.dma_semaphore, #tpu.memory_space<semaphore_mem>>)
      %dma_wait3A = arith.constant 0 : i32
      %dma_wait3A_17 = tpu.memref_slice %arg6[%arg0, %mul3A_12, %dma_wait3A] : memref<2x10112x16xf32, #tpu.memory_space<hbm>> -> memref<1x632x16xf32, #tpu.memory_space<hbm>>
      %dma_wait3A_18 = tpu.memref_squeeze %dma_wait3A_17 : memref<1x632x16xf32, #tpu.memory_space<hbm>> -> memref<632x16xf32, #tpu.memory_space<hbm>>
      %dma_wait3A_19 = arith.constant 0 : i32
      %dma_wait3A_20 = tpu.memref_slice %arg10[%mul3A_10, %dma_wait3A_19] : memref<10112x16xf32, #tpu.memory_space<vmem_shared>> -> memref<632x16xf32, #tpu.memory_space<vmem_shared>>
      tpu.wait_dma2 semaphore(%run_scoped3A : memref<!tpu.dma_semaphore, #tpu.memory_space<semaphore_mem>>) src(%dma_wait3A_20 : memref<632x16xf32, #tpu.memory_space<vmem_shared>>) dst(%dma_wait3A_18 : memref<632x16xf32, #tpu.memory_space<hbm>>)
      tpu.yield
    }) : () -> ()
    return
  }
}

#map = affine_map<(d0, d1) -> (0, 0)>
#map1 = affine_map<(d0, d1) -> (0, 0, 0)>
module attributes {stable_mosaic.version = 14 : i64} {
  func.func @body(%arg0: i32, %arg1: i32, %arg2: memref<10000x16xf32, #tpu.memory_space<hbm>>, %arg3: memref<32x79x128xi32, #tpu.memory_space<hbm>>, %arg4: memref<32x79x128xi32, #tpu.memory_space<hbm>>, %arg5: memref<632x16xf32, #tpu.memory_space<hbm>>, %arg6: memref<2x10112x16xf32, #tpu.memory_space<hbm>>, %arg7: memref<79x128xi32, #tpu.memory_space<vmem>>, %arg8: memref<79x128xi32, #tpu.memory_space<vmem>>, %arg9: memref<128x16xf32, #tpu.memory_space<vmem>>, %arg10: memref<10112x16xf32, #tpu.memory_space<vmem_shared>>) attributes {dimension_semantics = [#tpu.dimension_semantics<core_parallel>, #tpu.dimension_semantics<subcore_parallel>], iteration_bounds = array<i64: 2, 16>, scalar_prefetch = 0 : i64, scratch_operands = 4 : i64, tpu.core_type = #tpu.core_type<sc_vector_subcore>, window_params = [{transform_indices = #map}, {transform_indices = #map1}, {transform_indices = #map1}, {transform_indices = #map}, {transform_indices = #map1}]} {
    %mul3A = arith.constant 16 : i32
    %mul3A_0 = arith.muli %arg0, %mul3A : i32
    %add3A = arith.addi %mul3A_0, %arg1 : i32
    "tpu.region"() ({
      %run_scoped3A = tpu.sem_alloc : memref<!tpu.dma_semaphore, #tpu.memory_space<semaphore_mem>>
      %dma_start3A = arith.constant 0 : i32
      %dma_start3A_13 = arith.constant 0 : i32
      %dma_start3A_14 = tpu.memref_slice %arg3[%add3A, %dma_start3A, %dma_start3A_13] : memref<32x79x128xi32, #tpu.memory_space<hbm>> -> memref<1x79x128xi32, #tpu.memory_space<hbm>>
      %dma_start3A_15 = tpu.memref_squeeze %dma_start3A_14 : memref<1x79x128xi32, #tpu.memory_space<hbm>> -> memref<79x128xi32, #tpu.memory_space<hbm>>
      %dma_start3A_16 = arith.constant 0 : i32
      %dma_start3A_17 = arith.constant 0 : i32
      %dma_start3A_18 = tpu.memref_slice %arg3[%add3A, %dma_start3A_16, %dma_start3A_17] : memref<32x79x128xi32, #tpu.memory_space<hbm>> -> memref<1x79x128xi32, #tpu.memory_space<hbm>>
      %dma_start3A_19 = tpu.memref_squeeze %dma_start3A_18 : memref<1x79x128xi32, #tpu.memory_space<hbm>> -> memref<79x128xi32, #tpu.memory_space<hbm>>
      tpu.enqueue_dma source(%dma_start3A_19 : memref<79x128xi32, #tpu.memory_space<hbm>>) target(%arg7 : memref<79x128xi32, #tpu.memory_space<vmem>>) target_semaphore(%run_scoped3A : memref<!tpu.dma_semaphore, #tpu.memory_space<semaphore_mem>>)
      %dma_wait3A = arith.constant 0 : i32
      %dma_wait3A_20 = arith.constant 0 : i32
      %dma_wait3A_21 = tpu.memref_slice %arg3[%add3A, %dma_wait3A, %dma_wait3A_20] : memref<32x79x128xi32, #tpu.memory_space<hbm>> -> memref<1x79x128xi32, #tpu.memory_space<hbm>>
      %dma_wait3A_22 = tpu.memref_squeeze %dma_wait3A_21 : memref<1x79x128xi32, #tpu.memory_space<hbm>> -> memref<79x128xi32, #tpu.memory_space<hbm>>
      %dma_wait3A_23 = arith.constant 0 : i32
      %dma_wait3A_24 = arith.constant 0 : i32
      %dma_wait3A_25 = tpu.memref_slice %arg3[%add3A, %dma_wait3A_23, %dma_wait3A_24] : memref<32x79x128xi32, #tpu.memory_space<hbm>> -> memref<1x79x128xi32, #tpu.memory_space<hbm>>
      %dma_wait3A_26 = tpu.memref_squeeze %dma_wait3A_25 : memref<1x79x128xi32, #tpu.memory_space<hbm>> -> memref<79x128xi32, #tpu.memory_space<hbm>>
      tpu.wait_dma2 semaphore(%run_scoped3A : memref<!tpu.dma_semaphore, #tpu.memory_space<semaphore_mem>>) src(%dma_wait3A_26 : memref<79x128xi32, #tpu.memory_space<hbm>>) dst(%arg7 : memref<79x128xi32, #tpu.memory_space<vmem>>)
      tpu.yield
    }) : () -> ()
    "tpu.region"() ({
      %run_scoped3A = tpu.sem_alloc : memref<!tpu.dma_semaphore, #tpu.memory_space<semaphore_mem>>
      %dma_start3A = arith.constant 0 : i32
      %dma_start3A_13 = arith.constant 0 : i32
      %dma_start3A_14 = tpu.memref_slice %arg4[%add3A, %dma_start3A, %dma_start3A_13] : memref<32x79x128xi32, #tpu.memory_space<hbm>> -> memref<1x79x128xi32, #tpu.memory_space<hbm>>
      %dma_start3A_15 = tpu.memref_squeeze %dma_start3A_14 : memref<1x79x128xi32, #tpu.memory_space<hbm>> -> memref<79x128xi32, #tpu.memory_space<hbm>>
      %dma_start3A_16 = arith.constant 0 : i32
      %dma_start3A_17 = arith.constant 0 : i32
      %dma_start3A_18 = tpu.memref_slice %arg4[%add3A, %dma_start3A_16, %dma_start3A_17] : memref<32x79x128xi32, #tpu.memory_space<hbm>> -> memref<1x79x128xi32, #tpu.memory_space<hbm>>
      %dma_start3A_19 = tpu.memref_squeeze %dma_start3A_18 : memref<1x79x128xi32, #tpu.memory_space<hbm>> -> memref<79x128xi32, #tpu.memory_space<hbm>>
      tpu.enqueue_dma source(%dma_start3A_19 : memref<79x128xi32, #tpu.memory_space<hbm>>) target(%arg8 : memref<79x128xi32, #tpu.memory_space<vmem>>) target_semaphore(%run_scoped3A : memref<!tpu.dma_semaphore, #tpu.memory_space<semaphore_mem>>)
      %dma_wait3A = arith.constant 0 : i32
      %dma_wait3A_20 = arith.constant 0 : i32
      %dma_wait3A_21 = tpu.memref_slice %arg4[%add3A, %dma_wait3A, %dma_wait3A_20] : memref<32x79x128xi32, #tpu.memory_space<hbm>> -> memref<1x79x128xi32, #tpu.memory_space<hbm>>
      %dma_wait3A_22 = tpu.memref_squeeze %dma_wait3A_21 : memref<1x79x128xi32, #tpu.memory_space<hbm>> -> memref<79x128xi32, #tpu.memory_space<hbm>>
      %dma_wait3A_23 = arith.constant 0 : i32
      %dma_wait3A_24 = arith.constant 0 : i32
      %dma_wait3A_25 = tpu.memref_slice %arg4[%add3A, %dma_wait3A_23, %dma_wait3A_24] : memref<32x79x128xi32, #tpu.memory_space<hbm>> -> memref<1x79x128xi32, #tpu.memory_space<hbm>>
      %dma_wait3A_26 = tpu.memref_squeeze %dma_wait3A_25 : memref<1x79x128xi32, #tpu.memory_space<hbm>> -> memref<79x128xi32, #tpu.memory_space<hbm>>
      tpu.wait_dma2 semaphore(%run_scoped3A : memref<!tpu.dma_semaphore, #tpu.memory_space<semaphore_mem>>) src(%dma_wait3A_26 : memref<79x128xi32, #tpu.memory_space<hbm>>) dst(%arg8 : memref<79x128xi32, #tpu.memory_space<vmem>>)
      tpu.yield
    }) : () -> ()
    %mul3A_1 = arith.constant 632 : i32
    %mul3A_2 = arith.muli %arg1, %mul3A_1 : i32
    "tpu.region"() ({
      %run_scoped3A = tpu.sem_alloc : memref<!tpu.dma_semaphore, #tpu.memory_space<semaphore_mem>>
      %dma_start3A = arith.constant 0 : i32
      %dma_start3A_13 = tpu.memref_slice %arg10[%mul3A_2, %dma_start3A] : memref<10112x16xf32, #tpu.memory_space<vmem_shared>> -> memref<632x16xf32, #tpu.memory_space<vmem_shared>>
      tpu.enqueue_dma source(%arg5 : memref<632x16xf32, #tpu.memory_space<hbm>>) target(%dma_start3A_13 : memref<632x16xf32, #tpu.memory_space<vmem_shared>>) target_semaphore(%run_scoped3A : memref<!tpu.dma_semaphore, #tpu.memory_space<semaphore_mem>>)
      %dma_wait3A = arith.constant 0 : i32
      %dma_wait3A_14 = tpu.memref_slice %arg10[%mul3A_2, %dma_wait3A] : memref<10112x16xf32, #tpu.memory_space<vmem_shared>> -> memref<632x16xf32, #tpu.memory_space<vmem_shared>>
      tpu.wait_dma2 semaphore(%run_scoped3A : memref<!tpu.dma_semaphore, #tpu.memory_space<semaphore_mem>>) src(%arg5 : memref<632x16xf32, #tpu.memory_space<hbm>>) dst(%dma_wait3A_14 : memref<632x16xf32, #tpu.memory_space<vmem_shared>>)
      tpu.yield
    }) : () -> ()
    %barrier3A = arith.constant 0 : index
    tpu.barrier barrier_id(%barrier3A)
    %scan3A = arith.constant 0 : i32
    %scan3A_3 = arith.constant 0 : i32
    %scan3A_4 = arith.constant 79 : i32
    %scan3A_5 = arith.addi %scan3A_3, %scan3A_4 : i32
    %scan3A_6 = arith.constant 1 : i32
    scf.for %scan3A_13 = %scan3A_3 to %scan3A_5 step %scan3A_6  : i32 {
      "tpu.region"() ({
        %run_scoped3A = tpu.sem_alloc : memref<!tpu.dma_semaphore, #tpu.memory_space<semaphore_mem>>
        %dma_start3A = arith.constant 0 : i32
        %dma_start3A_14 = tpu.memref_slice %arg7[%scan3A_13, %dma_start3A] : memref<79x128xi32, #tpu.memory_space<vmem>> -> memref<1x128xi32, #tpu.memory_space<vmem>>
        %dma_start3A_15 = tpu.memref_squeeze %dma_start3A_14 : memref<1x128xi32, #tpu.memory_space<vmem>> -> memref<128xi32, #tpu.memory_space<vmem>>
        %dma_start3A_16 = arith.constant 0 : i32
        %dma_start3A_17 = arith.constant 0 : i32
        %dma_start3A_18 = tpu.memref_slice %arg2[%dma_start3A_16, %dma_start3A_17] : memref<10000x16xf32, #tpu.memory_space<hbm>> -> memref<10000x16xf32, #tpu.memory_space<hbm>>
        tpu.enqueue_indirect_dma source(%dma_start3A_18 : memref<10000x16xf32, #tpu.memory_space<hbm>>) target(%arg9 : memref<128x16xf32, #tpu.memory_space<vmem>>) offsets(%dma_start3A_15 : memref<128xi32, #tpu.memory_space<vmem>>) semaphore(%run_scoped3A : memref<!tpu.dma_semaphore, #tpu.memory_space<semaphore_mem>>)
        %dma_wait3A = arith.constant 0 : i32
        %dma_wait3A_19 = tpu.memref_slice %arg7[%scan3A_13, %dma_wait3A] : memref<79x128xi32, #tpu.memory_space<vmem>> -> memref<1x128xi32, #tpu.memory_space<vmem>>
        %dma_wait3A_20 = tpu.memref_squeeze %dma_wait3A_19 : memref<1x128xi32, #tpu.memory_space<vmem>> -> memref<128xi32, #tpu.memory_space<vmem>>
        %dma_wait3A_21 = arith.constant 0 : i32
        %dma_wait3A_22 = arith.constant 0 : i32
        %dma_wait3A_23 = tpu.memref_slice %arg2[%dma_wait3A_21, %dma_wait3A_22] : memref<10000x16xf32, #tpu.memory_space<hbm>> -> memref<10000x16xf32, #tpu.memory_space<hbm>>
        tpu.wait_indirect_dma semaphore(%run_scoped3A : memref<!tpu.dma_semaphore, #tpu.memory_space<semaphore_mem>>) src(%dma_wait3A_23 : memref<10000x16xf32, #tpu.memory_space<hbm>>) dst(%arg9 : memref<128x16xf32, #tpu.memory_space<vmem>>)
        tpu.yield
      }) : () -> ()
      "tpu.region"() ({
        %run_scoped3A = tpu.sem_alloc : memref<!tpu.dma_semaphore, #tpu.memory_space<semaphore_mem>>
        %dma_start3A = arith.constant 0 : i32
        %dma_start3A_14 = tpu.memref_slice %arg8[%scan3A_13, %dma_start3A] : memref<79x128xi32, #tpu.memory_space<vmem>> -> memref<1x128xi32, #tpu.memory_space<vmem>>
        %dma_start3A_15 = tpu.memref_squeeze %dma_start3A_14 : memref<1x128xi32, #tpu.memory_space<vmem>> -> memref<128xi32, #tpu.memory_space<vmem>>
        %dma_start3A_16 = arith.constant 0 : i32
        %dma_start3A_17 = arith.constant 0 : i32
        %dma_start3A_18 = tpu.memref_slice %arg10[%dma_start3A_16, %dma_start3A_17] : memref<10112x16xf32, #tpu.memory_space<vmem_shared>> -> memref<10112x16xf32, #tpu.memory_space<vmem_shared>>
        tpu.enqueue_indirect_dma source(%arg9 : memref<128x16xf32, #tpu.memory_space<vmem>>) target(%dma_start3A_18 : memref<10112x16xf32, #tpu.memory_space<vmem_shared>>) offsets(%dma_start3A_15 : memref<128xi32, #tpu.memory_space<vmem>>) semaphore(%run_scoped3A : memref<!tpu.dma_semaphore, #tpu.memory_space<semaphore_mem>>) {add = true}
        %dma_wait3A = arith.constant 0 : i32
        %dma_wait3A_19 = tpu.memref_slice %arg8[%scan3A_13, %dma_wait3A] : memref<79x128xi32, #tpu.memory_space<vmem>> -> memref<1x128xi32, #tpu.memory_space<vmem>>
        %dma_wait3A_20 = tpu.memref_squeeze %dma_wait3A_19 : memref<1x128xi32, #tpu.memory_space<vmem>> -> memref<128xi32, #tpu.memory_space<vmem>>
        %dma_wait3A_21 = arith.constant 0 : i32
        %dma_wait3A_22 = arith.constant 0 : i32
        %dma_wait3A_23 = tpu.memref_slice %arg10[%dma_wait3A_21, %dma_wait3A_22] : memref<10112x16xf32, #tpu.memory_space<vmem_shared>> -> memref<10112x16xf32, #tpu.memory_space<vmem_shared>>
        tpu.wait_indirect_dma semaphore(%run_scoped3A : memref<!tpu.dma_semaphore, #tpu.memory_space<semaphore_mem>>) src(%arg9 : memref<128x16xf32, #tpu.memory_space<vmem>>) dst(%dma_wait3A_23 : memref<10112x16xf32, #tpu.memory_space<vmem_shared>>)
        tpu.yield
      }) : () -> ()
    }
    %scan3A_7 = arith.constant 79 : i32
    %barrier3A_8 = arith.constant 0 : index
    tpu.barrier barrier_id(%barrier3A_8)
    %mul3A_9 = arith.constant 632 : i32
    %mul3A_10 = arith.muli %arg1, %mul3A_9 : i32
    %mul3A_11 = arith.constant 632 : i32
    %mul3A_12 = arith.muli %arg1, %mul3A_11 : i32
    "tpu.region"() ({
      %run_scoped3A = tpu.sem_alloc : memref<!tpu.dma_semaphore, #tpu.memory_space<semaphore_mem>>
      %dma_start3A = arith.constant 0 : i32
      %dma_start3A_13 = tpu.memref_slice %arg6[%arg0, %mul3A_12, %dma_start3A] : memref<2x10112x16xf32, #tpu.memory_space<hbm>> -> memref<1x632x16xf32, #tpu.memory_space<hbm>>
      %dma_start3A_14 = tpu.memref_squeeze %dma_start3A_13 : memref<1x632x16xf32, #tpu.memory_space<hbm>> -> memref<632x16xf32, #tpu.memory_space<hbm>>
      %dma_start3A_15 = arith.constant 0 : i32
      %dma_start3A_16 = tpu.memref_slice %arg10[%mul3A_10, %dma_start3A_15] : memref<10112x16xf32, #tpu.memory_space<vmem_shared>> -> memref<632x16xf32, #tpu.memory_space<vmem_shared>>
      tpu.enqueue_dma source(%dma_start3A_16 : memref<632x16xf32, #tpu.memory_space<vmem_shared>>) target(%dma_start3A_14 : memref<632x16xf32, #tpu.memory_space<hbm>>) target_semaphore(%run_scoped3A : memref<!tpu.dma_semaphore, #tpu.memory_space<semaphore_mem>>)
      %dma_wait3A = arith.constant 0 : i32
      %dma_wait3A_17 = tpu.memref_slice %arg6[%arg0, %mul3A_12, %dma_wait3A] : memref<2x10112x16xf32, #tpu.memory_space<hbm>> -> memref<1x632x16xf32, #tpu.memory_space<hbm>>
      %dma_wait3A_18 = tpu.memref_squeeze %dma_wait3A_17 : memref<1x632x16xf32, #tpu.memory_space<hbm>> -> memref<632x16xf32, #tpu.memory_space<hbm>>
      %dma_wait3A_19 = arith.constant 0 : i32
      %dma_wait3A_20 = tpu.memref_slice %arg10[%mul3A_10, %dma_wait3A_19] : memref<10112x16xf32, #tpu.memory_space<vmem_shared>> -> memref<632x16xf32, #tpu.memory_space<vmem_shared>>
      tpu.wait_dma2 semaphore(%run_scoped3A : memref<!tpu.dma_semaphore, #tpu.memory_space<semaphore_mem>>) src(%dma_wait3A_20 : memref<632x16xf32, #tpu.memory_space<vmem_shared>>) dst(%dma_wait3A_18 : memref<632x16xf32, #tpu.memory_space<hbm>>)
      tpu.yield
    }) : () -> ()
    return
  }
}

module attributes {stable_mosaic.version = 14 : i64} {
  func.func @_proj_body(%arg0: i32, %arg1: memref<1000x128xf32, #tpu.memory_space<vmem>>, %arg2: memref<128x16xf32, #tpu.memory_space<vmem>>, %arg3: memref<1000x16xf32, #tpu.memory_space<vmem>>) attributes {dimension_semantics = [#tpu.dimension_semantics<arbitrary>], iteration_bounds = array<i64: 10>, scalar_prefetch = 0 : i64, scratch_operands = 0 : i64, tpu.core_type = #tpu.core_type<tc>, window_params = [{transform_indices = @transform_0, window_bounds = array<i64: 1000, 128>}, {pipeline_mode = #tpu.pipeline_mode<synchronous>, transform_indices = @transform_1, window_bounds = array<i64: 128, 16>}, {transform_indices = @transform_2, window_bounds = array<i64: 1000, 16>}]} {
    %get3A = arith.constant 0 : index
    %get3A_0 = arith.constant 0 : index
    %get3A_1 = vector.load %arg1[%get3A, %get3A_0] : memref<1000x128xf32, #tpu.memory_space<vmem>>, vector<1000x128xf32>
    %get3A_2 = arith.constant 0 : index
    %get3A_3 = arith.constant 0 : index
    %get3A_4 = vector.load %arg2[%get3A_2, %get3A_3] : memref<128x16xf32, #tpu.memory_space<vmem>>, vector<128x16xf32>
    %dot_general3A = arith.constant dense<0.000000e+00> : vector<1000x16xf32>
    %dot_general3A_5 = tpu.matmul %get3A_1, %get3A_4, %dot_general3A {dimension_numbers = #tpu.dot_dimension_numbers<[1], [0], [0], [1], [0, 0, 1, 1], [], []>, transpose_lhs_hint = false} : vector<1000x128xf32>, vector<128x16xf32>, vector<1000x16xf32> -> vector<1000x16xf32>
    %swap3A = arith.constant 0 : index
    %swap3A_6 = arith.constant 0 : index
    %swap3A_7 = vector.load %arg3[%swap3A, %swap3A_6] : memref<1000x16xf32, #tpu.memory_space<vmem>>, vector<1000x16xf32>
    tpu.vector_store %arg3[%swap3A, %swap3A_6], %dot_general3A_5 {strides = array<i32>} : memref<1000x16xf32, #tpu.memory_space<vmem>>, vector<1000x16xf32>,
    return
  }
  func.func @transform_0(%arg0: i32) -> (i32, i32) {
    %c0_i32 = arith.constant 0 : i32
    %c0_i32_0 = arith.constant 0 : i32
    return %arg0, %c0_i32 : i32, i32
  }
  func.func @transform_1(%arg0: i32) -> (i32, i32) {
    %c0_i32 = arith.constant 0 : i32
    %c0_i32_0 = arith.constant 0 : i32
    %c0_i32_1 = arith.constant 0 : i32
    return %c0_i32, %c0_i32_0 : i32, i32
  }
  func.func @transform_2(%arg0: i32) -> (i32, i32) {
    %c0_i32 = arith.constant 0 : i32
    %c0_i32_0 = arith.constant 0 : i32
    return %arg0, %c0_i32 : i32, i32
  }
}

module attributes {stable_mosaic.version = 14 : i64} {
  func.func @_epi_body(%arg0: i32, %arg1: memref<1000x16xf32, #tpu.memory_space<vmem>>, %arg2: memref<1000x16xf32, #tpu.memory_space<vmem>>, %arg3: memref<1000x16xf32, #tpu.memory_space<vmem>>, %arg4: memref<16x16xf32, #tpu.memory_space<vmem>>, %arg5: memref<1x16xf32, #tpu.memory_space<vmem>>, %arg6: memref<1x16xf32, #tpu.memory_space<vmem>>, %arg7: memref<1x16xf32, #tpu.memory_space<vmem>>, %arg8: memref<16x16xf32, #tpu.memory_space<vmem>>, %arg9: memref<1x16xf32, #tpu.memory_space<vmem>>, %arg10: memref<1000x16xf32, #tpu.memory_space<vmem>>) attributes {dimension_semantics = [#tpu.dimension_semantics<arbitrary>], iteration_bounds = array<i64: 10>, scalar_prefetch = 0 : i64, scratch_operands = 0 : i64, tpu.core_type = #tpu.core_type<tc>, window_params = [{transform_indices = @transform_0, window_bounds = array<i64: 1000, 16>}, {transform_indices = @transform_1, window_bounds = array<i64: 1000, 16>}, {transform_indices = @transform_2, window_bounds = array<i64: 1000, 16>}, {pipeline_mode = #tpu.pipeline_mode<synchronous>, transform_indices = @transform_3, window_bounds = array<i64: 16, 16>}, {pipeline_mode = #tpu.pipeline_mode<synchronous>, transform_indices = @transform_4, window_bounds = array<i64: 1, 16>}, {pipeline_mode = #tpu.pipeline_mode<synchronous>, transform_indices = @transform_5, window_bounds = array<i64: 1, 16>}, {pipeline_mode = #tpu.pipeline_mode<synchronous>, transform_indices = @transform_6, window_bounds = array<i64: 1, 16>}, {pipeline_mode = #tpu.pipeline_mode<synchronous>, transform_indices = @transform_7, window_bounds = array<i64: 16, 16>}, {pipeline_mode = #tpu.pipeline_mode<synchronous>, transform_indices = @transform_8, window_bounds = array<i64: 1, 16>}, {transform_indices = @transform_9, window_bounds = array<i64: 1000, 16>}]} {
    %get3A = arith.constant 0 : index
    %get3A_0 = arith.constant 0 : index
    %get3A_1 = vector.load %arg1[%get3A, %get3A_0] : memref<1000x16xf32, #tpu.memory_space<vmem>>, vector<1000x16xf32>
    %get3A_2 = arith.constant 0 : index
    %get3A_3 = arith.constant 0 : index
    %get3A_4 = vector.load %arg2[%get3A_2, %get3A_3] : memref<1000x16xf32, #tpu.memory_space<vmem>>, vector<1000x16xf32>
    %add3A = arith.addf %get3A_1, %get3A_4 : vector<1000x16xf32>
    %get3A_5 = arith.constant 0 : index
    %get3A_6 = arith.constant 0 : index
    %get3A_7 = vector.load %arg3[%get3A_5, %get3A_6] : memref<1000x16xf32, #tpu.memory_space<vmem>>, vector<1000x16xf32>
    %add3A_8 = arith.addf %add3A, %get3A_7 : vector<1000x16xf32>
    %get3A_9 = arith.constant 0 : index
    %get3A_10 = arith.constant 0 : index
    %get3A_11 = vector.load %arg4[%get3A_9, %get3A_10] : memref<16x16xf32, #tpu.memory_space<vmem>>, vector<16x16xf32>
    %dot_general3A = arith.constant dense<0.000000e+00> : vector<1000x16xf32>
    %dot_general3A_12 = tpu.matmul %add3A_8, %get3A_11, %dot_general3A {dimension_numbers = #tpu.dot_dimension_numbers<[1], [0], [0], [1], [0, 0, 1, 1], [], []>, transpose_lhs_hint = false} : vector<1000x16xf32>, vector<16x16xf32>, vector<1000x16xf32> -> vector<1000x16xf32>
    %get3A_13 = arith.constant 0 : index
    %get3A_14 = arith.constant 0 : index
    %get3A_15 = vector.load %arg5[%get3A_13, %get3A_14] : memref<1x16xf32, #tpu.memory_space<vmem>>, vector<1x16xf32>
    %add3A_16 = vector.broadcast %get3A_15 : vector<1x16xf32> to vector<1000x16xf32>
    %add3A_17 = arith.addf %dot_general3A_12, %add3A_16 : vector<1000x16xf32>
    %get3A_18 = arith.constant 0 : index
    %get3A_19 = arith.constant 0 : index
    %get3A_20 = vector.load %arg6[%get3A_18, %get3A_19] : memref<1x16xf32, #tpu.memory_space<vmem>>, vector<1x16xf32>
    %mul3A = vector.broadcast %get3A_20 : vector<1x16xf32> to vector<1000x16xf32>
    %mul3A_21 = arith.mulf %add3A_17, %mul3A : vector<1000x16xf32>
    %get3A_22 = arith.constant 0 : index
    %get3A_23 = arith.constant 0 : index
    %get3A_24 = vector.load %arg7[%get3A_22, %get3A_23] : memref<1x16xf32, #tpu.memory_space<vmem>>, vector<1x16xf32>
    %add3A_25 = vector.broadcast %get3A_24 : vector<1x16xf32> to vector<1000x16xf32>
    %add3A_26 = arith.addf %mul3A_21, %add3A_25 : vector<1000x16xf32>
    %max3A = arith.constant 0.000000e+00 : f32
    %max3A_27 = vector.broadcast %max3A : f32 to vector<1000x16xf32>
    %max3A_28 = arith.maximumf %add3A_26, %max3A_27 : vector<1000x16xf32>
    %get3A_29 = arith.constant 0 : index
    %get3A_30 = arith.constant 0 : index
    %get3A_31 = vector.load %arg8[%get3A_29, %get3A_30] : memref<16x16xf32, #tpu.memory_space<vmem>>, vector<16x16xf32>
    %dot_general3A_32 = arith.constant dense<0.000000e+00> : vector<1000x16xf32>
    %dot_general3A_33 = tpu.matmul %max3A_28, %get3A_31, %dot_general3A_32 {dimension_numbers = #tpu.dot_dimension_numbers<[1], [0], [0], [1], [0, 0, 1, 1], [], []>, transpose_lhs_hint = false} : vector<1000x16xf32>, vector<16x16xf32>, vector<1000x16xf32> -> vector<1000x16xf32>
    %get3A_34 = arith.constant 0 : index
    %get3A_35 = arith.constant 0 : index
    %get3A_36 = vector.load %arg9[%get3A_34, %get3A_35] : memref<1x16xf32, #tpu.memory_space<vmem>>, vector<1x16xf32>
    %add3A_37 = vector.broadcast %get3A_36 : vector<1x16xf32> to vector<1000x16xf32>
    %add3A_38 = arith.addf %dot_general3A_33, %add3A_37 : vector<1000x16xf32>
    %max3A_39 = arith.constant 0.000000e+00 : f32
    %max3A_40 = vector.broadcast %max3A_39 : f32 to vector<1000x16xf32>
    %max3A_41 = arith.maximumf %add3A_38, %max3A_40 : vector<1000x16xf32>
    %swap3A = arith.constant 0 : index
    %swap3A_42 = arith.constant 0 : index
    %swap3A_43 = vector.load %arg10[%swap3A, %swap3A_42] : memref<1000x16xf32, #tpu.memory_space<vmem>>, vector<1000x16xf32>
    tpu.vector_store %arg10[%swap3A, %swap3A_42], %max3A_41 {strides = array<i32>} : memref<1000x16xf32, #tpu.memory_space<vmem>>, vector<1000x16xf32>,
    return
  }
  func.func @transform_0(%arg0: i32) -> (i32, i32) {
    %c0_i32 = arith.constant 0 : i32
    %c0_i32_0 = arith.constant 0 : i32
    return %arg0, %c0_i32 : i32, i32
  }
  func.func @transform_1(%arg0: i32) -> (i32, i32) {
    %c0_i32 = arith.constant 0 : i32
    %c0_i32_0 = arith.constant 0 : i32
    return %arg0, %c0_i32 : i32, i32
  }
  func.func @transform_2(%arg0: i32) -> (i32, i32) {
    %c0_i32 = arith.constant 0 : i32
    %c0_i32_0 = arith.constant 0 : i32
    return %arg0, %c0_i32 : i32, i32
  }
  func.func @transform_3(%arg0: i32) -> (i32, i32) {
    %c0_i32 = arith.constant 0 : i32
    %c0_i32_0 = arith.constant 0 : i32
    %c0_i32_1 = arith.constant 0 : i32
    return %c0_i32, %c0_i32_0 : i32, i32
  }
  func.func @transform_4(%arg0: i32) -> (i32, i32) {
    %c0_i32 = arith.constant 0 : i32
    %c0_i32_0 = arith.constant 0 : i32
    %c0_i32_1 = arith.constant 0 : i32
    return %c0_i32, %c0_i32_0 : i32, i32
  }
  func.func @transform_5(%arg0: i32) -> (i32, i32) {
    %c0_i32 = arith.constant 0 : i32
    %c0_i32_0 = arith.constant 0 : i32
    %c0_i32_1 = arith.constant 0 : i32
    return %c0_i32, %c0_i32_0 : i32, i32
  }
  func.func @transform_6(%arg0: i32) -> (i32, i32) {
    %c0_i32 = arith.constant 0 : i32
    %c0_i32_0 = arith.constant 0 : i32
    %c0_i32_1 = arith.constant 0 : i32
    return %c0_i32, %c0_i32_0 : i32, i32
  }
  func.func @transform_7(%arg0: i32) -> (i32, i32) {
    %c0_i32 = arith.constant 0 : i32
    %c0_i32_0 = arith.constant 0 : i32
    %c0_i32_1 = arith.constant 0 : i32
    return %c0_i32, %c0_i32_0 : i32, i32
  }
  func.func @transform_8(%arg0: i32) -> (i32, i32) {
    %c0_i32 = arith.constant 0 : i32
    %c0_i32_0 = arith.constant 0 : i32
    %c0_i32_1 = arith.constant 0 : i32
    return %c0_i32, %c0_i32_0 : i32, i32
  }
  func.func @transform_9(%arg0: i32) -> (i32, i32) {
    %c0_i32 = arith.constant 0 : i32
    %c0_i32_0 = arith.constant 0 : i32
    return %arg0, %c0_i32 : i32, i32
  }
}

module attributes {stable_mosaic.version = 14 : i64} {
  func.func @_final_body(%arg0: i32, %arg1: memref<1000x16xf32, #tpu.memory_space<vmem>>, %arg2: memref<1000x16xf32, #tpu.memory_space<vmem>>, %arg3: memref<1000x16xf32, #tpu.memory_space<vmem>>, %arg4: memref<16x16xf32, #tpu.memory_space<vmem>>, %arg5: memref<1x16xf32, #tpu.memory_space<vmem>>, %arg6: memref<1x16xf32, #tpu.memory_space<vmem>>, %arg7: memref<1x16xf32, #tpu.memory_space<vmem>>, %arg8: memref<16x16xf32, #tpu.memory_space<vmem>>, %arg9: memref<1x16xf32, #tpu.memory_space<vmem>>, %arg10: memref<16x16xf32, #tpu.memory_space<vmem>>, %arg11: memref<1x16xf32, #tpu.memory_space<vmem>>, %arg12: memref<1000x16xf32, #tpu.memory_space<vmem>>) attributes {dimension_semantics = [#tpu.dimension_semantics<arbitrary>], iteration_bounds = array<i64: 10>, scalar_prefetch = 0 : i64, scratch_operands = 0 : i64, tpu.core_type = #tpu.core_type<tc>, window_params = [{transform_indices = @transform_0, window_bounds = array<i64: 1000, 16>}, {transform_indices = @transform_1, window_bounds = array<i64: 1000, 16>}, {transform_indices = @transform_2, window_bounds = array<i64: 1000, 16>}, {pipeline_mode = #tpu.pipeline_mode<synchronous>, transform_indices = @transform_3, window_bounds = array<i64: 16, 16>}, {pipeline_mode = #tpu.pipeline_mode<synchronous>, transform_indices = @transform_4, window_bounds = array<i64: 1, 16>}, {pipeline_mode = #tpu.pipeline_mode<synchronous>, transform_indices = @transform_5, window_bounds = array<i64: 1, 16>}, {pipeline_mode = #tpu.pipeline_mode<synchronous>, transform_indices = @transform_6, window_bounds = array<i64: 1, 16>}, {pipeline_mode = #tpu.pipeline_mode<synchronous>, transform_indices = @transform_7, window_bounds = array<i64: 16, 16>}, {pipeline_mode = #tpu.pipeline_mode<synchronous>, transform_indices = @transform_8, window_bounds = array<i64: 1, 16>}, {pipeline_mode = #tpu.pipeline_mode<synchronous>, transform_indices = @transform_9, window_bounds = array<i64: 16, 16>}, {pipeline_mode = #tpu.pipeline_mode<synchronous>, transform_indices = @transform_10, window_bounds = array<i64: 1, 16>}, {transform_indices = @transform_11, window_bounds = array<i64: 1000, 16>}]} {
    %get3A = arith.constant 0 : index
    %get3A_0 = arith.constant 0 : index
    %get3A_1 = vector.load %arg1[%get3A, %get3A_0] : memref<1000x16xf32, #tpu.memory_space<vmem>>, vector<1000x16xf32>
    %get3A_2 = arith.constant 0 : index
    %get3A_3 = arith.constant 0 : index
    %get3A_4 = vector.load %arg2[%get3A_2, %get3A_3] : memref<1000x16xf32, #tpu.memory_space<vmem>>, vector<1000x16xf32>
    %add3A = arith.addf %get3A_1, %get3A_4 : vector<1000x16xf32>
    %get3A_5 = arith.constant 0 : index
    %get3A_6 = arith.constant 0 : index
    %get3A_7 = vector.load %arg3[%get3A_5, %get3A_6] : memref<1000x16xf32, #tpu.memory_space<vmem>>, vector<1000x16xf32>
    %add3A_8 = arith.addf %add3A, %get3A_7 : vector<1000x16xf32>
    %get3A_9 = arith.constant 0 : index
    %get3A_10 = arith.constant 0 : index
    %get3A_11 = vector.load %arg4[%get3A_9, %get3A_10] : memref<16x16xf32, #tpu.memory_space<vmem>>, vector<16x16xf32>
    %dot_general3A = arith.constant dense<0.000000e+00> : vector<1000x16xf32>
    %dot_general3A_12 = tpu.matmul %add3A_8, %get3A_11, %dot_general3A {dimension_numbers = #tpu.dot_dimension_numbers<[1], [0], [0], [1], [0, 0, 1, 1], [], []>, transpose_lhs_hint = false} : vector<1000x16xf32>, vector<16x16xf32>, vector<1000x16xf32> -> vector<1000x16xf32>
    %get3A_13 = arith.constant 0 : index
    %get3A_14 = arith.constant 0 : index
    %get3A_15 = vector.load %arg5[%get3A_13, %get3A_14] : memref<1x16xf32, #tpu.memory_space<vmem>>, vector<1x16xf32>
    %add3A_16 = vector.broadcast %get3A_15 : vector<1x16xf32> to vector<1000x16xf32>
    %add3A_17 = arith.addf %dot_general3A_12, %add3A_16 : vector<1000x16xf32>
    %get3A_18 = arith.constant 0 : index
    %get3A_19 = arith.constant 0 : index
    %get3A_20 = vector.load %arg6[%get3A_18, %get3A_19] : memref<1x16xf32, #tpu.memory_space<vmem>>, vector<1x16xf32>
    %mul3A = vector.broadcast %get3A_20 : vector<1x16xf32> to vector<1000x16xf32>
    %mul3A_21 = arith.mulf %add3A_17, %mul3A : vector<1000x16xf32>
    %get3A_22 = arith.constant 0 : index
    %get3A_23 = arith.constant 0 : index
    %get3A_24 = vector.load %arg7[%get3A_22, %get3A_23] : memref<1x16xf32, #tpu.memory_space<vmem>>, vector<1x16xf32>
    %add3A_25 = vector.broadcast %get3A_24 : vector<1x16xf32> to vector<1000x16xf32>
    %add3A_26 = arith.addf %mul3A_21, %add3A_25 : vector<1000x16xf32>
    %max3A = arith.constant 0.000000e+00 : f32
    %max3A_27 = vector.broadcast %max3A : f32 to vector<1000x16xf32>
    %max3A_28 = arith.maximumf %add3A_26, %max3A_27 : vector<1000x16xf32>
    %get3A_29 = arith.constant 0 : index
    %get3A_30 = arith.constant 0 : index
    %get3A_31 = vector.load %arg8[%get3A_29, %get3A_30] : memref<16x16xf32, #tpu.memory_space<vmem>>, vector<16x16xf32>
    %dot_general3A_32 = arith.constant dense<0.000000e+00> : vector<1000x16xf32>
    %dot_general3A_33 = tpu.matmul %max3A_28, %get3A_31, %dot_general3A_32 {dimension_numbers = #tpu.dot_dimension_numbers<[1], [0], [0], [1], [0, 0, 1, 1], [], []>, transpose_lhs_hint = false} : vector<1000x16xf32>, vector<16x16xf32>, vector<1000x16xf32> -> vector<1000x16xf32>
    %get3A_34 = arith.constant 0 : index
    %get3A_35 = arith.constant 0 : index
    %get3A_36 = vector.load %arg9[%get3A_34, %get3A_35] : memref<1x16xf32, #tpu.memory_space<vmem>>, vector<1x16xf32>
    %add3A_37 = vector.broadcast %get3A_36 : vector<1x16xf32> to vector<1000x16xf32>
    %add3A_38 = arith.addf %dot_general3A_33, %add3A_37 : vector<1000x16xf32>
    %get3A_39 = arith.constant 0 : index
    %get3A_40 = arith.constant 0 : index
    %get3A_41 = vector.load %arg10[%get3A_39, %get3A_40] : memref<16x16xf32, #tpu.memory_space<vmem>>, vector<16x16xf32>
    %dot_general3A_42 = arith.constant dense<0.000000e+00> : vector<1000x16xf32>
    %dot_general3A_43 = tpu.matmul %add3A_38, %get3A_41, %dot_general3A_42 {dimension_numbers = #tpu.dot_dimension_numbers<[1], [0], [0], [1], [0, 0, 1, 1], [], []>, transpose_lhs_hint = false} : vector<1000x16xf32>, vector<16x16xf32>, vector<1000x16xf32> -> vector<1000x16xf32>
    %get3A_44 = arith.constant 0 : index
    %get3A_45 = arith.constant 0 : index
    %get3A_46 = vector.load %arg11[%get3A_44, %get3A_45] : memref<1x16xf32, #tpu.memory_space<vmem>>, vector<1x16xf32>
    %add3A_47 = vector.broadcast %get3A_46 : vector<1x16xf32> to vector<1000x16xf32>
    %add3A_48 = arith.addf %dot_general3A_43, %add3A_47 : vector<1000x16xf32>
    %iota3A = tpu.iota {dimensions = array<i32: 1>} : vector<1000x16xi32>
    %lt3A = arith.constant 8 : i32
    %lt3A_49 = vector.broadcast %lt3A : i32 to vector<1000x16xi32>
    %lt3A_50 = arith.cmpi slt, %iota3A, %lt3A_49 : vector<1000x16xi32>
    %custom_jvp_call3A = arith.constant 0.000000e+00 : f32
    %max3A_51 = vector.broadcast %custom_jvp_call3A : f32 to vector<1000x16xf32>
    %max3A_52 = arith.maximumf %add3A_48, %max3A_51 : vector<1000x16xf32>
    %sub3A = vector.broadcast %custom_jvp_call3A : f32 to vector<1000x16xf32>
    %sub3A_53 = arith.subf %add3A_48, %sub3A : vector<1000x16xf32>
    %ne3A = arith.cmpf one, %sub3A_53, %sub3A_53 : vector<1000x16xf32>
    %add3A_54 = vector.broadcast %custom_jvp_call3A : f32 to vector<1000x16xf32>
    %add3A_55 = arith.addf %add3A_48, %add3A_54 : vector<1000x16xf32>
    %abs3A = math.absf %sub3A_53 : vector<1000x16xf32>
    %neg3A = arith.constant 0.000000e+00 : f32
    %neg3A_56 = vector.broadcast %neg3A : f32 to vector<1000x16xf32>
    %neg3A_57 = arith.subf %neg3A_56, %abs3A : vector<1000x16xf32>
    %exp3A = math.exp %neg3A_57 : vector<1000x16xf32>
    %log1p3A = math.log1p %exp3A : vector<1000x16xf32>
    %add3A_58 = arith.addf %max3A_52, %log1p3A : vector<1000x16xf32>
    %select_n3A = arith.select %ne3A, %add3A_55, %add3A_58 : vector<1000x16xi1>, vector<1000x16xf32>
    %select_n3A_59 = arith.select %lt3A_50, %add3A_48, %select_n3A : vector<1000x16xi1>, vector<1000x16xf32>
    %swap3A = arith.constant 0 : index
    %swap3A_60 = arith.constant 0 : index
    %swap3A_61 = vector.load %arg12[%swap3A, %swap3A_60] : memref<1000x16xf32, #tpu.memory_space<vmem>>, vector<1000x16xf32>
    tpu.vector_store %arg12[%swap3A, %swap3A_60], %select_n3A_59 {strides = array<i32>} : memref<1000x16xf32, #tpu.memory_space<vmem>>, vector<1000x16xf32>,
    return
  }
  func.func @transform_0(%arg0: i32) -> (i32, i32) {
    %c0_i32 = arith.constant 0 : i32
    %c0_i32_0 = arith.constant 0 : i32
    return %arg0, %c0_i32 : i32, i32
  }
  func.func @transform_1(%arg0: i32) -> (i32, i32) {
    %c0_i32 = arith.constant 0 : i32
    %c0_i32_0 = arith.constant 0 : i32
    return %arg0, %c0_i32 : i32, i32
  }
  func.func @transform_2(%arg0: i32) -> (i32, i32) {
    %c0_i32 = arith.constant 0 : i32
    %c0_i32_0 = arith.constant 0 : i32
    return %arg0, %c0_i32 : i32, i32
  }
  func.func @transform_3(%arg0: i32) -> (i32, i32) {
    %c0_i32 = arith.constant 0 : i32
    %c0_i32_0 = arith.constant 0 : i32
    %c0_i32_1 = arith.constant 0 : i32
    return %c0_i32, %c0_i32_0 : i32, i32
  }
  func.func @transform_4(%arg0: i32) -> (i32, i32) {
    %c0_i32 = arith.constant 0 : i32
    %c0_i32_0 = arith.constant 0 : i32
    %c0_i32_1 = arith.constant 0 : i32
    return %c0_i32, %c0_i32_0 : i32, i32
  }
  func.func @transform_5(%arg0: i32) -> (i32, i32) {
    %c0_i32 = arith.constant 0 : i32
    %c0_i32_0 = arith.constant 0 : i32
    %c0_i32_1 = arith.constant 0 : i32
    return %c0_i32, %c0_i32_0 : i32, i32
  }
  func.func @transform_6(%arg0: i32) -> (i32, i32) {
    %c0_i32 = arith.constant 0 : i32
    %c0_i32_0 = arith.constant 0 : i32
    %c0_i32_1 = arith.constant 0 : i32
    return %c0_i32, %c0_i32_0 : i32, i32
  }
  func.func @transform_7(%arg0: i32) -> (i32, i32) {
    %c0_i32 = arith.constant 0 : i32
    %c0_i32_0 = arith.constant 0 : i32
    %c0_i32_1 = arith.constant 0 : i32
    return %c0_i32, %c0_i32_0 : i32, i32
  }
  func.func @transform_8(%arg0: i32) -> (i32, i32) {
    %c0_i32 = arith.constant 0 : i32
    %c0_i32_0 = arith.constant 0 : i32
    %c0_i32_1 = arith.constant 0 : i32
    return %c0_i32, %c0_i32_0 : i32, i32
  }
  func.func @transform_9(%arg0: i32) -> (i32, i32) {
    %c0_i32 = arith.constant 0 : i32
    %c0_i32_0 = arith.constant 0 : i32
    %c0_i32_1 = arith.constant 0 : i32
    return %c0_i32, %c0_i32_0 : i32, i32
  }
  func.func @transform_10(%arg0: i32) -> (i32, i32) {
    %c0_i32 = arith.constant 0 : i32
    %c0_i32_0 = arith.constant 0 : i32
    %c0_i32_1 = arith.constant 0 : i32
    return %c0_i32, %c0_i32_0 : i32, i32
  }
  func.func @transform_11(%arg0: i32) -> (i32, i32) {
    %c0_i32 = arith.constant 0 : i32
    %c0_i32_0 = arith.constant 0 : i32
    return %arg0, %c0_i32 : i32, i32
  }
}

</mosaic_0001>

<sc_bundles>
// kernel: kernel.23.cloned.1.call-start
scs
__scs_entry_jumppad:
0x0: {  	(pc) =	sbr.rel $0x88, $3  }
0x1: {  	(tag) =	ssettag $0x0;
	lr =	simm.s32 $0x1  }
0x2: {  	[smem:$0x3F8B] =	sst lr;
	_ =	strace $0xD0000000  }
0x3: {  	_ = 	snop  }
0x4: {  	_ = 	snop  }
0x5: {  	_ = 	snop  }
0x6: {  	_ = 	snop  }
0x7: {  	_ = 	snop  }
__scs_overlays_trampoline_lowered:
0x8: {  	[smem:$0x3F9A] =	sst s0  }
0x9: {  	[smem:$0x3F9B] =	sst s1  }
0xa: {  	[smem:$0x3F9C] =	sst s2  }
0xb: {  	[smem:$0x3F9D] =	sst s3  }
0xc: {  	[smem:$0x3F9E] =	sst s4  }
0xd: {  	[smem:$0x3F9F] =	sst s5  }
0xe: {  	[smem:$0x3FA0] =	sst s6  }
0xf: {  	[smem:$0x3FA1] =	sst s7  }
0x10: {  	[smem:$0x3FA2] =	sst s8  }
0x11: {  	[smem:$0x3FA3] =	sst s9;
	s0 =	simm.s32 @!p0 $0x0  }
0x12: {  	s1 =	sld [smem:$0x3F89];
	s0 =	simm.s32 @p0 $0x1  }
0x13: {  	[smem:$0x3FA4] =	sst s0;
	s0 =	simm.s32 @!p1 $0x0  }
0x14: {  	s2 =	sld [smem:$0x3F88];
	s0 =	simm.s32 @p1 $0x1  }
0x15: {  	[smem:$0x3FA5] =	sst s0;
	s0 =	simm.s32 @!p2 $0x0  }
0x16: {  	s3 =	sld [smem:$0x3FDB];
	s0 =	simm.s32 @p2 $0x1  }
0x17: {  	s4 =	simm.s32 $0x1BF5;
	[smem:$0x3FA7] =	sst s0  }
0x18: {  	s0 =	sld [smem:$0x3F8A];
	_ =	swait.ge [sflag:s4], $0x0  }
0x19: {  	s7 =	sld [smem:$0x3F8B]  }
0x1a: {  	s8 =	sadd.s32 $0xFFFFE003, lr  }
0x1b: {  	s9 =	sadd.s32 $0xFFFFFEF7, lr;
	s5 =	simm.s32 $0xFFFFFFFF;
	p2 =	slt.u32 s8, $0xFFFFF086  }
0x1c: {  	p1 =	slt.u32 s9, $0xF7A;
	s5 =	simm.s32 @!p2 $0x0  }
0x1d: {  	s5 =	simm.s32 @p1 $0x1;
	p0 =	seq.s32 s7, s2  }
0x1e: {  	s7 =	smul.u32 @!p0 $0xF7A, s2;
	p2 =	seq.s32 @!p0 s5, $0x0  }
0x1f: {  	s9 =	smul.u32 $0xF7A, s1;
	s8 =	simm.s32 @!p0 $0x1BF5;
	p2 =	por !p2, p0  }
0x20: {  	[sflag:s8] =	ssyncset.s32 @!p0 $0xFFFFF086;
	s6 =	sadd.s32 @!p0 s3, s7;
	s7 =	simm.s32 @!p0 $0x108  }
0x21: {  	s3 =	sadd.s32 s3, s9;
	s6 =	sadd.s32 @!p0 $0x88, s6;
	s7 =	simm.s32 @p2 $0x1082  }
0x22: {  	[simem:s7], [sflag:s8] =	dma.local @!p0 [hbm:s6], $0xF7A  }
0x23: {  	s9 =	sor.u32 $0xD0000000, s2;
	s6 =	simm.s32 $0x108;
	_ =	swait.ge @!p0 [sflag:s8], $0x0  }
0x24: {  	s3 =	sadd.s32 $0x88, s3;
	s6 =	simm.s32 @!p1 $0x1082;
	[sflag:s4] =	ssyncset.s32 $0xFFFFF086  }
0x25: {  	[simem:s6], [sflag:s4] =	dma.local [hbm:s3], $0xF7A  }
0x26: {  	[smem:$0x3F8B] =	sst s1;
	(tag) =	ssettag s2;
	_ =	strace s9  }
0x27: {  	s1 =	sld [smem:$0x3F9B]  }
0x28: {  	s2 =	sld [smem:$0x3F9C]  }
0x29: {  	s4 =	sld [smem:$0x3F9E]  }
0x2a: {  	p0 =	seq.s32 s5, $0x0;
	s5 =	sld [smem:$0x3F9F]  }
0x2b: {  	s6 =	sld [smem:$0x3FA0]  }
0x2c: {  	s7 =	sld [smem:$0x3FA1]  }
0x2d: {  	s3 =	simm.s32 $0x108;
	s8 =	sld [smem:$0x3FA2]  }
0x2e: {  	s3 =	simm.s32 @!p0 $0x1082;
	s9 =	sld [smem:$0x3FA3]  }
0x2f: {  	lr =	sadd.s32 s0, s3;
	s0 =	sld [smem:$0x3F9A]  }
0x30: {  	s3 =	sld [smem:$0x3F9D]  }
0x31: {  	[smem:$0x3FA6] =	sst s10  }
0x32: {  	s10 =	sld [smem:$0x3FA4];
	_ =	sdelay $0x3  }
0x33: {  	p0 =	seq.s32 s10, $0x1;
	s10 =	sld [smem:$0x3FA6];
	_ =	sdelay $0x3  }
0x34: {  	[smem:$0x3FA6] =	sst s10  }
0x35: {  	s10 =	sld [smem:$0x3FA5];
	_ =	sdelay $0x3  }
0x36: {  	p1 =	seq.s32 s10, $0x1;
	s10 =	sld [smem:$0x3FA6];
	_ =	sdelay $0x3  }
0x37: {  	[smem:$0x3FA6] =	sst s10  }
0x38: {  	s10 =	sld [smem:$0x3FA7]  }
0x39: {  	_ = 	snop;
	(pc) =	sbr.ind lr, $3  }
0x3a: {  	_ = 	snop  }
0x3b: {  	_ = 	snop  }
0x3c: {  	p2 =	seq.s32 s10, $0x1;
	s10 =	sld [smem:$0x3FA6]  }
0x3d: {  	_ =	shalt  }
0x3e: {  	_ =	shalt  }
0x3f: {  	_ =	shalt  }
0x40: {  	_ =	shalt  }
0x41: {  	_ =	shalt  }
0x42: {  	_ =	shalt  }
0x43: {  	_ =	shalt  }
0x44: {  	_ =	shalt  }
0x45: {  	_ =	shalt  }
0x46: {  	_ =	shalt  }
0x47: {  	_ =	shalt  }
0x48: {  	_ =	shalt  }
0x49: {  	_ =	shalt  }
0x4a: {  	_ =	shalt  }
0x4b: {  	_ =	shalt  }
0x4c: {  	_ =	shalt  }
0x4d: {  	_ =	shalt  }
0x4e: {  	_ =	shalt  }
0x4f: {  	_ =	shalt  }
0x50: {  	_ =	shalt  }
0x51: {  	_ =	shalt  }
0x52: {  	_ =	shalt  }
0x53: {  	_ =	shalt  }
0x54: {  	_ =	shalt  }
0x55: {  	_ =	shalt  }
0x56: {  	_ =	shalt  }
0x57: {  	_ =	shalt  }
0x58: {  	_ =	shalt  }
0x59: {  	_ =	shalt  }
0x5a: {  	_ =	shalt  }
0x5b: {  	_ =	shalt  }
0x5c: {  	_ =	shalt  }
0x5d: {  	_ =	shalt  }
0x5e: {  	_ =	shalt  }
0x5f: {  	_ =	shalt  }
0x60: {  	_ =	shalt  }
0x61: {  	_ =	shalt  }
0x62: {  	_ =	shalt  }
0x63: {  	_ =	shalt  }
0x64: {  	_ =	shalt  }
0x65: {  	_ =	shalt  }
0x66: {  	_ =	shalt  }
0x67: {  	_ =	shalt  }
0x68: {  	_ =	shalt  }
0x69: {  	_ =	shalt  }
0x6a: {  	_ =	shalt  }
0x6b: {  	_ =	shalt  }
0x6c: {  	_ =	shalt  }
0x6d: {  	_ =	shalt  }
0x6e: {  	_ =	shalt  }
0x6f: {  	_ =	shalt  }
0x70: {  	_ =	shalt  }
0x71: {  	_ =	shalt  }
0x72: {  	_ =	shalt  }
0x73: {  	_ =	shalt  }
0x74: {  	_ =	shalt  }
0x75: {  	_ =	shalt  }
0x76: {  	_ =	shalt  }
0x77: {  	_ =	shalt  }
0x78: {  	_ =	shalt  }
0x79: {  	_ =	shalt  }
0x7a: {  	_ =	shalt  }
0x7b: {  	_ =	shalt  }
0x7c: {  	_ =	shalt  }
0x7d: {  	_ =	shalt  }
0x7e: {  	_ =	shalt  }
0x7f: {  	_ =	shalt  }
0x80: {  	_ =	shalt  }
0x81: {  	_ =	shalt  }
0x82: {  	_ =	shalt  }
0x83: {  	_ =	shalt  }
0x84: {  	_ =	shalt  }
0x85: {  	_ =	shalt  }
0x86: {  	_ =	shalt  }
0x87: {  	_ =	shalt  }
.Lfunc_end0:
.L_simem_size_0:
called_computation_lowered:
.L_overlay_start_0:
0x88: {  	s2 =	sld [smem:$0x3FD9]  }
0x89: {  	s3 =	sld [smem:$0x3FFE];
	_ =	sdelay $0x1  }
0x8a: {  	s1 =	srdreg.scid  }
0x8b: {  	s0 =	sand.u32 $0x1, s1  }
0x8c: {  	s14 =	sshll.u32 s0, $0xA;
	s2 =	sadd.s32 s3, s2  }
0x8d: {  	s2 =	sadd.s32 s2, s14  }
0x8e: {  	[smem:$0x3FB2] =	sst s2  }
0x8f: {  	_ = 	snop  }
0x90: {  	s2 =	sld [smem:$0x3FD0];
	_ =	sdelay $0x2  }
0x91: {  	s15 =	simm.s32 $0xA;
	s4 =	simm.s32 $0x10  }
0x92: {  	[smem:s4], [sflag:s15] =	dma.local [hbm:s2], $0x1  }
0x93: {  	_ =	swait.eq [sflag:s15], $0x1  }
0x94: {  	[sflag:s15] =	ssyncset.done $0x0  }
0x95: {  	[sflag:s15] =	ssyncadd.s32 $0xFFFFFFFF  }
0x96: {  	s16 =	sld [smem:$0x11];
	(tm) =	ssettm $0x1  }
0x97: {  	s17 =	sld [smem:$0x3FFB];
	_ =	sdelay $0x3  }
0x98: {  	_ =	strace s17  }
0x99: {  	s3 =	sld [smem:$0x3FFC];
	_ =	sdelay $0x3  }
0x9a: {  	_ =	strace s3  }
0x9b: {  	s3 =	sld [smem:$0x3FFD];
	_ =	sdelay $0x3  }
0x9c: {  	_ =	strace s3  }
0x9d: {  	_ =	strace $0x8FFFFFFF  }
0x9e: {  	s18 =	sld [smem:$0x3FDB];
	_ =	sdelay $0x1  }
0x9f: {  	s19 =	simm.s32 $_scs_section_size  }
0xa0: {  	s5 =	simm.s32 $_size__tile_overlayer_lowered;
	s6 =	simm.s32 $_tile_overlayer_lowered  }
0xa1: {  	s22 =	simm.s32 $0x1BFF;
	s21 =	sshll.u32 s6, $0x1;
	s3 =	sadd.s32 s19, s18  }
0xa2: {  	s7 =	simm.s32 $0x0;
	s20 =	sshll.u32 s5, $0x1;
	s5 =	sadd.s32 s21, s3  }
0xa3: {  	[timem:s7], [sflag:s22] =	dma.local [hbm:s5], s20  }
0xa4: {  	_ =	swait.ge [sflag:s22], s20  }
0xa5: {  	s4 =	ssub.s32 $0x0, s20;
	[sflag:s22] =	ssyncset.done $0x0  }
0xa6: {  	[sflag:s22] =	ssyncadd.s32 s4;
	_ =	sdelay $0x1  }
0xa7: {  	s23 =	simm.s32 $0x1B8B  }
0xa8: {  	_ =	swait.ge [sflag:s23], $0x1  }
0xa9: {  	[sflag:s23] =	ssyncset.done $0x0  }
0xaa: {  	s25 =	simm.s32 $0x1B8E;
	s24 =	sld [smem:$0x3FFE];
	[sflag:s23] =	ssyncadd.s32 $0xFFFFFFFF  }
0xab: {  	s26 =	simm.s32 $execute0_lowered;
	[smem:$0x3FD2] =	sst s25  }
0xac: {  	s5 =	sshll.u32 s26, $0x1;
	_ =	strace $0x80000046;
	[dreg:$0x1] =	wrdreg $0xFFFFFFFF  }
0xad: {  	s28 =	simm.s32 $_size_execute0_lowered;
	s3 =	sadd.s32 s3, s5;
	[dreg:$0x0] =	wrdreg $0x0  }
0xae: {  	s5 =	sshll.u32 s28, $0x1;
	[dreg:$0x2] =	wrdreg s3  }
0xaf: {  	[dreg:$0x3] =	wrdreg s5  }
0xb0: {  	[dreg:$0x4] =	wrdreg $0xC0  }
0xb1: {  	_ =	task [dreg:s7], $0x5FFFF  }
0xb2: {  	[dreg:$0x1] =	wrdreg $0xFFFFFFFF  }
0xb3: {  	[dreg:$0x0] =	wrdreg $0x60  }
0xb4: {  	[dreg:$0x2] =	wrdreg s24  }
0xb5: {  	[dreg:$0x3] =	wrdreg s16  }
0xb6: {  	[dreg:$0x4] =	wrdreg $0x57000  }
0xb7: {  	[dreg:$0x5] =	wrdreg $0x9  }
0xb8: {  	_ =	task.clear_ibuf [dreg:s7], $0x6FFFF;
	_ =	strace $0x90000046  }
0xb9: {  	s29 =	simm.s32 $0x9;
	_ =	strace $0x80000048  }
0xba: {  	_ =	swait.ge [sflag:s29], $0x1  }
0xbb: {  	[sflag:s29] =	ssyncadd.s32 $0xFFFFFFFF  }
0xbc: {  	_ =	strace $0x90000048  }
0xbd: {  	_ =	sfence  }
0xbe: {  	s30 =	sld [smem:$0x0];
	_ =	sdelay $0x2  }
0xbf: {  	s31 =	sshll.u32 s1, $0xD;
	s1 =	sshrl.u32 s1, $0x2  }
0xc0: {  	s3 =	sand.u32 $0x4000, s31;
	s1 =	sadd.s32 s1, s30  }
0xc1: {  	s0 =	sor.u32 s3, s0;
	s1 =	sshll.u32 s1, $0x11  }
0xc2: {  	s0 =	sor.u32 s1, s0  }
0xc3: {  	s0 =	sadd.s32 $0x8F2B, s0  }
0xc4: {  	[sflag:s0] =	ssyncadd.remote.s32 $0x1  }
0xc5: {  	_ =	sfence.sel $0xFFFF  }
0xc6: {  	[dreg:$0x0] =	wrdreg $0xFFFFFFFF;
	(pc) =	sbr.abs _section_cstart, $3  }
0xc7: {  	[dreg:$0x1] =	wrdreg $0xFFFFFFFF  }
0xc8: {  	_ =	task.clear_ibuf [dreg:s7], $0x2FFFF;
	_ =	strace $0x9FFFFFFF  }
0xc9: {  	(tm) =	ssettm $0x7FFFFFFF  }
tec
execute0_lowered:
.L_overlay_start_1:
0x0: {  	(tag) =	ssettag $0x1  }
0x1: {  	s6 =	rddreg [dreg:$0x0]  }
0x2: {  	s2 =	rddreg [dreg:$0x1]  }
0x3: {  	s3 =	rddreg [dreg:$0x2];
	s4 =	srdreg.scid  }
0x4: {  	s0 =	rddreg [dreg:$0x3];
	s1 =	stileid.u32  }
0x5: {  	s14 =	simm.s32 $0x80;
	s15 =	simm.s32 $0x4F00;
	s16 =	simm.s32 $0x0  }
0x6: {  	s7 =	sand.u32 $0x1, s4;
	s4 =	simm.s32 $0x0;
	s8 =	smul.u32 $0x2780, s1  }
0x7: {  	s12 =	sshll.u32 s1, $0x6;
	s5 =	sshll.u32 s7, $0x4;
	[smem:$0x7FF] =	sst s4  }
0x8: {  	s9 =	smul.u32 $0x27800, s7;
	s7 =	ssub.s32 $0x2, s7;
	s12 =	sor.u32 $0x1C01, s12  }
0x9: {  	s5 =	sor.u32 s1, s5;
	_ =	strace $0x80000047;
	s11 =	sshrl.u32 s7, $0x1  }
0xa: {  	s13 =	sadd.s32 s8, s3;
	s10 =	smul.u32 $0x4F0, s5;
	s9 =	sadd.s32 s8, s9  }
0xb: {  	s5 =	sadd.s32 $0x7C00, s6;
	s11 =	ssub.s32 s7, s11;
	s9 =	sshrl.u32 s9, $0x3  }
0xc: {  	s13 =	sshrl.u32 s13, $0x3;
	s10 =	sadd.s32 s10, s6;
	s9 =	sadd.s32 s9, s6  }
0xd: {  	s6 =	sadd.s32 $0x16A00, s10;
	s7 =	sadd.s32 $0xCC00, s10;
	s8 =	sadd.s32 $0x20800, s9  }
0xe: {  	s9 =	smax.u32 s11, $0x1;
	s10 =	simm.s32 $0x1;
	s11 =	simm.s32 $0x2780  }
.LBB2_1:
0xf: {  	[tilespmem:s4], [sflag:$0x1] =	stream.linear.gather [hbm4b:s6+s4], $0x2780, $0x38;
	[tilespmem:$0x7E80] =	vst v63  }
0x10: {  	_ =	swait.ge [sflag:s10], $0x2780  }
0x11: {  	[sflag:s10] =	ssyncset.done $0x0  }
0x12: {  	[sflag:s10] =	ssyncadd.s32 $0xFFFFD880  }
0x13: {  	[tilespmem:s11], [sflag:$0x1] =	stream.linear.gather [hbm4b:s7+s4], $0x2780, $0x38;
	[tilespmem:$0x7E80] =	vst v63  }
0x14: {  	_ =	swait.ge [sflag:s10], $0x2780  }
0x15: {  	[sflag:s10] =	ssyncset.done $0x0  }
0x16: {  	[sflag:s10] =	ssyncadd.s32 $0xFFFFD880  }
0x17: {  	[spmem:s13], [sflag:s12] =	dma.local [hbm:s2], $0x4F0  }
0x18: {  	_ =	swait.ge [sflag:s10], $0x4F0  }
0x19: {  	[sflag:s10] =	ssyncset.done $0x0  }
0x1a: {  	[sflag:s10] =	ssyncadd.s32 $0xFFFFFB10  }
0x1b: {  	s17 =	simm.s32 $0x0;
	[bflag:$0x0] =	sbarrier.arrive $0xFFFF  }
0x1c: {  	[tilespmem:s15], [sflag:$0x1] =	stream.indirect.gather [hbm4b:s5+s14], $0x10, s17, s14, $0xb8;
	[tilespmem:$0x7E80] =	vst v63  }
0x1d: {  	_ =	swait.ge [sflag:s10], $0x800  }
0x1e: {  	[sflag:s10] =	ssyncset.done $0x0  }
0x1f: {  	s31 =	simm.s32 $0x2780;
	[sflag:s10] =	ssyncadd.s32 $0xFFFFF800  }
0x20: {  	[spmem:s3] =	stream.indirect.scatter.add.f32 [tilespmem:s15], [sflag:$0x1], $0x10, s31, s14, $0xb8;
	[tilespmem:$0x7E80] =	vst v63  }
0x21: {  	_ =	swait.ge [sflag:s10], $0x800  }
0x22: {  	s18 =	simm.s32 $0x400;
	s17 =	simm.s32 $0x200;
	[sflag:s10] =	ssyncset.done $0x0  }
.LBB2_2:
0x23: {  	s19 =	sshra.s32 s17, $0x2  }
0x24: {  	[sflag:s10] =	ssyncadd.s32 $0xFFFFF800;
	s17 =	smov.u32 s18;
	s20 =	sadd.s32 $0x200, s18  }
0x25: {  	[tilespmem:s15], [sflag:$0x1] =	stream.indirect.gather [hbm4b:s5+s14], $0x10, s19, s14, $0xb8;
	[tilespmem:$0x7E80] =	vst v63  }
0x26: {  	p0 =	sne.s32 s18, $0x9C00;
	_ =	swait.ge [sflag:s10], $0x800  }
.Ltmp0:
0x27: {  	[sflag:s10] =	ssyncset.done $0x0;
	(pc) =	sbr.rel @p0 .LBB2_2-.Ltmp0, $4  }
0x28: {  	s18 =	sadd.s32 $0x2780, s19;
	[sflag:s10] =	ssyncadd.s32 $0xFFFFF800  }
0x29: {  	[spmem:s3] =	stream.indirect.scatter.add.f32 [tilespmem:s15], [sflag:$0x1], $0x10, s18, s14, $0xb8;
	[tilespmem:$0x7E80] =	vst v63  }
0x2a: {  	_ =	swait.ge [sflag:s10], $0x800  }
0x2b: {  	s18 =	smov.u32 s20;
	[sflag:s10] =	ssyncset.done $0x0  }
0x2c: {  	s17 =	sshra.s32 s17, $0x2;
	[sflag:s10] =	ssyncadd.s32 $0xFFFFF800  }
0x2d: {  	[tilespmem:s15], [sflag:$0x1] =	stream.indirect.gather [hbm4b:s5+s14], $0x10, s17, s14, $0xb8;
	[tilespmem:$0x7E80] =	vst v63  }
0x2e: {  	_ =	swait.ge [sflag:s10], $0x800  }
0x2f: {  	[sflag:s10] =	ssyncset.done $0x0  }
0x30: {  	s17 =	sadd.s32 $0x2780, s17;
	[sflag:s10] =	ssyncadd.s32 $0xFFFFF800  }
0x31: {  	[spmem:s3] =	stream.indirect.scatter.add.f32 [tilespmem:s15], [sflag:$0x1], $0x10, s17, s14, $0xb8;
	[tilespmem:$0x7E80] =	vst v63  }
0x32: {  	_ =	swait.ge [sflag:s10], $0x800  }
0x33: {  	s16 =	sadd.s32 $0x1, s16;
	[sflag:s10] =	ssyncset.done $0x0  }
0x34: {  	p0 =	sne.s32 s16, s9;
	[sflag:s10] =	ssyncadd.s32 $0xFFFFF800  }
.Ltmp1:
0x35: {  	[bflag:$0x0] =	sbarrier.arrive $0xFFFF;
	(pc) =	sbr.rel @p0 .LBB2_1-.Ltmp1, $4  }
0x36: {  	[hbm:s8], [sflag:s12] =	dma.local [spmem:s13], $0x4F0  }
0x37: {  	_ =	swait.ge [sflag:s10], $0x4F0  }
0x38: {  	[sflag:s10] =	ssyncset.done $0x0  }
0x39: {  	[sflag:s10] =	ssyncadd.s32 $0xFFFFFB10  }
0x3a: {  	_ =	sfence.sel $0x180000  }
0x3b: {  	[bflag:$0x0] =	sbarrier.arrive $0xFFFF  }
0x3c: {  	p0 =	sne.s32 s1, $0x0;
	_ =	strace $0x90000047  }
0x3d: {  	s0 =	sadd.s32 @!p0 $0x100000, s0;
	[bflag:$0x2] =	sbarrier.arrive $0xFFFF  }
0x3e: {  	[sflag:s0] =	ssyncadd.tile.s32 @!p0 $0x1;
	_ =	shalt  }
.Lfunc_end2:
_tile_overlayer_lowered:
.L_overlay_start_2:
0x3f: {  	(tag) =	ssettag $0x2  }
0x40: {  	s0 =	rddreg [dreg:$0x0];
	s2 =	stileid.u32  }
0x41: {  	s1 =	rddreg [dreg:$0x1];
	p0 =	sne.s32 s2, $0x0  }
0x42: {  	s3 =	rddreg [dreg:$0x2];
	[bflag:$0x3] =	sbarrier.arrive $0xFFFF;
	s2 =	simm.s32 @!p0 $0x1C01  }
0x43: {  	[timem:s3], [sflag:s2] =	dma.local @!p0 [hbm:s0], s1  }
0x44: {  	s0 =	simm.s32 @!p0 $0x1  }
0x45: {  	_ =	swait.ge @!p0 [sflag:s0], s1  }
0x46: {  	s1 =	ssub.s32 @!p0 $0x0, s1;
	[sflag:s0] =	ssyncset.done @!p0 $0x0  }
0x47: {  	[sflag:s0] =	ssyncadd.s32 @!p0 s1  }
0x48: {  	[bflag:$0x3] =	sbarrier.arrive $0xFFFF  }
0x49: {  	_ =	shalt  }

// kernel: kernel.26.cloned.1.call-start
scs
__scs_entry_jumppad:
0x0: {  	(pc) =	sbr.rel $0x88, $3  }
0x1: {  	(tag) =	ssettag $0x0;
	lr =	simm.s32 $0x1  }
0x2: {  	[smem:$0x3F8B] =	sst lr;
	_ =	strace $0xD0000000  }
0x3: {  	_ = 	snop  }
0x4: {  	_ = 	snop  }
0x5: {  	_ = 	snop  }
0x6: {  	_ = 	snop  }
0x7: {  	_ = 	snop  }
__scs_overlays_trampoline_lowered:
0x8: {  	[smem:$0x3F9A] =	sst s0  }
0x9: {  	[smem:$0x3F9B] =	sst s1  }
0xa: {  	[smem:$0x3F9C] =	sst s2  }
0xb: {  	[smem:$0x3F9D] =	sst s3  }
0xc: {  	[smem:$0x3F9E] =	sst s4  }
0xd: {  	[smem:$0x3F9F] =	sst s5  }
0xe: {  	[smem:$0x3FA0] =	sst s6  }
0xf: {  	[smem:$0x3FA1] =	sst s7  }
0x10: {  	[smem:$0x3FA2] =	sst s8  }
0x11: {  	[smem:$0x3FA3] =	sst s9;
	s0 =	simm.s32 @!p0 $0x0  }
0x12: {  	s1 =	sld [smem:$0x3F89];
	s0 =	simm.s32 @p0 $0x1  }
0x13: {  	[smem:$0x3FA4] =	sst s0;
	s0 =	simm.s32 @!p1 $0x0  }
0x14: {  	s2 =	sld [smem:$0x3F88];
	s0 =	simm.s32 @p1 $0x1  }
0x15: {  	[smem:$0x3FA5] =	sst s0;
	s0 =	simm.s32 @!p2 $0x0  }
0x16: {  	s3 =	sld [smem:$0x3FDB];
	s0 =	simm.s32 @p2 $0x1  }
0x17: {  	s4 =	simm.s32 $0x1BF5;
	[smem:$0x3FA7] =	sst s0  }
0x18: {  	s0 =	sld [smem:$0x3F8A];
	_ =	swait.ge [sflag:s4], $0x0  }
0x19: {  	s7 =	sld [smem:$0x3F8B]  }
0x1a: {  	s8 =	sadd.s32 $0xFFFFE003, lr  }
0x1b: {  	s9 =	sadd.s32 $0xFFFFFEF7, lr;
	s5 =	simm.s32 $0xFFFFFFFF;
	p2 =	slt.u32 s8, $0xFFFFF086  }
0x1c: {  	p1 =	slt.u32 s9, $0xF7A;
	s5 =	simm.s32 @!p2 $0x0  }
0x1d: {  	s5 =	simm.s32 @p1 $0x1;
	p0 =	seq.s32 s7, s2  }
0x1e: {  	s7 =	smul.u32 @!p0 $0xF7A, s2;
	p2 =	seq.s32 @!p0 s5, $0x0  }
0x1f: {  	s9 =	smul.u32 $0xF7A, s1;
	s8 =	simm.s32 @!p0 $0x1BF5;
	p2 =	por !p2, p0  }
0x20: {  	[sflag:s8] =	ssyncset.s32 @!p0 $0xFFFFF086;
	s6 =	sadd.s32 @!p0 s3, s7;
	s7 =	simm.s32 @!p0 $0x108  }
0x21: {  	s3 =	sadd.s32 s3, s9;
	s6 =	sadd.s32 @!p0 $0x88, s6;
	s7 =	simm.s32 @p2 $0x1082  }
0x22: {  	[simem:s7], [sflag:s8] =	dma.local @!p0 [hbm:s6], $0xF7A  }
0x23: {  	s9 =	sor.u32 $0xD0000000, s2;
	s6 =	simm.s32 $0x108;
	_ =	swait.ge @!p0 [sflag:s8], $0x0  }
0x24: {  	s3 =	sadd.s32 $0x88, s3;
	s6 =	simm.s32 @!p1 $0x1082;
	[sflag:s4] =	ssyncset.s32 $0xFFFFF086  }
0x25: {  	[simem:s6], [sflag:s4] =	dma.local [hbm:s3], $0xF7A  }
0x26: {  	[smem:$0x3F8B] =	sst s1;
	(tag) =	ssettag s2;
	_ =	strace s9  }
0x27: {  	s1 =	sld [smem:$0x3F9B]  }
0x28: {  	s2 =	sld [smem:$0x3F9C]  }
0x29: {  	s4 =	sld [smem:$0x3F9E]  }
0x2a: {  	p0 =	seq.s32 s5, $0x0;
	s5 =	sld [smem:$0x3F9F]  }
0x2b: {  	s6 =	sld [smem:$0x3FA0]  }
0x2c: {  	s7 =	sld [smem:$0x3FA1]  }
0x2d: {  	s3 =	simm.s32 $0x108;
	s8 =	sld [smem:$0x3FA2]  }
0x2e: {  	s3 =	simm.s32 @!p0 $0x1082;
	s9 =	sld [smem:$0x3FA3]  }
0x2f: {  	lr =	sadd.s32 s0, s3;
	s0 =	sld [smem:$0x3F9A]  }
0x30: {  	s3 =	sld [smem:$0x3F9D]  }
0x31: {  	[smem:$0x3FA6] =	sst s10  }
0x32: {  	s10 =	sld [smem:$0x3FA4];
	_ =	sdelay $0x3  }
0x33: {  	p0 =	seq.s32 s10, $0x1;
	s10 =	sld [smem:$0x3FA6];
	_ =	sdelay $0x3  }
0x34: {  	[smem:$0x3FA6] =	sst s10  }
0x35: {  	s10 =	sld [smem:$0x3FA5];
	_ =	sdelay $0x3  }
0x36: {  	p1 =	seq.s32 s10, $0x1;
	s10 =	sld [smem:$0x3FA6];
	_ =	sdelay $0x3  }
0x37: {  	[smem:$0x3FA6] =	sst s10  }
0x38: {  	s10 =	sld [smem:$0x3FA7]  }
0x39: {  	_ = 	snop;
	(pc) =	sbr.ind lr, $3  }
0x3a: {  	_ = 	snop  }
0x3b: {  	_ = 	snop  }
0x3c: {  	p2 =	seq.s32 s10, $0x1;
	s10 =	sld [smem:$0x3FA6]  }
0x3d: {  	_ =	shalt  }
0x3e: {  	_ =	shalt  }
0x3f: {  	_ =	shalt  }
0x40: {  	_ =	shalt  }
0x41: {  	_ =	shalt  }
0x42: {  	_ =	shalt  }
0x43: {  	_ =	shalt  }
0x44: {  	_ =	shalt  }
0x45: {  	_ =	shalt  }
0x46: {  	_ =	shalt  }
0x47: {  	_ =	shalt  }
0x48: {  	_ =	shalt  }
0x49: {  	_ =	shalt  }
0x4a: {  	_ =	shalt  }
0x4b: {  	_ =	shalt  }
0x4c: {  	_ =	shalt  }
0x4d: {  	_ =	shalt  }
0x4e: {  	_ =	shalt  }
0x4f: {  	_ =	shalt  }
0x50: {  	_ =	shalt  }
0x51: {  	_ =	shalt  }
0x52: {  	_ =	shalt  }
0x53: {  	_ =	shalt  }
0x54: {  	_ =	shalt  }
0x55: {  	_ =	shalt  }
0x56: {  	_ =	shalt  }
0x57: {  	_ =	shalt  }
0x58: {  	_ =	shalt  }
0x59: {  	_ =	shalt  }
0x5a: {  	_ =	shalt  }
0x5b: {  	_ =	shalt  }
0x5c: {  	_ =	shalt  }
0x5d: {  	_ =	shalt  }
0x5e: {  	_ =	shalt  }
0x5f: {  	_ =	shalt  }
0x60: {  	_ =	shalt  }
0x61: {  	_ =	shalt  }
0x62: {  	_ =	shalt  }
0x63: {  	_ =	shalt  }
0x64: {  	_ =	shalt  }
0x65: {  	_ =	shalt  }
0x66: {  	_ =	shalt  }
0x67: {  	_ =	shalt  }
0x68: {  	_ =	shalt  }
0x69: {  	_ =	shalt  }
0x6a: {  	_ =	shalt  }
0x6b: {  	_ =	shalt  }
0x6c: {  	_ =	shalt  }
0x6d: {  	_ =	shalt  }
0x6e: {  	_ =	shalt  }
0x6f: {  	_ =	shalt  }
0x70: {  	_ =	shalt  }
0x71: {  	_ =	shalt  }
0x72: {  	_ =	shalt  }
0x73: {  	_ =	shalt  }
0x74: {  	_ =	shalt  }
0x75: {  	_ =	shalt  }
0x76: {  	_ =	shalt  }
0x77: {  	_ =	shalt  }
0x78: {  	_ =	shalt  }
0x79: {  	_ =	shalt  }
0x7a: {  	_ =	shalt  }
0x7b: {  	_ =	shalt  }
0x7c: {  	_ =	shalt  }
0x7d: {  	_ =	shalt  }
0x7e: {  	_ =	shalt  }
0x7f: {  	_ =	shalt  }
0x80: {  	_ =	shalt  }
0x81: {  	_ =	shalt  }
0x82: {  	_ =	shalt  }
0x83: {  	_ =	shalt  }
0x84: {  	_ =	shalt  }
0x85: {  	_ =	shalt  }
0x86: {  	_ =	shalt  }
0x87: {  	_ =	shalt  }
.Lfunc_end0:
.L_simem_size_0:
called_computation.1_lowered:
.L_overlay_start_0:
0x88: {  	s2 =	sld [smem:$0x3FD9]  }
0x89: {  	s3 =	sld [smem:$0x3FFE];
	_ =	sdelay $0x1  }
0x8a: {  	s1 =	srdreg.scid  }
0x8b: {  	s0 =	sand.u32 $0x1, s1  }
0x8c: {  	s14 =	sshll.u32 s0, $0xA;
	s2 =	sadd.s32 s3, s2  }
0x8d: {  	s2 =	sadd.s32 s2, s14  }
0x8e: {  	[smem:$0x3FB2] =	sst s2  }
0x8f: {  	_ = 	snop  }
0x90: {  	s2 =	sld [smem:$0x3FD0];
	_ =	sdelay $0x2  }
0x91: {  	s15 =	simm.s32 $0xA;
	s4 =	simm.s32 $0x10  }
0x92: {  	[smem:s4], [sflag:s15] =	dma.local [hbm:s2], $0x1  }
0x93: {  	_ =	swait.eq [sflag:s15], $0x1  }
0x94: {  	[sflag:s15] =	ssyncset.done $0x0  }
0x95: {  	[sflag:s15] =	ssyncadd.s32 $0xFFFFFFFF  }
0x96: {  	s16 =	sld [smem:$0x11];
	(tm) =	ssettm $0x1  }
0x97: {  	s17 =	sld [smem:$0x3FFB];
	_ =	sdelay $0x3  }
0x98: {  	_ =	strace s17  }
0x99: {  	s3 =	sld [smem:$0x3FFC];
	_ =	sdelay $0x3  }
0x9a: {  	_ =	strace s3  }
0x9b: {  	s3 =	sld [smem:$0x3FFD];
	_ =	sdelay $0x3  }
0x9c: {  	_ =	strace s3  }
0x9d: {  	_ =	strace $0x8FFFFFFF  }
0x9e: {  	s18 =	sld [smem:$0x3FDB];
	_ =	sdelay $0x1  }
0x9f: {  	s19 =	simm.s32 $_scs_section_size  }
0xa0: {  	s5 =	simm.s32 $_size__tile_overlayer_lowered;
	s6 =	simm.s32 $_tile_overlayer_lowered  }
0xa1: {  	s22 =	simm.s32 $0x1BFF;
	s21 =	sshll.u32 s6, $0x1;
	s3 =	sadd.s32 s19, s18  }
0xa2: {  	s7 =	simm.s32 $0x0;
	s20 =	sshll.u32 s5, $0x1;
	s5 =	sadd.s32 s21, s3  }
0xa3: {  	[timem:s7], [sflag:s22] =	dma.local [hbm:s5], s20  }
0xa4: {  	_ =	swait.ge [sflag:s22], s20  }
0xa5: {  	s4 =	ssub.s32 $0x0, s20;
	[sflag:s22] =	ssyncset.done $0x0  }
0xa6: {  	[sflag:s22] =	ssyncadd.s32 s4;
	_ =	sdelay $0x1  }
0xa7: {  	s23 =	simm.s32 $0x1B8B  }
0xa8: {  	_ =	swait.ge [sflag:s23], $0x1  }
0xa9: {  	[sflag:s23] =	ssyncset.done $0x0  }
0xaa: {  	s25 =	simm.s32 $0x1B8E;
	s24 =	sld [smem:$0x3FFE];
	[sflag:s23] =	ssyncadd.s32 $0xFFFFFFFF  }
0xab: {  	s26 =	simm.s32 $execute0_lowered;
	[smem:$0x3FD2] =	sst s25  }
0xac: {  	s5 =	sshll.u32 s26, $0x1;
	_ =	strace $0x80000049;
	[dreg:$0x1] =	wrdreg $0xFFFFFFFF  }
0xad: {  	s28 =	simm.s32 $_size_execute0_lowered;
	s3 =	sadd.s32 s3, s5;
	[dreg:$0x0] =	wrdreg $0x0  }
0xae: {  	s5 =	sshll.u32 s28, $0x1;
	[dreg:$0x2] =	wrdreg s3  }
0xaf: {  	[dreg:$0x3] =	wrdreg s5  }
0xb0: {  	[dreg:$0x4] =	wrdreg $0xC0  }
0xb1: {  	_ =	task [dreg:s7], $0x5FFFF  }
0xb2: {  	[dreg:$0x1] =	wrdreg $0xFFFFFFFF  }
0xb3: {  	[dreg:$0x0] =	wrdreg $0x60  }
0xb4: {  	[dreg:$0x2] =	wrdreg s24  }
0xb5: {  	[dreg:$0x3] =	wrdreg s16  }
0xb6: {  	[dreg:$0x4] =	wrdreg $0x57000  }
0xb7: {  	[dreg:$0x5] =	wrdreg $0x9  }
0xb8: {  	_ =	task.clear_ibuf [dreg:s7], $0x6FFFF;
	_ =	strace $0x90000049  }
0xb9: {  	s29 =	simm.s32 $0x9;
	_ =	strace $0x8000004B  }
0xba: {  	_ =	swait.ge [sflag:s29], $0x1  }
0xbb: {  	[sflag:s29] =	ssyncadd.s32 $0xFFFFFFFF  }
0xbc: {  	_ =	strace $0x9000004B  }
0xbd: {  	_ =	sfence  }
0xbe: {  	s30 =	sld [smem:$0x0];
	_ =	sdelay $0x2  }
0xbf: {  	s31 =	sshll.u32 s1, $0xD;
	s1 =	sshrl.u32 s1, $0x2  }
0xc0: {  	s3 =	sand.u32 $0x4000, s31;
	s1 =	sadd.s32 s1, s30  }
0xc1: {  	s0 =	sor.u32 s3, s0;
	s1 =	sshll.u32 s1, $0x11  }
0xc2: {  	s0 =	sor.u32 s1, s0  }
0xc3: {  	s0 =	sadd.s32 $0x8F2B, s0  }
0xc4: {  	[sflag:s0] =	ssyncadd.remote.s32 $0x1  }
0xc5: {  	_ =	sfence.sel $0xFFFF  }
0xc6: {  	[dreg:$0x0] =	wrdreg $0xFFFFFFFF;
	(pc) =	sbr.abs _section_cstart, $3  }
0xc7: {  	[dreg:$0x1] =	wrdreg $0xFFFFFFFF  }
0xc8: {  	_ =	task.clear_ibuf [dreg:s7], $0x2FFFF;
	_ =	strace $0x9FFFFFFF  }
0xc9: {  	(tm) =	ssettm $0x7FFFFFFF  }
tec
execute0_lowered:
.L_overlay_start_1:
0x0: {  	(tag) =	ssettag $0x1  }
0x1: {  	s6 =	rddreg [dreg:$0x0]  }
0x2: {  	s2 =	rddreg [dreg:$0x1]  }
0x3: {  	s3 =	rddreg [dreg:$0x2];
	s4 =	srdreg.scid  }
0x4: {  	s0 =	rddreg [dreg:$0x3];
	s1 =	stileid.u32  }
0x5: {  	s14 =	simm.s32 $0x80;
	s15 =	simm.s32 $0x4F00;
	s16 =	simm.s32 $0x0  }
0x6: {  	s7 =	sand.u32 $0x1, s4;
	s4 =	simm.s32 $0x0;
	s8 =	smul.u32 $0x2780, s1  }
0x7: {  	s12 =	sshll.u32 s1, $0x6;
	s5 =	sshll.u32 s7, $0x4;
	[smem:$0x7FF] =	sst s4  }
0x8: {  	s9 =	smul.u32 $0x27800, s7;
	s7 =	ssub.s32 $0x2, s7;
	s12 =	sor.u32 $0x1C01, s12  }
0x9: {  	s5 =	sor.u32 s1, s5;
	_ =	strace $0x8000004A;
	s11 =	sshrl.u32 s7, $0x1  }
0xa: {  	s13 =	sadd.s32 s8, s3;
	s10 =	smul.u32 $0x4F0, s5;
	s9 =	sadd.s32 s8, s9  }
0xb: {  	s5 =	sadd.s32 $0x7C00, s6;
	s11 =	ssub.s32 s7, s11;
	s9 =	sshrl.u32 s9, $0x3  }
0xc: {  	s13 =	sshrl.u32 s13, $0x3;
	s10 =	sadd.s32 s10, s6;
	s9 =	sadd.s32 s9, s6  }
0xd: {  	s6 =	sadd.s32 $0x16A00, s10;
	s7 =	sadd.s32 $0xCC00, s10;
	s8 =	sadd.s32 $0x20800, s9  }
0xe: {  	s9 =	smax.u32 s11, $0x1;
	s10 =	simm.s32 $0x1;
	s11 =	simm.s32 $0x2780  }
.LBB2_1:
0xf: {  	[tilespmem:s4], [sflag:$0x1] =	stream.linear.gather [hbm4b:s6+s4], $0x2780, $0x38;
	[tilespmem:$0x7E80] =	vst v63  }
0x10: {  	_ =	swait.ge [sflag:s10], $0x2780  }
0x11: {  	[sflag:s10] =	ssyncset.done $0x0  }
0x12: {  	[sflag:s10] =	ssyncadd.s32 $0xFFFFD880  }
0x13: {  	[tilespmem:s11], [sflag:$0x1] =	stream.linear.gather [hbm4b:s7+s4], $0x2780, $0x38;
	[tilespmem:$0x7E80] =	vst v63  }
0x14: {  	_ =	swait.ge [sflag:s10], $0x2780  }
0x15: {  	[sflag:s10] =	ssyncset.done $0x0  }
0x16: {  	[sflag:s10] =	ssyncadd.s32 $0xFFFFD880  }
0x17: {  	[spmem:s13], [sflag:s12] =	dma.local [hbm:s2], $0x4F0  }
0x18: {  	_ =	swait.ge [sflag:s10], $0x4F0  }
0x19: {  	[sflag:s10] =	ssyncset.done $0x0  }
0x1a: {  	[sflag:s10] =	ssyncadd.s32 $0xFFFFFB10  }
0x1b: {  	s17 =	simm.s32 $0x0;
	[bflag:$0x0] =	sbarrier.arrive $0xFFFF  }
0x1c: {  	[tilespmem:s15], [sflag:$0x1] =	stream.indirect.gather [hbm4b:s5+s14], $0x10, s17, s14, $0xb8;
	[tilespmem:$0x7E80] =	vst v63  }
0x1d: {  	_ =	swait.ge [sflag:s10], $0x800  }
0x1e: {  	[sflag:s10] =	ssyncset.done $0x0  }
0x1f: {  	s31 =	simm.s32 $0x2780;
	[sflag:s10] =	ssyncadd.s32 $0xFFFFF800  }
0x20: {  	[spmem:s3] =	stream.indirect.scatter.add.f32 [tilespmem:s15], [sflag:$0x1], $0x10, s31, s14, $0xb8;
	[tilespmem:$0x7E80] =	vst v63  }
0x21: {  	_ =	swait.ge [sflag:s10], $0x800  }
0x22: {  	s18 =	simm.s32 $0x400;
	s17 =	simm.s32 $0x200;
	[sflag:s10] =	ssyncset.done $0x0  }
.LBB2_2:
0x23: {  	s19 =	sshra.s32 s17, $0x2  }
0x24: {  	[sflag:s10] =	ssyncadd.s32 $0xFFFFF800;
	s17 =	smov.u32 s18;
	s20 =	sadd.s32 $0x200, s18  }
0x25: {  	[tilespmem:s15], [sflag:$0x1] =	stream.indirect.gather [hbm4b:s5+s14], $0x10, s19, s14, $0xb8;
	[tilespmem:$0x7E80] =	vst v63  }
0x26: {  	p0 =	sne.s32 s18, $0x9C00;
	_ =	swait.ge [sflag:s10], $0x800  }
.Ltmp0:
0x27: {  	[sflag:s10] =	ssyncset.done $0x0;
	(pc) =	sbr.rel @p0 .LBB2_2-.Ltmp0, $4  }
0x28: {  	s18 =	sadd.s32 $0x2780, s19;
	[sflag:s10] =	ssyncadd.s32 $0xFFFFF800  }
0x29: {  	[spmem:s3] =	stream.indirect.scatter.add.f32 [tilespmem:s15], [sflag:$0x1], $0x10, s18, s14, $0xb8;
	[tilespmem:$0x7E80] =	vst v63  }
0x2a: {  	_ =	swait.ge [sflag:s10], $0x800  }
0x2b: {  	s18 =	smov.u32 s20;
	[sflag:s10] =	ssyncset.done $0x0  }
0x2c: {  	s17 =	sshra.s32 s17, $0x2;
	[sflag:s10] =	ssyncadd.s32 $0xFFFFF800  }
0x2d: {  	[tilespmem:s15], [sflag:$0x1] =	stream.indirect.gather [hbm4b:s5+s14], $0x10, s17, s14, $0xb8;
	[tilespmem:$0x7E80] =	vst v63  }
0x2e: {  	_ =	swait.ge [sflag:s10], $0x800  }
0x2f: {  	[sflag:s10] =	ssyncset.done $0x0  }
0x30: {  	s17 =	sadd.s32 $0x2780, s17;
	[sflag:s10] =	ssyncadd.s32 $0xFFFFF800  }
0x31: {  	[spmem:s3] =	stream.indirect.scatter.add.f32 [tilespmem:s15], [sflag:$0x1], $0x10, s17, s14, $0xb8;
	[tilespmem:$0x7E80] =	vst v63  }
0x32: {  	_ =	swait.ge [sflag:s10], $0x800  }
0x33: {  	s16 =	sadd.s32 $0x1, s16;
	[sflag:s10] =	ssyncset.done $0x0  }
0x34: {  	p0 =	sne.s32 s16, s9;
	[sflag:s10] =	ssyncadd.s32 $0xFFFFF800  }
.Ltmp1:
0x35: {  	[bflag:$0x0] =	sbarrier.arrive $0xFFFF;
	(pc) =	sbr.rel @p0 .LBB2_1-.Ltmp1, $4  }
0x36: {  	[hbm:s8], [sflag:s12] =	dma.local [spmem:s13], $0x4F0  }
0x37: {  	_ =	swait.ge [sflag:s10], $0x4F0  }
0x38: {  	[sflag:s10] =	ssyncset.done $0x0  }
0x39: {  	[sflag:s10] =	ssyncadd.s32 $0xFFFFFB10  }
0x3a: {  	_ =	sfence.sel $0x180000  }
0x3b: {  	[bflag:$0x0] =	sbarrier.arrive $0xFFFF  }
0x3c: {  	p0 =	sne.s32 s1, $0x0;
	_ =	strace $0x9000004A  }
0x3d: {  	s0 =	sadd.s32 @!p0 $0x100000, s0;
	[bflag:$0x2] =	sbarrier.arrive $0xFFFF  }
0x3e: {  	[sflag:s0] =	ssyncadd.tile.s32 @!p0 $0x1;
	_ =	shalt  }
.Lfunc_end2:
_tile_overlayer_lowered:
.L_overlay_start_2:
0x3f: {  	(tag) =	ssettag $0x2  }
0x40: {  	s0 =	rddreg [dreg:$0x0];
	s2 =	stileid.u32  }
0x41: {  	s1 =	rddreg [dreg:$0x1];
	p0 =	sne.s32 s2, $0x0  }
0x42: {  	s3 =	rddreg [dreg:$0x2];
	[bflag:$0x3] =	sbarrier.arrive $0xFFFF;
	s2 =	simm.s32 @!p0 $0x1C01  }
0x43: {  	[timem:s3], [sflag:s2] =	dma.local @!p0 [hbm:s0], s1  }
0x44: {  	s0 =	simm.s32 @!p0 $0x1  }
0x45: {  	_ =	swait.ge @!p0 [sflag:s0], s1  }
0x46: {  	s1 =	ssub.s32 @!p0 $0x0, s1;
	[sflag:s0] =	ssyncset.done @!p0 $0x0  }
0x47: {  	[sflag:s0] =	ssyncadd.s32 @!p0 s1  }
0x48: {  	[bflag:$0x3] =	sbarrier.arrive $0xFFFF  }
0x49: {  	_ =	shalt  }

// kernel: kernel.29.cloned.1.call-start
scs
__scs_entry_jumppad:
0x0: {  	(pc) =	sbr.rel $0x88, $3  }
0x1: {  	(tag) =	ssettag $0x0;
	lr =	simm.s32 $0x1  }
0x2: {  	[smem:$0x3F8B] =	sst lr;
	_ =	strace $0xD0000000  }
0x3: {  	_ = 	snop  }
0x4: {  	_ = 	snop  }
0x5: {  	_ = 	snop  }
0x6: {  	_ = 	snop  }
0x7: {  	_ = 	snop  }
__scs_overlays_trampoline_lowered:
0x8: {  	[smem:$0x3F9A] =	sst s0  }
0x9: {  	[smem:$0x3F9B] =	sst s1  }
0xa: {  	[smem:$0x3F9C] =	sst s2  }
0xb: {  	[smem:$0x3F9D] =	sst s3  }
0xc: {  	[smem:$0x3F9E] =	sst s4  }
0xd: {  	[smem:$0x3F9F] =	sst s5  }
0xe: {  	[smem:$0x3FA0] =	sst s6  }
0xf: {  	[smem:$0x3FA1] =	sst s7  }
0x10: {  	[smem:$0x3FA2] =	sst s8  }
0x11: {  	[smem:$0x3FA3] =	sst s9;
	s0 =	simm.s32 @!p0 $0x0  }
0x12: {  	s1 =	sld [smem:$0x3F89];
	s0 =	simm.s32 @p0 $0x1  }
0x13: {  	[smem:$0x3FA4] =	sst s0;
	s0 =	simm.s32 @!p1 $0x0  }
0x14: {  	s2 =	sld [smem:$0x3F88];
	s0 =	simm.s32 @p1 $0x1  }
0x15: {  	[smem:$0x3FA5] =	sst s0;
	s0 =	simm.s32 @!p2 $0x0  }
0x16: {  	s3 =	sld [smem:$0x3FDB];
	s0 =	simm.s32 @p2 $0x1  }
0x17: {  	s4 =	simm.s32 $0x1BF5;
	[smem:$0x3FA7] =	sst s0  }
0x18: {  	s0 =	sld [smem:$0x3F8A];
	_ =	swait.ge [sflag:s4], $0x0  }
0x19: {  	s7 =	sld [smem:$0x3F8B]  }
0x1a: {  	s8 =	sadd.s32 $0xFFFFE003, lr  }
0x1b: {  	s9 =	sadd.s32 $0xFFFFFEF7, lr;
	s5 =	simm.s32 $0xFFFFFFFF;
	p2 =	slt.u32 s8, $0xFFFFF086  }
0x1c: {  	p1 =	slt.u32 s9, $0xF7A;
	s5 =	simm.s32 @!p2 $0x0  }
0x1d: {  	s5 =	simm.s32 @p1 $0x1;
	p0 =	seq.s32 s7, s2  }
0x1e: {  	s7 =	smul.u32 @!p0 $0xF7A, s2;
	p2 =	seq.s32 @!p0 s5, $0x0  }
0x1f: {  	s9 =	smul.u32 $0xF7A, s1;
	s8 =	simm.s32 @!p0 $0x1BF5;
	p2 =	por !p2, p0  }
0x20: {  	[sflag:s8] =	ssyncset.s32 @!p0 $0xFFFFF086;
	s6 =	sadd.s32 @!p0 s3, s7;
	s7 =	simm.s32 @!p0 $0x108  }
0x21: {  	s3 =	sadd.s32 s3, s9;
	s6 =	sadd.s32 @!p0 $0x88, s6;
	s7 =	simm.s32 @p2 $0x1082  }
0x22: {  	[simem:s7], [sflag:s8] =	dma.local @!p0 [hbm:s6], $0xF7A  }
0x23: {  	s9 =	sor.u32 $0xD0000000, s2;
	s6 =	simm.s32 $0x108;
	_ =	swait.ge @!p0 [sflag:s8], $0x0  }
0x24: {  	s3 =	sadd.s32 $0x88, s3;
	s6 =	simm.s32 @!p1 $0x1082;
	[sflag:s4] =	ssyncset.s32 $0xFFFFF086  }
0x25: {  	[simem:s6], [sflag:s4] =	dma.local [hbm:s3], $0xF7A  }
0x26: {  	[smem:$0x3F8B] =	sst s1;
	(tag) =	ssettag s2;
	_ =	strace s9  }
0x27: {  	s1 =	sld [smem:$0x3F9B]  }
0x28: {  	s2 =	sld [smem:$0x3F9C]  }
0x29: {  	s4 =	sld [smem:$0x3F9E]  }
0x2a: {  	p0 =	seq.s32 s5, $0x0;
	s5 =	sld [smem:$0x3F9F]  }
0x2b: {  	s6 =	sld [smem:$0x3FA0]  }
0x2c: {  	s7 =	sld [smem:$0x3FA1]  }
0x2d: {  	s3 =	simm.s32 $0x108;
	s8 =	sld [smem:$0x3FA2]  }
0x2e: {  	s3 =	simm.s32 @!p0 $0x1082;
	s9 =	sld [smem:$0x3FA3]  }
0x2f: {  	lr =	sadd.s32 s0, s3;
	s0 =	sld [smem:$0x3F9A]  }
0x30: {  	s3 =	sld [smem:$0x3F9D]  }
0x31: {  	[smem:$0x3FA6] =	sst s10  }
0x32: {  	s10 =	sld [smem:$0x3FA4];
	_ =	sdelay $0x3  }
0x33: {  	p0 =	seq.s32 s10, $0x1;
	s10 =	sld [smem:$0x3FA6];
	_ =	sdelay $0x3  }
0x34: {  	[smem:$0x3FA6] =	sst s10  }
0x35: {  	s10 =	sld [smem:$0x3FA5];
	_ =	sdelay $0x3  }
0x36: {  	p1 =	seq.s32 s10, $0x1;
	s10 =	sld [smem:$0x3FA6];
	_ =	sdelay $0x3  }
0x37: {  	[smem:$0x3FA6] =	sst s10  }
0x38: {  	s10 =	sld [smem:$0x3FA7]  }
0x39: {  	_ = 	snop;
	(pc) =	sbr.ind lr, $3  }
0x3a: {  	_ = 	snop  }
0x3b: {  	_ = 	snop  }
0x3c: {  	p2 =	seq.s32 s10, $0x1;
	s10 =	sld [smem:$0x3FA6]  }
0x3d: {  	_ =	shalt  }
0x3e: {  	_ =	shalt  }
0x3f: {  	_ =	shalt  }
0x40: {  	_ =	shalt  }
0x41: {  	_ =	shalt  }
0x42: {  	_ =	shalt  }
0x43: {  	_ =	shalt  }
0x44: {  	_ =	shalt  }
0x45: {  	_ =	shalt  }
0x46: {  	_ =	shalt  }
0x47: {  	_ =	shalt  }
0x48: {  	_ =	shalt  }
0x49: {  	_ =	shalt  }
0x4a: {  	_ =	shalt  }
0x4b: {  	_ =	shalt  }
0x4c: {  	_ =	shalt  }
0x4d: {  	_ =	shalt  }
0x4e: {  	_ =	shalt  }
0x4f: {  	_ =	shalt  }
0x50: {  	_ =	shalt  }
0x51: {  	_ =	shalt  }
0x52: {  	_ =	shalt  }
0x53: {  	_ =	shalt  }
0x54: {  	_ =	shalt  }
0x55: {  	_ =	shalt  }
0x56: {  	_ =	shalt  }
0x57: {  	_ =	shalt  }
0x58: {  	_ =	shalt  }
0x59: {  	_ =	shalt  }
0x5a: {  	_ =	shalt  }
0x5b: {  	_ =	shalt  }
0x5c: {  	_ =	shalt  }
0x5d: {  	_ =	shalt  }
0x5e: {  	_ =	shalt  }
0x5f: {  	_ =	shalt  }
0x60: {  	_ =	shalt  }
0x61: {  	_ =	shalt  }
0x62: {  	_ =	shalt  }
0x63: {  	_ =	shalt  }
0x64: {  	_ =	shalt  }
0x65: {  	_ =	shalt  }
0x66: {  	_ =	shalt  }
0x67: {  	_ =	shalt  }
0x68: {  	_ =	shalt  }
0x69: {  	_ =	shalt  }
0x6a: {  	_ =	shalt  }
0x6b: {  	_ =	shalt  }
0x6c: {  	_ =	shalt  }
0x6d: {  	_ =	shalt  }
0x6e: {  	_ =	shalt  }
0x6f: {  	_ =	shalt  }
0x70: {  	_ =	shalt  }
0x71: {  	_ =	shalt  }
0x72: {  	_ =	shalt  }
0x73: {  	_ =	shalt  }
0x74: {  	_ =	shalt  }
0x75: {  	_ =	shalt  }
0x76: {  	_ =	shalt  }
0x77: {  	_ =	shalt  }
0x78: {  	_ =	shalt  }
0x79: {  	_ =	shalt  }
0x7a: {  	_ =	shalt  }
0x7b: {  	_ =	shalt  }
0x7c: {  	_ =	shalt  }
0x7d: {  	_ =	shalt  }
0x7e: {  	_ =	shalt  }
0x7f: {  	_ =	shalt  }
0x80: {  	_ =	shalt  }
0x81: {  	_ =	shalt  }
0x82: {  	_ =	shalt  }
0x83: {  	_ =	shalt  }
0x84: {  	_ =	shalt  }
0x85: {  	_ =	shalt  }
0x86: {  	_ =	shalt  }
0x87: {  	_ =	shalt  }
.Lfunc_end0:
.L_simem_size_0:
called_computation.2_lowered:
.L_overlay_start_0:
0x88: {  	s2 =	sld [smem:$0x3FD9]  }
0x89: {  	s3 =	sld [smem:$0x3FFE];
	_ =	sdelay $0x1  }
0x8a: {  	s1 =	srdreg.scid  }
0x8b: {  	s0 =	sand.u32 $0x1, s1  }
0x8c: {  	s14 =	sshll.u32 s0, $0xA;
	s2 =	sadd.s32 s3, s2  }
0x8d: {  	s2 =	sadd.s32 s2, s14  }
0x8e: {  	[smem:$0x3FB2] =	sst s2  }
0x8f: {  	_ = 	snop  }
0x90: {  	s2 =	sld [smem:$0x3FD0];
	_ =	sdelay $0x2  }
0x91: {  	s15 =	simm.s32 $0xA;
	s4 =	simm.s32 $0x10  }
0x92: {  	[smem:s4], [sflag:s15] =	dma.local [hbm:s2], $0x1  }
0x93: {  	_ =	swait.eq [sflag:s15], $0x1  }
0x94: {  	[sflag:s15] =	ssyncset.done $0x0  }
0x95: {  	[sflag:s15] =	ssyncadd.s32 $0xFFFFFFFF  }
0x96: {  	s16 =	sld [smem:$0x11];
	(tm) =	ssettm $0x1  }
0x97: {  	s17 =	sld [smem:$0x3FFB];
	_ =	sdelay $0x3  }
0x98: {  	_ =	strace s17  }
0x99: {  	s3 =	sld [smem:$0x3FFC];
	_ =	sdelay $0x3  }
0x9a: {  	_ =	strace s3  }
0x9b: {  	s3 =	sld [smem:$0x3FFD];
	_ =	sdelay $0x3  }
0x9c: {  	_ =	strace s3  }
0x9d: {  	_ =	strace $0x8FFFFFFF  }
0x9e: {  	s18 =	sld [smem:$0x3FDB];
	_ =	sdelay $0x1  }
0x9f: {  	s19 =	simm.s32 $_scs_section_size  }
0xa0: {  	s5 =	simm.s32 $_size__tile_overlayer_lowered;
	s6 =	simm.s32 $_tile_overlayer_lowered  }
0xa1: {  	s22 =	simm.s32 $0x1BFF;
	s21 =	sshll.u32 s6, $0x1;
	s3 =	sadd.s32 s19, s18  }
0xa2: {  	s7 =	simm.s32 $0x0;
	s20 =	sshll.u32 s5, $0x1;
	s5 =	sadd.s32 s21, s3  }
0xa3: {  	[timem:s7], [sflag:s22] =	dma.local [hbm:s5], s20  }
0xa4: {  	_ =	swait.ge [sflag:s22], s20  }
0xa5: {  	s4 =	ssub.s32 $0x0, s20;
	[sflag:s22] =	ssyncset.done $0x0  }
0xa6: {  	[sflag:s22] =	ssyncadd.s32 s4;
	_ =	sdelay $0x1  }
0xa7: {  	s23 =	simm.s32 $0x1B8B  }
0xa8: {  	_ =	swait.ge [sflag:s23], $0x1  }
0xa9: {  	[sflag:s23] =	ssyncset.done $0x0  }
0xaa: {  	s25 =	simm.s32 $0x1B8E;
	s24 =	sld [smem:$0x3FFE];
	[sflag:s23] =	ssyncadd.s32 $0xFFFFFFFF  }
0xab: {  	s26 =	simm.s32 $execute0_lowered;
	[smem:$0x3FD2] =	sst s25  }
0xac: {  	s5 =	sshll.u32 s26, $0x1;
	_ =	strace $0x8000004C;
	[dreg:$0x1] =	wrdreg $0xFFFFFFFF  }
0xad: {  	s28 =	simm.s32 $_size_execute0_lowered;
	s3 =	sadd.s32 s3, s5;
	[dreg:$0x0] =	wrdreg $0x0  }
0xae: {  	s5 =	sshll.u32 s28, $0x1;
	[dreg:$0x2] =	wrdreg s3  }
0xaf: {  	[dreg:$0x3] =	wrdreg s5  }
0xb0: {  	[dreg:$0x4] =	wrdreg $0xC0  }
0xb1: {  	_ =	task [dreg:s7], $0x5FFFF  }
0xb2: {  	[dreg:$0x1] =	wrdreg $0xFFFFFFFF  }
0xb3: {  	[dreg:$0x0] =	wrdreg $0x60  }
0xb4: {  	[dreg:$0x2] =	wrdreg s24  }
0xb5: {  	[dreg:$0x3] =	wrdreg s16  }
0xb6: {  	[dreg:$0x4] =	wrdreg $0x57000  }
0xb7: {  	[dreg:$0x5] =	wrdreg $0x9  }
0xb8: {  	_ =	task.clear_ibuf [dreg:s7], $0x6FFFF;
	_ =	strace $0x9000004C  }
0xb9: {  	s29 =	simm.s32 $0x9;
	_ =	strace $0x8000004E  }
0xba: {  	_ =	swait.ge [sflag:s29], $0x1  }
0xbb: {  	[sflag:s29] =	ssyncadd.s32 $0xFFFFFFFF  }
0xbc: {  	_ =	strace $0x9000004E  }
0xbd: {  	_ =	sfence  }
0xbe: {  	s30 =	sld [smem:$0x0];
	_ =	sdelay $0x2  }
0xbf: {  	s31 =	sshll.u32 s1, $0xD;
	s1 =	sshrl.u32 s1, $0x2  }
0xc0: {  	s3 =	sand.u32 $0x4000, s31;
	s1 =	sadd.s32 s1, s30  }
0xc1: {  	s0 =	sor.u32 s3, s0;
	s1 =	sshll.u32 s1, $0x11  }
0xc2: {  	s0 =	sor.u32 s1, s0  }
0xc3: {  	s0 =	sadd.s32 $0x8F2B, s0  }
0xc4: {  	[sflag:s0] =	ssyncadd.remote.s32 $0x1  }
0xc5: {  	_ =	sfence.sel $0xFFFF  }
0xc6: {  	[dreg:$0x0] =	wrdreg $0xFFFFFFFF;
	(pc) =	sbr.abs _section_cstart, $3  }
0xc7: {  	[dreg:$0x1] =	wrdreg $0xFFFFFFFF  }
0xc8: {  	_ =	task.clear_ibuf [dreg:s7], $0x2FFFF;
	_ =	strace $0x9FFFFFFF  }
0xc9: {  	(tm) =	ssettm $0x7FFFFFFF  }
tec
execute0_lowered:
.L_overlay_start_1:
0x0: {  	(tag) =	ssettag $0x1  }
0x1: {  	s6 =	rddreg [dreg:$0x0]  }
0x2: {  	s2 =	rddreg [dreg:$0x1]  }
0x3: {  	s3 =	rddreg [dreg:$0x2];
	s4 =	srdreg.scid  }
0x4: {  	s0 =	rddreg [dreg:$0x3];
	s1 =	stileid.u32  }
0x5: {  	s14 =	simm.s32 $0x80;
	s15 =	simm.s32 $0x4F00;
	s16 =	simm.s32 $0x0  }
0x6: {  	s7 =	sand.u32 $0x1, s4;
	s4 =	simm.s32 $0x0;
	s8 =	smul.u32 $0x2780, s1  }
0x7: {  	s12 =	sshll.u32 s1, $0x6;
	s5 =	sshll.u32 s7, $0x4;
	[smem:$0x7FF] =	sst s4  }
0x8: {  	s9 =	smul.u32 $0x27800, s7;
	s7 =	ssub.s32 $0x2, s7;
	s12 =	sor.u32 $0x1C01, s12  }
0x9: {  	s5 =	sor.u32 s1, s5;
	_ =	strace $0x8000004D;
	s11 =	sshrl.u32 s7, $0x1  }
0xa: {  	s13 =	sadd.s32 s8, s3;
	s10 =	smul.u32 $0x4F0, s5;
	s9 =	sadd.s32 s8, s9  }
0xb: {  	s5 =	sadd.s32 $0x7C00, s6;
	s11 =	ssub.s32 s7, s11;
	s9 =	sshrl.u32 s9, $0x3  }
0xc: {  	s13 =	sshrl.u32 s13, $0x3;
	s10 =	sadd.s32 s10, s6;
	s9 =	sadd.s32 s9, s6  }
0xd: {  	s6 =	sadd.s32 $0x16A00, s10;
	s7 =	sadd.s32 $0xCC00, s10;
	s8 =	sadd.s32 $0x20800, s9  }
0xe: {  	s9 =	smax.u32 s11, $0x1;
	s10 =	simm.s32 $0x1;
	s11 =	simm.s32 $0x2780  }
.LBB2_1:
0xf: {  	[tilespmem:s4], [sflag:$0x1] =	stream.linear.gather [hbm4b:s6+s4], $0x2780, $0x38;
	[tilespmem:$0x7E80] =	vst v63  }
0x10: {  	_ =	swait.ge [sflag:s10], $0x2780  }
0x11: {  	[sflag:s10] =	ssyncset.done $0x0  }
0x12: {  	[sflag:s10] =	ssyncadd.s32 $0xFFFFD880  }
0x13: {  	[tilespmem:s11], [sflag:$0x1] =	stream.linear.gather [hbm4b:s7+s4], $0x2780, $0x38;
	[tilespmem:$0x7E80] =	vst v63  }
0x14: {  	_ =	swait.ge [sflag:s10], $0x2780  }
0x15: {  	[sflag:s10] =	ssyncset.done $0x0  }
0x16: {  	[sflag:s10] =	ssyncadd.s32 $0xFFFFD880  }
0x17: {  	[spmem:s13], [sflag:s12] =	dma.local [hbm:s2], $0x4F0  }
0x18: {  	_ =	swait.ge [sflag:s10], $0x4F0  }
0x19: {  	[sflag:s10] =	ssyncset.done $0x0  }
0x1a: {  	[sflag:s10] =	ssyncadd.s32 $0xFFFFFB10  }
0x1b: {  	s17 =	simm.s32 $0x0;
	[bflag:$0x0] =	sbarrier.arrive $0xFFFF  }
0x1c: {  	[tilespmem:s15], [sflag:$0x1] =	stream.indirect.gather [hbm4b:s5+s14], $0x10, s17, s14, $0xb8;
	[tilespmem:$0x7E80] =	vst v63  }
0x1d: {  	_ =	swait.ge [sflag:s10], $0x800  }
0x1e: {  	[sflag:s10] =	ssyncset.done $0x0  }
0x1f: {  	s31 =	simm.s32 $0x2780;
	[sflag:s10] =	ssyncadd.s32 $0xFFFFF800  }
0x20: {  	[spmem:s3] =	stream.indirect.scatter.add.f32 [tilespmem:s15], [sflag:$0x1], $0x10, s31, s14, $0xb8;
	[tilespmem:$0x7E80] =	vst v63  }
0x21: {  	_ =	swait.ge [sflag:s10], $0x800  }
0x22: {  	s18 =	simm.s32 $0x400;
	s17 =	simm.s32 $0x200;
	[sflag:s10] =	ssyncset.done $0x0  }
.LBB2_2:
0x23: {  	s19 =	sshra.s32 s17, $0x2  }
0x24: {  	[sflag:s10] =	ssyncadd.s32 $0xFFFFF800;
	s17 =	smov.u32 s18;
	s20 =	sadd.s32 $0x200, s18  }
0x25: {  	[tilespmem:s15], [sflag:$0x1] =	stream.indirect.gather [hbm4b:s5+s14], $0x10, s19, s14, $0xb8;
	[tilespmem:$0x7E80] =	vst v63  }
0x26: {  	p0 =	sne.s32 s18, $0x9C00;
	_ =	swait.ge [sflag:s10], $0x800  }
.Ltmp0:
0x27: {  	[sflag:s10] =	ssyncset.done $0x0;
	(pc) =	sbr.rel @p0 .LBB2_2-.Ltmp0, $4  }
0x28: {  	s18 =	sadd.s32 $0x2780, s19;
	[sflag:s10] =	ssyncadd.s32 $0xFFFFF800  }
0x29: {  	[spmem:s3] =	stream.indirect.scatter.add.f32 [tilespmem:s15], [sflag:$0x1], $0x10, s18, s14, $0xb8;
	[tilespmem:$0x7E80] =	vst v63  }
0x2a: {  	_ =	swait.ge [sflag:s10], $0x800  }
0x2b: {  	s18 =	smov.u32 s20;
	[sflag:s10] =	ssyncset.done $0x0  }
0x2c: {  	s17 =	sshra.s32 s17, $0x2;
	[sflag:s10] =	ssyncadd.s32 $0xFFFFF800  }
0x2d: {  	[tilespmem:s15], [sflag:$0x1] =	stream.indirect.gather [hbm4b:s5+s14], $0x10, s17, s14, $0xb8;
	[tilespmem:$0x7E80] =	vst v63  }
0x2e: {  	_ =	swait.ge [sflag:s10], $0x800  }
0x2f: {  	[sflag:s10] =	ssyncset.done $0x0  }
0x30: {  	s17 =	sadd.s32 $0x2780, s17;
	[sflag:s10] =	ssyncadd.s32 $0xFFFFF800  }
0x31: {  	[spmem:s3] =	stream.indirect.scatter.add.f32 [tilespmem:s15], [sflag:$0x1], $0x10, s17, s14, $0xb8;
	[tilespmem:$0x7E80] =	vst v63  }
0x32: {  	_ =	swait.ge [sflag:s10], $0x800  }
0x33: {  	s16 =	sadd.s32 $0x1, s16;
	[sflag:s10] =	ssyncset.done $0x0  }
0x34: {  	p0 =	sne.s32 s16, s9;
	[sflag:s10] =	ssyncadd.s32 $0xFFFFF800  }
.Ltmp1:
0x35: {  	[bflag:$0x0] =	sbarrier.arrive $0xFFFF;
	(pc) =	sbr.rel @p0 .LBB2_1-.Ltmp1, $4  }
0x36: {  	[hbm:s8], [sflag:s12] =	dma.local [spmem:s13], $0x4F0  }
0x37: {  	_ =	swait.ge [sflag:s10], $0x4F0  }
0x38: {  	[sflag:s10] =	ssyncset.done $0x0  }
0x39: {  	[sflag:s10] =	ssyncadd.s32 $0xFFFFFB10  }
0x3a: {  	_ =	sfence.sel $0x180000  }
0x3b: {  	[bflag:$0x0] =	sbarrier.arrive $0xFFFF  }
0x3c: {  	p0 =	sne.s32 s1, $0x0;
	_ =	strace $0x9000004D  }
0x3d: {  	s0 =	sadd.s32 @!p0 $0x100000, s0;
	[bflag:$0x2] =	sbarrier.arrive $0xFFFF  }
0x3e: {  	[sflag:s0] =	ssyncadd.tile.s32 @!p0 $0x1;
	_ =	shalt  }
.Lfunc_end2:
_tile_overlayer_lowered:
.L_overlay_start_2:
0x3f: {  	(tag) =	ssettag $0x2  }
0x40: {  	s0 =	rddreg [dreg:$0x0];
	s2 =	stileid.u32  }
0x41: {  	s1 =	rddreg [dreg:$0x1];
	p0 =	sne.s32 s2, $0x0  }
0x42: {  	s3 =	rddreg [dreg:$0x2];
	[bflag:$0x3] =	sbarrier.arrive $0xFFFF;
	s2 =	simm.s32 @!p0 $0x1C01  }
0x43: {  	[timem:s3], [sflag:s2] =	dma.local @!p0 [hbm:s0], s1  }
0x44: {  	s0 =	simm.s32 @!p0 $0x1  }
0x45: {  	_ =	swait.ge @!p0 [sflag:s0], s1  }
0x46: {  	s1 =	ssub.s32 @!p0 $0x0, s1;
	[sflag:s0] =	ssyncset.done @!p0 $0x0  }
0x47: {  	[sflag:s0] =	ssyncadd.s32 @!p0 s1  }
0x48: {  	[bflag:$0x3] =	sbarrier.arrive $0xFFFF  }
0x49: {  	_ =	shalt  }

// kernel: kernel.32.cloned.1.call-start
scs
__scs_entry_jumppad:
0x0: {  	(pc) =	sbr.rel $0x88, $3  }
0x1: {  	(tag) =	ssettag $0x0;
	lr =	simm.s32 $0x1  }
0x2: {  	[smem:$0x3F8B] =	sst lr;
	_ =	strace $0xD0000000  }
0x3: {  	_ = 	snop  }
0x4: {  	_ = 	snop  }
0x5: {  	_ = 	snop  }
0x6: {  	_ = 	snop  }
0x7: {  	_ = 	snop  }
__scs_overlays_trampoline_lowered:
0x8: {  	[smem:$0x3F9A] =	sst s0  }
0x9: {  	[smem:$0x3F9B] =	sst s1  }
0xa: {  	[smem:$0x3F9C] =	sst s2  }
0xb: {  	[smem:$0x3F9D] =	sst s3  }
0xc: {  	[smem:$0x3F9E] =	sst s4  }
0xd: {  	[smem:$0x3F9F] =	sst s5  }
0xe: {  	[smem:$0x3FA0] =	sst s6  }
0xf: {  	[smem:$0x3FA1] =	sst s7  }
0x10: {  	[smem:$0x3FA2] =	sst s8  }
0x11: {  	[smem:$0x3FA3] =	sst s9;
	s0 =	simm.s32 @!p0 $0x0  }
0x12: {  	s1 =	sld [smem:$0x3F89];
	s0 =	simm.s32 @p0 $0x1  }
0x13: {  	[smem:$0x3FA4] =	sst s0;
	s0 =	simm.s32 @!p1 $0x0  }
0x14: {  	s2 =	sld [smem:$0x3F88];
	s0 =	simm.s32 @p1 $0x1  }
0x15: {  	[smem:$0x3FA5] =	sst s0;
	s0 =	simm.s32 @!p2 $0x0  }
0x16: {  	s3 =	sld [smem:$0x3FDB];
	s0 =	simm.s32 @p2 $0x1  }
0x17: {  	s4 =	simm.s32 $0x1BF5;
	[smem:$0x3FA7] =	sst s0  }
0x18: {  	s0 =	sld [smem:$0x3F8A];
	_ =	swait.ge [sflag:s4], $0x0  }
0x19: {  	s7 =	sld [smem:$0x3F8B]  }
0x1a: {  	s8 =	sadd.s32 $0xFFFFE003, lr  }
0x1b: {  	s9 =	sadd.s32 $0xFFFFFEF7, lr;
	s5 =	simm.s32 $0xFFFFFFFF;
	p2 =	slt.u32 s8, $0xFFFFF086  }
0x1c: {  	p1 =	slt.u32 s9, $0xF7A;
	s5 =	simm.s32 @!p2 $0x0  }
0x1d: {  	s5 =	simm.s32 @p1 $0x1;
	p0 =	seq.s32 s7, s2  }
0x1e: {  	s7 =	smul.u32 @!p0 $0xF7A, s2;
	p2 =	seq.s32 @!p0 s5, $0x0  }
0x1f: {  	s9 =	smul.u32 $0xF7A, s1;
	s8 =	simm.s32 @!p0 $0x1BF5;
	p2 =	por !p2, p0  }
0x20: {  	[sflag:s8] =	ssyncset.s32 @!p0 $0xFFFFF086;
	s6 =	sadd.s32 @!p0 s3, s7;
	s7 =	simm.s32 @!p0 $0x108  }
0x21: {  	s3 =	sadd.s32 s3, s9;
	s6 =	sadd.s32 @!p0 $0x88, s6;
	s7 =	simm.s32 @p2 $0x1082  }
0x22: {  	[simem:s7], [sflag:s8] =	dma.local @!p0 [hbm:s6], $0xF7A  }
0x23: {  	s9 =	sor.u32 $0xD0000000, s2;
	s6 =	simm.s32 $0x108;
	_ =	swait.ge @!p0 [sflag:s8], $0x0  }
0x24: {  	s3 =	sadd.s32 $0x88, s3;
	s6 =	simm.s32 @!p1 $0x1082;
	[sflag:s4] =	ssyncset.s32 $0xFFFFF086  }
0x25: {  	[simem:s6], [sflag:s4] =	dma.local [hbm:s3], $0xF7A  }
0x26: {  	[smem:$0x3F8B] =	sst s1;
	(tag) =	ssettag s2;
	_ =	strace s9  }
0x27: {  	s1 =	sld [smem:$0x3F9B]  }
0x28: {  	s2 =	sld [smem:$0x3F9C]  }
0x29: {  	s4 =	sld [smem:$0x3F9E]  }
0x2a: {  	p0 =	seq.s32 s5, $0x0;
	s5 =	sld [smem:$0x3F9F]  }
0x2b: {  	s6 =	sld [smem:$0x3FA0]  }
0x2c: {  	s7 =	sld [smem:$0x3FA1]  }
0x2d: {  	s3 =	simm.s32 $0x108;
	s8 =	sld [smem:$0x3FA2]  }
0x2e: {  	s3 =	simm.s32 @!p0 $0x1082;
	s9 =	sld [smem:$0x3FA3]  }
0x2f: {  	lr =	sadd.s32 s0, s3;
	s0 =	sld [smem:$0x3F9A]  }
0x30: {  	s3 =	sld [smem:$0x3F9D]  }
0x31: {  	[smem:$0x3FA6] =	sst s10  }
0x32: {  	s10 =	sld [smem:$0x3FA4];
	_ =	sdelay $0x3  }
0x33: {  	p0 =	seq.s32 s10, $0x1;
	s10 =	sld [smem:$0x3FA6];
	_ =	sdelay $0x3  }
0x34: {  	[smem:$0x3FA6] =	sst s10  }
0x35: {  	s10 =	sld [smem:$0x3FA5];
	_ =	sdelay $0x3  }
0x36: {  	p1 =	seq.s32 s10, $0x1;
	s10 =	sld [smem:$0x3FA6];
	_ =	sdelay $0x3  }
0x37: {  	[smem:$0x3FA6] =	sst s10  }
0x38: {  	s10 =	sld [smem:$0x3FA7]  }
0x39: {  	_ = 	snop;
	(pc) =	sbr.ind lr, $3  }
0x3a: {  	_ = 	snop  }
0x3b: {  	_ = 	snop  }
0x3c: {  	p2 =	seq.s32 s10, $0x1;
	s10 =	sld [smem:$0x3FA6]  }
0x3d: {  	_ =	shalt  }
0x3e: {  	_ =	shalt  }
0x3f: {  	_ =	shalt  }
0x40: {  	_ =	shalt  }
0x41: {  	_ =	shalt  }
0x42: {  	_ =	shalt  }
0x43: {  	_ =	shalt  }
0x44: {  	_ =	shalt  }
0x45: {  	_ =	shalt  }
0x46: {  	_ =	shalt  }
0x47: {  	_ =	shalt  }
0x48: {  	_ =	shalt  }
0x49: {  	_ =	shalt  }
0x4a: {  	_ =	shalt  }
0x4b: {  	_ =	shalt  }
0x4c: {  	_ =	shalt  }
0x4d: {  	_ =	shalt  }
0x4e: {  	_ =	shalt  }
0x4f: {  	_ =	shalt  }
0x50: {  	_ =	shalt  }
0x51: {  	_ =	shalt  }
0x52: {  	_ =	shalt  }
0x53: {  	_ =	shalt  }
0x54: {  	_ =	shalt  }
0x55: {  	_ =	shalt  }
0x56: {  	_ =	shalt  }
0x57: {  	_ =	shalt  }
0x58: {  	_ =	shalt  }
0x59: {  	_ =	shalt  }
0x5a: {  	_ =	shalt  }
0x5b: {  	_ =	shalt  }
0x5c: {  	_ =	shalt  }
0x5d: {  	_ =	shalt  }
0x5e: {  	_ =	shalt  }
0x5f: {  	_ =	shalt  }
0x60: {  	_ =	shalt  }
0x61: {  	_ =	shalt  }
0x62: {  	_ =	shalt  }
0x63: {  	_ =	shalt  }
0x64: {  	_ =	shalt  }
0x65: {  	_ =	shalt  }
0x66: {  	_ =	shalt  }
0x67: {  	_ =	shalt  }
0x68: {  	_ =	shalt  }
0x69: {  	_ =	shalt  }
0x6a: {  	_ =	shalt  }
0x6b: {  	_ =	shalt  }
0x6c: {  	_ =	shalt  }
0x6d: {  	_ =	shalt  }
0x6e: {  	_ =	shalt  }
0x6f: {  	_ =	shalt  }
0x70: {  	_ =	shalt  }
0x71: {  	_ =	shalt  }
0x72: {  	_ =	shalt  }
0x73: {  	_ =	shalt  }
0x74: {  	_ =	shalt  }
0x75: {  	_ =	shalt  }
0x76: {  	_ =	shalt  }
0x77: {  	_ =	shalt  }
0x78: {  	_ =	shalt  }
0x79: {  	_ =	shalt  }
0x7a: {  	_ =	shalt  }
0x7b: {  	_ =	shalt  }
0x7c: {  	_ =	shalt  }
0x7d: {  	_ =	shalt  }
0x7e: {  	_ =	shalt  }
0x7f: {  	_ =	shalt  }
0x80: {  	_ =	shalt  }
0x81: {  	_ =	shalt  }
0x82: {  	_ =	shalt  }
0x83: {  	_ =	shalt  }
0x84: {  	_ =	shalt  }
0x85: {  	_ =	shalt  }
0x86: {  	_ =	shalt  }
0x87: {  	_ =	shalt  }
.Lfunc_end0:
.L_simem_size_0:
called_computation.3_lowered:
.L_overlay_start_0:
0x88: {  	s2 =	sld [smem:$0x3FD9]  }
0x89: {  	s3 =	sld [smem:$0x3FFE];
	_ =	sdelay $0x1  }
0x8a: {  	s1 =	srdreg.scid  }
0x8b: {  	s0 =	sand.u32 $0x1, s1  }
0x8c: {  	s14 =	sshll.u32 s0, $0xA;
	s2 =	sadd.s32 s3, s2  }
0x8d: {  	s2 =	sadd.s32 s2, s14  }
0x8e: {  	[smem:$0x3FB2] =	sst s2  }
0x8f: {  	_ = 	snop  }
0x90: {  	s2 =	sld [smem:$0x3FD0];
	_ =	sdelay $0x2  }
0x91: {  	s15 =	simm.s32 $0xA;
	s4 =	simm.s32 $0x10  }
0x92: {  	[smem:s4], [sflag:s15] =	dma.local [hbm:s2], $0x1  }
0x93: {  	_ =	swait.eq [sflag:s15], $0x1  }
0x94: {  	[sflag:s15] =	ssyncset.done $0x0  }
0x95: {  	[sflag:s15] =	ssyncadd.s32 $0xFFFFFFFF  }
0x96: {  	s16 =	sld [smem:$0x11];
	(tm) =	ssettm $0x1  }
0x97: {  	s17 =	sld [smem:$0x3FFB];
	_ =	sdelay $0x3  }
0x98: {  	_ =	strace s17  }
0x99: {  	s3 =	sld [smem:$0x3FFC];
	_ =	sdelay $0x3  }
0x9a: {  	_ =	strace s3  }
0x9b: {  	s3 =	sld [smem:$0x3FFD];
	_ =	sdelay $0x3  }
0x9c: {  	_ =	strace s3  }
0x9d: {  	_ =	strace $0x8FFFFFFF  }
0x9e: {  	s18 =	sld [smem:$0x3FDB];
	_ =	sdelay $0x1  }
0x9f: {  	s19 =	simm.s32 $_scs_section_size  }
0xa0: {  	s5 =	simm.s32 $_size__tile_overlayer_lowered;
	s6 =	simm.s32 $_tile_overlayer_lowered  }
0xa1: {  	s22 =	simm.s32 $0x1BFF;
	s21 =	sshll.u32 s6, $0x1;
	s3 =	sadd.s32 s19, s18  }
0xa2: {  	s7 =	simm.s32 $0x0;
	s20 =	sshll.u32 s5, $0x1;
	s5 =	sadd.s32 s21, s3  }
0xa3: {  	[timem:s7], [sflag:s22] =	dma.local [hbm:s5], s20  }
0xa4: {  	_ =	swait.ge [sflag:s22], s20  }
0xa5: {  	s4 =	ssub.s32 $0x0, s20;
	[sflag:s22] =	ssyncset.done $0x0  }
0xa6: {  	[sflag:s22] =	ssyncadd.s32 s4;
	_ =	sdelay $0x1  }
0xa7: {  	s23 =	simm.s32 $0x1B8B  }
0xa8: {  	_ =	swait.ge [sflag:s23], $0x1  }
0xa9: {  	[sflag:s23] =	ssyncset.done $0x0  }
0xaa: {  	s25 =	simm.s32 $0x1B8E;
	s24 =	sld [smem:$0x3FFE];
	[sflag:s23] =	ssyncadd.s32 $0xFFFFFFFF  }
0xab: {  	s26 =	simm.s32 $execute0_lowered;
	[smem:$0x3FD2] =	sst s25  }
0xac: {  	s5 =	sshll.u32 s26, $0x1;
	_ =	strace $0x8000004F;
	[dreg:$0x1] =	wrdreg $0xFFFFFFFF  }
0xad: {  	s28 =	simm.s32 $_size_execute0_lowered;
	s3 =	sadd.s32 s3, s5;
	[dreg:$0x0] =	wrdreg $0x0  }
0xae: {  	s5 =	sshll.u32 s28, $0x1;
	[dreg:$0x2] =	wrdreg s3  }
0xaf: {  	[dreg:$0x3] =	wrdreg s5  }
0xb0: {  	[dreg:$0x4] =	wrdreg $0xC0  }
0xb1: {  	_ =	task [dreg:s7], $0x5FFFF  }
0xb2: {  	[dreg:$0x1] =	wrdreg $0xFFFFFFFF  }
0xb3: {  	[dreg:$0x0] =	wrdreg $0x60  }
0xb4: {  	[dreg:$0x2] =	wrdreg s24  }
0xb5: {  	[dreg:$0x3] =	wrdreg s16  }
0xb6: {  	[dreg:$0x4] =	wrdreg $0x57000  }
0xb7: {  	[dreg:$0x5] =	wrdreg $0x9  }
0xb8: {  	_ =	task.clear_ibuf [dreg:s7], $0x6FFFF;
	_ =	strace $0x9000004F  }
0xb9: {  	s29 =	simm.s32 $0x9;
	_ =	strace $0x80000051  }
0xba: {  	_ =	swait.ge [sflag:s29], $0x1  }
0xbb: {  	[sflag:s29] =	ssyncadd.s32 $0xFFFFFFFF  }
0xbc: {  	_ =	strace $0x90000051  }
0xbd: {  	_ =	sfence  }
0xbe: {  	s30 =	sld [smem:$0x0];
	_ =	sdelay $0x2  }
0xbf: {  	s31 =	sshll.u32 s1, $0xD;
	s1 =	sshrl.u32 s1, $0x2  }
0xc0: {  	s3 =	sand.u32 $0x4000, s31;
	s1 =	sadd.s32 s1, s30  }
0xc1: {  	s0 =	sor.u32 s3, s0;
	s1 =	sshll.u32 s1, $0x11  }
0xc2: {  	s0 =	sor.u32 s1, s0  }
0xc3: {  	s0 =	sadd.s32 $0x8F2B, s0  }
0xc4: {  	[sflag:s0] =	ssyncadd.remote.s32 $0x1  }
0xc5: {  	_ =	sfence.sel $0xFFFF  }
0xc6: {  	[dreg:$0x0] =	wrdreg $0xFFFFFFFF;
	(pc) =	sbr.abs _section_cstart, $3  }
0xc7: {  	[dreg:$0x1] =	wrdreg $0xFFFFFFFF  }
0xc8: {  	_ =	task.clear_ibuf [dreg:s7], $0x2FFFF;
	_ =	strace $0x9FFFFFFF  }
0xc9: {  	(tm) =	ssettm $0x7FFFFFFF  }
tec
execute0_lowered:
.L_overlay_start_1:
0x0: {  	(tag) =	ssettag $0x1  }
0x1: {  	s6 =	rddreg [dreg:$0x0]  }
0x2: {  	s2 =	rddreg [dreg:$0x1]  }
0x3: {  	s3 =	rddreg [dreg:$0x2];
	s4 =	srdreg.scid  }
0x4: {  	s0 =	rddreg [dreg:$0x3];
	s1 =	stileid.u32  }
0x5: {  	s14 =	simm.s32 $0x80;
	s15 =	simm.s32 $0x4F00;
	s16 =	simm.s32 $0x0  }
0x6: {  	s7 =	sand.u32 $0x1, s4;
	s4 =	simm.s32 $0x0;
	s8 =	smul.u32 $0x2780, s1  }
0x7: {  	s12 =	sshll.u32 s1, $0x6;
	s5 =	sshll.u32 s7, $0x4;
	[smem:$0x7FF] =	sst s4  }
0x8: {  	s9 =	smul.u32 $0x27800, s7;
	s7 =	ssub.s32 $0x2, s7;
	s12 =	sor.u32 $0x1C01, s12  }
0x9: {  	s5 =	sor.u32 s1, s5;
	_ =	strace $0x80000050;
	s11 =	sshrl.u32 s7, $0x1  }
0xa: {  	s13 =	sadd.s32 s8, s3;
	s10 =	smul.u32 $0x4F0, s5;
	s9 =	sadd.s32 s8, s9  }
0xb: {  	s5 =	sadd.s32 $0x7C00, s6;
	s11 =	ssub.s32 s7, s11;
	s9 =	sshrl.u32 s9, $0x3  }
0xc: {  	s13 =	sshrl.u32 s13, $0x3;
	s10 =	sadd.s32 s10, s6;
	s9 =	sadd.s32 s9, s6  }
0xd: {  	s6 =	sadd.s32 $0x16A00, s10;
	s7 =	sadd.s32 $0xCC00, s10;
	s8 =	sadd.s32 $0x20800, s9  }
0xe: {  	s9 =	smax.u32 s11, $0x1;
	s10 =	simm.s32 $0x1;
	s11 =	simm.s32 $0x2780  }
.LBB2_1:
0xf: {  	[tilespmem:s4], [sflag:$0x1] =	stream.linear.gather [hbm4b:s6+s4], $0x2780, $0x38;
	[tilespmem:$0x7E80] =	vst v63  }
0x10: {  	_ =	swait.ge [sflag:s10], $0x2780  }
0x11: {  	[sflag:s10] =	ssyncset.done $0x0  }
0x12: {  	[sflag:s10] =	ssyncadd.s32 $0xFFFFD880  }
0x13: {  	[tilespmem:s11], [sflag:$0x1] =	stream.linear.gather [hbm4b:s7+s4], $0x2780, $0x38;
	[tilespmem:$0x7E80] =	vst v63  }
0x14: {  	_ =	swait.ge [sflag:s10], $0x2780  }
0x15: {  	[sflag:s10] =	ssyncset.done $0x0  }
0x16: {  	[sflag:s10] =	ssyncadd.s32 $0xFFFFD880  }
0x17: {  	[spmem:s13], [sflag:s12] =	dma.local [hbm:s2], $0x4F0  }
0x18: {  	_ =	swait.ge [sflag:s10], $0x4F0  }
0x19: {  	[sflag:s10] =	ssyncset.done $0x0  }
0x1a: {  	[sflag:s10] =	ssyncadd.s32 $0xFFFFFB10  }
0x1b: {  	s17 =	simm.s32 $0x0;
	[bflag:$0x0] =	sbarrier.arrive $0xFFFF  }
0x1c: {  	[tilespmem:s15], [sflag:$0x1] =	stream.indirect.gather [hbm4b:s5+s14], $0x10, s17, s14, $0xb8;
	[tilespmem:$0x7E80] =	vst v63  }
0x1d: {  	_ =	swait.ge [sflag:s10], $0x800  }
0x1e: {  	[sflag:s10] =	ssyncset.done $0x0  }
0x1f: {  	s31 =	simm.s32 $0x2780;
	[sflag:s10] =	ssyncadd.s32 $0xFFFFF800  }
0x20: {  	[spmem:s3] =	stream.indirect.scatter.add.f32 [tilespmem:s15], [sflag:$0x1], $0x10, s31, s14, $0xb8;
	[tilespmem:$0x7E80] =	vst v63  }
0x21: {  	_ =	swait.ge [sflag:s10], $0x800  }
0x22: {  	s18 =	simm.s32 $0x400;
	s17 =	simm.s32 $0x200;
	[sflag:s10] =	ssyncset.done $0x0  }
.LBB2_2:
0x23: {  	s19 =	sshra.s32 s17, $0x2  }
0x24: {  	[sflag:s10] =	ssyncadd.s32 $0xFFFFF800;
	s17 =	smov.u32 s18;
	s20 =	sadd.s32 $0x200, s18  }
0x25: {  	[tilespmem:s15], [sflag:$0x1] =	stream.indirect.gather [hbm4b:s5+s14], $0x10, s19, s14, $0xb8;
	[tilespmem:$0x7E80] =	vst v63  }
0x26: {  	p0 =	sne.s32 s18, $0x9C00;
	_ =	swait.ge [sflag:s10], $0x800  }
.Ltmp0:
0x27: {  	[sflag:s10] =	ssyncset.done $0x0;
	(pc) =	sbr.rel @p0 .LBB2_2-.Ltmp0, $4  }
0x28: {  	s18 =	sadd.s32 $0x2780, s19;
	[sflag:s10] =	ssyncadd.s32 $0xFFFFF800  }
0x29: {  	[spmem:s3] =	stream.indirect.scatter.add.f32 [tilespmem:s15], [sflag:$0x1], $0x10, s18, s14, $0xb8;
	[tilespmem:$0x7E80] =	vst v63  }
0x2a: {  	_ =	swait.ge [sflag:s10], $0x800  }
0x2b: {  	s18 =	smov.u32 s20;
	[sflag:s10] =	ssyncset.done $0x0  }
0x2c: {  	s17 =	sshra.s32 s17, $0x2;
	[sflag:s10] =	ssyncadd.s32 $0xFFFFF800  }
0x2d: {  	[tilespmem:s15], [sflag:$0x1] =	stream.indirect.gather [hbm4b:s5+s14], $0x10, s17, s14, $0xb8;
	[tilespmem:$0x7E80] =	vst v63  }
0x2e: {  	_ =	swait.ge [sflag:s10], $0x800  }
0x2f: {  	[sflag:s10] =	ssyncset.done $0x0  }
0x30: {  	s17 =	sadd.s32 $0x2780, s17;
	[sflag:s10] =	ssyncadd.s32 $0xFFFFF800  }
0x31: {  	[spmem:s3] =	stream.indirect.scatter.add.f32 [tilespmem:s15], [sflag:$0x1], $0x10, s17, s14, $0xb8;
	[tilespmem:$0x7E80] =	vst v63  }
0x32: {  	_ =	swait.ge [sflag:s10], $0x800  }
0x33: {  	s16 =	sadd.s32 $0x1, s16;
	[sflag:s10] =	ssyncset.done $0x0  }
0x34: {  	p0 =	sne.s32 s16, s9;
	[sflag:s10] =	ssyncadd.s32 $0xFFFFF800  }
.Ltmp1:
0x35: {  	[bflag:$0x0] =	sbarrier.arrive $0xFFFF;
	(pc) =	sbr.rel @p0 .LBB2_1-.Ltmp1, $4  }
0x36: {  	[hbm:s8], [sflag:s12] =	dma.local [spmem:s13], $0x4F0  }
0x37: {  	_ =	swait.ge [sflag:s10], $0x4F0  }
0x38: {  	[sflag:s10] =	ssyncset.done $0x0  }
0x39: {  	[sflag:s10] =	ssyncadd.s32 $0xFFFFFB10  }
0x3a: {  	_ =	sfence.sel $0x180000  }
0x3b: {  	[bflag:$0x0] =	sbarrier.arrive $0xFFFF  }
0x3c: {  	p0 =	sne.s32 s1, $0x0;
	_ =	strace $0x90000050  }
0x3d: {  	s0 =	sadd.s32 @!p0 $0x100000, s0;
	[bflag:$0x2] =	sbarrier.arrive $0xFFFF  }
0x3e: {  	[sflag:s0] =	ssyncadd.tile.s32 @!p0 $0x1;
	_ =	shalt  }
.Lfunc_end2:
_tile_overlayer_lowered:
.L_overlay_start_2:
0x3f: {  	(tag) =	ssettag $0x2  }
0x40: {  	s0 =	rddreg [dreg:$0x0];
	s2 =	stileid.u32  }
0x41: {  	s1 =	rddreg [dreg:$0x1];
	p0 =	sne.s32 s2, $0x0  }
0x42: {  	s3 =	rddreg [dreg:$0x2];
	[bflag:$0x3] =	sbarrier.arrive $0xFFFF;
	s2 =	simm.s32 @!p0 $0x1C01  }
0x43: {  	[timem:s3], [sflag:s2] =	dma.local @!p0 [hbm:s0], s1  }
0x44: {  	s0 =	simm.s32 @!p0 $0x1  }
0x45: {  	_ =	swait.ge @!p0 [sflag:s0], s1  }
0x46: {  	s1 =	ssub.s32 @!p0 $0x0, s1;
	[sflag:s0] =	ssyncset.done @!p0 $0x0  }
0x47: {  	[sflag:s0] =	ssyncadd.s32 @!p0 s1  }
0x48: {  	[bflag:$0x3] =	sbarrier.arrive $0xFFFF  }
0x49: {  	_ =	shalt  }

// kernel: kernel.35.cloned.1.call-start
scs
__scs_entry_jumppad:
0x0: {  	(pc) =	sbr.rel $0x88, $3  }
0x1: {  	(tag) =	ssettag $0x0;
	lr =	simm.s32 $0x1  }
0x2: {  	[smem:$0x3F8B] =	sst lr;
	_ =	strace $0xD0000000  }
0x3: {  	_ = 	snop  }
0x4: {  	_ = 	snop  }
0x5: {  	_ = 	snop  }
0x6: {  	_ = 	snop  }
0x7: {  	_ = 	snop  }
__scs_overlays_trampoline_lowered:
0x8: {  	[smem:$0x3F9A] =	sst s0  }
0x9: {  	[smem:$0x3F9B] =	sst s1  }
0xa: {  	[smem:$0x3F9C] =	sst s2  }
0xb: {  	[smem:$0x3F9D] =	sst s3  }
0xc: {  	[smem:$0x3F9E] =	sst s4  }
0xd: {  	[smem:$0x3F9F] =	sst s5  }
0xe: {  	[smem:$0x3FA0] =	sst s6  }
0xf: {  	[smem:$0x3FA1] =	sst s7  }
0x10: {  	[smem:$0x3FA2] =	sst s8  }
0x11: {  	[smem:$0x3FA3] =	sst s9;
	s0 =	simm.s32 @!p0 $0x0  }
0x12: {  	s1 =	sld [smem:$0x3F89];
	s0 =	simm.s32 @p0 $0x1  }
0x13: {  	[smem:$0x3FA4] =	sst s0;
	s0 =	simm.s32 @!p1 $0x0  }
0x14: {  	s2 =	sld [smem:$0x3F88];
	s0 =	simm.s32 @p1 $0x1  }
0x15: {  	[smem:$0x3FA5] =	sst s0;
	s0 =	simm.s32 @!p2 $0x0  }
0x16: {  	s3 =	sld [smem:$0x3FDB];
	s0 =	simm.s32 @p2 $0x1  }
0x17: {  	s4 =	simm.s32 $0x1BF5;
	[smem:$0x3FA7] =	sst s0  }
0x18: {  	s0 =	sld [smem:$0x3F8A];
	_ =	swait.ge [sflag:s4], $0x0  }
0x19: {  	s7 =	sld [smem:$0x3F8B]  }
0x1a: {  	s8 =	sadd.s32 $0xFFFFE003, lr  }
0x1b: {  	s9 =	sadd.s32 $0xFFFFFEF7, lr;
	s5 =	simm.s32 $0xFFFFFFFF;
	p2 =	slt.u32 s8, $0xFFFFF086  }
0x1c: {  	p1 =	slt.u32 s9, $0xF7A;
	s5 =	simm.s32 @!p2 $0x0  }
0x1d: {  	s5 =	simm.s32 @p1 $0x1;
	p0 =	seq.s32 s7, s2  }
0x1e: {  	s7 =	smul.u32 @!p0 $0xF7A, s2;
	p2 =	seq.s32 @!p0 s5, $0x0  }
0x1f: {  	s9 =	smul.u32 $0xF7A, s1;
	s8 =	simm.s32 @!p0 $0x1BF5;
	p2 =	por !p2, p0  }
0x20: {  	[sflag:s8] =	ssyncset.s32 @!p0 $0xFFFFF086;
	s6 =	sadd.s32 @!p0 s3, s7;
	s7 =	simm.s32 @!p0 $0x108  }
0x21: {  	s3 =	sadd.s32 s3, s9;
	s6 =	sadd.s32 @!p0 $0x88, s6;
	s7 =	simm.s32 @p2 $0x1082  }
0x22: {  	[simem:s7], [sflag:s8] =	dma.local @!p0 [hbm:s6], $0xF7A  }
0x23: {  	s9 =	sor.u32 $0xD0000000, s2;
	s6 =	simm.s32 $0x108;
	_ =	swait.ge @!p0 [sflag:s8], $0x0  }
0x24: {  	s3 =	sadd.s32 $0x88, s3;
	s6 =	simm.s32 @!p1 $0x1082;
	[sflag:s4] =	ssyncset.s32 $0xFFFFF086  }
0x25: {  	[simem:s6], [sflag:s4] =	dma.local [hbm:s3], $0xF7A  }
0x26: {  	[smem:$0x3F8B] =	sst s1;
	(tag) =	ssettag s2;
	_ =	strace s9  }
0x27: {  	s1 =	sld [smem:$0x3F9B]  }
0x28: {  	s2 =	sld [smem:$0x3F9C]  }
0x29: {  	s4 =	sld [smem:$0x3F9E]  }
0x2a: {  	p0 =	seq.s32 s5, $0x0;
	s5 =	sld [smem:$0x3F9F]  }
0x2b: {  	s6 =	sld [smem:$0x3FA0]  }
0x2c: {  	s7 =	sld [smem:$0x3FA1]  }
0x2d: {  	s3 =	simm.s32 $0x108;
	s8 =	sld [smem:$0x3FA2]  }
0x2e: {  	s3 =	simm.s32 @!p0 $0x1082;
	s9 =	sld [smem:$0x3FA3]  }
0x2f: {  	lr =	sadd.s32 s0, s3;
	s0 =	sld [smem:$0x3F9A]  }
0x30: {  	s3 =	sld [smem:$0x3F9D]  }
0x31: {  	[smem:$0x3FA6] =	sst s10  }
0x32: {  	s10 =	sld [smem:$0x3FA4];
	_ =	sdelay $0x3  }
0x33: {  	p0 =	seq.s32 s10, $0x1;
	s10 =	sld [smem:$0x3FA6];
	_ =	sdelay $0x3  }
0x34: {  	[smem:$0x3FA6] =	sst s10  }
0x35: {  	s10 =	sld [smem:$0x3FA5];
	_ =	sdelay $0x3  }
0x36: {  	p1 =	seq.s32 s10, $0x1;
	s10 =	sld [smem:$0x3FA6];
	_ =	sdelay $0x3  }
0x37: {  	[smem:$0x3FA6] =	sst s10  }
0x38: {  	s10 =	sld [smem:$0x3FA7]  }
0x39: {  	_ = 	snop;
	(pc) =	sbr.ind lr, $3  }
0x3a: {  	_ = 	snop  }
0x3b: {  	_ = 	snop  }
0x3c: {  	p2 =	seq.s32 s10, $0x1;
	s10 =	sld [smem:$0x3FA6]  }
0x3d: {  	_ =	shalt  }
0x3e: {  	_ =	shalt  }
0x3f: {  	_ =	shalt  }
0x40: {  	_ =	shalt  }
0x41: {  	_ =	shalt  }
0x42: {  	_ =	shalt  }
0x43: {  	_ =	shalt  }
0x44: {  	_ =	shalt  }
0x45: {  	_ =	shalt  }
0x46: {  	_ =	shalt  }
0x47: {  	_ =	shalt  }
0x48: {  	_ =	shalt  }
0x49: {  	_ =	shalt  }
0x4a: {  	_ =	shalt  }
0x4b: {  	_ =	shalt  }
0x4c: {  	_ =	shalt  }
0x4d: {  	_ =	shalt  }
0x4e: {  	_ =	shalt  }
0x4f: {  	_ =	shalt  }
0x50: {  	_ =	shalt  }
0x51: {  	_ =	shalt  }
0x52: {  	_ =	shalt  }
0x53: {  	_ =	shalt  }
0x54: {  	_ =	shalt  }
0x55: {  	_ =	shalt  }
0x56: {  	_ =	shalt  }
0x57: {  	_ =	shalt  }
0x58: {  	_ =	shalt  }
0x59: {  	_ =	shalt  }
0x5a: {  	_ =	shalt  }
0x5b: {  	_ =	shalt  }
0x5c: {  	_ =	shalt  }
0x5d: {  	_ =	shalt  }
0x5e: {  	_ =	shalt  }
0x5f: {  	_ =	shalt  }
0x60: {  	_ =	shalt  }
0x61: {  	_ =	shalt  }
0x62: {  	_ =	shalt  }
0x63: {  	_ =	shalt  }
0x64: {  	_ =	shalt  }
0x65: {  	_ =	shalt  }
0x66: {  	_ =	shalt  }
0x67: {  	_ =	shalt  }
0x68: {  	_ =	shalt  }
0x69: {  	_ =	shalt  }
0x6a: {  	_ =	shalt  }
0x6b: {  	_ =	shalt  }
0x6c: {  	_ =	shalt  }
0x6d: {  	_ =	shalt  }
0x6e: {  	_ =	shalt  }
0x6f: {  	_ =	shalt  }
0x70: {  	_ =	shalt  }
0x71: {  	_ =	shalt  }
0x72: {  	_ =	shalt  }
0x73: {  	_ =	shalt  }
0x74: {  	_ =	shalt  }
0x75: {  	_ =	shalt  }
0x76: {  	_ =	shalt  }
0x77: {  	_ =	shalt  }
0x78: {  	_ =	shalt  }
0x79: {  	_ =	shalt  }
0x7a: {  	_ =	shalt  }
0x7b: {  	_ =	shalt  }
0x7c: {  	_ =	shalt  }
0x7d: {  	_ =	shalt  }
0x7e: {  	_ =	shalt  }
0x7f: {  	_ =	shalt  }
0x80: {  	_ =	shalt  }
0x81: {  	_ =	shalt  }
0x82: {  	_ =	shalt  }
0x83: {  	_ =	shalt  }
0x84: {  	_ =	shalt  }
0x85: {  	_ =	shalt  }
0x86: {  	_ =	shalt  }
0x87: {  	_ =	shalt  }
.Lfunc_end0:
.L_simem_size_0:
called_computation.4_lowered:
.L_overlay_start_0:
0x88: {  	s2 =	sld [smem:$0x3FD9]  }
0x89: {  	s3 =	sld [smem:$0x3FFE];
	_ =	sdelay $0x1  }
0x8a: {  	s1 =	srdreg.scid  }
0x8b: {  	s0 =	sand.u32 $0x1, s1  }
0x8c: {  	s14 =	sshll.u32 s0, $0xA;
	s2 =	sadd.s32 s3, s2  }
0x8d: {  	s2 =	sadd.s32 s2, s14  }
0x8e: {  	[smem:$0x3FB2] =	sst s2  }
0x8f: {  	_ = 	snop  }
0x90: {  	s2 =	sld [smem:$0x3FD0];
	_ =	sdelay $0x2  }
0x91: {  	s15 =	simm.s32 $0xA;
	s4 =	simm.s32 $0x10  }
0x92: {  	[smem:s4], [sflag:s15] =	dma.local [hbm:s2], $0x1  }
0x93: {  	_ =	swait.eq [sflag:s15], $0x1  }
0x94: {  	[sflag:s15] =	ssyncset.done $0x0  }
0x95: {  	[sflag:s15] =	ssyncadd.s32 $0xFFFFFFFF  }
0x96: {  	s16 =	sld [smem:$0x11];
	(tm) =	ssettm $0x1  }
0x97: {  	s17 =	sld [smem:$0x3FFB];
	_ =	sdelay $0x3  }
0x98: {  	_ =	strace s17  }
0x99: {  	s3 =	sld [smem:$0x3FFC];
	_ =	sdelay $0x3  }
0x9a: {  	_ =	strace s3  }
0x9b: {  	s3 =	sld [smem:$0x3FFD];
	_ =	sdelay $0x3  }
0x9c: {  	_ =	strace s3  }
0x9d: {  	_ =	strace $0x8FFFFFFF  }
0x9e: {  	s18 =	sld [smem:$0x3FDB];
	_ =	sdelay $0x1  }
0x9f: {  	s19 =	simm.s32 $_scs_section_size  }
0xa0: {  	s5 =	simm.s32 $_size__tile_overlayer_lowered;
	s6 =	simm.s32 $_tile_overlayer_lowered  }
0xa1: {  	s22 =	simm.s32 $0x1BFF;
	s21 =	sshll.u32 s6, $0x1;
	s3 =	sadd.s32 s19, s18  }
0xa2: {  	s7 =	simm.s32 $0x0;
	s20 =	sshll.u32 s5, $0x1;
	s5 =	sadd.s32 s21, s3  }
0xa3: {  	[timem:s7], [sflag:s22] =	dma.local [hbm:s5], s20  }
0xa4: {  	_ =	swait.ge [sflag:s22], s20  }
0xa5: {  	s4 =	ssub.s32 $0x0, s20;
	[sflag:s22] =	ssyncset.done $0x0  }
0xa6: {  	[sflag:s22] =	ssyncadd.s32 s4;
	_ =	sdelay $0x1  }
0xa7: {  	s23 =	simm.s32 $0x1B8B  }
0xa8: {  	_ =	swait.ge [sflag:s23], $0x1  }
0xa9: {  	[sflag:s23] =	ssyncset.done $0x0  }
0xaa: {  	s25 =	simm.s32 $0x1B8E;
	s24 =	sld [smem:$0x3FFE];
	[sflag:s23] =	ssyncadd.s32 $0xFFFFFFFF  }
0xab: {  	s26 =	simm.s32 $execute0_lowered;
	[smem:$0x3FD2] =	sst s25  }
0xac: {  	s5 =	sshll.u32 s26, $0x1;
	_ =	strace $0x80000052;
	[dreg:$0x1] =	wrdreg $0xFFFFFFFF  }
0xad: {  	s28 =	simm.s32 $_size_execute0_lowered;
	s3 =	sadd.s32 s3, s5;
	[dreg:$0x0] =	wrdreg $0x0  }
0xae: {  	s5 =	sshll.u32 s28, $0x1;
	[dreg:$0x2] =	wrdreg s3  }
0xaf: {  	[dreg:$0x3] =	wrdreg s5  }
0xb0: {  	[dreg:$0x4] =	wrdreg $0xC0  }
0xb1: {  	_ =	task [dreg:s7], $0x5FFFF  }
0xb2: {  	[dreg:$0x1] =	wrdreg $0xFFFFFFFF  }
0xb3: {  	[dreg:$0x0] =	wrdreg $0x60  }
0xb4: {  	[dreg:$0x2] =	wrdreg s24  }
0xb5: {  	[dreg:$0x3] =	wrdreg s16  }
0xb6: {  	[dreg:$0x4] =	wrdreg $0x57000  }
0xb7: {  	[dreg:$0x5] =	wrdreg $0x9  }
0xb8: {  	_ =	task.clear_ibuf [dreg:s7], $0x6FFFF;
	_ =	strace $0x90000052  }
0xb9: {  	s29 =	simm.s32 $0x9;
	_ =	strace $0x80000054  }
0xba: {  	_ =	swait.ge [sflag:s29], $0x1  }
0xbb: {  	[sflag:s29] =	ssyncadd.s32 $0xFFFFFFFF  }
0xbc: {  	_ =	strace $0x90000054  }
0xbd: {  	_ =	sfence  }
0xbe: {  	s30 =	sld [smem:$0x0];
	_ =	sdelay $0x2  }
0xbf: {  	s31 =	sshll.u32 s1, $0xD;
	s1 =	sshrl.u32 s1, $0x2  }
0xc0: {  	s3 =	sand.u32 $0x4000, s31;
	s1 =	sadd.s32 s1, s30  }
0xc1: {  	s0 =	sor.u32 s3, s0;
	s1 =	sshll.u32 s1, $0x11  }
0xc2: {  	s0 =	sor.u32 s1, s0  }
0xc3: {  	s0 =	sadd.s32 $0x8F2B, s0  }
0xc4: {  	[sflag:s0] =	ssyncadd.remote.s32 $0x1  }
0xc5: {  	_ =	sfence.sel $0xFFFF  }
0xc6: {  	[dreg:$0x0] =	wrdreg $0xFFFFFFFF;
	(pc) =	sbr.abs _section_cstart, $3  }
0xc7: {  	[dreg:$0x1] =	wrdreg $0xFFFFFFFF  }
0xc8: {  	_ =	task.clear_ibuf [dreg:s7], $0x2FFFF;
	_ =	strace $0x9FFFFFFF  }
0xc9: {  	(tm) =	ssettm $0x7FFFFFFF  }
tec
execute0_lowered:
.L_overlay_start_1:
0x0: {  	(tag) =	ssettag $0x1  }
0x1: {  	s6 =	rddreg [dreg:$0x0]  }
0x2: {  	s2 =	rddreg [dreg:$0x1]  }
0x3: {  	s3 =	rddreg [dreg:$0x2];
	s4 =	srdreg.scid  }
0x4: {  	s0 =	rddreg [dreg:$0x3];
	s1 =	stileid.u32  }
0x5: {  	s14 =	simm.s32 $0x80;
	s15 =	simm.s32 $0x4F00;
	s16 =	simm.s32 $0x0  }
0x6: {  	s7 =	sand.u32 $0x1, s4;
	s4 =	simm.s32 $0x0;
	s8 =	smul.u32 $0x2780, s1  }
0x7: {  	s12 =	sshll.u32 s1, $0x6;
	s5 =	sshll.u32 s7, $0x4;
	[smem:$0x7FF] =	sst s4  }
0x8: {  	s9 =	smul.u32 $0x27800, s7;
	s7 =	ssub.s32 $0x2, s7;
	s12 =	sor.u32 $0x1C01, s12  }
0x9: {  	s5 =	sor.u32 s1, s5;
	_ =	strace $0x80000053;
	s11 =	sshrl.u32 s7, $0x1  }
0xa: {  	s13 =	sadd.s32 s8, s3;
	s10 =	smul.u32 $0x4F0, s5;
	s9 =	sadd.s32 s8, s9  }
0xb: {  	s5 =	sadd.s32 $0x7C00, s6;
	s11 =	ssub.s32 s7, s11;
	s9 =	sshrl.u32 s9, $0x3  }
0xc: {  	s13 =	sshrl.u32 s13, $0x3;
	s10 =	sadd.s32 s10, s6;
	s9 =	sadd.s32 s9, s6  }
0xd: {  	s6 =	sadd.s32 $0x16A00, s10;
	s7 =	sadd.s32 $0xCC00, s10;
	s8 =	sadd.s32 $0x20800, s9  }
0xe: {  	s9 =	smax.u32 s11, $0x1;
	s10 =	simm.s32 $0x1;
	s11 =	simm.s32 $0x2780  }
.LBB2_1:
0xf: {  	[tilespmem:s4], [sflag:$0x1] =	stream.linear.gather [hbm4b:s6+s4], $0x2780, $0x38;
	[tilespmem:$0x7E80] =	vst v63  }
0x10: {  	_ =	swait.ge [sflag:s10], $0x2780  }
0x11: {  	[sflag:s10] =	ssyncset.done $0x0  }
0x12: {  	[sflag:s10] =	ssyncadd.s32 $0xFFFFD880  }
0x13: {  	[tilespmem:s11], [sflag:$0x1] =	stream.linear.gather [hbm4b:s7+s4], $0x2780, $0x38;
	[tilespmem:$0x7E80] =	vst v63  }
0x14: {  	_ =	swait.ge [sflag:s10], $0x2780  }
0x15: {  	[sflag:s10] =	ssyncset.done $0x0  }
0x16: {  	[sflag:s10] =	ssyncadd.s32 $0xFFFFD880  }
0x17: {  	[spmem:s13], [sflag:s12] =	dma.local [hbm:s2], $0x4F0  }
0x18: {  	_ =	swait.ge [sflag:s10], $0x4F0  }
0x19: {  	[sflag:s10] =	ssyncset.done $0x0  }
0x1a: {  	[sflag:s10] =	ssyncadd.s32 $0xFFFFFB10  }
0x1b: {  	s17 =	simm.s32 $0x0;
	[bflag:$0x0] =	sbarrier.arrive $0xFFFF  }
0x1c: {  	[tilespmem:s15], [sflag:$0x1] =	stream.indirect.gather [hbm4b:s5+s14], $0x10, s17, s14, $0xb8;
	[tilespmem:$0x7E80] =	vst v63  }
0x1d: {  	_ =	swait.ge [sflag:s10], $0x800  }
0x1e: {  	[sflag:s10] =	ssyncset.done $0x0  }
0x1f: {  	s31 =	simm.s32 $0x2780;
	[sflag:s10] =	ssyncadd.s32 $0xFFFFF800  }
0x20: {  	[spmem:s3] =	stream.indirect.scatter.add.f32 [tilespmem:s15], [sflag:$0x1], $0x10, s31, s14, $0xb8;
	[tilespmem:$0x7E80] =	vst v63  }
0x21: {  	_ =	swait.ge [sflag:s10], $0x800  }
0x22: {  	s18 =	simm.s32 $0x400;
	s17 =	simm.s32 $0x200;
	[sflag:s10] =	ssyncset.done $0x0  }
.LBB2_2:
0x23: {  	s19 =	sshra.s32 s17, $0x2  }
0x24: {  	[sflag:s10] =	ssyncadd.s32 $0xFFFFF800;
	s17 =	smov.u32 s18;
	s20 =	sadd.s32 $0x200, s18  }
0x25: {  	[tilespmem:s15], [sflag:$0x1] =	stream.indirect.gather [hbm4b:s5+s14], $0x10, s19, s14, $0xb8;
	[tilespmem:$0x7E80] =	vst v63  }
0x26: {  	p0 =	sne.s32 s18, $0x9C00;
	_ =	swait.ge [sflag:s10], $0x800  }
.Ltmp0:
0x27: {  	[sflag:s10] =	ssyncset.done $0x0;
	(pc) =	sbr.rel @p0 .LBB2_2-.Ltmp0, $4  }
0x28: {  	s18 =	sadd.s32 $0x2780, s19;
	[sflag:s10] =	ssyncadd.s32 $0xFFFFF800  }
0x29: {  	[spmem:s3] =	stream.indirect.scatter.add.f32 [tilespmem:s15], [sflag:$0x1], $0x10, s18, s14, $0xb8;
	[tilespmem:$0x7E80] =	vst v63  }
0x2a: {  	_ =	swait.ge [sflag:s10], $0x800  }
0x2b: {  	s18 =	smov.u32 s20;
	[sflag:s10] =	ssyncset.done $0x0  }
0x2c: {  	s17 =	sshra.s32 s17, $0x2;
	[sflag:s10] =	ssyncadd.s32 $0xFFFFF800  }
0x2d: {  	[tilespmem:s15], [sflag:$0x1] =	stream.indirect.gather [hbm4b:s5+s14], $0x10, s17, s14, $0xb8;
	[tilespmem:$0x7E80] =	vst v63  }
0x2e: {  	_ =	swait.ge [sflag:s10], $0x800  }
0x2f: {  	[sflag:s10] =	ssyncset.done $0x0  }
0x30: {  	s17 =	sadd.s32 $0x2780, s17;
	[sflag:s10] =	ssyncadd.s32 $0xFFFFF800  }
0x31: {  	[spmem:s3] =	stream.indirect.scatter.add.f32 [tilespmem:s15], [sflag:$0x1], $0x10, s17, s14, $0xb8;
	[tilespmem:$0x7E80] =	vst v63  }
0x32: {  	_ =	swait.ge [sflag:s10], $0x800  }
0x33: {  	s16 =	sadd.s32 $0x1, s16;
	[sflag:s10] =	ssyncset.done $0x0  }
0x34: {  	p0 =	sne.s32 s16, s9;
	[sflag:s10] =	ssyncadd.s32 $0xFFFFF800  }
.Ltmp1:
0x35: {  	[bflag:$0x0] =	sbarrier.arrive $0xFFFF;
	(pc) =	sbr.rel @p0 .LBB2_1-.Ltmp1, $4  }
0x36: {  	[hbm:s8], [sflag:s12] =	dma.local [spmem:s13], $0x4F0  }
0x37: {  	_ =	swait.ge [sflag:s10], $0x4F0  }
0x38: {  	[sflag:s10] =	ssyncset.done $0x0  }
0x39: {  	[sflag:s10] =	ssyncadd.s32 $0xFFFFFB10  }
0x3a: {  	_ =	sfence.sel $0x180000  }
0x3b: {  	[bflag:$0x0] =	sbarrier.arrive $0xFFFF  }
0x3c: {  	p0 =	sne.s32 s1, $0x0;
	_ =	strace $0x90000053  }
0x3d: {  	s0 =	sadd.s32 @!p0 $0x100000, s0;
	[bflag:$0x2] =	sbarrier.arrive $0xFFFF  }
0x3e: {  	[sflag:s0] =	ssyncadd.tile.s32 @!p0 $0x1;
	_ =	shalt  }
.Lfunc_end2:
_tile_overlayer_lowered:
.L_overlay_start_2:
0x3f: {  	(tag) =	ssettag $0x2  }
0x40: {  	s0 =	rddreg [dreg:$0x0];
	s2 =	stileid.u32  }
0x41: {  	s1 =	rddreg [dreg:$0x1];
	p0 =	sne.s32 s2, $0x0  }
0x42: {  	s3 =	rddreg [dreg:$0x2];
	[bflag:$0x3] =	sbarrier.arrive $0xFFFF;
	s2 =	simm.s32 @!p0 $0x1C01  }
0x43: {  	[timem:s3], [sflag:s2] =	dma.local @!p0 [hbm:s0], s1  }
0x44: {  	s0 =	simm.s32 @!p0 $0x1  }
0x45: {  	_ =	swait.ge @!p0 [sflag:s0], s1  }
0x46: {  	s1 =	ssub.s32 @!p0 $0x0, s1;
	[sflag:s0] =	ssyncset.done @!p0 $0x0  }
0x47: {  	[sflag:s0] =	ssyncadd.s32 @!p0 s1  }
0x48: {  	[bflag:$0x3] =	sbarrier.arrive $0xFFFF  }
0x49: {  	_ =	shalt  }

// kernel: kernel.38.cloned.1.call-start
scs
__scs_entry_jumppad:
0x0: {  	(pc) =	sbr.rel $0x88, $3  }
0x1: {  	(tag) =	ssettag $0x0;
	lr =	simm.s32 $0x1  }
0x2: {  	[smem:$0x3F8B] =	sst lr;
	_ =	strace $0xD0000000  }
0x3: {  	_ = 	snop  }
0x4: {  	_ = 	snop  }
0x5: {  	_ = 	snop  }
0x6: {  	_ = 	snop  }
0x7: {  	_ = 	snop  }
__scs_overlays_trampoline_lowered:
0x8: {  	[smem:$0x3F9A] =	sst s0  }
0x9: {  	[smem:$0x3F9B] =	sst s1  }
0xa: {  	[smem:$0x3F9C] =	sst s2  }
0xb: {  	[smem:$0x3F9D] =	sst s3  }
0xc: {  	[smem:$0x3F9E] =	sst s4  }
0xd: {  	[smem:$0x3F9F] =	sst s5  }
0xe: {  	[smem:$0x3FA0] =	sst s6  }
0xf: {  	[smem:$0x3FA1] =	sst s7  }
0x10: {  	[smem:$0x3FA2] =	sst s8  }
0x11: {  	[smem:$0x3FA3] =	sst s9;
	s0 =	simm.s32 @!p0 $0x0  }
0x12: {  	s1 =	sld [smem:$0x3F89];
	s0 =	simm.s32 @p0 $0x1  }
0x13: {  	[smem:$0x3FA4] =	sst s0;
	s0 =	simm.s32 @!p1 $0x0  }
0x14: {  	s2 =	sld [smem:$0x3F88];
	s0 =	simm.s32 @p1 $0x1  }
0x15: {  	[smem:$0x3FA5] =	sst s0;
	s0 =	simm.s32 @!p2 $0x0  }
0x16: {  	s3 =	sld [smem:$0x3FDB];
	s0 =	simm.s32 @p2 $0x1  }
0x17: {  	s4 =	simm.s32 $0x1BF5;
	[smem:$0x3FA7] =	sst s0  }
0x18: {  	s0 =	sld [smem:$0x3F8A];
	_ =	swait.ge [sflag:s4], $0x0  }
0x19: {  	s7 =	sld [smem:$0x3F8B]  }
0x1a: {  	s8 =	sadd.s32 $0xFFFFE003, lr  }
0x1b: {  	s9 =	sadd.s32 $0xFFFFFEF7, lr;
	s5 =	simm.s32 $0xFFFFFFFF;
	p2 =	slt.u32 s8, $0xFFFFF086  }
0x1c: {  	p1 =	slt.u32 s9, $0xF7A;
	s5 =	simm.s32 @!p2 $0x0  }
0x1d: {  	s5 =	simm.s32 @p1 $0x1;
	p0 =	seq.s32 s7, s2  }
0x1e: {  	s7 =	smul.u32 @!p0 $0xF7A, s2;
	p2 =	seq.s32 @!p0 s5, $0x0  }
0x1f: {  	s9 =	smul.u32 $0xF7A, s1;
	s8 =	simm.s32 @!p0 $0x1BF5;
	p2 =	por !p2, p0  }
0x20: {  	[sflag:s8] =	ssyncset.s32 @!p0 $0xFFFFF086;
	s6 =	sadd.s32 @!p0 s3, s7;
	s7 =	simm.s32 @!p0 $0x108  }
0x21: {  	s3 =	sadd.s32 s3, s9;
	s6 =	sadd.s32 @!p0 $0x88, s6;
	s7 =	simm.s32 @p2 $0x1082  }
0x22: {  	[simem:s7], [sflag:s8] =	dma.local @!p0 [hbm:s6], $0xF7A  }
0x23: {  	s9 =	sor.u32 $0xD0000000, s2;
	s6 =	simm.s32 $0x108;
	_ =	swait.ge @!p0 [sflag:s8], $0x0  }
0x24: {  	s3 =	sadd.s32 $0x88, s3;
	s6 =	simm.s32 @!p1 $0x1082;
	[sflag:s4] =	ssyncset.s32 $0xFFFFF086  }
0x25: {  	[simem:s6], [sflag:s4] =	dma.local [hbm:s3], $0xF7A  }
0x26: {  	[smem:$0x3F8B] =	sst s1;
	(tag) =	ssettag s2;
	_ =	strace s9  }
0x27: {  	s1 =	sld [smem:$0x3F9B]  }
0x28: {  	s2 =	sld [smem:$0x3F9C]  }
0x29: {  	s4 =	sld [smem:$0x3F9E]  }
0x2a: {  	p0 =	seq.s32 s5, $0x0;
	s5 =	sld [smem:$0x3F9F]  }
0x2b: {  	s6 =	sld [smem:$0x3FA0]  }
0x2c: {  	s7 =	sld [smem:$0x3FA1]  }
0x2d: {  	s3 =	simm.s32 $0x108;
	s8 =	sld [smem:$0x3FA2]  }
0x2e: {  	s3 =	simm.s32 @!p0 $0x1082;
	s9 =	sld [smem:$0x3FA3]  }
0x2f: {  	lr =	sadd.s32 s0, s3;
	s0 =	sld [smem:$0x3F9A]  }
0x30: {  	s3 =	sld [smem:$0x3F9D]  }
0x31: {  	[smem:$0x3FA6] =	sst s10  }
0x32: {  	s10 =	sld [smem:$0x3FA4];
	_ =	sdelay $0x3  }
0x33: {  	p0 =	seq.s32 s10, $0x1;
	s10 =	sld [smem:$0x3FA6];
	_ =	sdelay $0x3  }
0x34: {  	[smem:$0x3FA6] =	sst s10  }
0x35: {  	s10 =	sld [smem:$0x3FA5];
	_ =	sdelay $0x3  }
0x36: {  	p1 =	seq.s32 s10, $0x1;
	s10 =	sld [smem:$0x3FA6];
	_ =	sdelay $0x3  }
0x37: {  	[smem:$0x3FA6] =	sst s10  }
0x38: {  	s10 =	sld [smem:$0x3FA7]  }
0x39: {  	_ = 	snop;
	(pc) =	sbr.ind lr, $3  }
0x3a: {  	_ = 	snop  }
0x3b: {  	_ = 	snop  }
0x3c: {  	p2 =	seq.s32 s10, $0x1;
	s10 =	sld [smem:$0x3FA6]  }
0x3d: {  	_ =	shalt  }
0x3e: {  	_ =	shalt  }
0x3f: {  	_ =	shalt  }
0x40: {  	_ =	shalt  }
0x41: {  	_ =	shalt  }
0x42: {  	_ =	shalt  }
0x43: {  	_ =	shalt  }
0x44: {  	_ =	shalt  }
0x45: {  	_ =	shalt  }
0x46: {  	_ =	shalt  }
0x47: {  	_ =	shalt  }
0x48: {  	_ =	shalt  }
0x49: {  	_ =	shalt  }
0x4a: {  	_ =	shalt  }
0x4b: {  	_ =	shalt  }
0x4c: {  	_ =	shalt  }
0x4d: {  	_ =	shalt  }
0x4e: {  	_ =	shalt  }
0x4f: {  	_ =	shalt  }
0x50: {  	_ =	shalt  }
0x51: {  	_ =	shalt  }
0x52: {  	_ =	shalt  }
0x53: {  	_ =	shalt  }
0x54: {  	_ =	shalt  }
0x55: {  	_ =	shalt  }
0x56: {  	_ =	shalt  }
0x57: {  	_ =	shalt  }
0x58: {  	_ =	shalt  }
0x59: {  	_ =	shalt  }
0x5a: {  	_ =	shalt  }
0x5b: {  	_ =	shalt  }
0x5c: {  	_ =	shalt  }
0x5d: {  	_ =	shalt  }
0x5e: {  	_ =	shalt  }
0x5f: {  	_ =	shalt  }
0x60: {  	_ =	shalt  }
0x61: {  	_ =	shalt  }
0x62: {  	_ =	shalt  }
0x63: {  	_ =	shalt  }
0x64: {  	_ =	shalt  }
0x65: {  	_ =	shalt  }
0x66: {  	_ =	shalt  }
0x67: {  	_ =	shalt  }
0x68: {  	_ =	shalt  }
0x69: {  	_ =	shalt  }
0x6a: {  	_ =	shalt  }
0x6b: {  	_ =	shalt  }
0x6c: {  	_ =	shalt  }
0x6d: {  	_ =	shalt  }
0x6e: {  	_ =	shalt  }
0x6f: {  	_ =	shalt  }
0x70: {  	_ =	shalt  }
0x71: {  	_ =	shalt  }
0x72: {  	_ =	shalt  }
0x73: {  	_ =	shalt  }
0x74: {  	_ =	shalt  }
0x75: {  	_ =	shalt  }
0x76: {  	_ =	shalt  }
0x77: {  	_ =	shalt  }
0x78: {  	_ =	shalt  }
0x79: {  	_ =	shalt  }
0x7a: {  	_ =	shalt  }
0x7b: {  	_ =	shalt  }
0x7c: {  	_ =	shalt  }
0x7d: {  	_ =	shalt  }
0x7e: {  	_ =	shalt  }
0x7f: {  	_ =	shalt  }
0x80: {  	_ =	shalt  }
0x81: {  	_ =	shalt  }
0x82: {  	_ =	shalt  }
0x83: {  	_ =	shalt  }
0x84: {  	_ =	shalt  }
0x85: {  	_ =	shalt  }
0x86: {  	_ =	shalt  }
0x87: {  	_ =	shalt  }
.Lfunc_end0:
.L_simem_size_0:
called_computation.5_lowered:
.L_overlay_start_0:
0x88: {  	s2 =	sld [smem:$0x3FD9]  }
0x89: {  	s3 =	sld [smem:$0x3FFE];
	_ =	sdelay $0x1  }
0x8a: {  	s1 =	srdreg.scid  }
0x8b: {  	s0 =	sand.u32 $0x1, s1  }
0x8c: {  	s14 =	sshll.u32 s0, $0xA;
	s2 =	sadd.s32 s3, s2  }
0x8d: {  	s2 =	sadd.s32 s2, s14  }
0x8e: {  	[smem:$0x3FB2] =	sst s2  }
0x8f: {  	_ = 	snop  }
0x90: {  	s2 =	sld [smem:$0x3FD0];
	_ =	sdelay $0x2  }
0x91: {  	s15 =	simm.s32 $0xA;
	s4 =	simm.s32 $0x10  }
0x92: {  	[smem:s4], [sflag:s15] =	dma.local [hbm:s2], $0x1  }
0x93: {  	_ =	swait.eq [sflag:s15], $0x1  }
0x94: {  	[sflag:s15] =	ssyncset.done $0x0  }
0x95: {  	[sflag:s15] =	ssyncadd.s32 $0xFFFFFFFF  }
0x96: {  	s16 =	sld [smem:$0x11];
	(tm) =	ssettm $0x1  }
0x97: {  	s17 =	sld [smem:$0x3FFB];
	_ =	sdelay $0x3  }
0x98: {  	_ =	strace s17  }
0x99: {  	s3 =	sld [smem:$0x3FFC];
	_ =	sdelay $0x3  }
0x9a: {  	_ =	strace s3  }
0x9b: {  	s3 =	sld [smem:$0x3FFD];
	_ =	sdelay $0x3  }
0x9c: {  	_ =	strace s3  }
0x9d: {  	_ =	strace $0x8FFFFFFF  }
0x9e: {  	s18 =	sld [smem:$0x3FDB];
	_ =	sdelay $0x1  }
0x9f: {  	s19 =	simm.s32 $_scs_section_size  }
0xa0: {  	s5 =	simm.s32 $_size__tile_overlayer_lowered;
	s6 =	simm.s32 $_tile_overlayer_lowered  }
0xa1: {  	s22 =	simm.s32 $0x1BFF;
	s21 =	sshll.u32 s6, $0x1;
	s3 =	sadd.s32 s19, s18  }
0xa2: {  	s7 =	simm.s32 $0x0;
	s20 =	sshll.u32 s5, $0x1;
	s5 =	sadd.s32 s21, s3  }
0xa3: {  	[timem:s7], [sflag:s22] =	dma.local [hbm:s5], s20  }
0xa4: {  	_ =	swait.ge [sflag:s22], s20  }
0xa5: {  	s4 =	ssub.s32 $0x0, s20;
	[sflag:s22] =	ssyncset.done $0x0  }
0xa6: {  	[sflag:s22] =	ssyncadd.s32 s4;
	_ =	sdelay $0x1  }
0xa7: {  	s23 =	simm.s32 $0x1B8B  }
0xa8: {  	_ =	swait.ge [sflag:s23], $0x1  }
0xa9: {  	[sflag:s23] =	ssyncset.done $0x0  }
0xaa: {  	s25 =	simm.s32 $0x1B8E;
	s24 =	sld [smem:$0x3FFE];
	[sflag:s23] =	ssyncadd.s32 $0xFFFFFFFF  }
0xab: {  	s26 =	simm.s32 $execute0_lowered;
	[smem:$0x3FD2] =	sst s25  }
0xac: {  	s5 =	sshll.u32 s26, $0x1;
	_ =	strace $0x80000055;
	[dreg:$0x1] =	wrdreg $0xFFFFFFFF  }
0xad: {  	s28 =	simm.s32 $_size_execute0_lowered;
	s3 =	sadd.s32 s3, s5;
	[dreg:$0x0] =	wrdreg $0x0  }
0xae: {  	s5 =	sshll.u32 s28, $0x1;
	[dreg:$0x2] =	wrdreg s3  }
0xaf: {  	[dreg:$0x3] =	wrdreg s5  }
0xb0: {  	[dreg:$0x4] =	wrdreg $0xC0  }
0xb1: {  	_ =	task [dreg:s7], $0x5FFFF  }
0xb2: {  	[dreg:$0x1] =	wrdreg $0xFFFFFFFF  }
0xb3: {  	[dreg:$0x0] =	wrdreg $0x60  }
0xb4: {  	[dreg:$0x2] =	wrdreg s24  }
0xb5: {  	[dreg:$0x3] =	wrdreg s16  }
0xb6: {  	[dreg:$0x4] =	wrdreg $0x57000  }
0xb7: {  	[dreg:$0x5] =	wrdreg $0x9  }
0xb8: {  	_ =	task.clear_ibuf [dreg:s7], $0x6FFFF;
	_ =	strace $0x90000055  }
0xb9: {  	s29 =	simm.s32 $0x9;
	_ =	strace $0x80000057  }
0xba: {  	_ =	swait.ge [sflag:s29], $0x1  }
0xbb: {  	[sflag:s29] =	ssyncadd.s32 $0xFFFFFFFF  }
0xbc: {  	_ =	strace $0x90000057  }
0xbd: {  	_ =	sfence  }
0xbe: {  	s30 =	sld [smem:$0x0];
	_ =	sdelay $0x2  }
0xbf: {  	s31 =	sshll.u32 s1, $0xD;
	s1 =	sshrl.u32 s1, $0x2  }
0xc0: {  	s3 =	sand.u32 $0x4000, s31;
	s1 =	sadd.s32 s1, s30  }
0xc1: {  	s0 =	sor.u32 s3, s0;
	s1 =	sshll.u32 s1, $0x11  }
0xc2: {  	s0 =	sor.u32 s1, s0  }
0xc3: {  	s0 =	sadd.s32 $0x8F2B, s0  }
0xc4: {  	[sflag:s0] =	ssyncadd.remote.s32 $0x1  }
0xc5: {  	_ =	sfence.sel $0xFFFF  }
0xc6: {  	[dreg:$0x0] =	wrdreg $0xFFFFFFFF;
	(pc) =	sbr.abs _section_cstart, $3  }
0xc7: {  	[dreg:$0x1] =	wrdreg $0xFFFFFFFF  }
0xc8: {  	_ =	task.clear_ibuf [dreg:s7], $0x2FFFF;
	_ =	strace $0x9FFFFFFF  }
0xc9: {  	(tm) =	ssettm $0x7FFFFFFF  }
tec
execute0_lowered:
.L_overlay_start_1:
0x0: {  	(tag) =	ssettag $0x1  }
0x1: {  	s6 =	rddreg [dreg:$0x0]  }
0x2: {  	s2 =	rddreg [dreg:$0x1]  }
0x3: {  	s3 =	rddreg [dreg:$0x2];
	s4 =	srdreg.scid  }
0x4: {  	s0 =	rddreg [dreg:$0x3];
	s1 =	stileid.u32  }
0x5: {  	s14 =	simm.s32 $0x80;
	s15 =	simm.s32 $0x4F00;
	s16 =	simm.s32 $0x0  }
0x6: {  	s7 =	sand.u32 $0x1, s4;
	s4 =	simm.s32 $0x0;
	s8 =	smul.u32 $0x2780, s1  }
0x7: {  	s12 =	sshll.u32 s1, $0x6;
	s5 =	sshll.u32 s7, $0x4;
	[smem:$0x7FF] =	sst s4  }
0x8: {  	s9 =	smul.u32 $0x27800, s7;
	s7 =	ssub.s32 $0x2, s7;
	s12 =	sor.u32 $0x1C01, s12  }
0x9: {  	s5 =	sor.u32 s1, s5;
	_ =	strace $0x80000056;
	s11 =	sshrl.u32 s7, $0x1  }
0xa: {  	s13 =	sadd.s32 s8, s3;
	s10 =	smul.u32 $0x4F0, s5;
	s9 =	sadd.s32 s8, s9  }
0xb: {  	s5 =	sadd.s32 $0x7C00, s6;
	s11 =	ssub.s32 s7, s11;
	s9 =	sshrl.u32 s9, $0x3  }
0xc: {  	s13 =	sshrl.u32 s13, $0x3;
	s10 =	sadd.s32 s10, s6;
	s9 =	sadd.s32 s9, s6  }
0xd: {  	s6 =	sadd.s32 $0x16A00, s10;
	s7 =	sadd.s32 $0xCC00, s10;
	s8 =	sadd.s32 $0x20800, s9  }
0xe: {  	s9 =	smax.u32 s11, $0x1;
	s10 =	simm.s32 $0x1;
	s11 =	simm.s32 $0x2780  }
.LBB2_1:
0xf: {  	[tilespmem:s4], [sflag:$0x1] =	stream.linear.gather [hbm4b:s6+s4], $0x2780, $0x38;
	[tilespmem:$0x7E80] =	vst v63  }
0x10: {  	_ =	swait.ge [sflag:s10], $0x2780  }
0x11: {  	[sflag:s10] =	ssyncset.done $0x0  }
0x12: {  	[sflag:s10] =	ssyncadd.s32 $0xFFFFD880  }
0x13: {  	[tilespmem:s11], [sflag:$0x1] =	stream.linear.gather [hbm4b:s7+s4], $0x2780, $0x38;
	[tilespmem:$0x7E80] =	vst v63  }
0x14: {  	_ =	swait.ge [sflag:s10], $0x2780  }
0x15: {  	[sflag:s10] =	ssyncset.done $0x0  }
0x16: {  	[sflag:s10] =	ssyncadd.s32 $0xFFFFD880  }
0x17: {  	[spmem:s13], [sflag:s12] =	dma.local [hbm:s2], $0x4F0  }
0x18: {  	_ =	swait.ge [sflag:s10], $0x4F0  }
0x19: {  	[sflag:s10] =	ssyncset.done $0x0  }
0x1a: {  	[sflag:s10] =	ssyncadd.s32 $0xFFFFFB10  }
0x1b: {  	s17 =	simm.s32 $0x0;
	[bflag:$0x0] =	sbarrier.arrive $0xFFFF  }
0x1c: {  	[tilespmem:s15], [sflag:$0x1] =	stream.indirect.gather [hbm4b:s5+s14], $0x10, s17, s14, $0xb8;
	[tilespmem:$0x7E80] =	vst v63  }
0x1d: {  	_ =	swait.ge [sflag:s10], $0x800  }
0x1e: {  	[sflag:s10] =	ssyncset.done $0x0  }
0x1f: {  	s31 =	simm.s32 $0x2780;
	[sflag:s10] =	ssyncadd.s32 $0xFFFFF800  }
0x20: {  	[spmem:s3] =	stream.indirect.scatter.add.f32 [tilespmem:s15], [sflag:$0x1], $0x10, s31, s14, $0xb8;
	[tilespmem:$0x7E80] =	vst v63  }
0x21: {  	_ =	swait.ge [sflag:s10], $0x800  }
0x22: {  	s18 =	simm.s32 $0x400;
	s17 =	simm.s32 $0x200;
	[sflag:s10] =	ssyncset.done $0x0  }
.LBB2_2:
0x23: {  	s19 =	sshra.s32 s17, $0x2  }
0x24: {  	[sflag:s10] =	ssyncadd.s32 $0xFFFFF800;
	s17 =	smov.u32 s18;
	s20 =	sadd.s32 $0x200, s18  }
0x25: {  	[tilespmem:s15], [sflag:$0x1] =	stream.indirect.gather [hbm4b:s5+s14], $0x10, s19, s14, $0xb8;
	[tilespmem:$0x7E80] =	vst v63  }
0x26: {  	p0 =	sne.s32 s18, $0x9C00;
	_ =	swait.ge [sflag:s10], $0x800  }
.Ltmp0:
0x27: {  	[sflag:s10] =	ssyncset.done $0x0;
	(pc) =	sbr.rel @p0 .LBB2_2-.Ltmp0, $4  }
0x28: {  	s18 =	sadd.s32 $0x2780, s19;
	[sflag:s10] =	ssyncadd.s32 $0xFFFFF800  }
0x29: {  	[spmem:s3] =	stream.indirect.scatter.add.f32 [tilespmem:s15], [sflag:$0x1], $0x10, s18, s14, $0xb8;
	[tilespmem:$0x7E80] =	vst v63  }
0x2a: {  	_ =	swait.ge [sflag:s10], $0x800  }
0x2b: {  	s18 =	smov.u32 s20;
	[sflag:s10] =	ssyncset.done $0x0  }
0x2c: {  	s17 =	sshra.s32 s17, $0x2;
	[sflag:s10] =	ssyncadd.s32 $0xFFFFF800  }
0x2d: {  	[tilespmem:s15], [sflag:$0x1] =	stream.indirect.gather [hbm4b:s5+s14], $0x10, s17, s14, $0xb8;
	[tilespmem:$0x7E80] =	vst v63  }
0x2e: {  	_ =	swait.ge [sflag:s10], $0x800  }
0x2f: {  	[sflag:s10] =	ssyncset.done $0x0  }
0x30: {  	s17 =	sadd.s32 $0x2780, s17;
	[sflag:s10] =	ssyncadd.s32 $0xFFFFF800  }
0x31: {  	[spmem:s3] =	stream.indirect.scatter.add.f32 [tilespmem:s15], [sflag:$0x1], $0x10, s17, s14, $0xb8;
	[tilespmem:$0x7E80] =	vst v63  }
0x32: {  	_ =	swait.ge [sflag:s10], $0x800  }
0x33: {  	s16 =	sadd.s32 $0x1, s16;
	[sflag:s10] =	ssyncset.done $0x0  }
0x34: {  	p0 =	sne.s32 s16, s9;
	[sflag:s10] =	ssyncadd.s32 $0xFFFFF800  }
.Ltmp1:
0x35: {  	[bflag:$0x0] =	sbarrier.arrive $0xFFFF;
	(pc) =	sbr.rel @p0 .LBB2_1-.Ltmp1, $4  }
0x36: {  	[hbm:s8], [sflag:s12] =	dma.local [spmem:s13], $0x4F0  }
0x37: {  	_ =	swait.ge [sflag:s10], $0x4F0  }
0x38: {  	[sflag:s10] =	ssyncset.done $0x0  }
0x39: {  	[sflag:s10] =	ssyncadd.s32 $0xFFFFFB10  }
0x3a: {  	_ =	sfence.sel $0x180000  }
0x3b: {  	[bflag:$0x0] =	sbarrier.arrive $0xFFFF  }
0x3c: {  	p0 =	sne.s32 s1, $0x0;
	_ =	strace $0x90000056  }
0x3d: {  	s0 =	sadd.s32 @!p0 $0x100000, s0;
	[bflag:$0x2] =	sbarrier.arrive $0xFFFF  }
0x3e: {  	[sflag:s0] =	ssyncadd.tile.s32 @!p0 $0x1;
	_ =	shalt  }
.Lfunc_end2:
_tile_overlayer_lowered:
.L_overlay_start_2:
0x3f: {  	(tag) =	ssettag $0x2  }
0x40: {  	s0 =	rddreg [dreg:$0x0];
	s2 =	stileid.u32  }
0x41: {  	s1 =	rddreg [dreg:$0x1];
	p0 =	sne.s32 s2, $0x0  }
0x42: {  	s3 =	rddreg [dreg:$0x2];
	[bflag:$0x3] =	sbarrier.arrive $0xFFFF;
	s2 =	simm.s32 @!p0 $0x1C01  }
0x43: {  	[timem:s3], [sflag:s2] =	dma.local @!p0 [hbm:s0], s1  }
0x44: {  	s0 =	simm.s32 @!p0 $0x1  }
0x45: {  	_ =	swait.ge @!p0 [sflag:s0], s1  }
0x46: {  	s1 =	ssub.s32 @!p0 $0x0, s1;
	[sflag:s0] =	ssyncset.done @!p0 $0x0  }
0x47: {  	[sflag:s0] =	ssyncadd.s32 @!p0 s1  }
0x48: {  	[bflag:$0x3] =	sbarrier.arrive $0xFFFF  }
0x49: {  	_ =	shalt  }

// kernel: kernel.41.cloned.1.call-start
scs
__scs_entry_jumppad:
0x0: {  	(pc) =	sbr.rel $0x88, $3  }
0x1: {  	(tag) =	ssettag $0x0;
	lr =	simm.s32 $0x1  }
0x2: {  	[smem:$0x3F8B] =	sst lr;
	_ =	strace $0xD0000000  }
0x3: {  	_ = 	snop  }
0x4: {  	_ = 	snop  }
0x5: {  	_ = 	snop  }
0x6: {  	_ = 	snop  }
0x7: {  	_ = 	snop  }
__scs_overlays_trampoline_lowered:
0x8: {  	[smem:$0x3F9A] =	sst s0  }
0x9: {  	[smem:$0x3F9B] =	sst s1  }
0xa: {  	[smem:$0x3F9C] =	sst s2  }
0xb: {  	[smem:$0x3F9D] =	sst s3  }
0xc: {  	[smem:$0x3F9E] =	sst s4  }
0xd: {  	[smem:$0x3F9F] =	sst s5  }
0xe: {  	[smem:$0x3FA0] =	sst s6  }
0xf: {  	[smem:$0x3FA1] =	sst s7  }
0x10: {  	[smem:$0x3FA2] =	sst s8  }
0x11: {  	[smem:$0x3FA3] =	sst s9;
	s0 =	simm.s32 @!p0 $0x0  }
0x12: {  	s1 =	sld [smem:$0x3F89];
	s0 =	simm.s32 @p0 $0x1  }
0x13: {  	[smem:$0x3FA4] =	sst s0;
	s0 =	simm.s32 @!p1 $0x0  }
0x14: {  	s2 =	sld [smem:$0x3F88];
	s0 =	simm.s32 @p1 $0x1  }
0x15: {  	[smem:$0x3FA5] =	sst s0;
	s0 =	simm.s32 @!p2 $0x0  }
0x16: {  	s3 =	sld [smem:$0x3FDB];
	s0 =	simm.s32 @p2 $0x1  }
0x17: {  	s4 =	simm.s32 $0x1BF5;
	[smem:$0x3FA7] =	sst s0  }
0x18: {  	s0 =	sld [smem:$0x3F8A];
	_ =	swait.ge [sflag:s4], $0x0  }
0x19: {  	s7 =	sld [smem:$0x3F8B]  }
0x1a: {  	s8 =	sadd.s32 $0xFFFFE003, lr  }
0x1b: {  	s9 =	sadd.s32 $0xFFFFFEF7, lr;
	s5 =	simm.s32 $0xFFFFFFFF;
	p2 =	slt.u32 s8, $0xFFFFF086  }
0x1c: {  	p1 =	slt.u32 s9, $0xF7A;
	s5 =	simm.s32 @!p2 $0x0  }
0x1d: {  	s5 =	simm.s32 @p1 $0x1;
	p0 =	seq.s32 s7, s2  }
0x1e: {  	s7 =	smul.u32 @!p0 $0xF7A, s2;
	p2 =	seq.s32 @!p0 s5, $0x0  }
0x1f: {  	s9 =	smul.u32 $0xF7A, s1;
	s8 =	simm.s32 @!p0 $0x1BF5;
	p2 =	por !p2, p0  }
0x20: {  	[sflag:s8] =	ssyncset.s32 @!p0 $0xFFFFF086;
	s6 =	sadd.s32 @!p0 s3, s7;
	s7 =	simm.s32 @!p0 $0x108  }
0x21: {  	s3 =	sadd.s32 s3, s9;
	s6 =	sadd.s32 @!p0 $0x88, s6;
	s7 =	simm.s32 @p2 $0x1082  }
0x22: {  	[simem:s7], [sflag:s8] =	dma.local @!p0 [hbm:s6], $0xF7A  }
0x23: {  	s9 =	sor.u32 $0xD0000000, s2;
	s6 =	simm.s32 $0x108;
	_ =	swait.ge @!p0 [sflag:s8], $0x0  }
0x24: {  	s3 =	sadd.s32 $0x88, s3;
	s6 =	simm.s32 @!p1 $0x1082;
	[sflag:s4] =	ssyncset.s32 $0xFFFFF086  }
0x25: {  	[simem:s6], [sflag:s4] =	dma.local [hbm:s3], $0xF7A  }
0x26: {  	[smem:$0x3F8B] =	sst s1;
	(tag) =	ssettag s2;
	_ =	strace s9  }
0x27: {  	s1 =	sld [smem:$0x3F9B]  }
0x28: {  	s2 =	sld [smem:$0x3F9C]  }
0x29: {  	s4 =	sld [smem:$0x3F9E]  }
0x2a: {  	p0 =	seq.s32 s5, $0x0;
	s5 =	sld [smem:$0x3F9F]  }
0x2b: {  	s6 =	sld [smem:$0x3FA0]  }
0x2c: {  	s7 =	sld [smem:$0x3FA1]  }
0x2d: {  	s3 =	simm.s32 $0x108;
	s8 =	sld [smem:$0x3FA2]  }
0x2e: {  	s3 =	simm.s32 @!p0 $0x1082;
	s9 =	sld [smem:$0x3FA3]  }
0x2f: {  	lr =	sadd.s32 s0, s3;
	s0 =	sld [smem:$0x3F9A]  }
0x30: {  	s3 =	sld [smem:$0x3F9D]  }
0x31: {  	[smem:$0x3FA6] =	sst s10  }
0x32: {  	s10 =	sld [smem:$0x3FA4];
	_ =	sdelay $0x3  }
0x33: {  	p0 =	seq.s32 s10, $0x1;
	s10 =	sld [smem:$0x3FA6];
	_ =	sdelay $0x3  }
0x34: {  	[smem:$0x3FA6] =	sst s10  }
0x35: {  	s10 =	sld [smem:$0x3FA5];
	_ =	sdelay $0x3  }
0x36: {  	p1 =	seq.s32 s10, $0x1;
	s10 =	sld [smem:$0x3FA6];
	_ =	sdelay $0x3  }
0x37: {  	[smem:$0x3FA6] =	sst s10  }
0x38: {  	s10 =	sld [smem:$0x3FA7]  }
0x39: {  	_ = 	snop;
	(pc) =	sbr.ind lr, $3  }
0x3a: {  	_ = 	snop  }
0x3b: {  	_ = 	snop  }
0x3c: {  	p2 =	seq.s32 s10, $0x1;
	s10 =	sld [smem:$0x3FA6]  }
0x3d: {  	_ =	shalt  }
0x3e: {  	_ =	shalt  }
0x3f: {  	_ =	shalt  }
0x40: {  	_ =	shalt  }
0x41: {  	_ =	shalt  }
0x42: {  	_ =	shalt  }
0x43: {  	_ =	shalt  }
0x44: {  	_ =	shalt  }
0x45: {  	_ =	shalt  }
0x46: {  	_ =	shalt  }
0x47: {  	_ =	shalt  }
0x48: {  	_ =	shalt  }
0x49: {  	_ =	shalt  }
0x4a: {  	_ =	shalt  }
0x4b: {  	_ =	shalt  }
0x4c: {  	_ =	shalt  }
0x4d: {  	_ =	shalt  }
0x4e: {  	_ =	shalt  }
0x4f: {  	_ =	shalt  }
0x50: {  	_ =	shalt  }
0x51: {  	_ =	shalt  }
0x52: {  	_ =	shalt  }
0x53: {  	_ =	shalt  }
0x54: {  	_ =	shalt  }
0x55: {  	_ =	shalt  }
0x56: {  	_ =	shalt  }
0x57: {  	_ =	shalt  }
0x58: {  	_ =	shalt  }
0x59: {  	_ =	shalt  }
0x5a: {  	_ =	shalt  }
0x5b: {  	_ =	shalt  }
0x5c: {  	_ =	shalt  }
0x5d: {  	_ =	shalt  }
0x5e: {  	_ =	shalt  }
0x5f: {  	_ =	shalt  }
0x60: {  	_ =	shalt  }
0x61: {  	_ =	shalt  }
0x62: {  	_ =	shalt  }
0x63: {  	_ =	shalt  }
0x64: {  	_ =	shalt  }
0x65: {  	_ =	shalt  }
0x66: {  	_ =	shalt  }
0x67: {  	_ =	shalt  }
0x68: {  	_ =	shalt  }
0x69: {  	_ =	shalt  }
0x6a: {  	_ =	shalt  }
0x6b: {  	_ =	shalt  }
0x6c: {  	_ =	shalt  }
0x6d: {  	_ =	shalt  }
0x6e: {  	_ =	shalt  }
0x6f: {  	_ =	shalt  }
0x70: {  	_ =	shalt  }
0x71: {  	_ =	shalt  }
0x72: {  	_ =	shalt  }
0x73: {  	_ =	shalt  }
0x74: {  	_ =	shalt  }
0x75: {  	_ =	shalt  }
0x76: {  	_ =	shalt  }
0x77: {  	_ =	shalt  }
0x78: {  	_ =	shalt  }
0x79: {  	_ =	shalt  }
0x7a: {  	_ =	shalt  }
0x7b: {  	_ =	shalt  }
0x7c: {  	_ =	shalt  }
0x7d: {  	_ =	shalt  }
0x7e: {  	_ =	shalt  }
0x7f: {  	_ =	shalt  }
0x80: {  	_ =	shalt  }
0x81: {  	_ =	shalt  }
0x82: {  	_ =	shalt  }
0x83: {  	_ =	shalt  }
0x84: {  	_ =	shalt  }
0x85: {  	_ =	shalt  }
0x86: {  	_ =	shalt  }
0x87: {  	_ =	shalt  }
.Lfunc_end0:
.L_simem_size_0:
called_computation.6_lowered:
.L_overlay_start_0:
0x88: {  	s2 =	sld [smem:$0x3FD9]  }
0x89: {  	s3 =	sld [smem:$0x3FFE];
	_ =	sdelay $0x1  }
0x8a: {  	s1 =	srdreg.scid  }
0x8b: {  	s0 =	sand.u32 $0x1, s1  }
0x8c: {  	s14 =	sshll.u32 s0, $0xA;
	s2 =	sadd.s32 s3, s2  }
0x8d: {  	s2 =	sadd.s32 s2, s14  }
0x8e: {  	[smem:$0x3FB2] =	sst s2  }
0x8f: {  	_ = 	snop  }
0x90: {  	s2 =	sld [smem:$0x3FD0];
	_ =	sdelay $0x2  }
0x91: {  	s15 =	simm.s32 $0xA;
	s4 =	simm.s32 $0x10  }
0x92: {  	[smem:s4], [sflag:s15] =	dma.local [hbm:s2], $0x1  }
0x93: {  	_ =	swait.eq [sflag:s15], $0x1  }
0x94: {  	[sflag:s15] =	ssyncset.done $0x0  }
0x95: {  	[sflag:s15] =	ssyncadd.s32 $0xFFFFFFFF  }
0x96: {  	s16 =	sld [smem:$0x11];
	(tm) =	ssettm $0x1  }
0x97: {  	s17 =	sld [smem:$0x3FFB];
	_ =	sdelay $0x3  }
0x98: {  	_ =	strace s17  }
0x99: {  	s3 =	sld [smem:$0x3FFC];
	_ =	sdelay $0x3  }
0x9a: {  	_ =	strace s3  }
0x9b: {  	s3 =	sld [smem:$0x3FFD];
	_ =	sdelay $0x3  }
0x9c: {  	_ =	strace s3  }
0x9d: {  	_ =	strace $0x8FFFFFFF  }
0x9e: {  	s18 =	sld [smem:$0x3FDB];
	_ =	sdelay $0x1  }
0x9f: {  	s19 =	simm.s32 $_scs_section_size  }
0xa0: {  	s5 =	simm.s32 $_size__tile_overlayer_lowered;
	s6 =	simm.s32 $_tile_overlayer_lowered  }
0xa1: {  	s22 =	simm.s32 $0x1BFF;
	s21 =	sshll.u32 s6, $0x1;
	s3 =	sadd.s32 s19, s18  }
0xa2: {  	s7 =	simm.s32 $0x0;
	s20 =	sshll.u32 s5, $0x1;
	s5 =	sadd.s32 s21, s3  }
0xa3: {  	[timem:s7], [sflag:s22] =	dma.local [hbm:s5], s20  }
0xa4: {  	_ =	swait.ge [sflag:s22], s20  }
0xa5: {  	s4 =	ssub.s32 $0x0, s20;
	[sflag:s22] =	ssyncset.done $0x0  }
0xa6: {  	[sflag:s22] =	ssyncadd.s32 s4;
	_ =	sdelay $0x1  }
0xa7: {  	s23 =	simm.s32 $0x1B8B  }
0xa8: {  	_ =	swait.ge [sflag:s23], $0x1  }
0xa9: {  	[sflag:s23] =	ssyncset.done $0x0  }
0xaa: {  	s25 =	simm.s32 $0x1B8E;
	s24 =	sld [smem:$0x3FFE];
	[sflag:s23] =	ssyncadd.s32 $0xFFFFFFFF  }
0xab: {  	s26 =	simm.s32 $execute0_lowered;
	[smem:$0x3FD2] =	sst s25  }
0xac: {  	s5 =	sshll.u32 s26, $0x1;
	_ =	strace $0x80000058;
	[dreg:$0x1] =	wrdreg $0xFFFFFFFF  }
0xad: {  	s28 =	simm.s32 $_size_execute0_lowered;
	s3 =	sadd.s32 s3, s5;
	[dreg:$0x0] =	wrdreg $0x0  }
0xae: {  	s5 =	sshll.u32 s28, $0x1;
	[dreg:$0x2] =	wrdreg s3  }
0xaf: {  	[dreg:$0x3] =	wrdreg s5  }
0xb0: {  	[dreg:$0x4] =	wrdreg $0xC0  }
0xb1: {  	_ =	task [dreg:s7], $0x5FFFF  }
0xb2: {  	[dreg:$0x1] =	wrdreg $0xFFFFFFFF  }
0xb3: {  	[dreg:$0x0] =	wrdreg $0x60  }
0xb4: {  	[dreg:$0x2] =	wrdreg s24  }
0xb5: {  	[dreg:$0x3] =	wrdreg s16  }
0xb6: {  	[dreg:$0x4] =	wrdreg $0x57000  }
0xb7: {  	[dreg:$0x5] =	wrdreg $0x9  }
0xb8: {  	_ =	task.clear_ibuf [dreg:s7], $0x6FFFF;
	_ =	strace $0x90000058  }
0xb9: {  	s29 =	simm.s32 $0x9;
	_ =	strace $0x8000005A  }
0xba: {  	_ =	swait.ge [sflag:s29], $0x1  }
0xbb: {  	[sflag:s29] =	ssyncadd.s32 $0xFFFFFFFF  }
0xbc: {  	_ =	strace $0x9000005A  }
0xbd: {  	_ =	sfence  }
0xbe: {  	s30 =	sld [smem:$0x0];
	_ =	sdelay $0x2  }
0xbf: {  	s31 =	sshll.u32 s1, $0xD;
	s1 =	sshrl.u32 s1, $0x2  }
0xc0: {  	s3 =	sand.u32 $0x4000, s31;
	s1 =	sadd.s32 s1, s30  }
0xc1: {  	s0 =	sor.u32 s3, s0;
	s1 =	sshll.u32 s1, $0x11  }
0xc2: {  	s0 =	sor.u32 s1, s0  }
0xc3: {  	s0 =	sadd.s32 $0x8F2B, s0  }
0xc4: {  	[sflag:s0] =	ssyncadd.remote.s32 $0x1  }
0xc5: {  	_ =	sfence.sel $0xFFFF  }
0xc6: {  	[dreg:$0x0] =	wrdreg $0xFFFFFFFF;
	(pc) =	sbr.abs _section_cstart, $3  }
0xc7: {  	[dreg:$0x1] =	wrdreg $0xFFFFFFFF  }
0xc8: {  	_ =	task.clear_ibuf [dreg:s7], $0x2FFFF;
	_ =	strace $0x9FFFFFFF  }
0xc9: {  	(tm) =	ssettm $0x7FFFFFFF  }
tec
execute0_lowered:
.L_overlay_start_1:
0x0: {  	(tag) =	ssettag $0x1  }
0x1: {  	s6 =	rddreg [dreg:$0x0]  }
0x2: {  	s2 =	rddreg [dreg:$0x1]  }
0x3: {  	s3 =	rddreg [dreg:$0x2];
	s4 =	srdreg.scid  }
0x4: {  	s0 =	rddreg [dreg:$0x3];
	s1 =	stileid.u32  }
0x5: {  	s14 =	simm.s32 $0x80;
	s15 =	simm.s32 $0x4F00;
	s16 =	simm.s32 $0x0  }
0x6: {  	s7 =	sand.u32 $0x1, s4;
	s4 =	simm.s32 $0x0;
	s8 =	smul.u32 $0x2780, s1  }
0x7: {  	s12 =	sshll.u32 s1, $0x6;
	s5 =	sshll.u32 s7, $0x4;
	[smem:$0x7FF] =	sst s4  }
0x8: {  	s9 =	smul.u32 $0x27800, s7;
	s7 =	ssub.s32 $0x2, s7;
	s12 =	sor.u32 $0x1C01, s12  }
0x9: {  	s5 =	sor.u32 s1, s5;
	_ =	strace $0x80000059;
	s11 =	sshrl.u32 s7, $0x1  }
0xa: {  	s13 =	sadd.s32 s8, s3;
	s10 =	smul.u32 $0x4F0, s5;
	s9 =	sadd.s32 s8, s9  }
0xb: {  	s5 =	sadd.s32 $0x7C00, s6;
	s11 =	ssub.s32 s7, s11;
	s9 =	sshrl.u32 s9, $0x3  }
0xc: {  	s13 =	sshrl.u32 s13, $0x3;
	s10 =	sadd.s32 s10, s6;
	s9 =	sadd.s32 s9, s6  }
0xd: {  	s6 =	sadd.s32 $0x16A00, s10;
	s7 =	sadd.s32 $0xCC00, s10;
	s8 =	sadd.s32 $0x20800, s9  }
0xe: {  	s9 =	smax.u32 s11, $0x1;
	s10 =	simm.s32 $0x1;
	s11 =	simm.s32 $0x2780  }
.LBB2_1:
0xf: {  	[tilespmem:s4], [sflag:$0x1] =	stream.linear.gather [hbm4b:s6+s4], $0x2780, $0x38;
	[tilespmem:$0x7E80] =	vst v63  }
0x10: {  	_ =	swait.ge [sflag:s10], $0x2780  }
0x11: {  	[sflag:s10] =	ssyncset.done $0x0  }
0x12: {  	[sflag:s10] =	ssyncadd.s32 $0xFFFFD880  }
0x13: {  	[tilespmem:s11], [sflag:$0x1] =	stream.linear.gather [hbm4b:s7+s4], $0x2780, $0x38;
	[tilespmem:$0x7E80] =	vst v63  }
0x14: {  	_ =	swait.ge [sflag:s10], $0x2780  }
0x15: {  	[sflag:s10] =	ssyncset.done $0x0  }
0x16: {  	[sflag:s10] =	ssyncadd.s32 $0xFFFFD880  }
0x17: {  	[spmem:s13], [sflag:s12] =	dma.local [hbm:s2], $0x4F0  }
0x18: {  	_ =	swait.ge [sflag:s10], $0x4F0  }
0x19: {  	[sflag:s10] =	ssyncset.done $0x0  }
0x1a: {  	[sflag:s10] =	ssyncadd.s32 $0xFFFFFB10  }
0x1b: {  	s17 =	simm.s32 $0x0;
	[bflag:$0x0] =	sbarrier.arrive $0xFFFF  }
0x1c: {  	[tilespmem:s15], [sflag:$0x1] =	stream.indirect.gather [hbm4b:s5+s14], $0x10, s17, s14, $0xb8;
	[tilespmem:$0x7E80] =	vst v63  }
0x1d: {  	_ =	swait.ge [sflag:s10], $0x800  }
0x1e: {  	[sflag:s10] =	ssyncset.done $0x0  }
0x1f: {  	s31 =	simm.s32 $0x2780;
	[sflag:s10] =	ssyncadd.s32 $0xFFFFF800  }
0x20: {  	[spmem:s3] =	stream.indirect.scatter.add.f32 [tilespmem:s15], [sflag:$0x1], $0x10, s31, s14, $0xb8;
	[tilespmem:$0x7E80] =	vst v63  }
0x21: {  	_ =	swait.ge [sflag:s10], $0x800  }
0x22: {  	s18 =	simm.s32 $0x400;
	s17 =	simm.s32 $0x200;
	[sflag:s10] =	ssyncset.done $0x0  }
.LBB2_2:
0x23: {  	s19 =	sshra.s32 s17, $0x2  }
0x24: {  	[sflag:s10] =	ssyncadd.s32 $0xFFFFF800;
	s17 =	smov.u32 s18;
	s20 =	sadd.s32 $0x200, s18  }
0x25: {  	[tilespmem:s15], [sflag:$0x1] =	stream.indirect.gather [hbm4b:s5+s14], $0x10, s19, s14, $0xb8;
	[tilespmem:$0x7E80] =	vst v63  }
0x26: {  	p0 =	sne.s32 s18, $0x9C00;
	_ =	swait.ge [sflag:s10], $0x800  }
.Ltmp0:
0x27: {  	[sflag:s10] =	ssyncset.done $0x0;
	(pc) =	sbr.rel @p0 .LBB2_2-.Ltmp0, $4  }
0x28: {  	s18 =	sadd.s32 $0x2780, s19;
	[sflag:s10] =	ssyncadd.s32 $0xFFFFF800  }
0x29: {  	[spmem:s3] =	stream.indirect.scatter.add.f32 [tilespmem:s15], [sflag:$0x1], $0x10, s18, s14, $0xb8;
	[tilespmem:$0x7E80] =	vst v63  }
0x2a: {  	_ =	swait.ge [sflag:s10], $0x800  }
0x2b: {  	s18 =	smov.u32 s20;
	[sflag:s10] =	ssyncset.done $0x0  }
0x2c: {  	s17 =	sshra.s32 s17, $0x2;
	[sflag:s10] =	ssyncadd.s32 $0xFFFFF800  }
0x2d: {  	[tilespmem:s15], [sflag:$0x1] =	stream.indirect.gather [hbm4b:s5+s14], $0x10, s17, s14, $0xb8;
	[tilespmem:$0x7E80] =	vst v63  }
0x2e: {  	_ =	swait.ge [sflag:s10], $0x800  }
0x2f: {  	[sflag:s10] =	ssyncset.done $0x0  }
0x30: {  	s17 =	sadd.s32 $0x2780, s17;
	[sflag:s10] =	ssyncadd.s32 $0xFFFFF800  }
0x31: {  	[spmem:s3] =	stream.indirect.scatter.add.f32 [tilespmem:s15], [sflag:$0x1], $0x10, s17, s14, $0xb8;
	[tilespmem:$0x7E80] =	vst v63  }
0x32: {  	_ =	swait.ge [sflag:s10], $0x800  }
0x33: {  	s16 =	sadd.s32 $0x1, s16;
	[sflag:s10] =	ssyncset.done $0x0  }
0x34: {  	p0 =	sne.s32 s16, s9;
	[sflag:s10] =	ssyncadd.s32 $0xFFFFF800  }
.Ltmp1:
0x35: {  	[bflag:$0x0] =	sbarrier.arrive $0xFFFF;
	(pc) =	sbr.rel @p0 .LBB2_1-.Ltmp1, $4  }
0x36: {  	[hbm:s8], [sflag:s12] =	dma.local [spmem:s13], $0x4F0  }
0x37: {  	_ =	swait.ge [sflag:s10], $0x4F0  }
0x38: {  	[sflag:s10] =	ssyncset.done $0x0  }
0x39: {  	[sflag:s10] =	ssyncadd.s32 $0xFFFFFB10  }
0x3a: {  	_ =	sfence.sel $0x180000  }
0x3b: {  	[bflag:$0x0] =	sbarrier.arrive $0xFFFF  }
0x3c: {  	p0 =	sne.s32 s1, $0x0;
	_ =	strace $0x90000059  }
0x3d: {  	s0 =	sadd.s32 @!p0 $0x100000, s0;
	[bflag:$0x2] =	sbarrier.arrive $0xFFFF  }
0x3e: {  	[sflag:s0] =	ssyncadd.tile.s32 @!p0 $0x1;
	_ =	shalt  }
.Lfunc_end2:
_tile_overlayer_lowered:
.L_overlay_start_2:
0x3f: {  	(tag) =	ssettag $0x2  }
0x40: {  	s0 =	rddreg [dreg:$0x0];
	s2 =	stileid.u32  }
0x41: {  	s1 =	rddreg [dreg:$0x1];
	p0 =	sne.s32 s2, $0x0  }
0x42: {  	s3 =	rddreg [dreg:$0x2];
	[bflag:$0x3] =	sbarrier.arrive $0xFFFF;
	s2 =	simm.s32 @!p0 $0x1C01  }
0x43: {  	[timem:s3], [sflag:s2] =	dma.local @!p0 [hbm:s0], s1  }
0x44: {  	s0 =	simm.s32 @!p0 $0x1  }
0x45: {  	_ =	swait.ge @!p0 [sflag:s0], s1  }
0x46: {  	s1 =	ssub.s32 @!p0 $0x0, s1;
	[sflag:s0] =	ssyncset.done @!p0 $0x0  }
0x47: {  	[sflag:s0] =	ssyncadd.s32 @!p0 s1  }
0x48: {  	[bflag:$0x3] =	sbarrier.arrive $0xFFFF  }
0x49: {  	_ =	shalt  }

// kernel: kernel.44.cloned.1.call-start
scs
__scs_entry_jumppad:
0x0: {  	(pc) =	sbr.rel $0x88, $3  }
0x1: {  	(tag) =	ssettag $0x0;
	lr =	simm.s32 $0x1  }
0x2: {  	[smem:$0x3F8B] =	sst lr;
	_ =	strace $0xD0000000  }
0x3: {  	_ = 	snop  }
0x4: {  	_ = 	snop  }
0x5: {  	_ = 	snop  }
0x6: {  	_ = 	snop  }
0x7: {  	_ = 	snop  }
__scs_overlays_trampoline_lowered:
0x8: {  	[smem:$0x3F9A] =	sst s0  }
0x9: {  	[smem:$0x3F9B] =	sst s1  }
0xa: {  	[smem:$0x3F9C] =	sst s2  }
0xb: {  	[smem:$0x3F9D] =	sst s3  }
0xc: {  	[smem:$0x3F9E] =	sst s4  }
0xd: {  	[smem:$0x3F9F] =	sst s5  }
0xe: {  	[smem:$0x3FA0] =	sst s6  }
0xf: {  	[smem:$0x3FA1] =	sst s7  }
0x10: {  	[smem:$0x3FA2] =	sst s8  }
0x11: {  	[smem:$0x3FA3] =	sst s9;
	s0 =	simm.s32 @!p0 $0x0  }
0x12: {  	s1 =	sld [smem:$0x3F89];
	s0 =	simm.s32 @p0 $0x1  }
0x13: {  	[smem:$0x3FA4] =	sst s0;
	s0 =	simm.s32 @!p1 $0x0  }
0x14: {  	s2 =	sld [smem:$0x3F88];
	s0 =	simm.s32 @p1 $0x1  }
0x15: {  	[smem:$0x3FA5] =	sst s0;
	s0 =	simm.s32 @!p2 $0x0  }
0x16: {  	s3 =	sld [smem:$0x3FDB];
	s0 =	simm.s32 @p2 $0x1  }
0x17: {  	s4 =	simm.s32 $0x1BF5;
	[smem:$0x3FA7] =	sst s0  }
0x18: {  	s0 =	sld [smem:$0x3F8A];
	_ =	swait.ge [sflag:s4], $0x0  }
0x19: {  	s7 =	sld [smem:$0x3F8B]  }
0x1a: {  	s8 =	sadd.s32 $0xFFFFE003, lr  }
0x1b: {  	s9 =	sadd.s32 $0xFFFFFEF7, lr;
	s5 =	simm.s32 $0xFFFFFFFF;
	p2 =	slt.u32 s8, $0xFFFFF086  }
0x1c: {  	p1 =	slt.u32 s9, $0xF7A;
	s5 =	simm.s32 @!p2 $0x0  }
0x1d: {  	s5 =	simm.s32 @p1 $0x1;
	p0 =	seq.s32 s7, s2  }
0x1e: {  	s7 =	smul.u32 @!p0 $0xF7A, s2;
	p2 =	seq.s32 @!p0 s5, $0x0  }
0x1f: {  	s9 =	smul.u32 $0xF7A, s1;
	s8 =	simm.s32 @!p0 $0x1BF5;
	p2 =	por !p2, p0  }
0x20: {  	[sflag:s8] =	ssyncset.s32 @!p0 $0xFFFFF086;
	s6 =	sadd.s32 @!p0 s3, s7;
	s7 =	simm.s32 @!p0 $0x108  }
0x21: {  	s3 =	sadd.s32 s3, s9;
	s6 =	sadd.s32 @!p0 $0x88, s6;
	s7 =	simm.s32 @p2 $0x1082  }
0x22: {  	[simem:s7], [sflag:s8] =	dma.local @!p0 [hbm:s6], $0xF7A  }
0x23: {  	s9 =	sor.u32 $0xD0000000, s2;
	s6 =	simm.s32 $0x108;
	_ =	swait.ge @!p0 [sflag:s8], $0x0  }
0x24: {  	s3 =	sadd.s32 $0x88, s3;
	s6 =	simm.s32 @!p1 $0x1082;
	[sflag:s4] =	ssyncset.s32 $0xFFFFF086  }
0x25: {  	[simem:s6], [sflag:s4] =	dma.local [hbm:s3], $0xF7A  }
0x26: {  	[smem:$0x3F8B] =	sst s1;
	(tag) =	ssettag s2;
	_ =	strace s9  }
0x27: {  	s1 =	sld [smem:$0x3F9B]  }
0x28: {  	s2 =	sld [smem:$0x3F9C]  }
0x29: {  	s4 =	sld [smem:$0x3F9E]  }
0x2a: {  	p0 =	seq.s32 s5, $0x0;
	s5 =	sld [smem:$0x3F9F]  }
0x2b: {  	s6 =	sld [smem:$0x3FA0]  }
0x2c: {  	s7 =	sld [smem:$0x3FA1]  }
0x2d: {  	s3 =	simm.s32 $0x108;
	s8 =	sld [smem:$0x3FA2]  }
0x2e: {  	s3 =	simm.s32 @!p0 $0x1082;
	s9 =	sld [smem:$0x3FA3]  }
0x2f: {  	lr =	sadd.s32 s0, s3;
	s0 =	sld [smem:$0x3F9A]  }
0x30: {  	s3 =	sld [smem:$0x3F9D]  }
0x31: {  	[smem:$0x3FA6] =	sst s10  }
0x32: {  	s10 =	sld [smem:$0x3FA4];
	_ =	sdelay $0x3  }
0x33: {  	p0 =	seq.s32 s10, $0x1;
	s10 =	sld [smem:$0x3FA6];
	_ =	sdelay $0x3  }
0x34: {  	[smem:$0x3FA6] =	sst s10  }
0x35: {  	s10 =	sld [smem:$0x3FA5];
	_ =	sdelay $0x3  }
0x36: {  	p1 =	seq.s32 s10, $0x1;
	s10 =	sld [smem:$0x3FA6];
	_ =	sdelay $0x3  }
0x37: {  	[smem:$0x3FA6] =	sst s10  }
0x38: {  	s10 =	sld [smem:$0x3FA7]  }
0x39: {  	_ = 	snop;
	(pc) =	sbr.ind lr, $3  }
0x3a: {  	_ = 	snop  }
0x3b: {  	_ = 	snop  }
0x3c: {  	p2 =	seq.s32 s10, $0x1;
	s10 =	sld [smem:$0x3FA6]  }
0x3d: {  	_ =	shalt  }
0x3e: {  	_ =	shalt  }
0x3f: {  	_ =	shalt  }
0x40: {  	_ =	shalt  }
0x41: {  	_ =	shalt  }
0x42: {  	_ =	shalt  }
0x43: {  	_ =	shalt  }
0x44: {  	_ =	shalt  }
0x45: {  	_ =	shalt  }
0x46: {  	_ =	shalt  }
0x47: {  	_ =	shalt  }
0x48: {  	_ =	shalt  }
0x49: {  	_ =	shalt  }
0x4a: {  	_ =	shalt  }
0x4b: {  	_ =	shalt  }
0x4c: {  	_ =	shalt  }
0x4d: {  	_ =	shalt  }
0x4e: {  	_ =	shalt  }
0x4f: {  	_ =	shalt  }
0x50: {  	_ =	shalt  }
0x51: {  	_ =	shalt  }
0x52: {  	_ =	shalt  }
0x53: {  	_ =	shalt  }
0x54: {  	_ =	shalt  }
0x55: {  	_ =	shalt  }
0x56: {  	_ =	shalt  }
0x57: {  	_ =	shalt  }
0x58: {  	_ =	shalt  }
0x59: {  	_ =	shalt  }
0x5a: {  	_ =	shalt  }
0x5b: {  	_ =	shalt  }
0x5c: {  	_ =	shalt  }
0x5d: {  	_ =	shalt  }
0x5e: {  	_ =	shalt  }
0x5f: {  	_ =	shalt  }
0x60: {  	_ =	shalt  }
0x61: {  	_ =	shalt  }
0x62: {  	_ =	shalt  }
0x63: {  	_ =	shalt  }
0x64: {  	_ =	shalt  }
0x65: {  	_ =	shalt  }
0x66: {  	_ =	shalt  }
0x67: {  	_ =	shalt  }
0x68: {  	_ =	shalt  }
0x69: {  	_ =	shalt  }
0x6a: {  	_ =	shalt  }
0x6b: {  	_ =	shalt  }
0x6c: {  	_ =	shalt  }
0x6d: {  	_ =	shalt  }
0x6e: {  	_ =	shalt  }
0x6f: {  	_ =	shalt  }
0x70: {  	_ =	shalt  }
0x71: {  	_ =	shalt  }
0x72: {  	_ =	shalt  }
0x73: {  	_ =	shalt  }
0x74: {  	_ =	shalt  }
0x75: {  	_ =	shalt  }
0x76: {  	_ =	shalt  }
0x77: {  	_ =	shalt  }
0x78: {  	_ =	shalt  }
0x79: {  	_ =	shalt  }
0x7a: {  	_ =	shalt  }
0x7b: {  	_ =	shalt  }
0x7c: {  	_ =	shalt  }
0x7d: {  	_ =	shalt  }
0x7e: {  	_ =	shalt  }
0x7f: {  	_ =	shalt  }
0x80: {  	_ =	shalt  }
0x81: {  	_ =	shalt  }
0x82: {  	_ =	shalt  }
0x83: {  	_ =	shalt  }
0x84: {  	_ =	shalt  }
0x85: {  	_ =	shalt  }
0x86: {  	_ =	shalt  }
0x87: {  	_ =	shalt  }
.Lfunc_end0:
.L_simem_size_0:
called_computation.7_lowered:
.L_overlay_start_0:
0x88: {  	s2 =	sld [smem:$0x3FD9]  }
0x89: {  	s3 =	sld [smem:$0x3FFE];
	_ =	sdelay $0x1  }
0x8a: {  	s1 =	srdreg.scid  }
0x8b: {  	s0 =	sand.u32 $0x1, s1  }
0x8c: {  	s14 =	sshll.u32 s0, $0xA;
	s2 =	sadd.s32 s3, s2  }
0x8d: {  	s2 =	sadd.s32 s2, s14  }
0x8e: {  	[smem:$0x3FB2] =	sst s2  }
0x8f: {  	_ = 	snop  }
0x90: {  	s2 =	sld [smem:$0x3FD0];
	_ =	sdelay $0x2  }
0x91: {  	s15 =	simm.s32 $0xA;
	s4 =	simm.s32 $0x10  }
0x92: {  	[smem:s4], [sflag:s15] =	dma.local [hbm:s2], $0x1  }
0x93: {  	_ =	swait.eq [sflag:s15], $0x1  }
0x94: {  	[sflag:s15] =	ssyncset.done $0x0  }
0x95: {  	[sflag:s15] =	ssyncadd.s32 $0xFFFFFFFF  }
0x96: {  	s16 =	sld [smem:$0x11];
	(tm) =	ssettm $0x1  }
0x97: {  	s17 =	sld [smem:$0x3FFB];
	_ =	sdelay $0x3  }
0x98: {  	_ =	strace s17  }
0x99: {  	s3 =	sld [smem:$0x3FFC];
	_ =	sdelay $0x3  }
0x9a: {  	_ =	strace s3  }
0x9b: {  	s3 =	sld [smem:$0x3FFD];
	_ =	sdelay $0x3  }
0x9c: {  	_ =	strace s3  }
0x9d: {  	_ =	strace $0x8FFFFFFF  }
0x9e: {  	s18 =	sld [smem:$0x3FDB];
	_ =	sdelay $0x1  }
0x9f: {  	s19 =	simm.s32 $_scs_section_size  }
0xa0: {  	s5 =	simm.s32 $_size__tile_overlayer_lowered;
	s6 =	simm.s32 $_tile_overlayer_lowered  }
0xa1: {  	s22 =	simm.s32 $0x1BFF;
	s21 =	sshll.u32 s6, $0x1;
	s3 =	sadd.s32 s19, s18  }
0xa2: {  	s7 =	simm.s32 $0x0;
	s20 =	sshll.u32 s5, $0x1;
	s5 =	sadd.s32 s21, s3  }
0xa3: {  	[timem:s7], [sflag:s22] =	dma.local [hbm:s5], s20  }
0xa4: {  	_ =	swait.ge [sflag:s22], s20  }
0xa5: {  	s4 =	ssub.s32 $0x0, s20;
	[sflag:s22] =	ssyncset.done $0x0  }
0xa6: {  	[sflag:s22] =	ssyncadd.s32 s4;
	_ =	sdelay $0x1  }
0xa7: {  	s23 =	simm.s32 $0x1B8B  }
0xa8: {  	_ =	swait.ge [sflag:s23], $0x1  }
0xa9: {  	[sflag:s23] =	ssyncset.done $0x0  }
0xaa: {  	s25 =	simm.s32 $0x1B8E;
	s24 =	sld [smem:$0x3FFE];
	[sflag:s23] =	ssyncadd.s32 $0xFFFFFFFF  }
0xab: {  	s26 =	simm.s32 $execute0_lowered;
	[smem:$0x3FD2] =	sst s25  }
0xac: {  	s5 =	sshll.u32 s26, $0x1;
	_ =	strace $0x8000005B;
	[dreg:$0x1] =	wrdreg $0xFFFFFFFF  }
0xad: {  	s28 =	simm.s32 $_size_execute0_lowered;
	s3 =	sadd.s32 s3, s5;
	[dreg:$0x0] =	wrdreg $0x0  }
0xae: {  	s5 =	sshll.u32 s28, $0x1;
	[dreg:$0x2] =	wrdreg s3  }
0xaf: {  	[dreg:$0x3] =	wrdreg s5  }
0xb0: {  	[dreg:$0x4] =	wrdreg $0xC0  }
0xb1: {  	_ =	task [dreg:s7], $0x5FFFF  }
0xb2: {  	[dreg:$0x1] =	wrdreg $0xFFFFFFFF  }
0xb3: {  	[dreg:$0x0] =	wrdreg $0x60  }
0xb4: {  	[dreg:$0x2] =	wrdreg s24  }
0xb5: {  	[dreg:$0x3] =	wrdreg s16  }
0xb6: {  	[dreg:$0x4] =	wrdreg $0x57000  }
0xb7: {  	[dreg:$0x5] =	wrdreg $0x9  }
0xb8: {  	_ =	task.clear_ibuf [dreg:s7], $0x6FFFF;
	_ =	strace $0x9000005B  }
0xb9: {  	s29 =	simm.s32 $0x9;
	_ =	strace $0x8000005D  }
0xba: {  	_ =	swait.ge [sflag:s29], $0x1  }
0xbb: {  	[sflag:s29] =	ssyncadd.s32 $0xFFFFFFFF  }
0xbc: {  	_ =	strace $0x9000005D  }
0xbd: {  	_ =	sfence  }
0xbe: {  	s30 =	sld [smem:$0x0];
	_ =	sdelay $0x2  }
0xbf: {  	s31 =	sshll.u32 s1, $0xD;
	s1 =	sshrl.u32 s1, $0x2  }
0xc0: {  	s3 =	sand.u32 $0x4000, s31;
	s1 =	sadd.s32 s1, s30  }
0xc1: {  	s0 =	sor.u32 s3, s0;
	s1 =	sshll.u32 s1, $0x11  }
0xc2: {  	s0 =	sor.u32 s1, s0  }
0xc3: {  	s0 =	sadd.s32 $0x8F2B, s0  }
0xc4: {  	[sflag:s0] =	ssyncadd.remote.s32 $0x1  }
0xc5: {  	_ =	sfence.sel $0xFFFF  }
0xc6: {  	[dreg:$0x0] =	wrdreg $0xFFFFFFFF;
	(pc) =	sbr.abs _section_cstart, $3  }
0xc7: {  	[dreg:$0x1] =	wrdreg $0xFFFFFFFF  }
0xc8: {  	_ =	task.clear_ibuf [dreg:s7], $0x2FFFF;
	_ =	strace $0x9FFFFFFF  }
0xc9: {  	(tm) =	ssettm $0x7FFFFFFF  }
tec
execute0_lowered:
.L_overlay_start_1:
0x0: {  	(tag) =	ssettag $0x1  }
0x1: {  	s6 =	rddreg [dreg:$0x0]  }
0x2: {  	s2 =	rddreg [dreg:$0x1]  }
0x3: {  	s3 =	rddreg [dreg:$0x2];
	s4 =	srdreg.scid  }
0x4: {  	s0 =	rddreg [dreg:$0x3];
	s1 =	stileid.u32  }
0x5: {  	s14 =	simm.s32 $0x80;
	s15 =	simm.s32 $0x4F00;
	s16 =	simm.s32 $0x0  }
0x6: {  	s7 =	sand.u32 $0x1, s4;
	s4 =	simm.s32 $0x0;
	s8 =	smul.u32 $0x2780, s1  }
0x7: {  	s12 =	sshll.u32 s1, $0x6;
	s5 =	sshll.u32 s7, $0x4;
	[smem:$0x7FF] =	sst s4  }
0x8: {  	s9 =	smul.u32 $0x27800, s7;
	s7 =	ssub.s32 $0x2, s7;
	s12 =	sor.u32 $0x1C01, s12  }
0x9: {  	s5 =	sor.u32 s1, s5;
	_ =	strace $0x8000005C;
	s11 =	sshrl.u32 s7, $0x1  }
0xa: {  	s13 =	sadd.s32 s8, s3;
	s10 =	smul.u32 $0x4F0, s5;
	s9 =	sadd.s32 s8, s9  }
0xb: {  	s5 =	sadd.s32 $0x7C00, s6;
	s11 =	ssub.s32 s7, s11;
	s9 =	sshrl.u32 s9, $0x3  }
0xc: {  	s13 =	sshrl.u32 s13, $0x3;
	s10 =	sadd.s32 s10, s6;
	s9 =	sadd.s32 s9, s6  }
0xd: {  	s6 =	sadd.s32 $0x16A00, s10;
	s7 =	sadd.s32 $0xCC00, s10;
	s8 =	sadd.s32 $0x20800, s9  }
0xe: {  	s9 =	smax.u32 s11, $0x1;
	s10 =	simm.s32 $0x1;
	s11 =	simm.s32 $0x2780  }
.LBB2_1:
0xf: {  	[tilespmem:s4], [sflag:$0x1] =	stream.linear.gather [hbm4b:s6+s4], $0x2780, $0x38;
	[tilespmem:$0x7E80] =	vst v63  }
0x10: {  	_ =	swait.ge [sflag:s10], $0x2780  }
0x11: {  	[sflag:s10] =	ssyncset.done $0x0  }
0x12: {  	[sflag:s10] =	ssyncadd.s32 $0xFFFFD880  }
0x13: {  	[tilespmem:s11], [sflag:$0x1] =	stream.linear.gather [hbm4b:s7+s4], $0x2780, $0x38;
	[tilespmem:$0x7E80] =	vst v63  }
0x14: {  	_ =	swait.ge [sflag:s10], $0x2780  }
0x15: {  	[sflag:s10] =	ssyncset.done $0x0  }
0x16: {  	[sflag:s10] =	ssyncadd.s32 $0xFFFFD880  }
0x17: {  	[spmem:s13], [sflag:s12] =	dma.local [hbm:s2], $0x4F0  }
0x18: {  	_ =	swait.ge [sflag:s10], $0x4F0  }
0x19: {  	[sflag:s10] =	ssyncset.done $0x0  }
0x1a: {  	[sflag:s10] =	ssyncadd.s32 $0xFFFFFB10  }
0x1b: {  	s17 =	simm.s32 $0x0;
	[bflag:$0x0] =	sbarrier.arrive $0xFFFF  }
0x1c: {  	[tilespmem:s15], [sflag:$0x1] =	stream.indirect.gather [hbm4b:s5+s14], $0x10, s17, s14, $0xb8;
	[tilespmem:$0x7E80] =	vst v63  }
0x1d: {  	_ =	swait.ge [sflag:s10], $0x800  }
0x1e: {  	[sflag:s10] =	ssyncset.done $0x0  }
0x1f: {  	s31 =	simm.s32 $0x2780;
	[sflag:s10] =	ssyncadd.s32 $0xFFFFF800  }
0x20: {  	[spmem:s3] =	stream.indirect.scatter.add.f32 [tilespmem:s15], [sflag:$0x1], $0x10, s31, s14, $0xb8;
	[tilespmem:$0x7E80] =	vst v63  }
0x21: {  	_ =	swait.ge [sflag:s10], $0x800  }
0x22: {  	s18 =	simm.s32 $0x400;
	s17 =	simm.s32 $0x200;
	[sflag:s10] =	ssyncset.done $0x0  }
.LBB2_2:
0x23: {  	s19 =	sshra.s32 s17, $0x2  }
0x24: {  	[sflag:s10] =	ssyncadd.s32 $0xFFFFF800;
	s17 =	smov.u32 s18;
	s20 =	sadd.s32 $0x200, s18  }
0x25: {  	[tilespmem:s15], [sflag:$0x1] =	stream.indirect.gather [hbm4b:s5+s14], $0x10, s19, s14, $0xb8;
	[tilespmem:$0x7E80] =	vst v63  }
0x26: {  	p0 =	sne.s32 s18, $0x9C00;
	_ =	swait.ge [sflag:s10], $0x800  }
.Ltmp0:
0x27: {  	[sflag:s10] =	ssyncset.done $0x0;
	(pc) =	sbr.rel @p0 .LBB2_2-.Ltmp0, $4  }
0x28: {  	s18 =	sadd.s32 $0x2780, s19;
	[sflag:s10] =	ssyncadd.s32 $0xFFFFF800  }
0x29: {  	[spmem:s3] =	stream.indirect.scatter.add.f32 [tilespmem:s15], [sflag:$0x1], $0x10, s18, s14, $0xb8;
	[tilespmem:$0x7E80] =	vst v63  }
0x2a: {  	_ =	swait.ge [sflag:s10], $0x800  }
0x2b: {  	s18 =	smov.u32 s20;
	[sflag:s10] =	ssyncset.done $0x0  }
0x2c: {  	s17 =	sshra.s32 s17, $0x2;
	[sflag:s10] =	ssyncadd.s32 $0xFFFFF800  }
0x2d: {  	[tilespmem:s15], [sflag:$0x1] =	stream.indirect.gather [hbm4b:s5+s14], $0x10, s17, s14, $0xb8;
	[tilespmem:$0x7E80] =	vst v63  }
0x2e: {  	_ =	swait.ge [sflag:s10], $0x800  }
0x2f: {  	[sflag:s10] =	ssyncset.done $0x0  }
0x30: {  	s17 =	sadd.s32 $0x2780, s17;
	[sflag:s10] =	ssyncadd.s32 $0xFFFFF800  }
0x31: {  	[spmem:s3] =	stream.indirect.scatter.add.f32 [tilespmem:s15], [sflag:$0x1], $0x10, s17, s14, $0xb8;
	[tilespmem:$0x7E80] =	vst v63  }
0x32: {  	_ =	swait.ge [sflag:s10], $0x800  }
0x33: {  	s16 =	sadd.s32 $0x1, s16;
	[sflag:s10] =	ssyncset.done $0x0  }
0x34: {  	p0 =	sne.s32 s16, s9;
	[sflag:s10] =	ssyncadd.s32 $0xFFFFF800  }
.Ltmp1:
0x35: {  	[bflag:$0x0] =	sbarrier.arrive $0xFFFF;
	(pc) =	sbr.rel @p0 .LBB2_1-.Ltmp1, $4  }
0x36: {  	[hbm:s8], [sflag:s12] =	dma.local [spmem:s13], $0x4F0  }
0x37: {  	_ =	swait.ge [sflag:s10], $0x4F0  }
0x38: {  	[sflag:s10] =	ssyncset.done $0x0  }
0x39: {  	[sflag:s10] =	ssyncadd.s32 $0xFFFFFB10  }
0x3a: {  	_ =	sfence.sel $0x180000  }
0x3b: {  	[bflag:$0x0] =	sbarrier.arrive $0xFFFF  }
0x3c: {  	p0 =	sne.s32 s1, $0x0;
	_ =	strace $0x9000005C  }
0x3d: {  	s0 =	sadd.s32 @!p0 $0x100000, s0;
	[bflag:$0x2] =	sbarrier.arrive $0xFFFF  }
0x3e: {  	[sflag:s0] =	ssyncadd.tile.s32 @!p0 $0x1;
	_ =	shalt  }
.Lfunc_end2:
_tile_overlayer_lowered:
.L_overlay_start_2:
0x3f: {  	(tag) =	ssettag $0x2  }
0x40: {  	s0 =	rddreg [dreg:$0x0];
	s2 =	stileid.u32  }
0x41: {  	s1 =	rddreg [dreg:$0x1];
	p0 =	sne.s32 s2, $0x0  }
0x42: {  	s3 =	rddreg [dreg:$0x2];
	[bflag:$0x3] =	sbarrier.arrive $0xFFFF;
	s2 =	simm.s32 @!p0 $0x1C01  }
0x43: {  	[timem:s3], [sflag:s2] =	dma.local @!p0 [hbm:s0], s1  }
0x44: {  	s0 =	simm.s32 @!p0 $0x1  }
0x45: {  	_ =	swait.ge @!p0 [sflag:s0], s1  }
0x46: {  	s1 =	ssub.s32 @!p0 $0x0, s1;
	[sflag:s0] =	ssyncset.done @!p0 $0x0  }
0x47: {  	[sflag:s0] =	ssyncadd.s32 @!p0 s1  }
0x48: {  	[bflag:$0x3] =	sbarrier.arrive $0xFFFF  }
0x49: {  	_ =	shalt  }

// kernel: kernel.47.cloned.1.call-start
scs
__scs_entry_jumppad:
0x0: {  	(pc) =	sbr.rel $0x88, $3  }
0x1: {  	(tag) =	ssettag $0x0;
	lr =	simm.s32 $0x1  }
0x2: {  	[smem:$0x3F8B] =	sst lr;
	_ =	strace $0xD0000000  }
0x3: {  	_ = 	snop  }
0x4: {  	_ = 	snop  }
0x5: {  	_ = 	snop  }
0x6: {  	_ = 	snop  }
0x7: {  	_ = 	snop  }
__scs_overlays_trampoline_lowered:
0x8: {  	[smem:$0x3F9A] =	sst s0  }
0x9: {  	[smem:$0x3F9B] =	sst s1  }
0xa: {  	[smem:$0x3F9C] =	sst s2  }
0xb: {  	[smem:$0x3F9D] =	sst s3  }
0xc: {  	[smem:$0x3F9E] =	sst s4  }
0xd: {  	[smem:$0x3F9F] =	sst s5  }
0xe: {  	[smem:$0x3FA0] =	sst s6  }
0xf: {  	[smem:$0x3FA1] =	sst s7  }
0x10: {  	[smem:$0x3FA2] =	sst s8  }
0x11: {  	[smem:$0x3FA3] =	sst s9;
	s0 =	simm.s32 @!p0 $0x0  }
0x12: {  	s1 =	sld [smem:$0x3F89];
	s0 =	simm.s32 @p0 $0x1  }
0x13: {  	[smem:$0x3FA4] =	sst s0;
	s0 =	simm.s32 @!p1 $0x0  }
0x14: {  	s2 =	sld [smem:$0x3F88];
	s0 =	simm.s32 @p1 $0x1  }
0x15: {  	[smem:$0x3FA5] =	sst s0;
	s0 =	simm.s32 @!p2 $0x0  }
0x16: {  	s3 =	sld [smem:$0x3FDB];
	s0 =	simm.s32 @p2 $0x1  }
0x17: {  	s4 =	simm.s32 $0x1BF5;
	[smem:$0x3FA7] =	sst s0  }
0x18: {  	s0 =	sld [smem:$0x3F8A];
	_ =	swait.ge [sflag:s4], $0x0  }
0x19: {  	s7 =	sld [smem:$0x3F8B]  }
0x1a: {  	s8 =	sadd.s32 $0xFFFFE003, lr  }
0x1b: {  	s9 =	sadd.s32 $0xFFFFFEF7, lr;
	s5 =	simm.s32 $0xFFFFFFFF;
	p2 =	slt.u32 s8, $0xFFFFF086  }
0x1c: {  	p1 =	slt.u32 s9, $0xF7A;
	s5 =	simm.s32 @!p2 $0x0  }
0x1d: {  	s5 =	simm.s32 @p1 $0x1;
	p0 =	seq.s32 s7, s2  }
0x1e: {  	s7 =	smul.u32 @!p0 $0xF7A, s2;
	p2 =	seq.s32 @!p0 s5, $0x0  }
0x1f: {  	s9 =	smul.u32 $0xF7A, s1;
	s8 =	simm.s32 @!p0 $0x1BF5;
	p2 =	por !p2, p0  }
0x20: {  	[sflag:s8] =	ssyncset.s32 @!p0 $0xFFFFF086;
	s6 =	sadd.s32 @!p0 s3, s7;
	s7 =	simm.s32 @!p0 $0x108  }
0x21: {  	s3 =	sadd.s32 s3, s9;
	s6 =	sadd.s32 @!p0 $0x88, s6;
	s7 =	simm.s32 @p2 $0x1082  }
0x22: {  	[simem:s7], [sflag:s8] =	dma.local @!p0 [hbm:s6], $0xF7A  }
0x23: {  	s9 =	sor.u32 $0xD0000000, s2;
	s6 =	simm.s32 $0x108;
	_ =	swait.ge @!p0 [sflag:s8], $0x0  }
0x24: {  	s3 =	sadd.s32 $0x88, s3;
	s6 =	simm.s32 @!p1 $0x1082;
	[sflag:s4] =	ssyncset.s32 $0xFFFFF086  }
0x25: {  	[simem:s6], [sflag:s4] =	dma.local [hbm:s3], $0xF7A  }
0x26: {  	[smem:$0x3F8B] =	sst s1;
	(tag) =	ssettag s2;
	_ =	strace s9  }
0x27: {  	s1 =	sld [smem:$0x3F9B]  }
0x28: {  	s2 =	sld [smem:$0x3F9C]  }
0x29: {  	s4 =	sld [smem:$0x3F9E]  }
0x2a: {  	p0 =	seq.s32 s5, $0x0;
	s5 =	sld [smem:$0x3F9F]  }
0x2b: {  	s6 =	sld [smem:$0x3FA0]  }
0x2c: {  	s7 =	sld [smem:$0x3FA1]  }
0x2d: {  	s3 =	simm.s32 $0x108;
	s8 =	sld [smem:$0x3FA2]  }
0x2e: {  	s3 =	simm.s32 @!p0 $0x1082;
	s9 =	sld [smem:$0x3FA3]  }
0x2f: {  	lr =	sadd.s32 s0, s3;
	s0 =	sld [smem:$0x3F9A]  }
0x30: {  	s3 =	sld [smem:$0x3F9D]  }
0x31: {  	[smem:$0x3FA6] =	sst s10  }
0x32: {  	s10 =	sld [smem:$0x3FA4];
	_ =	sdelay $0x3  }
0x33: {  	p0 =	seq.s32 s10, $0x1;
	s10 =	sld [smem:$0x3FA6];
	_ =	sdelay $0x3  }
0x34: {  	[smem:$0x3FA6] =	sst s10  }
0x35: {  	s10 =	sld [smem:$0x3FA5];
	_ =	sdelay $0x3  }
0x36: {  	p1 =	seq.s32 s10, $0x1;
	s10 =	sld [smem:$0x3FA6];
	_ =	sdelay $0x3  }
0x37: {  	[smem:$0x3FA6] =	sst s10  }
0x38: {  	s10 =	sld [smem:$0x3FA7]  }
0x39: {  	_ = 	snop;
	(pc) =	sbr.ind lr, $3  }
0x3a: {  	_ = 	snop  }
0x3b: {  	_ = 	snop  }
0x3c: {  	p2 =	seq.s32 s10, $0x1;
	s10 =	sld [smem:$0x3FA6]  }
0x3d: {  	_ =	shalt  }
0x3e: {  	_ =	shalt  }
0x3f: {  	_ =	shalt  }
0x40: {  	_ =	shalt  }
0x41: {  	_ =	shalt  }
0x42: {  	_ =	shalt  }
0x43: {  	_ =	shalt  }
0x44: {  	_ =	shalt  }
0x45: {  	_ =	shalt  }
0x46: {  	_ =	shalt  }
0x47: {  	_ =	shalt  }
0x48: {  	_ =	shalt  }
0x49: {  	_ =	shalt  }
0x4a: {  	_ =	shalt  }
0x4b: {  	_ =	shalt  }
0x4c: {  	_ =	shalt  }
0x4d: {  	_ =	shalt  }
0x4e: {  	_ =	shalt  }
0x4f: {  	_ =	shalt  }
0x50: {  	_ =	shalt  }
0x51: {  	_ =	shalt  }
0x52: {  	_ =	shalt  }
0x53: {  	_ =	shalt  }
0x54: {  	_ =	shalt  }
0x55: {  	_ =	shalt  }
0x56: {  	_ =	shalt  }
0x57: {  	_ =	shalt  }
0x58: {  	_ =	shalt  }
0x59: {  	_ =	shalt  }
0x5a: {  	_ =	shalt  }
0x5b: {  	_ =	shalt  }
0x5c: {  	_ =	shalt  }
0x5d: {  	_ =	shalt  }
0x5e: {  	_ =	shalt  }
0x5f: {  	_ =	shalt  }
0x60: {  	_ =	shalt  }
0x61: {  	_ =	shalt  }
0x62: {  	_ =	shalt  }
0x63: {  	_ =	shalt  }
0x64: {  	_ =	shalt  }
0x65: {  	_ =	shalt  }
0x66: {  	_ =	shalt  }
0x67: {  	_ =	shalt  }
0x68: {  	_ =	shalt  }
0x69: {  	_ =	shalt  }
0x6a: {  	_ =	shalt  }
0x6b: {  	_ =	shalt  }
0x6c: {  	_ =	shalt  }
0x6d: {  	_ =	shalt  }
0x6e: {  	_ =	shalt  }
0x6f: {  	_ =	shalt  }
0x70: {  	_ =	shalt  }
0x71: {  	_ =	shalt  }
0x72: {  	_ =	shalt  }
0x73: {  	_ =	shalt  }
0x74: {  	_ =	shalt  }
0x75: {  	_ =	shalt  }
0x76: {  	_ =	shalt  }
0x77: {  	_ =	shalt  }
0x78: {  	_ =	shalt  }
0x79: {  	_ =	shalt  }
0x7a: {  	_ =	shalt  }
0x7b: {  	_ =	shalt  }
0x7c: {  	_ =	shalt  }
0x7d: {  	_ =	shalt  }
0x7e: {  	_ =	shalt  }
0x7f: {  	_ =	shalt  }
0x80: {  	_ =	shalt  }
0x81: {  	_ =	shalt  }
0x82: {  	_ =	shalt  }
0x83: {  	_ =	shalt  }
0x84: {  	_ =	shalt  }
0x85: {  	_ =	shalt  }
0x86: {  	_ =	shalt  }
0x87: {  	_ =	shalt  }
.Lfunc_end0:
.L_simem_size_0:
called_computation.8_lowered:
.L_overlay_start_0:
0x88: {  	s2 =	sld [smem:$0x3FD9]  }
0x89: {  	s3 =	sld [smem:$0x3FFE];
	_ =	sdelay $0x1  }
0x8a: {  	s1 =	srdreg.scid  }
0x8b: {  	s0 =	sand.u32 $0x1, s1  }
0x8c: {  	s14 =	sshll.u32 s0, $0xA;
	s2 =	sadd.s32 s3, s2  }
0x8d: {  	s2 =	sadd.s32 s2, s14  }
0x8e: {  	[smem:$0x3FB2] =	sst s2  }
0x8f: {  	_ = 	snop  }
0x90: {  	s2 =	sld [smem:$0x3FD0];
	_ =	sdelay $0x2  }
0x91: {  	s15 =	simm.s32 $0xA;
	s4 =	simm.s32 $0x10  }
0x92: {  	[smem:s4], [sflag:s15] =	dma.local [hbm:s2], $0x1  }
0x93: {  	_ =	swait.eq [sflag:s15], $0x1  }
0x94: {  	[sflag:s15] =	ssyncset.done $0x0  }
0x95: {  	[sflag:s15] =	ssyncadd.s32 $0xFFFFFFFF  }
0x96: {  	s16 =	sld [smem:$0x11];
	(tm) =	ssettm $0x1  }
0x97: {  	s17 =	sld [smem:$0x3FFB];
	_ =	sdelay $0x3  }
0x98: {  	_ =	strace s17  }
0x99: {  	s3 =	sld [smem:$0x3FFC];
	_ =	sdelay $0x3  }
0x9a: {  	_ =	strace s3  }
0x9b: {  	s3 =	sld [smem:$0x3FFD];
	_ =	sdelay $0x3  }
0x9c: {  	_ =	strace s3  }
0x9d: {  	_ =	strace $0x8FFFFFFF  }
0x9e: {  	s18 =	sld [smem:$0x3FDB];
	_ =	sdelay $0x1  }
0x9f: {  	s19 =	simm.s32 $_scs_section_size  }
0xa0: {  	s5 =	simm.s32 $_size__tile_overlayer_lowered;
	s6 =	simm.s32 $_tile_overlayer_lowered  }
0xa1: {  	s22 =	simm.s32 $0x1BFF;
	s21 =	sshll.u32 s6, $0x1;
	s3 =	sadd.s32 s19, s18  }
0xa2: {  	s7 =	simm.s32 $0x0;
	s20 =	sshll.u32 s5, $0x1;
	s5 =	sadd.s32 s21, s3  }
0xa3: {  	[timem:s7], [sflag:s22] =	dma.local [hbm:s5], s20  }
0xa4: {  	_ =	swait.ge [sflag:s22], s20  }
0xa5: {  	s4 =	ssub.s32 $0x0, s20;
	[sflag:s22] =	ssyncset.done $0x0  }
0xa6: {  	[sflag:s22] =	ssyncadd.s32 s4;
	_ =	sdelay $0x1  }
0xa7: {  	s23 =	simm.s32 $0x1B8B  }
0xa8: {  	_ =	swait.ge [sflag:s23], $0x1  }
0xa9: {  	[sflag:s23] =	ssyncset.done $0x0  }
0xaa: {  	s25 =	simm.s32 $0x1B8E;
	s24 =	sld [smem:$0x3FFE];
	[sflag:s23] =	ssyncadd.s32 $0xFFFFFFFF  }
0xab: {  	s26 =	simm.s32 $execute0_lowered;
	[smem:$0x3FD2] =	sst s25  }
0xac: {  	s5 =	sshll.u32 s26, $0x1;
	_ =	strace $0x8000005E;
	[dreg:$0x1] =	wrdreg $0xFFFFFFFF  }
0xad: {  	s28 =	simm.s32 $_size_execute0_lowered;
	s3 =	sadd.s32 s3, s5;
	[dreg:$0x0] =	wrdreg $0x0  }
0xae: {  	s5 =	sshll.u32 s28, $0x1;
	[dreg:$0x2] =	wrdreg s3  }
0xaf: {  	[dreg:$0x3] =	wrdreg s5  }
0xb0: {  	[dreg:$0x4] =	wrdreg $0xC0  }
0xb1: {  	_ =	task [dreg:s7], $0x5FFFF  }
0xb2: {  	[dreg:$0x1] =	wrdreg $0xFFFFFFFF  }
0xb3: {  	[dreg:$0x0] =	wrdreg $0x60  }
0xb4: {  	[dreg:$0x2] =	wrdreg s24  }
0xb5: {  	[dreg:$0x3] =	wrdreg s16  }
0xb6: {  	[dreg:$0x4] =	wrdreg $0x57000  }
0xb7: {  	[dreg:$0x5] =	wrdreg $0x9  }
0xb8: {  	_ =	task.clear_ibuf [dreg:s7], $0x6FFFF;
	_ =	strace $0x9000005E  }
0xb9: {  	s29 =	simm.s32 $0x9;
	_ =	strace $0x80000060  }
0xba: {  	_ =	swait.ge [sflag:s29], $0x1  }
0xbb: {  	[sflag:s29] =	ssyncadd.s32 $0xFFFFFFFF  }
0xbc: {  	_ =	strace $0x90000060  }
0xbd: {  	_ =	sfence  }
0xbe: {  	s30 =	sld [smem:$0x0];
	_ =	sdelay $0x2  }
0xbf: {  	s31 =	sshll.u32 s1, $0xD;
	s1 =	sshrl.u32 s1, $0x2  }
0xc0: {  	s3 =	sand.u32 $0x4000, s31;
	s1 =	sadd.s32 s1, s30  }
0xc1: {  	s0 =	sor.u32 s3, s0;
	s1 =	sshll.u32 s1, $0x11  }
0xc2: {  	s0 =	sor.u32 s1, s0  }
0xc3: {  	s0 =	sadd.s32 $0x8F2B, s0  }
0xc4: {  	[sflag:s0] =	ssyncadd.remote.s32 $0x1  }
0xc5: {  	_ =	sfence.sel $0xFFFF  }
0xc6: {  	[dreg:$0x0] =	wrdreg $0xFFFFFFFF;
	(pc) =	sbr.abs _section_cstart, $3  }
0xc7: {  	[dreg:$0x1] =	wrdreg $0xFFFFFFFF  }
0xc8: {  	_ =	task.clear_ibuf [dreg:s7], $0x2FFFF;
	_ =	strace $0x9FFFFFFF  }
0xc9: {  	(tm) =	ssettm $0x7FFFFFFF  }
tec
execute0_lowered:
.L_overlay_start_1:
0x0: {  	(tag) =	ssettag $0x1  }
0x1: {  	s6 =	rddreg [dreg:$0x0]  }
0x2: {  	s2 =	rddreg [dreg:$0x1]  }
0x3: {  	s3 =	rddreg [dreg:$0x2];
	s4 =	srdreg.scid  }
0x4: {  	s0 =	rddreg [dreg:$0x3];
	s1 =	stileid.u32  }
0x5: {  	s14 =	simm.s32 $0x80;
	s15 =	simm.s32 $0x4F00;
	s16 =	simm.s32 $0x0  }
0x6: {  	s7 =	sand.u32 $0x1, s4;
	s4 =	simm.s32 $0x0;
	s8 =	smul.u32 $0x2780, s1  }
0x7: {  	s12 =	sshll.u32 s1, $0x6;
	s5 =	sshll.u32 s7, $0x4;
	[smem:$0x7FF] =	sst s4  }
0x8: {  	s9 =	smul.u32 $0x27800, s7;
	s7 =	ssub.s32 $0x2, s7;
	s12 =	sor.u32 $0x1C01, s12  }
0x9: {  	s5 =	sor.u32 s1, s5;
	_ =	strace $0x8000005F;
	s11 =	sshrl.u32 s7, $0x1  }
0xa: {  	s13 =	sadd.s32 s8, s3;
	s10 =	smul.u32 $0x4F0, s5;
	s9 =	sadd.s32 s8, s9  }
0xb: {  	s5 =	sadd.s32 $0x7C00, s6;
	s11 =	ssub.s32 s7, s11;
	s9 =	sshrl.u32 s9, $0x3  }
0xc: {  	s13 =	sshrl.u32 s13, $0x3;
	s10 =	sadd.s32 s10, s6;
	s9 =	sadd.s32 s9, s6  }
0xd: {  	s6 =	sadd.s32 $0x16A00, s10;
	s7 =	sadd.s32 $0xCC00, s10;
	s8 =	sadd.s32 $0x20800, s9  }
0xe: {  	s9 =	smax.u32 s11, $0x1;
	s10 =	simm.s32 $0x1;
	s11 =	simm.s32 $0x2780  }
.LBB2_1:
0xf: {  	[tilespmem:s4], [sflag:$0x1] =	stream.linear.gather [hbm4b:s6+s4], $0x2780, $0x38;
	[tilespmem:$0x7E80] =	vst v63  }
0x10: {  	_ =	swait.ge [sflag:s10], $0x2780  }
0x11: {  	[sflag:s10] =	ssyncset.done $0x0  }
0x12: {  	[sflag:s10] =	ssyncadd.s32 $0xFFFFD880  }
0x13: {  	[tilespmem:s11], [sflag:$0x1] =	stream.linear.gather [hbm4b:s7+s4], $0x2780, $0x38;
	[tilespmem:$0x7E80] =	vst v63  }
0x14: {  	_ =	swait.ge [sflag:s10], $0x2780  }
0x15: {  	[sflag:s10] =	ssyncset.done $0x0  }
0x16: {  	[sflag:s10] =	ssyncadd.s32 $0xFFFFD880  }
0x17: {  	[spmem:s13], [sflag:s12] =	dma.local [hbm:s2], $0x4F0  }
0x18: {  	_ =	swait.ge [sflag:s10], $0x4F0  }
0x19: {  	[sflag:s10] =	ssyncset.done $0x0  }
0x1a: {  	[sflag:s10] =	ssyncadd.s32 $0xFFFFFB10  }
0x1b: {  	s17 =	simm.s32 $0x0;
	[bflag:$0x0] =	sbarrier.arrive $0xFFFF  }
0x1c: {  	[tilespmem:s15], [sflag:$0x1] =	stream.indirect.gather [hbm4b:s5+s14], $0x10, s17, s14, $0xb8;
	[tilespmem:$0x7E80] =	vst v63  }
0x1d: {  	_ =	swait.ge [sflag:s10], $0x800  }
0x1e: {  	[sflag:s10] =	ssyncset.done $0x0  }
0x1f: {  	s31 =	simm.s32 $0x2780;
	[sflag:s10] =	ssyncadd.s32 $0xFFFFF800  }
0x20: {  	[spmem:s3] =	stream.indirect.scatter.add.f32 [tilespmem:s15], [sflag:$0x1], $0x10, s31, s14, $0xb8;
	[tilespmem:$0x7E80] =	vst v63  }
0x21: {  	_ =	swait.ge [sflag:s10], $0x800  }
0x22: {  	s18 =	simm.s32 $0x400;
	s17 =	simm.s32 $0x200;
	[sflag:s10] =	ssyncset.done $0x0  }
.LBB2_2:
0x23: {  	s19 =	sshra.s32 s17, $0x2  }
0x24: {  	[sflag:s10] =	ssyncadd.s32 $0xFFFFF800;
	s17 =	smov.u32 s18;
	s20 =	sadd.s32 $0x200, s18  }
0x25: {  	[tilespmem:s15], [sflag:$0x1] =	stream.indirect.gather [hbm4b:s5+s14], $0x10, s19, s14, $0xb8;
	[tilespmem:$0x7E80] =	vst v63  }
0x26: {  	p0 =	sne.s32 s18, $0x9C00;
	_ =	swait.ge [sflag:s10], $0x800  }
.Ltmp0:
0x27: {  	[sflag:s10] =	ssyncset.done $0x0;
	(pc) =	sbr.rel @p0 .LBB2_2-.Ltmp0, $4  }
0x28: {  	s18 =	sadd.s32 $0x2780, s19;
	[sflag:s10] =	ssyncadd.s32 $0xFFFFF800  }
0x29: {  	[spmem:s3] =	stream.indirect.scatter.add.f32 [tilespmem:s15], [sflag:$0x1], $0x10, s18, s14, $0xb8;
	[tilespmem:$0x7E80] =	vst v63  }
0x2a: {  	_ =	swait.ge [sflag:s10], $0x800  }
0x2b: {  	s18 =	smov.u32 s20;
	[sflag:s10] =	ssyncset.done $0x0  }
0x2c: {  	s17 =	sshra.s32 s17, $0x2;
	[sflag:s10] =	ssyncadd.s32 $0xFFFFF800  }
0x2d: {  	[tilespmem:s15], [sflag:$0x1] =	stream.indirect.gather [hbm4b:s5+s14], $0x10, s17, s14, $0xb8;
	[tilespmem:$0x7E80] =	vst v63  }
0x2e: {  	_ =	swait.ge [sflag:s10], $0x800  }
0x2f: {  	[sflag:s10] =	ssyncset.done $0x0  }
0x30: {  	s17 =	sadd.s32 $0x2780, s17;
	[sflag:s10] =	ssyncadd.s32 $0xFFFFF800  }
0x31: {  	[spmem:s3] =	stream.indirect.scatter.add.f32 [tilespmem:s15], [sflag:$0x1], $0x10, s17, s14, $0xb8;
	[tilespmem:$0x7E80] =	vst v63  }
0x32: {  	_ =	swait.ge [sflag:s10], $0x800  }
0x33: {  	s16 =	sadd.s32 $0x1, s16;
	[sflag:s10] =	ssyncset.done $0x0  }
0x34: {  	p0 =	sne.s32 s16, s9;
	[sflag:s10] =	ssyncadd.s32 $0xFFFFF800  }
.Ltmp1:
0x35: {  	[bflag:$0x0] =	sbarrier.arrive $0xFFFF;
	(pc) =	sbr.rel @p0 .LBB2_1-.Ltmp1, $4  }
0x36: {  	[hbm:s8], [sflag:s12] =	dma.local [spmem:s13], $0x4F0  }
0x37: {  	_ =	swait.ge [sflag:s10], $0x4F0  }
0x38: {  	[sflag:s10] =	ssyncset.done $0x0  }
0x39: {  	[sflag:s10] =	ssyncadd.s32 $0xFFFFFB10  }
0x3a: {  	_ =	sfence.sel $0x180000  }
0x3b: {  	[bflag:$0x0] =	sbarrier.arrive $0xFFFF  }
0x3c: {  	p0 =	sne.s32 s1, $0x0;
	_ =	strace $0x9000005F  }
0x3d: {  	s0 =	sadd.s32 @!p0 $0x100000, s0;
	[bflag:$0x2] =	sbarrier.arrive $0xFFFF  }
0x3e: {  	[sflag:s0] =	ssyncadd.tile.s32 @!p0 $0x1;
	_ =	shalt  }
.Lfunc_end2:
_tile_overlayer_lowered:
.L_overlay_start_2:
0x3f: {  	(tag) =	ssettag $0x2  }
0x40: {  	s0 =	rddreg [dreg:$0x0];
	s2 =	stileid.u32  }
0x41: {  	s1 =	rddreg [dreg:$0x1];
	p0 =	sne.s32 s2, $0x0  }
0x42: {  	s3 =	rddreg [dreg:$0x2];
	[bflag:$0x3] =	sbarrier.arrive $0xFFFF;
	s2 =	simm.s32 @!p0 $0x1C01  }
0x43: {  	[timem:s3], [sflag:s2] =	dma.local @!p0 [hbm:s0], s1  }
0x44: {  	s0 =	simm.s32 @!p0 $0x1  }
0x45: {  	_ =	swait.ge @!p0 [sflag:s0], s1  }
0x46: {  	s1 =	ssub.s32 @!p0 $0x0, s1;
	[sflag:s0] =	ssyncset.done @!p0 $0x0  }
0x47: {  	[sflag:s0] =	ssyncadd.s32 @!p0 s1  }
0x48: {  	[bflag:$0x3] =	sbarrier.arrive $0xFFFF  }
0x49: {  	_ =	shalt  }

// kernel: kernel.50.cloned.1.call-start
scs
__scs_entry_jumppad:
0x0: {  	(pc) =	sbr.rel $0x88, $3  }
0x1: {  	(tag) =	ssettag $0x0;
	lr =	simm.s32 $0x1  }
0x2: {  	[smem:$0x3F8B] =	sst lr;
	_ =	strace $0xD0000000  }
0x3: {  	_ = 	snop  }
0x4: {  	_ = 	snop  }
0x5: {  	_ = 	snop  }
0x6: {  	_ = 	snop  }
0x7: {  	_ = 	snop  }
__scs_overlays_trampoline_lowered:
0x8: {  	[smem:$0x3F9A] =	sst s0  }
0x9: {  	[smem:$0x3F9B] =	sst s1  }
0xa: {  	[smem:$0x3F9C] =	sst s2  }
0xb: {  	[smem:$0x3F9D] =	sst s3  }
0xc: {  	[smem:$0x3F9E] =	sst s4  }
0xd: {  	[smem:$0x3F9F] =	sst s5  }
0xe: {  	[smem:$0x3FA0] =	sst s6  }
0xf: {  	[smem:$0x3FA1] =	sst s7  }
0x10: {  	[smem:$0x3FA2] =	sst s8  }
0x11: {  	[smem:$0x3FA3] =	sst s9;
	s0 =	simm.s32 @!p0 $0x0  }
0x12: {  	s1 =	sld [smem:$0x3F89];
	s0 =	simm.s32 @p0 $0x1  }
0x13: {  	[smem:$0x3FA4] =	sst s0;
	s0 =	simm.s32 @!p1 $0x0  }
0x14: {  	s2 =	sld [smem:$0x3F88];
	s0 =	simm.s32 @p1 $0x1  }
0x15: {  	[smem:$0x3FA5] =	sst s0;
	s0 =	simm.s32 @!p2 $0x0  }
0x16: {  	s3 =	sld [smem:$0x3FDB];
	s0 =	simm.s32 @p2 $0x1  }
0x17: {  	s4 =	simm.s32 $0x1BF5;
	[smem:$0x3FA7] =	sst s0  }
0x18: {  	s0 =	sld [smem:$0x3F8A];
	_ =	swait.ge [sflag:s4], $0x0  }
0x19: {  	s7 =	sld [smem:$0x3F8B]  }
0x1a: {  	s8 =	sadd.s32 $0xFFFFE003, lr  }
0x1b: {  	s9 =	sadd.s32 $0xFFFFFEF7, lr;
	s5 =	simm.s32 $0xFFFFFFFF;
	p2 =	slt.u32 s8, $0xFFFFF086  }
0x1c: {  	p1 =	slt.u32 s9, $0xF7A;
	s5 =	simm.s32 @!p2 $0x0  }
0x1d: {  	s5 =	simm.s32 @p1 $0x1;
	p0 =	seq.s32 s7, s2  }
0x1e: {  	s7 =	smul.u32 @!p0 $0xF7A, s2;
	p2 =	seq.s32 @!p0 s5, $0x0  }
0x1f: {  	s9 =	smul.u32 $0xF7A, s1;
	s8 =	simm.s32 @!p0 $0x1BF5;
	p2 =	por !p2, p0  }
0x20: {  	[sflag:s8] =	ssyncset.s32 @!p0 $0xFFFFF086;
	s6 =	sadd.s32 @!p0 s3, s7;
	s7 =	simm.s32 @!p0 $0x108  }
0x21: {  	s3 =	sadd.s32 s3, s9;
	s6 =	sadd.s32 @!p0 $0x88, s6;
	s7 =	simm.s32 @p2 $0x1082  }
0x22: {  	[simem:s7], [sflag:s8] =	dma.local @!p0 [hbm:s6], $0xF7A  }
0x23: {  	s9 =	sor.u32 $0xD0000000, s2;
	s6 =	simm.s32 $0x108;
	_ =	swait.ge @!p0 [sflag:s8], $0x0  }
0x24: {  	s3 =	sadd.s32 $0x88, s3;
	s6 =	simm.s32 @!p1 $0x1082;
	[sflag:s4] =	ssyncset.s32 $0xFFFFF086  }
0x25: {  	[simem:s6], [sflag:s4] =	dma.local [hbm:s3], $0xF7A  }
0x26: {  	[smem:$0x3F8B] =	sst s1;
	(tag) =	ssettag s2;
	_ =	strace s9  }
0x27: {  	s1 =	sld [smem:$0x3F9B]  }
0x28: {  	s2 =	sld [smem:$0x3F9C]  }
0x29: {  	s4 =	sld [smem:$0x3F9E]  }
0x2a: {  	p0 =	seq.s32 s5, $0x0;
	s5 =	sld [smem:$0x3F9F]  }
0x2b: {  	s6 =	sld [smem:$0x3FA0]  }
0x2c: {  	s7 =	sld [smem:$0x3FA1]  }
0x2d: {  	s3 =	simm.s32 $0x108;
	s8 =	sld [smem:$0x3FA2]  }
0x2e: {  	s3 =	simm.s32 @!p0 $0x1082;
	s9 =	sld [smem:$0x3FA3]  }
0x2f: {  	lr =	sadd.s32 s0, s3;
	s0 =	sld [smem:$0x3F9A]  }
0x30: {  	s3 =	sld [smem:$0x3F9D]  }
0x31: {  	[smem:$0x3FA6] =	sst s10  }
0x32: {  	s10 =	sld [smem:$0x3FA4];
	_ =	sdelay $0x3  }
0x33: {  	p0 =	seq.s32 s10, $0x1;
	s10 =	sld [smem:$0x3FA6];
	_ =	sdelay $0x3  }
0x34: {  	[smem:$0x3FA6] =	sst s10  }
0x35: {  	s10 =	sld [smem:$0x3FA5];
	_ =	sdelay $0x3  }
0x36: {  	p1 =	seq.s32 s10, $0x1;
	s10 =	sld [smem:$0x3FA6];
	_ =	sdelay $0x3  }
0x37: {  	[smem:$0x3FA6] =	sst s10  }
0x38: {  	s10 =	sld [smem:$0x3FA7]  }
0x39: {  	_ = 	snop;
	(pc) =	sbr.ind lr, $3  }
0x3a: {  	_ = 	snop  }
0x3b: {  	_ = 	snop  }
0x3c: {  	p2 =	seq.s32 s10, $0x1;
	s10 =	sld [smem:$0x3FA6]  }
0x3d: {  	_ =	shalt  }
0x3e: {  	_ =	shalt  }
0x3f: {  	_ =	shalt  }
0x40: {  	_ =	shalt  }
0x41: {  	_ =	shalt  }
0x42: {  	_ =	shalt  }
0x43: {  	_ =	shalt  }
0x44: {  	_ =	shalt  }
0x45: {  	_ =	shalt  }
0x46: {  	_ =	shalt  }
0x47: {  	_ =	shalt  }
0x48: {  	_ =	shalt  }
0x49: {  	_ =	shalt  }
0x4a: {  	_ =	shalt  }
0x4b: {  	_ =	shalt  }
0x4c: {  	_ =	shalt  }
0x4d: {  	_ =	shalt  }
0x4e: {  	_ =	shalt  }
0x4f: {  	_ =	shalt  }
0x50: {  	_ =	shalt  }
0x51: {  	_ =	shalt  }
0x52: {  	_ =	shalt  }
0x53: {  	_ =	shalt  }
0x54: {  	_ =	shalt  }
0x55: {  	_ =	shalt  }
0x56: {  	_ =	shalt  }
0x57: {  	_ =	shalt  }
0x58: {  	_ =	shalt  }
0x59: {  	_ =	shalt  }
0x5a: {  	_ =	shalt  }
0x5b: {  	_ =	shalt  }
0x5c: {  	_ =	shalt  }
0x5d: {  	_ =	shalt  }
0x5e: {  	_ =	shalt  }
0x5f: {  	_ =	shalt  }
0x60: {  	_ =	shalt  }
0x61: {  	_ =	shalt  }
0x62: {  	_ =	shalt  }
0x63: {  	_ =	shalt  }
0x64: {  	_ =	shalt  }
0x65: {  	_ =	shalt  }
0x66: {  	_ =	shalt  }
0x67: {  	_ =	shalt  }
0x68: {  	_ =	shalt  }
0x69: {  	_ =	shalt  }
0x6a: {  	_ =	shalt  }
0x6b: {  	_ =	shalt  }
0x6c: {  	_ =	shalt  }
0x6d: {  	_ =	shalt  }
0x6e: {  	_ =	shalt  }
0x6f: {  	_ =	shalt  }
0x70: {  	_ =	shalt  }
0x71: {  	_ =	shalt  }
0x72: {  	_ =	shalt  }
0x73: {  	_ =	shalt  }
0x74: {  	_ =	shalt  }
0x75: {  	_ =	shalt  }
0x76: {  	_ =	shalt  }
0x77: {  	_ =	shalt  }
0x78: {  	_ =	shalt  }
0x79: {  	_ =	shalt  }
0x7a: {  	_ =	shalt  }
0x7b: {  	_ =	shalt  }
0x7c: {  	_ =	shalt  }
0x7d: {  	_ =	shalt  }
0x7e: {  	_ =	shalt  }
0x7f: {  	_ =	shalt  }
0x80: {  	_ =	shalt  }
0x81: {  	_ =	shalt  }
0x82: {  	_ =	shalt  }
0x83: {  	_ =	shalt  }
0x84: {  	_ =	shalt  }
0x85: {  	_ =	shalt  }
0x86: {  	_ =	shalt  }
0x87: {  	_ =	shalt  }
.Lfunc_end0:
.L_simem_size_0:
called_computation.9_lowered:
.L_overlay_start_0:
0x88: {  	s2 =	sld [smem:$0x3FD9]  }
0x89: {  	s3 =	sld [smem:$0x3FFE];
	_ =	sdelay $0x1  }
0x8a: {  	s1 =	srdreg.scid  }
0x8b: {  	s0 =	sand.u32 $0x1, s1  }
0x8c: {  	s14 =	sshll.u32 s0, $0xA;
	s2 =	sadd.s32 s3, s2  }
0x8d: {  	s2 =	sadd.s32 s2, s14  }
0x8e: {  	[smem:$0x3FB2] =	sst s2  }
0x8f: {  	_ = 	snop  }
0x90: {  	s2 =	sld [smem:$0x3FD0];
	_ =	sdelay $0x2  }
0x91: {  	s15 =	simm.s32 $0xA;
	s4 =	simm.s32 $0x10  }
0x92: {  	[smem:s4], [sflag:s15] =	dma.local [hbm:s2], $0x1  }
0x93: {  	_ =	swait.eq [sflag:s15], $0x1  }
0x94: {  	[sflag:s15] =	ssyncset.done $0x0  }
0x95: {  	[sflag:s15] =	ssyncadd.s32 $0xFFFFFFFF  }
0x96: {  	s16 =	sld [smem:$0x11];
	(tm) =	ssettm $0x1  }
0x97: {  	s17 =	sld [smem:$0x3FFB];
	_ =	sdelay $0x3  }
0x98: {  	_ =	strace s17  }
0x99: {  	s3 =	sld [smem:$0x3FFC];
	_ =	sdelay $0x3  }
0x9a: {  	_ =	strace s3  }
0x9b: {  	s3 =	sld [smem:$0x3FFD];
	_ =	sdelay $0x3  }
0x9c: {  	_ =	strace s3  }
0x9d: {  	_ =	strace $0x8FFFFFFF  }
0x9e: {  	s18 =	sld [smem:$0x3FDB];
	_ =	sdelay $0x1  }
0x9f: {  	s19 =	simm.s32 $_scs_section_size  }
0xa0: {  	s5 =	simm.s32 $_size__tile_overlayer_lowered;
	s6 =	simm.s32 $_tile_overlayer_lowered  }
0xa1: {  	s22 =	simm.s32 $0x1BFF;
	s21 =	sshll.u32 s6, $0x1;
	s3 =	sadd.s32 s19, s18  }
0xa2: {  	s7 =	simm.s32 $0x0;
	s20 =	sshll.u32 s5, $0x1;
	s5 =	sadd.s32 s21, s3  }
0xa3: {  	[timem:s7], [sflag:s22] =	dma.local [hbm:s5], s20  }
0xa4: {  	_ =	swait.ge [sflag:s22], s20  }
0xa5: {  	s4 =	ssub.s32 $0x0, s20;
	[sflag:s22] =	ssyncset.done $0x0  }
0xa6: {  	[sflag:s22] =	ssyncadd.s32 s4;
	_ =	sdelay $0x1  }
0xa7: {  	s23 =	simm.s32 $0x1B8B  }
0xa8: {  	_ =	swait.ge [sflag:s23], $0x1  }
0xa9: {  	[sflag:s23] =	ssyncset.done $0x0  }
0xaa: {  	s25 =	simm.s32 $0x1B8E;
	s24 =	sld [smem:$0x3FFE];
	[sflag:s23] =	ssyncadd.s32 $0xFFFFFFFF  }
0xab: {  	s26 =	simm.s32 $execute0_lowered;
	[smem:$0x3FD2] =	sst s25  }
0xac: {  	s5 =	sshll.u32 s26, $0x1;
	_ =	strace $0x80000061;
	[dreg:$0x1] =	wrdreg $0xFFFFFFFF  }
0xad: {  	s28 =	simm.s32 $_size_execute0_lowered;
	s3 =	sadd.s32 s3, s5;
	[dreg:$0x0] =	wrdreg $0x0  }
0xae: {  	s5 =	sshll.u32 s28, $0x1;
	[dreg:$0x2] =	wrdreg s3  }
0xaf: {  	[dreg:$0x3] =	wrdreg s5  }
0xb0: {  	[dreg:$0x4] =	wrdreg $0xC0  }
0xb1: {  	_ =	task [dreg:s7], $0x5FFFF  }
0xb2: {  	[dreg:$0x1] =	wrdreg $0xFFFFFFFF  }
0xb3: {  	[dreg:$0x0] =	wrdreg $0x60  }
0xb4: {  	[dreg:$0x2] =	wrdreg s24  }
0xb5: {  	[dreg:$0x3] =	wrdreg s16  }
0xb6: {  	[dreg:$0x4] =	wrdreg $0x57000  }
0xb7: {  	[dreg:$0x5] =	wrdreg $0x9  }
0xb8: {  	_ =	task.clear_ibuf [dreg:s7], $0x6FFFF;
	_ =	strace $0x90000061  }
0xb9: {  	s29 =	simm.s32 $0x9;
	_ =	strace $0x80000063  }
0xba: {  	_ =	swait.ge [sflag:s29], $0x1  }
0xbb: {  	[sflag:s29] =	ssyncadd.s32 $0xFFFFFFFF  }
0xbc: {  	_ =	strace $0x90000063  }
0xbd: {  	_ =	sfence  }
0xbe: {  	s30 =	sld [smem:$0x0];
	_ =	sdelay $0x2  }
0xbf: {  	s31 =	sshll.u32 s1, $0xD;
	s1 =	sshrl.u32 s1, $0x2  }
0xc0: {  	s3 =	sand.u32 $0x4000, s31;
	s1 =	sadd.s32 s1, s30  }
0xc1: {  	s0 =	sor.u32 s3, s0;
	s1 =	sshll.u32 s1, $0x11  }
0xc2: {  	s0 =	sor.u32 s1, s0  }
0xc3: {  	s0 =	sadd.s32 $0x8F2B, s0  }
0xc4: {  	[sflag:s0] =	ssyncadd.remote.s32 $0x1  }
0xc5: {  	_ =	sfence.sel $0xFFFF  }
0xc6: {  	[dreg:$0x0] =	wrdreg $0xFFFFFFFF;
	(pc) =	sbr.abs _section_cstart, $3  }
0xc7: {  	[dreg:$0x1] =	wrdreg $0xFFFFFFFF  }
0xc8: {  	_ =	task.clear_ibuf [dreg:s7], $0x2FFFF;
	_ =	strace $0x9FFFFFFF  }
0xc9: {  	(tm) =	ssettm $0x7FFFFFFF  }
tec
execute0_lowered:
.L_overlay_start_1:
0x0: {  	(tag) =	ssettag $0x1  }
0x1: {  	s6 =	rddreg [dreg:$0x0]  }
0x2: {  	s2 =	rddreg [dreg:$0x1]  }
0x3: {  	s3 =	rddreg [dreg:$0x2];
	s4 =	srdreg.scid  }
0x4: {  	s0 =	rddreg [dreg:$0x3];
	s1 =	stileid.u32  }
0x5: {  	s14 =	simm.s32 $0x80;
	s15 =	simm.s32 $0x4F00;
	s16 =	simm.s32 $0x0  }
0x6: {  	s7 =	sand.u32 $0x1, s4;
	s4 =	simm.s32 $0x0;
	s8 =	smul.u32 $0x2780, s1  }
0x7: {  	s12 =	sshll.u32 s1, $0x6;
	s5 =	sshll.u32 s7, $0x4;
	[smem:$0x7FF] =	sst s4  }
0x8: {  	s9 =	smul.u32 $0x27800, s7;
	s7 =	ssub.s32 $0x2, s7;
	s12 =	sor.u32 $0x1C01, s12  }
0x9: {  	s5 =	sor.u32 s1, s5;
	_ =	strace $0x80000062;
	s11 =	sshrl.u32 s7, $0x1  }
0xa: {  	s13 =	sadd.s32 s8, s3;
	s10 =	smul.u32 $0x4F0, s5;
	s9 =	sadd.s32 s8, s9  }
0xb: {  	s5 =	sadd.s32 $0x7C00, s6;
	s11 =	ssub.s32 s7, s11;
	s9 =	sshrl.u32 s9, $0x3  }
0xc: {  	s13 =	sshrl.u32 s13, $0x3;
	s10 =	sadd.s32 s10, s6;
	s9 =	sadd.s32 s9, s6  }
0xd: {  	s6 =	sadd.s32 $0x16A00, s10;
	s7 =	sadd.s32 $0xCC00, s10;
	s8 =	sadd.s32 $0x20800, s9  }
0xe: {  	s9 =	smax.u32 s11, $0x1;
	s10 =	simm.s32 $0x1;
	s11 =	simm.s32 $0x2780  }
.LBB2_1:
0xf: {  	[tilespmem:s4], [sflag:$0x1] =	stream.linear.gather [hbm4b:s6+s4], $0x2780, $0x38;
	[tilespmem:$0x7E80] =	vst v63  }
0x10: {  	_ =	swait.ge [sflag:s10], $0x2780  }
0x11: {  	[sflag:s10] =	ssyncset.done $0x0  }
0x12: {  	[sflag:s10] =	ssyncadd.s32 $0xFFFFD880  }
0x13: {  	[tilespmem:s11], [sflag:$0x1] =	stream.linear.gather [hbm4b:s7+s4], $0x2780, $0x38;
	[tilespmem:$0x7E80] =	vst v63  }
0x14: {  	_ =	swait.ge [sflag:s10], $0x2780  }
0x15: {  	[sflag:s10] =	ssyncset.done $0x0  }
0x16: {  	[sflag:s10] =	ssyncadd.s32 $0xFFFFD880  }
0x17: {  	[spmem:s13], [sflag:s12] =	dma.local [hbm:s2], $0x4F0  }
0x18: {  	_ =	swait.ge [sflag:s10], $0x4F0  }
0x19: {  	[sflag:s10] =	ssyncset.done $0x0  }
0x1a: {  	[sflag:s10] =	ssyncadd.s32 $0xFFFFFB10  }
0x1b: {  	s17 =	simm.s32 $0x0;
	[bflag:$0x0] =	sbarrier.arrive $0xFFFF  }
0x1c: {  	[tilespmem:s15], [sflag:$0x1] =	stream.indirect.gather [hbm4b:s5+s14], $0x10, s17, s14, $0xb8;
	[tilespmem:$0x7E80] =	vst v63  }
0x1d: {  	_ =	swait.ge [sflag:s10], $0x800  }
0x1e: {  	[sflag:s10] =	ssyncset.done $0x0  }
0x1f: {  	s31 =	simm.s32 $0x2780;
	[sflag:s10] =	ssyncadd.s32 $0xFFFFF800  }
0x20: {  	[spmem:s3] =	stream.indirect.scatter.add.f32 [tilespmem:s15], [sflag:$0x1], $0x10, s31, s14, $0xb8;
	[tilespmem:$0x7E80] =	vst v63  }
0x21: {  	_ =	swait.ge [sflag:s10], $0x800  }
0x22: {  	s18 =	simm.s32 $0x400;
	s17 =	simm.s32 $0x200;
	[sflag:s10] =	ssyncset.done $0x0  }
.LBB2_2:
0x23: {  	s19 =	sshra.s32 s17, $0x2  }
0x24: {  	[sflag:s10] =	ssyncadd.s32 $0xFFFFF800;
	s17 =	smov.u32 s18;
	s20 =	sadd.s32 $0x200, s18  }
0x25: {  	[tilespmem:s15], [sflag:$0x1] =	stream.indirect.gather [hbm4b:s5+s14], $0x10, s19, s14, $0xb8;
	[tilespmem:$0x7E80] =	vst v63  }
0x26: {  	p0 =	sne.s32 s18, $0x9C00;
	_ =	swait.ge [sflag:s10], $0x800  }
.Ltmp0:
0x27: {  	[sflag:s10] =	ssyncset.done $0x0;
	(pc) =	sbr.rel @p0 .LBB2_2-.Ltmp0, $4  }
0x28: {  	s18 =	sadd.s32 $0x2780, s19;
	[sflag:s10] =	ssyncadd.s32 $0xFFFFF800  }
0x29: {  	[spmem:s3] =	stream.indirect.scatter.add.f32 [tilespmem:s15], [sflag:$0x1], $0x10, s18, s14, $0xb8;
	[tilespmem:$0x7E80] =	vst v63  }
0x2a: {  	_ =	swait.ge [sflag:s10], $0x800  }
0x2b: {  	s18 =	smov.u32 s20;
	[sflag:s10] =	ssyncset.done $0x0  }
0x2c: {  	s17 =	sshra.s32 s17, $0x2;
	[sflag:s10] =	ssyncadd.s32 $0xFFFFF800  }
0x2d: {  	[tilespmem:s15], [sflag:$0x1] =	stream.indirect.gather [hbm4b:s5+s14], $0x10, s17, s14, $0xb8;
	[tilespmem:$0x7E80] =	vst v63  }
0x2e: {  	_ =	swait.ge [sflag:s10], $0x800  }
0x2f: {  	[sflag:s10] =	ssyncset.done $0x0  }
0x30: {  	s17 =	sadd.s32 $0x2780, s17;
	[sflag:s10] =	ssyncadd.s32 $0xFFFFF800  }
0x31: {  	[spmem:s3] =	stream.indirect.scatter.add.f32 [tilespmem:s15], [sflag:$0x1], $0x10, s17, s14, $0xb8;
	[tilespmem:$0x7E80] =	vst v63  }
0x32: {  	_ =	swait.ge [sflag:s10], $0x800  }
0x33: {  	s16 =	sadd.s32 $0x1, s16;
	[sflag:s10] =	ssyncset.done $0x0  }
0x34: {  	p0 =	sne.s32 s16, s9;
	[sflag:s10] =	ssyncadd.s32 $0xFFFFF800  }
.Ltmp1:
0x35: {  	[bflag:$0x0] =	sbarrier.arrive $0xFFFF;
	(pc) =	sbr.rel @p0 .LBB2_1-.Ltmp1, $4  }
0x36: {  	[hbm:s8], [sflag:s12] =	dma.local [spmem:s13], $0x4F0  }
0x37: {  	_ =	swait.ge [sflag:s10], $0x4F0  }
0x38: {  	[sflag:s10] =	ssyncset.done $0x0  }
0x39: {  	[sflag:s10] =	ssyncadd.s32 $0xFFFFFB10  }
0x3a: {  	_ =	sfence.sel $0x180000  }
0x3b: {  	[bflag:$0x0] =	sbarrier.arrive $0xFFFF  }
0x3c: {  	p0 =	sne.s32 s1, $0x0;
	_ =	strace $0x90000062  }
0x3d: {  	s0 =	sadd.s32 @!p0 $0x100000, s0;
	[bflag:$0x2] =	sbarrier.arrive $0xFFFF  }
0x3e: {  	[sflag:s0] =	ssyncadd.tile.s32 @!p0 $0x1;
	_ =	shalt  }
.Lfunc_end2:
_tile_overlayer_lowered:
.L_overlay_start_2:
0x3f: {  	(tag) =	ssettag $0x2  }
0x40: {  	s0 =	rddreg [dreg:$0x0];
	s2 =	stileid.u32  }
0x41: {  	s1 =	rddreg [dreg:$0x1];
	p0 =	sne.s32 s2, $0x0  }
0x42: {  	s3 =	rddreg [dreg:$0x2];
	[bflag:$0x3] =	sbarrier.arrive $0xFFFF;
	s2 =	simm.s32 @!p0 $0x1C01  }
0x43: {  	[timem:s3], [sflag:s2] =	dma.local @!p0 [hbm:s0], s1  }
0x44: {  	s0 =	simm.s32 @!p0 $0x1  }
0x45: {  	_ =	swait.ge @!p0 [sflag:s0], s1  }
0x46: {  	s1 =	ssub.s32 @!p0 $0x0, s1;
	[sflag:s0] =	ssyncset.done @!p0 $0x0  }
0x47: {  	[sflag:s0] =	ssyncadd.s32 @!p0 s1  }
0x48: {  	[bflag:$0x3] =	sbarrier.arrive $0xFFFF  }
0x49: {  	_ =	shalt  }

</sc_bundles>
